<compile_context>
chip_gen: v7x
topology: tpu7x:2x2x1
jax: 0.10.2.dev20260603
libtpu: 0.0.44.dev20260713+nightly
codegen_flags: <defaults>
</compile_context>

<pallas_src>
import functools

import jax
import jax.numpy as jnp
from jax import lax
from jax.experimental import pallas as pl
from jax.experimental.pallas import tpu as pltpu
from jax.experimental.pallas import tpu_sc as plsc

ALPHA = 0.2
NC, NS, LANES = 2, 16, 16
NW = NC * NS
CH = 128


def _leaky(x):
    return jnp.where(x >= 0, x, ALPHA * x)


def _tc_prep(h, W, A_pad):
    N, D_IN = h.shape
    D_OUT = W.shape[1]
    BN = 1000

    def body(h_ref, w_ref, a_ref, hp_ref, s12_ref, mx_ref):
        hp = jnp.dot(h_ref[...], w_ref[...], preferred_element_type=jnp.float32)
        hp_ref[...] = hp
        s12 = jnp.dot(hp, a_ref[...], preferred_element_type=jnp.float32)
        s12_ref[...] = s12
        bm = jnp.max(s12[:, 1])

        @pl.when(pl.program_id(0) == 0)
        def _():
            mx_ref[0] = bm

        @pl.when(pl.program_id(0) != 0)
        def _():
            mx_ref[0] = jnp.maximum(mx_ref[0], bm)

    return pl.pallas_call(
        body,
        grid=(N // BN,),
        in_specs=[
            pl.BlockSpec((BN, D_IN), lambda i: (i, 0)),
            pl.BlockSpec((D_IN, D_OUT), lambda i: (0, 0)),
            pl.BlockSpec((D_OUT, 128), lambda i: (0, 0)),
        ],
        out_specs=[
            pl.BlockSpec((BN, D_OUT), lambda i: (i, 0)),
            pl.BlockSpec((BN, 128), lambda i: (i, 0)),
            pl.BlockSpec(memory_space=pltpu.SMEM),
        ],
        out_shape=[
            jax.ShapeDtypeStruct((N, D_OUT), jnp.float32),
            jax.ShapeDtypeStruct((N, 128), jnp.float32),
            jax.ShapeDtypeStruct((1,), jnp.float32),
        ],
    )(h, W, A_pad)


def _sc_gat(hp, s1, s2, smax16, src, dst, z1d, z2d):
    N, D = hp.shape
    E = src.shape[0]
    NCH = E // CH
    q1, r1 = NCH // NS, NCH % NS
    q2, r2 = NCH // NW, NCH % NW
    rows_pt = (-(-N // NS) + CH - 1) // CH * CH
    n_pad = NS * rows_pt
    wf = rows_pt // CH
    GPC = CH // LANES

    mesh = plsc.VectorSubcoreMesh(core_axis_name="c", subcore_axis_name="s")

    @functools.partial(
        pl.kernel,
        out_type=jax.ShapeDtypeStruct((NC * n_pad, D), jnp.float32),
        mesh=mesh,
        scratch_types=[
            pltpu.VMEM((N,), jnp.float32),
            pltpu.VMEM((N,), jnp.float32),
            pltpu.VMEM((n_pad,), jnp.float32),
            pltpu.VMEM((LANES,), jnp.float32),
            pltpu.VMEM((CH,), jnp.int32),
            pltpu.VMEM((CH,), jnp.int32),
            pltpu.VMEM((CH,), jnp.float32),
            pltpu.VMEM((CH, 128), jnp.float32),
            pltpu.VMEM_SHARED((n_pad,), jnp.float32),
            pltpu.VMEM_SHARED((n_pad, 128), jnp.float32),
            pltpu.SemaphoreType.DMA,
        ],
        compiler_params=pltpu.CompilerParams(needs_layout_passes=False),
    )
    def k(s1_hbm, s2_hbm, smax_hbm, src_hbm, dst_hbm, hp_hbm, z1_hbm, z2_hbm,
          out_hbm,
          s1_v, s2_v, ssum_v, smax_v, src_v, dst_v, ex_v, rows_v,
          ssum_sh, out_sh, sem):
        cid = lax.axis_index("c")
        sid = lax.axis_index("s")
        wid = sid * NC + cid

        pltpu.sync_copy(s1_hbm, s1_v)
        pltpu.sync_copy(s2_hbm, s2_v)
        pltpu.sync_copy(smax_hbm, smax_v)

        rbase = sid * rows_pt
        pltpu.sync_copy(z1_hbm, ssum_sh.at[pl.ds(rbase, rows_pt)])

        def zo(j, c):
            pltpu.sync_copy(z2_hbm, out_sh.at[pl.ds(rbase + j * CH, CH), :])
            return c

        lax.fori_loop(0, wf, zo, 0)
        plsc.subcore_barrier()

        smax = smax_v[...]

        def p1(kk, c):
            base = (kk * NS + sid) * CH
            pltpu.sync_copy(src_hbm.at[pl.ds(base, CH)], src_v)
            pltpu.sync_copy(dst_hbm.at[pl.ds(base, CH)], dst_v)

            def grp(g, c2):
                ii = pl.ds(g * LANES, LANES)
                si = src_v[ii]
                di = dst_v[ii]
                v1 = plsc.load_gather(s1_v, [si])
                v2 = plsc.load_gather(s2_v, [di])
                e = _leaky(v1 + v2)
                m = _leaky(v1 + smax)
                ex_v[ii] = jnp.exp(e - m)
                return c2

            lax.fori_loop(0, GPC, grp, 0)
            pltpu.sync_copy(ex_v, ssum_sh.at[src_v], add=True)
            return c

        n1 = jnp.where(sid < r1, q1 + 1, q1)
        lax.fori_loop(0, n1, p1, 0)
        plsc.subcore_barrier()

        pltpu.sync_copy(ssum_sh, ssum_v)

        def p2(kk, c):
            base = (kk * NW + wid) * CH
            pltpu.sync_copy(src_hbm.at[pl.ds(base, CH)], src_v)
            pltpu.sync_copy(dst_hbm.at[pl.ds(base, CH)], dst_v)
            pltpu.async_copy(hp_hbm.at[dst_v], rows_v, sem).wait()

            def grp(g, c2):
                ii = pl.ds(g * LANES, LANES)
                si = src_v[ii]
                di = dst_v[ii]
                v1 = plsc.load_gather(s1_v, [si])
                v2 = plsc.load_gather(s2_v, [di])
                e = _leaky(v1 + v2)
                m = _leaky(v1 + smax)
                ex = jnp.exp(e - m)
                ssg = plsc.load_gather(ssum_v, [si])
                att = ex / (ssg + 1e-16)
                rb = g * LANES
                for j in range(LANES):
                    av = att.at[jnp.full((LANES,), j, jnp.int32)].get(
                        mode="promise_in_bounds")
                    for q in range(D // LANES):
                        jj = pl.ds(q * LANES, LANES)
                        rows_v[rb + j, jj] = rows_v[rb + j, jj] * av
                return c2

            lax.fori_loop(0, GPC, grp, 0)
            pltpu.sync_copy(rows_v, out_sh.at[src_v], add=True)
            return c

        n2 = jnp.where(wid < r2, q2 + 1, q2)
        lax.fori_loop(0, n2, p2, 0)
        plsc.subcore_barrier()

        obase = cid * n_pad + rbase

        def wo(j, c):
            pltpu.sync_copy(out_sh.at[pl.ds(rbase + j * CH, CH), :],
                            out_hbm.at[pl.ds(obase + j * CH, CH), :])
            return c

        lax.fori_loop(0, wf, wo, 0)

    return k(s1, s2, smax16, src, dst, hp, z1d, z2d)


def _tc_finish(parts, N, D):
    BN = 640

    def body(p_ref, o_ref):
        x = p_ref[0] + p_ref[1]
        o_ref[...] = jnp.where(x > 0, x, jnp.exp(jnp.minimum(x, 0.0)) - 1.0)

    return pl.pallas_call(
        body,
        grid=(N // BN,),
        in_specs=[pl.BlockSpec((2, BN, D), lambda i: (0, i, 0))],
        out_specs=pl.BlockSpec((BN, D), lambda i: (i, 0)),
        out_shape=jax.ShapeDtypeStruct((N, D), jnp.float32),
    )(parts)


def kernel(h, edge_index, W, a):
    N, _ = h.shape
    D_OUT = W.shape[1]
    A_pad = jnp.zeros((D_OUT, 128), jnp.float32)
    A_pad = A_pad.at[:, 0].set(a[:D_OUT, 0]).at[:, 1].set(a[D_OUT:, 0])

    hp, s12, mx = _tc_prep(h, W, A_pad)
    s1 = s12[:, 0]
    s2 = s12[:, 1]
    smax16 = jnp.full((LANES,), mx[0], jnp.float32)
    src = edge_index[0]
    dst = edge_index[1]
    z1d = jnp.zeros((640,), jnp.float32)
    z2d = jnp.zeros((CH, 128), jnp.float32)

    flat = _sc_gat(hp, s1, s2, smax16, src, dst, z1d, z2d)
    n_pad = flat.shape[0] // NC
    parts = flat.reshape(NC, n_pad, D_OUT)
    return _tc_finish(parts, n_pad, D_OUT)[:N]

# --- scband reference (transcript-rebuilt; emitter-appended) ---
"""Pipeline reference for scband-graph-attention-layer-36867999269228 (READ-ONLY COPY).

The authoritative reference and input builder live on the scoring server;
editing this copy changes nothing except your own understanding.
"""

import jax, jax.numpy as jnp
import numpy as np

N = 10000
E = 320000
D_IN = 128
D_OUT = 128
ALPHA = 0.2


def _xavier(key, shape, gain=1.414):
    bound = gain * np.sqrt(6.0 / (shape[0] + shape[1]))
    return jax.random.uniform(key, shape, minval=-bound, maxval=bound, dtype=jnp.float32)


def setup_inputs(seed: int = 0) -> dict:
    key = jax.random.key(seed)
    k1, k2, k3, k4 = jax.random.split(key, 4)
    h = jax.random.normal(k1, (N, D_IN), dtype=jnp.float32)
    edge_index = jax.random.randint(k2, (2, E), 0, N, dtype=jnp.int32)
    W = _xavier(k3, (D_IN, D_OUT))
    a = _xavier(k4, (2 * D_OUT, 1))
    return {"h": h, "edge_index": edge_index, "W": W, "a": a}


def reference(h, edge_index, W, a):
    # h' = h @ W
    hp = jnp.dot(h, W)
    src = edge_index[0]
    dst = edge_index[1]
    # gather per-edge endpoint features
    x = hp[src]
    nei = hp[dst]
    nei_x = jnp.concatenate([x, nei], axis=-1)
    e = jax.nn.leaky_relu(jnp.dot(nei_x, a), negative_slope=ALPHA)  # [E, 1]
    # segment softmax over edges grouped by src index (dim 0 of indices)
    m = jax.ops.segment_max(e, src, num_segments=N)
    m = jnp.where(jnp.isfinite(m), m, 0.0)
    ex = jnp.exp(e - m[src])
    s = jax.ops.segment_sum(ex, src, num_segments=N)
    attention = ex / (s[src] + 1e-16)
    # dropout=0.0 / eval mode -> identity
    h_prime = attention * nei  # type == 'GAT'
    out = jax.ops.segment_sum(h_prime, src, num_segments=N)
    # concat=True -> elu
    return jax.nn.elu(out)

if __name__ == "__main__":
    import jax
    _d = setup_inputs()
    print(jax.jit(kernel)(*tuple(_d.values())))

</pallas_src>

<mosaic_0001>
#map = affine_map<(d0, d1) -> (0)>
#map1 = affine_map<(d0, d1) -> (0, 0)>
module attributes {stable_mosaic.version = 14 : i64} {
  func.func @k(%arg0: i32, %arg1: i32, %arg2: memref<10000xf32, #tpu.memory_space<hbm>>, %arg3: memref<10000xf32, #tpu.memory_space<hbm>>, %arg4: memref<16xf32, #tpu.memory_space<hbm>>, %arg5: memref<320000xi32, #tpu.memory_space<hbm>>, %arg6: memref<320000xi32, #tpu.memory_space<hbm>>, %arg7: memref<10000x128xf32, #tpu.memory_space<hbm>>, %arg8: memref<640xf32, #tpu.memory_space<hbm>>, %arg9: memref<128x128xf32, #tpu.memory_space<hbm>>, %arg10: memref<20480x128xf32, #tpu.memory_space<hbm>>, %arg11: memref<10000xf32, #tpu.memory_space<vmem>>, %arg12: memref<10000xf32, #tpu.memory_space<vmem>>, %arg13: memref<10240xf32, #tpu.memory_space<vmem>>, %arg14: memref<16xf32, #tpu.memory_space<vmem>>, %arg15: memref<128xi32, #tpu.memory_space<vmem>>, %arg16: memref<128xi32, #tpu.memory_space<vmem>>, %arg17: memref<128xf32, #tpu.memory_space<vmem>>, %arg18: memref<128x128xf32, #tpu.memory_space<vmem>>, %arg19: memref<10240xf32, #tpu.memory_space<vmem_shared>>, %arg20: memref<10240x128xf32, #tpu.memory_space<vmem_shared>>, %arg21: memref<!tpu.dma_semaphore, #tpu.memory_space<semaphore_mem>>) attributes {dimension_semantics = [#tpu.dimension_semantics<core_parallel>, #tpu.dimension_semantics<subcore_parallel>], iteration_bounds = array<i64: 2, 16>, scalar_prefetch = 0 : i64, scratch_operands = 11 : i64, tpu.core_type = #tpu.core_type<sc_vector_subcore>, window_params = [{transform_indices = #map}, {transform_indices = #map}, {transform_indices = #map}, {transform_indices = #map}, {transform_indices = #map}, {transform_indices = #map1}, {transform_indices = #map}, {transform_indices = #map1}, {transform_indices = #map1}]} {
    %mul3A = arith.constant 2 : i32
    %mul3A_0 = arith.muli %arg1, %mul3A : i32
    %add3A = arith.addi %mul3A_0, %arg0 : i32
    "tpu.region"() ({
      %run_scoped3A = tpu.sem_alloc : memref<!tpu.dma_semaphore, #tpu.memory_space<semaphore_mem>>
      tpu.enqueue_dma source(%arg2 : memref<10000xf32, #tpu.memory_space<hbm>>) target(%arg11 : memref<10000xf32, #tpu.memory_space<vmem>>) target_semaphore(%run_scoped3A : memref<!tpu.dma_semaphore, #tpu.memory_space<semaphore_mem>>)
      tpu.wait_dma2 semaphore(%run_scoped3A : memref<!tpu.dma_semaphore, #tpu.memory_space<semaphore_mem>>) src(%arg2 : memref<10000xf32, #tpu.memory_space<hbm>>) dst(%arg11 : memref<10000xf32, #tpu.memory_space<vmem>>)
      tpu.yield
    }) : () -> ()
    "tpu.region"() ({
      %run_scoped3A = tpu.sem_alloc : memref<!tpu.dma_semaphore, #tpu.memory_space<semaphore_mem>>
      tpu.enqueue_dma source(%arg3 : memref<10000xf32, #tpu.memory_space<hbm>>) target(%arg12 : memref<10000xf32, #tpu.memory_space<vmem>>) target_semaphore(%run_scoped3A : memref<!tpu.dma_semaphore, #tpu.memory_space<semaphore_mem>>)
      tpu.wait_dma2 semaphore(%run_scoped3A : memref<!tpu.dma_semaphore, #tpu.memory_space<semaphore_mem>>) src(%arg3 : memref<10000xf32, #tpu.memory_space<hbm>>) dst(%arg12 : memref<10000xf32, #tpu.memory_space<vmem>>)
      tpu.yield
    }) : () -> ()
    "tpu.region"() ({
      %run_scoped3A = tpu.sem_alloc : memref<!tpu.dma_semaphore, #tpu.memory_space<semaphore_mem>>
      tpu.enqueue_dma source(%arg4 : memref<16xf32, #tpu.memory_space<hbm>>) target(%arg14 : memref<16xf32, #tpu.memory_space<vmem>>) target_semaphore(%run_scoped3A : memref<!tpu.dma_semaphore, #tpu.memory_space<semaphore_mem>>)
      tpu.wait_dma2 semaphore(%run_scoped3A : memref<!tpu.dma_semaphore, #tpu.memory_space<semaphore_mem>>) src(%arg4 : memref<16xf32, #tpu.memory_space<hbm>>) dst(%arg14 : memref<16xf32, #tpu.memory_space<vmem>>)
      tpu.yield
    }) : () -> ()
    %mul3A_1 = arith.constant 640 : i32
    %mul3A_2 = arith.muli %arg1, %mul3A_1 : i32
    "tpu.region"() ({
      %run_scoped3A = tpu.sem_alloc : memref<!tpu.dma_semaphore, #tpu.memory_space<semaphore_mem>>
      %dma_start3A = tpu.memref_slice %arg19[%mul3A_2] : memref<10240xf32, #tpu.memory_space<vmem_shared>> -> memref<640xf32, #tpu.memory_space<vmem_shared>>
      tpu.enqueue_dma source(%arg8 : memref<640xf32, #tpu.memory_space<hbm>>) target(%dma_start3A : memref<640xf32, #tpu.memory_space<vmem_shared>>) target_semaphore(%run_scoped3A : memref<!tpu.dma_semaphore, #tpu.memory_space<semaphore_mem>>)
      %dma_wait3A = tpu.memref_slice %arg19[%mul3A_2] : memref<10240xf32, #tpu.memory_space<vmem_shared>> -> memref<640xf32, #tpu.memory_space<vmem_shared>>
      tpu.wait_dma2 semaphore(%run_scoped3A : memref<!tpu.dma_semaphore, #tpu.memory_space<semaphore_mem>>) src(%arg8 : memref<640xf32, #tpu.memory_space<hbm>>) dst(%dma_wait3A : memref<640xf32, #tpu.memory_space<vmem_shared>>)
      tpu.yield
    }) : () -> ()
    %scan3A = arith.constant 0 : i32
    %scan3A_3 = arith.constant 0 : i32
    %scan3A_4 = arith.constant 5 : i32
    %scan3A_5 = arith.addi %scan3A_3, %scan3A_4 : i32
    %scan3A_6 = arith.constant 1 : i32
    scf.for %scan3A_46 = %scan3A_3 to %scan3A_5 step %scan3A_6  : i32 {
      %mul3A_47 = arith.constant 128 : i32
      %mul3A_48 = arith.muli %scan3A_46, %mul3A_47 : i32
      %add3A_49 = arith.addi %mul3A_2, %mul3A_48 : i32
      "tpu.region"() ({
        %run_scoped3A = tpu.sem_alloc : memref<!tpu.dma_semaphore, #tpu.memory_space<semaphore_mem>>
        %dma_start3A = arith.constant 0 : i32
        %dma_start3A_50 = tpu.memref_slice %arg20[%add3A_49, %dma_start3A] : memref<10240x128xf32, #tpu.memory_space<vmem_shared>> -> memref<128x128xf32, #tpu.memory_space<vmem_shared>>
        tpu.enqueue_dma source(%arg9 : memref<128x128xf32, #tpu.memory_space<hbm>>) target(%dma_start3A_50 : memref<128x128xf32, #tpu.memory_space<vmem_shared>>) target_semaphore(%run_scoped3A : memref<!tpu.dma_semaphore, #tpu.memory_space<semaphore_mem>>)
        %dma_wait3A = arith.constant 0 : i32
        %dma_wait3A_51 = tpu.memref_slice %arg20[%add3A_49, %dma_wait3A] : memref<10240x128xf32, #tpu.memory_space<vmem_shared>> -> memref<128x128xf32, #tpu.memory_space<vmem_shared>>
        tpu.wait_dma2 semaphore(%run_scoped3A : memref<!tpu.dma_semaphore, #tpu.memory_space<semaphore_mem>>) src(%arg9 : memref<128x128xf32, #tpu.memory_space<hbm>>) dst(%dma_wait3A_51 : memref<128x128xf32, #tpu.memory_space<vmem_shared>>)
        tpu.yield
      }) : () -> ()
    }
    %scan3A_7 = arith.constant 5 : i32
    %barrier3A = arith.constant 0 : index
    tpu.barrier barrier_id(%barrier3A)
    %get3A = arith.constant 0 : index
    %get3A_8 = tpu.vector_load %arg14[%get3A] {strides = array<i32>} : memref<16xf32, #tpu.memory_space<vmem>>, vector<16xf32>,
    %lt3A = arith.constant 4 : i32
    %lt3A_9 = arith.cmpi slt, %arg1, %lt3A : i32
    %jit3A = arith.constant 157 : i32
    %jit3A_10 = arith.constant 156 : i32
    %select_n3A = arith.select %lt3A_9, %jit3A, %jit3A_10 : i32
    %while3A = arith.constant 0 : i32
    %while3A_11 = arith.constant 0 : i32
    %while3A_12 = arith.subi %select_n3A, %while3A_11 : i32
    %while3A_13 = arith.addi %while3A_11, %while3A_12 : i32
    %while3A_14 = arith.constant 1 : i32
    %while3A_15 = arith.divsi %while3A_12, %while3A_14 : i32
    %while3A_16 = arith.muli %while3A_15, %while3A_14 : i32
    %while3A_17 = arith.addi %while3A_11, %while3A_16 : i32
    %while3A_18 = arith.constant 1 : i32
    scf.for %while3A_46 = %while3A_11 to %while3A_17 step %while3A_18  : i32 {
      %mul3A_47 = arith.constant 16 : i32
      %mul3A_48 = arith.muli %while3A_46, %mul3A_47 : i32
      %add3A_49 = arith.addi %mul3A_48, %arg1 : i32
      %mul3A_50 = arith.constant 128 : i32
      %mul3A_51 = arith.muli %add3A_49, %mul3A_50 : i32
      "tpu.region"() ({
        %run_scoped3A = tpu.sem_alloc : memref<!tpu.dma_semaphore, #tpu.memory_space<semaphore_mem>>
        %dma_start3A = tpu.memref_slice %arg5[%mul3A_51] : memref<320000xi32, #tpu.memory_space<hbm>> -> memref<128xi32, #tpu.memory_space<hbm>>
        %dma_start3A_58 = tpu.memref_slice %arg5[%mul3A_51] : memref<320000xi32, #tpu.memory_space<hbm>> -> memref<128xi32, #tpu.memory_space<hbm>>
        tpu.enqueue_dma source(%dma_start3A_58 : memref<128xi32, #tpu.memory_space<hbm>>) target(%arg15 : memref<128xi32, #tpu.memory_space<vmem>>) target_semaphore(%run_scoped3A : memref<!tpu.dma_semaphore, #tpu.memory_space<semaphore_mem>>)
        %dma_wait3A = tpu.memref_slice %arg5[%mul3A_51] : memref<320000xi32, #tpu.memory_space<hbm>> -> memref<128xi32, #tpu.memory_space<hbm>>
        %dma_wait3A_59 = tpu.memref_slice %arg5[%mul3A_51] : memref<320000xi32, #tpu.memory_space<hbm>> -> memref<128xi32, #tpu.memory_space<hbm>>
        tpu.wait_dma2 semaphore(%run_scoped3A : memref<!tpu.dma_semaphore, #tpu.memory_space<semaphore_mem>>) src(%dma_wait3A_59 : memref<128xi32, #tpu.memory_space<hbm>>) dst(%arg15 : memref<128xi32, #tpu.memory_space<vmem>>)
        tpu.yield
      }) : () -> ()
      "tpu.region"() ({
        %run_scoped3A = tpu.sem_alloc : memref<!tpu.dma_semaphore, #tpu.memory_space<semaphore_mem>>
        %dma_start3A = tpu.memref_slice %arg6[%mul3A_51] : memref<320000xi32, #tpu.memory_space<hbm>> -> memref<128xi32, #tpu.memory_space<hbm>>
        %dma_start3A_58 = tpu.memref_slice %arg6[%mul3A_51] : memref<320000xi32, #tpu.memory_space<hbm>> -> memref<128xi32, #tpu.memory_space<hbm>>
        tpu.enqueue_dma source(%dma_start3A_58 : memref<128xi32, #tpu.memory_space<hbm>>) target(%arg16 : memref<128xi32, #tpu.memory_space<vmem>>) target_semaphore(%run_scoped3A : memref<!tpu.dma_semaphore, #tpu.memory_space<semaphore_mem>>)
        %dma_wait3A = tpu.memref_slice %arg6[%mul3A_51] : memref<320000xi32, #tpu.memory_space<hbm>> -> memref<128xi32, #tpu.memory_space<hbm>>
        %dma_wait3A_59 = tpu.memref_slice %arg6[%mul3A_51] : memref<320000xi32, #tpu.memory_space<hbm>> -> memref<128xi32, #tpu.memory_space<hbm>>
        tpu.wait_dma2 semaphore(%run_scoped3A : memref<!tpu.dma_semaphore, #tpu.memory_space<semaphore_mem>>) src(%dma_wait3A_59 : memref<128xi32, #tpu.memory_space<hbm>>) dst(%arg16 : memref<128xi32, #tpu.memory_space<vmem>>)
        tpu.yield
      }) : () -> ()
      %scan3A_52 = arith.constant 0 : i32
      %scan3A_53 = arith.constant 0 : i32
      %scan3A_54 = arith.constant 8 : i32
      %scan3A_55 = arith.addi %scan3A_53, %scan3A_54 : i32
      %scan3A_56 = arith.constant 1 : i32
      scf.for %scan3A_58 = %scan3A_53 to %scan3A_55 step %scan3A_56  : i32 {
        %mul3A_59 = arith.constant 16 : i32
        %mul3A_60 = arith.muli %scan3A_58, %mul3A_59 : i32
        %get3A_61 = arith.index_cast %mul3A_60 : i32 to index
        %get3A_62 = tpu.vector_load %arg15[%get3A_61] {strides = array<i32>} : memref<128xi32, #tpu.memory_space<vmem>>, vector<16xi32>,
        %get3A_63 = arith.index_cast %mul3A_60 : i32 to index
        %get3A_64 = tpu.vector_load %arg16[%get3A_63] {strides = array<i32>} : memref<128xi32, #tpu.memory_space<vmem>>, vector<16xi32>,
        %gather3A = tpu.vector_load_idx %arg11[%get3A_62] : memref<10000xf32, #tpu.memory_space<vmem>>[vector<16xi32>], vector<16xf32>,
        %gather3A_65 = tpu.vector_load_idx %arg12[%get3A_64] : memref<10000xf32, #tpu.memory_space<vmem>>[vector<16xi32>], vector<16xf32>,
        %add3A_66 = arith.addf %gather3A, %gather3A_65 : vector<16xf32>
        %ge3A = arith.constant 0.000000e+00 : f32
        %ge3A_67 = vector.broadcast %ge3A : f32 to vector<16xf32>
        %ge3A_68 = arith.cmpf oge, %add3A_66, %ge3A_67 : vector<16xf32>
        %mul3A_69 = arith.constant 2.000000e-01 : f32
        %mul3A_70 = vector.broadcast %mul3A_69 : f32 to vector<16xf32>
        %mul3A_71 = arith.mulf %mul3A_70, %add3A_66 : vector<16xf32>
        %select_n3A_72 = arith.select %ge3A_68, %add3A_66, %mul3A_71 : vector<16xi1>, vector<16xf32>
        %add3A_73 = arith.addf %gather3A, %get3A_8 : vector<16xf32>
        %ge3A_74 = arith.constant 0.000000e+00 : f32
        %ge3A_75 = vector.broadcast %ge3A_74 : f32 to vector<16xf32>
        %ge3A_76 = arith.cmpf oge, %add3A_73, %ge3A_75 : vector<16xf32>
        %mul3A_77 = arith.constant 2.000000e-01 : f32
        %mul3A_78 = vector.broadcast %mul3A_77 : f32 to vector<16xf32>
        %mul3A_79 = arith.mulf %mul3A_78, %add3A_73 : vector<16xf32>
        %select_n3A_80 = arith.select %ge3A_76, %add3A_73, %mul3A_79 : vector<16xi1>, vector<16xf32>
        %sub3A = arith.subf %select_n3A_72, %select_n3A_80 : vector<16xf32>
        %exp3A = math.exp %sub3A : vector<16xf32>
        %swap3A = arith.index_cast %mul3A_60 : i32 to index
        %swap3A_81 = tpu.vector_load %arg17[%swap3A] {strides = array<i32>} : memref<128xf32, #tpu.memory_space<vmem>>, vector<16xf32>,
        tpu.vector_store %arg17[%swap3A], %exp3A {strides = array<i32>} : memref<128xf32, #tpu.memory_space<vmem>>, vector<16xf32>,
      }
      %scan3A_57 = arith.constant 8 : i32
      "tpu.region"() ({
        %run_scoped3A = tpu.sem_alloc : memref<!tpu.dma_semaphore, #tpu.memory_space<semaphore_mem>>
        %dma_start3A = arith.constant 0 : i32
        %dma_start3A_58 = tpu.memref_slice %arg19[%dma_start3A] : memref<10240xf32, #tpu.memory_space<vmem_shared>> -> memref<10240xf32, #tpu.memory_space<vmem_shared>>
        tpu.enqueue_indirect_dma source(%arg17 : memref<128xf32, #tpu.memory_space<vmem>>) target(%dma_start3A_58 : memref<10240xf32, #tpu.memory_space<vmem_shared>>) offsets(%arg15 : memref<128xi32, #tpu.memory_space<vmem>>) semaphore(%run_scoped3A : memref<!tpu.dma_semaphore, #tpu.memory_space<semaphore_mem>>) {add = true}
        %dma_wait3A = arith.constant 0 : i32
        %dma_wait3A_59 = tpu.memref_slice %arg19[%dma_wait3A] : memref<10240xf32, #tpu.memory_space<vmem_shared>> -> memref<10240xf32, #tpu.memory_space<vmem_shared>>
        tpu.wait_indirect_dma semaphore(%run_scoped3A : memref<!tpu.dma_semaphore, #tpu.memory_space<semaphore_mem>>) src(%arg17 : memref<128xf32, #tpu.memory_space<vmem>>) dst(%dma_wait3A_59 : memref<10240xf32, #tpu.memory_space<vmem_shared>>)
        tpu.yield
      }) : () -> ()
    }
    %while3A_19 = arith.constant 1 : i32
    scf.for %while3A_46 = %while3A_17 to %while3A_13 step %while3A_19  : i32 {
      %mul3A_47 = arith.constant 16 : i32
      %mul3A_48 = arith.muli %while3A_46, %mul3A_47 : i32
      %add3A_49 = arith.addi %mul3A_48, %arg1 : i32
      %mul3A_50 = arith.constant 128 : i32
      %mul3A_51 = arith.muli %add3A_49, %mul3A_50 : i32
      "tpu.region"() ({
        %run_scoped3A = tpu.sem_alloc : memref<!tpu.dma_semaphore, #tpu.memory_space<semaphore_mem>>
        %dma_start3A = tpu.memref_slice %arg5[%mul3A_51] : memref<320000xi32, #tpu.memory_space<hbm>> -> memref<128xi32, #tpu.memory_space<hbm>>
        %dma_start3A_58 = tpu.memref_slice %arg5[%mul3A_51] : memref<320000xi32, #tpu.memory_space<hbm>> -> memref<128xi32, #tpu.memory_space<hbm>>
        tpu.enqueue_dma source(%dma_start3A_58 : memref<128xi32, #tpu.memory_space<hbm>>) target(%arg15 : memref<128xi32, #tpu.memory_space<vmem>>) target_semaphore(%run_scoped3A : memref<!tpu.dma_semaphore, #tpu.memory_space<semaphore_mem>>)
        %dma_wait3A = tpu.memref_slice %arg5[%mul3A_51] : memref<320000xi32, #tpu.memory_space<hbm>> -> memref<128xi32, #tpu.memory_space<hbm>>
        %dma_wait3A_59 = tpu.memref_slice %arg5[%mul3A_51] : memref<320000xi32, #tpu.memory_space<hbm>> -> memref<128xi32, #tpu.memory_space<hbm>>
        tpu.wait_dma2 semaphore(%run_scoped3A : memref<!tpu.dma_semaphore, #tpu.memory_space<semaphore_mem>>) src(%dma_wait3A_59 : memref<128xi32, #tpu.memory_space<hbm>>) dst(%arg15 : memref<128xi32, #tpu.memory_space<vmem>>)
        tpu.yield
      }) : () -> ()
      "tpu.region"() ({
        %run_scoped3A = tpu.sem_alloc : memref<!tpu.dma_semaphore, #tpu.memory_space<semaphore_mem>>
        %dma_start3A = tpu.memref_slice %arg6[%mul3A_51] : memref<320000xi32, #tpu.memory_space<hbm>> -> memref<128xi32, #tpu.memory_space<hbm>>
        %dma_start3A_58 = tpu.memref_slice %arg6[%mul3A_51] : memref<320000xi32, #tpu.memory_space<hbm>> -> memref<128xi32, #tpu.memory_space<hbm>>
        tpu.enqueue_dma source(%dma_start3A_58 : memref<128xi32, #tpu.memory_space<hbm>>) target(%arg16 : memref<128xi32, #tpu.memory_space<vmem>>) target_semaphore(%run_scoped3A : memref<!tpu.dma_semaphore, #tpu.memory_space<semaphore_mem>>)
        %dma_wait3A = tpu.memref_slice %arg6[%mul3A_51] : memref<320000xi32, #tpu.memory_space<hbm>> -> memref<128xi32, #tpu.memory_space<hbm>>
        %dma_wait3A_59 = tpu.memref_slice %arg6[%mul3A_51] : memref<320000xi32, #tpu.memory_space<hbm>> -> memref<128xi32, #tpu.memory_space<hbm>>
        tpu.wait_dma2 semaphore(%run_scoped3A : memref<!tpu.dma_semaphore, #tpu.memory_space<semaphore_mem>>) src(%dma_wait3A_59 : memref<128xi32, #tpu.memory_space<hbm>>) dst(%arg16 : memref<128xi32, #tpu.memory_space<vmem>>)
        tpu.yield
      }) : () -> ()
      %scan3A_52 = arith.constant 0 : i32
      %scan3A_53 = arith.constant 0 : i32
      %scan3A_54 = arith.constant 8 : i32
      %scan3A_55 = arith.addi %scan3A_53, %scan3A_54 : i32
      %scan3A_56 = arith.constant 1 : i32
      scf.for %scan3A_58 = %scan3A_53 to %scan3A_55 step %scan3A_56  : i32 {
        %mul3A_59 = arith.constant 16 : i32
        %mul3A_60 = arith.muli %scan3A_58, %mul3A_59 : i32
        %get3A_61 = arith.index_cast %mul3A_60 : i32 to index
        %get3A_62 = tpu.vector_load %arg15[%get3A_61] {strides = array<i32>} : memref<128xi32, #tpu.memory_space<vmem>>, vector<16xi32>,
        %get3A_63 = arith.index_cast %mul3A_60 : i32 to index
        %get3A_64 = tpu.vector_load %arg16[%get3A_63] {strides = array<i32>} : memref<128xi32, #tpu.memory_space<vmem>>, vector<16xi32>,
        %gather3A = tpu.vector_load_idx %arg11[%get3A_62] : memref<10000xf32, #tpu.memory_space<vmem>>[vector<16xi32>], vector<16xf32>,
        %gather3A_65 = tpu.vector_load_idx %arg12[%get3A_64] : memref<10000xf32, #tpu.memory_space<vmem>>[vector<16xi32>], vector<16xf32>,
        %add3A_66 = arith.addf %gather3A, %gather3A_65 : vector<16xf32>
        %ge3A = arith.constant 0.000000e+00 : f32
        %ge3A_67 = vector.broadcast %ge3A : f32 to vector<16xf32>
        %ge3A_68 = arith.cmpf oge, %add3A_66, %ge3A_67 : vector<16xf32>
        %mul3A_69 = arith.constant 2.000000e-01 : f32
        %mul3A_70 = vector.broadcast %mul3A_69 : f32 to vector<16xf32>
        %mul3A_71 = arith.mulf %mul3A_70, %add3A_66 : vector<16xf32>
        %select_n3A_72 = arith.select %ge3A_68, %add3A_66, %mul3A_71 : vector<16xi1>, vector<16xf32>
        %add3A_73 = arith.addf %gather3A, %get3A_8 : vector<16xf32>
        %ge3A_74 = arith.constant 0.000000e+00 : f32
        %ge3A_75 = vector.broadcast %ge3A_74 : f32 to vector<16xf32>
        %ge3A_76 = arith.cmpf oge, %add3A_73, %ge3A_75 : vector<16xf32>
        %mul3A_77 = arith.constant 2.000000e-01 : f32
        %mul3A_78 = vector.broadcast %mul3A_77 : f32 to vector<16xf32>
        %mul3A_79 = arith.mulf %mul3A_78, %add3A_73 : vector<16xf32>
        %select_n3A_80 = arith.select %ge3A_76, %add3A_73, %mul3A_79 : vector<16xi1>, vector<16xf32>
        %sub3A = arith.subf %select_n3A_72, %select_n3A_80 : vector<16xf32>
        %exp3A = math.exp %sub3A : vector<16xf32>
        %swap3A = arith.index_cast %mul3A_60 : i32 to index
        %swap3A_81 = tpu.vector_load %arg17[%swap3A] {strides = array<i32>} : memref<128xf32, #tpu.memory_space<vmem>>, vector<16xf32>,
        tpu.vector_store %arg17[%swap3A], %exp3A {strides = array<i32>} : memref<128xf32, #tpu.memory_space<vmem>>, vector<16xf32>,
      }
      %scan3A_57 = arith.constant 8 : i32
      "tpu.region"() ({
        %run_scoped3A = tpu.sem_alloc : memref<!tpu.dma_semaphore, #tpu.memory_space<semaphore_mem>>
        %dma_start3A = arith.constant 0 : i32
        %dma_start3A_58 = tpu.memref_slice %arg19[%dma_start3A] : memref<10240xf32, #tpu.memory_space<vmem_shared>> -> memref<10240xf32, #tpu.memory_space<vmem_shared>>
        tpu.enqueue_indirect_dma source(%arg17 : memref<128xf32, #tpu.memory_space<vmem>>) target(%dma_start3A_58 : memref<10240xf32, #tpu.memory_space<vmem_shared>>) offsets(%arg15 : memref<128xi32, #tpu.memory_space<vmem>>) semaphore(%run_scoped3A : memref<!tpu.dma_semaphore, #tpu.memory_space<semaphore_mem>>) {add = true}
        %dma_wait3A = arith.constant 0 : i32
        %dma_wait3A_59 = tpu.memref_slice %arg19[%dma_wait3A] : memref<10240xf32, #tpu.memory_space<vmem_shared>> -> memref<10240xf32, #tpu.memory_space<vmem_shared>>
        tpu.wait_indirect_dma semaphore(%run_scoped3A : memref<!tpu.dma_semaphore, #tpu.memory_space<semaphore_mem>>) src(%arg17 : memref<128xf32, #tpu.memory_space<vmem>>) dst(%dma_wait3A_59 : memref<10240xf32, #tpu.memory_space<vmem_shared>>)
        tpu.yield
      }) : () -> ()
    }
    %barrier3A_20 = arith.constant 0 : index
    tpu.barrier barrier_id(%barrier3A_20)
    "tpu.region"() ({
      %run_scoped3A = tpu.sem_alloc : memref<!tpu.dma_semaphore, #tpu.memory_space<semaphore_mem>>
      tpu.enqueue_dma source(%arg19 : memref<10240xf32, #tpu.memory_space<vmem_shared>>) target(%arg13 : memref<10240xf32, #tpu.memory_space<vmem>>) target_semaphore(%run_scoped3A : memref<!tpu.dma_semaphore, #tpu.memory_space<semaphore_mem>>)
      tpu.wait_dma2 semaphore(%run_scoped3A : memref<!tpu.dma_semaphore, #tpu.memory_space<semaphore_mem>>) src(%arg19 : memref<10240xf32, #tpu.memory_space<vmem_shared>>) dst(%arg13 : memref<10240xf32, #tpu.memory_space<vmem>>)
      tpu.yield
    }) : () -> ()
    %lt3A_21 = arith.constant 4 : i32
    %lt3A_22 = arith.cmpi slt, %add3A, %lt3A_21 : i32
    %jit3A_23 = arith.constant 79 : i32
    %jit3A_24 = arith.constant 78 : i32
    %select_n3A_25 = arith.select %lt3A_22, %jit3A_23, %jit3A_24 : i32
    %while3A_26 = arith.constant 0 : i32
    %while3A_27 = arith.constant 0 : i32
    %while3A_28 = arith.subi %select_n3A_25, %while3A_27 : i32
    %while3A_29 = arith.addi %while3A_27, %while3A_28 : i32
    %while3A_30 = arith.constant 1 : i32
    %while3A_31 = arith.divsi %while3A_28, %while3A_30 : i32
    %while3A_32 = arith.muli %while3A_31, %while3A_30 : i32
    %while3A_33 = arith.addi %while3A_27, %while3A_32 : i32
    %while3A_34 = arith.constant 1 : i32
    scf.for %while3A_46 = %while3A_27 to %while3A_33 step %while3A_34  : i32 {
      %mul3A_47 = arith.constant 32 : i32
      %mul3A_48 = arith.muli %while3A_46, %mul3A_47 : i32
      %add3A_49 = arith.addi %mul3A_48, %add3A : i32
      %mul3A_50 = arith.constant 128 : i32
      %mul3A_51 = arith.muli %add3A_49, %mul3A_50 : i32
      "tpu.region"() ({
        %run_scoped3A = tpu.sem_alloc : memref<!tpu.dma_semaphore, #tpu.memory_space<semaphore_mem>>
        %dma_start3A_62 = tpu.memref_slice %arg5[%mul3A_51] : memref<320000xi32, #tpu.memory_space<hbm>> -> memref<128xi32, #tpu.memory_space<hbm>>
        %dma_start3A_63 = tpu.memref_slice %arg5[%mul3A_51] : memref<320000xi32, #tpu.memory_space<hbm>> -> memref<128xi32, #tpu.memory_space<hbm>>
        tpu.enqueue_dma source(%dma_start3A_63 : memref<128xi32, #tpu.memory_space<hbm>>) target(%arg15 : memref<128xi32, #tpu.memory_space<vmem>>) target_semaphore(%run_scoped3A : memref<!tpu.dma_semaphore, #tpu.memory_space<semaphore_mem>>)
        %dma_wait3A_64 = tpu.memref_slice %arg5[%mul3A_51] : memref<320000xi32, #tpu.memory_space<hbm>> -> memref<128xi32, #tpu.memory_space<hbm>>
        %dma_wait3A_65 = tpu.memref_slice %arg5[%mul3A_51] : memref<320000xi32, #tpu.memory_space<hbm>> -> memref<128xi32, #tpu.memory_space<hbm>>
        tpu.wait_dma2 semaphore(%run_scoped3A : memref<!tpu.dma_semaphore, #tpu.memory_space<semaphore_mem>>) src(%dma_wait3A_65 : memref<128xi32, #tpu.memory_space<hbm>>) dst(%arg15 : memref<128xi32, #tpu.memory_space<vmem>>)
        tpu.yield
      }) : () -> ()
      "tpu.region"() ({
        %run_scoped3A = tpu.sem_alloc : memref<!tpu.dma_semaphore, #tpu.memory_space<semaphore_mem>>
        %dma_start3A_62 = tpu.memref_slice %arg6[%mul3A_51] : memref<320000xi32, #tpu.memory_space<hbm>> -> memref<128xi32, #tpu.memory_space<hbm>>
        %dma_start3A_63 = tpu.memref_slice %arg6[%mul3A_51] : memref<320000xi32, #tpu.memory_space<hbm>> -> memref<128xi32, #tpu.memory_space<hbm>>
        tpu.enqueue_dma source(%dma_start3A_63 : memref<128xi32, #tpu.memory_space<hbm>>) target(%arg16 : memref<128xi32, #tpu.memory_space<vmem>>) target_semaphore(%run_scoped3A : memref<!tpu.dma_semaphore, #tpu.memory_space<semaphore_mem>>)
        %dma_wait3A_64 = tpu.memref_slice %arg6[%mul3A_51] : memref<320000xi32, #tpu.memory_space<hbm>> -> memref<128xi32, #tpu.memory_space<hbm>>
        %dma_wait3A_65 = tpu.memref_slice %arg6[%mul3A_51] : memref<320000xi32, #tpu.memory_space<hbm>> -> memref<128xi32, #tpu.memory_space<hbm>>
        tpu.wait_dma2 semaphore(%run_scoped3A : memref<!tpu.dma_semaphore, #tpu.memory_space<semaphore_mem>>) src(%dma_wait3A_65 : memref<128xi32, #tpu.memory_space<hbm>>) dst(%arg16 : memref<128xi32, #tpu.memory_space<vmem>>)
        tpu.yield
      }) : () -> ()
      %dma_start3A = arith.constant 0 : i32
      %dma_start3A_52 = arith.constant 0 : i32
      %dma_start3A_53 = tpu.memref_slice %arg7[%dma_start3A, %dma_start3A_52] : memref<10000x128xf32, #tpu.memory_space<hbm>> -> memref<10000x128xf32, #tpu.memory_space<hbm>>
      tpu.enqueue_indirect_dma source(%dma_start3A_53 : memref<10000x128xf32, #tpu.memory_space<hbm>>) target(%arg18 : memref<128x128xf32, #tpu.memory_space<vmem>>) offsets(%arg16 : memref<128xi32, #tpu.memory_space<vmem>>) semaphore(%arg21 : memref<!tpu.dma_semaphore, #tpu.memory_space<semaphore_mem>>)
      %dma_wait3A = arith.constant 0 : i32
      %dma_wait3A_54 = arith.constant 0 : i32
      %dma_wait3A_55 = tpu.memref_slice %arg7[%dma_wait3A, %dma_wait3A_54] : memref<10000x128xf32, #tpu.memory_space<hbm>> -> memref<10000x128xf32, #tpu.memory_space<hbm>>
      tpu.wait_indirect_dma semaphore(%arg21 : memref<!tpu.dma_semaphore, #tpu.memory_space<semaphore_mem>>) src(%dma_wait3A_55 : memref<10000x128xf32, #tpu.memory_space<hbm>>) dst(%arg18 : memref<128x128xf32, #tpu.memory_space<vmem>>)
      %scan3A_56 = arith.constant 0 : i32
      %scan3A_57 = arith.constant 0 : i32
      %scan3A_58 = arith.constant 8 : i32
      %scan3A_59 = arith.addi %scan3A_57, %scan3A_58 : i32
      %scan3A_60 = arith.constant 1 : i32
      scf.for %scan3A_62 = %scan3A_57 to %scan3A_59 step %scan3A_60  : i32 {
        %mul3A_63 = arith.constant 16 : i32
        %mul3A_64 = arith.muli %scan3A_62, %mul3A_63 : i32
        %get3A_65 = arith.index_cast %mul3A_64 : i32 to index
        %get3A_66 = tpu.vector_load %arg15[%get3A_65] {strides = array<i32>} : memref<128xi32, #tpu.memory_space<vmem>>, vector<16xi32>,
        %get3A_67 = arith.index_cast %mul3A_64 : i32 to index
        %get3A_68 = tpu.vector_load %arg16[%get3A_67] {strides = array<i32>} : memref<128xi32, #tpu.memory_space<vmem>>, vector<16xi32>,
        %gather3A = tpu.vector_load_idx %arg11[%get3A_66] : memref<10000xf32, #tpu.memory_space<vmem>>[vector<16xi32>], vector<16xf32>,
        %gather3A_69 = tpu.vector_load_idx %arg12[%get3A_68] : memref<10000xf32, #tpu.memory_space<vmem>>[vector<16xi32>], vector<16xf32>,
        %add3A_70 = arith.addf %gather3A, %gather3A_69 : vector<16xf32>
        %ge3A = arith.constant 0.000000e+00 : f32
        %ge3A_71 = vector.broadcast %ge3A : f32 to vector<16xf32>
        %ge3A_72 = arith.cmpf oge, %add3A_70, %ge3A_71 : vector<16xf32>
        %mul3A_73 = arith.constant 2.000000e-01 : f32
        %mul3A_74 = vector.broadcast %mul3A_73 : f32 to vector<16xf32>
        %mul3A_75 = arith.mulf %mul3A_74, %add3A_70 : vector<16xf32>
        %select_n3A_76 = arith.select %ge3A_72, %add3A_70, %mul3A_75 : vector<16xi1>, vector<16xf32>
        %add3A_77 = arith.addf %gather3A, %get3A_8 : vector<16xf32>
        %ge3A_78 = arith.constant 0.000000e+00 : f32
        %ge3A_79 = vector.broadcast %ge3A_78 : f32 to vector<16xf32>
        %ge3A_80 = arith.cmpf oge, %add3A_77, %ge3A_79 : vector<16xf32>
        %mul3A_81 = arith.constant 2.000000e-01 : f32
        %mul3A_82 = vector.broadcast %mul3A_81 : f32 to vector<16xf32>
        %mul3A_83 = arith.mulf %mul3A_82, %add3A_77 : vector<16xf32>
        %select_n3A_84 = arith.select %ge3A_80, %add3A_77, %mul3A_83 : vector<16xi1>, vector<16xf32>
        %sub3A = arith.subf %select_n3A_76, %select_n3A_84 : vector<16xf32>
        %exp3A = math.exp %sub3A : vector<16xf32>
        %gather3A_85 = tpu.vector_load_idx %arg13[%get3A_66] : memref<10240xf32, #tpu.memory_space<vmem>>[vector<16xi32>], vector<16xf32>,
        %add3A_86 = arith.constant 1.000000e-16 : f32
        %add3A_87 = vector.broadcast %add3A_86 : f32 to vector<16xf32>
        %add3A_88 = arith.addf %gather3A_85, %add3A_87 : vector<16xf32>
        %div3A = arith.divf %exp3A, %add3A_88 : vector<16xf32>
        %mul3A_89 = arith.constant 16 : i32
        %mul3A_90 = arith.muli %scan3A_62, %mul3A_89 : i32
        %broadcast_in_dim3A = arith.constant 0 : i32
        %broadcast_in_dim3A_91 = vector.broadcast %broadcast_in_dim3A : i32 to vector<16xi32>
        %lt3A_92 = arith.constant 0 : i32
        %lt3A_93 = vector.broadcast %lt3A_92 : i32 to vector<16xi32>
        %lt3A_94 = arith.cmpi slt, %broadcast_in_dim3A_91, %lt3A_93 : vector<16xi32>
        %add3A_95 = arith.constant 16 : i32
        %add3A_96 = vector.broadcast %add3A_95 : i32 to vector<16xi32>
        %add3A_97 = arith.addi %broadcast_in_dim3A_91, %add3A_96 : vector<16xi32>
        %select_n3A_98 = arith.select %lt3A_94, %add3A_97, %broadcast_in_dim3A_91 : vector<16xi1>, vector<16xi32>
        %broadcast_in_dim3A_99 = vector.shape_cast %select_n3A_98 : vector<16xi32> to vector<16x1xi32>
        %gather3A_100 = vector.shape_cast %broadcast_in_dim3A_99 : vector<16x1xi32> to vector<16xi32>
        %gather3A_101 = tpu.dynamic_gather %div3A[%gather3A_100] in [0] : vector<16xf32>, vector<16xi32> -> vector<16xf32>
        %add3A_102 = arith.constant 0 : i32
        %add3A_103 = arith.addi %mul3A_90, %add3A_102 : i32
        %get3A_104 = arith.index_cast %add3A_103 : i32 to index
        %get3A_105 = arith.constant 0 : index
        %get3A_106 = tpu.vector_load %arg18[%get3A_104, %get3A_105] {strides = array<i32>} : memref<128x128xf32, #tpu.memory_space<vmem>>, vector<16xf32>,
        %mul3A_107 = arith.mulf %get3A_106, %gather3A_101 : vector<16xf32>
        %add3A_108 = arith.constant 0 : i32
        %add3A_109 = arith.addi %mul3A_90, %add3A_108 : i32
        %swap3A = arith.index_cast %add3A_109 : i32 to index
        %swap3A_110 = arith.constant 0 : index
        %swap3A_111 = tpu.vector_load %arg18[%swap3A, %swap3A_110] {strides = array<i32>} : memref<128x128xf32, #tpu.memory_space<vmem>>, vector<16xf32>,
        tpu.vector_store %arg18[%swap3A, %swap3A_110], %mul3A_107 {strides = array<i32>} : memref<128x128xf32, #tpu.memory_space<vmem>>, vector<16xf32>,
        %add3A_112 = arith.constant 0 : i32
        %add3A_113 = arith.addi %mul3A_90, %add3A_112 : i32
        %get3A_114 = arith.index_cast %add3A_113 : i32 to index
        %get3A_115 = arith.constant 16 : index
        %get3A_116 = tpu.vector_load %arg18[%get3A_114, %get3A_115] {strides = array<i32>} : memref<128x128xf32, #tpu.memory_space<vmem>>, vector<16xf32>,
        %mul3A_117 = arith.mulf %get3A_116, %gather3A_101 : vector<16xf32>
        %add3A_118 = arith.constant 0 : i32
        %add3A_119 = arith.addi %mul3A_90, %add3A_118 : i32
        %swap3A_120 = arith.index_cast %add3A_119 : i32 to index
        %swap3A_121 = arith.constant 16 : index
        %swap3A_122 = tpu.vector_load %arg18[%swap3A_120, %swap3A_121] {strides = array<i32>} : memref<128x128xf32, #tpu.memory_space<vmem>>, vector<16xf32>,
        tpu.vector_store %arg18[%swap3A_120, %swap3A_121], %mul3A_117 {strides = array<i32>} : memref<128x128xf32, #tpu.memory_space<vmem>>, vector<16xf32>,
        %add3A_123 = arith.constant 0 : i32
        %add3A_124 = arith.addi %mul3A_90, %add3A_123 : i32
        %get3A_125 = arith.index_cast %add3A_124 : i32 to index
        %get3A_126 = arith.constant 32 : index
        %get3A_127 = tpu.vector_load %arg18[%get3A_125, %get3A_126] {strides = array<i32>} : memref<128x128xf32, #tpu.memory_space<vmem>>, vector<16xf32>,
        %mul3A_128 = arith.mulf %get3A_127, %gather3A_101 : vector<16xf32>
        %add3A_129 = arith.constant 0 : i32
        %add3A_130 = arith.addi %mul3A_90, %add3A_129 : i32
        %swap3A_131 = arith.index_cast %add3A_130 : i32 to index
        %swap3A_132 = arith.constant 32 : index
        %swap3A_133 = tpu.vector_load %arg18[%swap3A_131, %swap3A_132] {strides = array<i32>} : memref<128x128xf32, #tpu.memory_space<vmem>>, vector<16xf32>,
        tpu.vector_store %arg18[%swap3A_131, %swap3A_132], %mul3A_128 {strides = array<i32>} : memref<128x128xf32, #tpu.memory_space<vmem>>, vector<16xf32>,
        %add3A_134 = arith.constant 0 : i32
        %add3A_135 = arith.addi %mul3A_90, %add3A_134 : i32
        %get3A_136 = arith.index_cast %add3A_135 : i32 to index
        %get3A_137 = arith.constant 48 : index
        %get3A_138 = tpu.vector_load %arg18[%get3A_136, %get3A_137] {strides = array<i32>} : memref<128x128xf32, #tpu.memory_space<vmem>>, vector<16xf32>,
        %mul3A_139 = arith.mulf %get3A_138, %gather3A_101 : vector<16xf32>
        %add3A_140 = arith.constant 0 : i32
        %add3A_141 = arith.addi %mul3A_90, %add3A_140 : i32
        %swap3A_142 = arith.index_cast %add3A_141 : i32 to index
        %swap3A_143 = arith.constant 48 : index
        %swap3A_144 = tpu.vector_load %arg18[%swap3A_142, %swap3A_143] {strides = array<i32>} : memref<128x128xf32, #tpu.memory_space<vmem>>, vector<16xf32>,
        tpu.vector_store %arg18[%swap3A_142, %swap3A_143], %mul3A_139 {strides = array<i32>} : memref<128x128xf32, #tpu.memory_space<vmem>>, vector<16xf32>,
        %add3A_145 = arith.constant 0 : i32
        %add3A_146 = arith.addi %mul3A_90, %add3A_145 : i32
        %get3A_147 = arith.index_cast %add3A_146 : i32 to index
        %get3A_148 = arith.constant 64 : index
        %get3A_149 = tpu.vector_load %arg18[%get3A_147, %get3A_148] {strides = array<i32>} : memref<128x128xf32, #tpu.memory_space<vmem>>, vector<16xf32>,
        %mul3A_150 = arith.mulf %get3A_149, %gather3A_101 : vector<16xf32>
        %add3A_151 = arith.constant 0 : i32
        %add3A_152 = arith.addi %mul3A_90, %add3A_151 : i32
        %swap3A_153 = arith.index_cast %add3A_152 : i32 to index
        %swap3A_154 = arith.constant 64 : index
        %swap3A_155 = tpu.vector_load %arg18[%swap3A_153, %swap3A_154] {strides = array<i32>} : memref<128x128xf32, #tpu.memory_space<vmem>>, vector<16xf32>,
        tpu.vector_store %arg18[%swap3A_153, %swap3A_154], %mul3A_150 {strides = array<i32>} : memref<128x128xf32, #tpu.memory_space<vmem>>, vector<16xf32>,
        %add3A_156 = arith.constant 0 : i32
        %add3A_157 = arith.addi %mul3A_90, %add3A_156 : i32
        %get3A_158 = arith.index_cast %add3A_157 : i32 to index
        %get3A_159 = arith.constant 80 : index
        %get3A_160 = tpu.vector_load %arg18[%get3A_158, %get3A_159] {strides = array<i32>} : memref<128x128xf32, #tpu.memory_space<vmem>>, vector<16xf32>,
        %mul3A_161 = arith.mulf %get3A_160, %gather3A_101 : vector<16xf32>
        %add3A_162 = arith.constant 0 : i32
        %add3A_163 = arith.addi %mul3A_90, %add3A_162 : i32
        %swap3A_164 = arith.index_cast %add3A_163 : i32 to index
        %swap3A_165 = arith.constant 80 : index
        %swap3A_166 = tpu.vector_load %arg18[%swap3A_164, %swap3A_165] {strides = array<i32>} : memref<128x128xf32, #tpu.memory_space<vmem>>, vector<16xf32>,
        tpu.vector_store %arg18[%swap3A_164, %swap3A_165], %mul3A_161 {strides = array<i32>} : memref<128x128xf32, #tpu.memory_space<vmem>>, vector<16xf32>,
        %add3A_167 = arith.constant 0 : i32
        %add3A_168 = arith.addi %mul3A_90, %add3A_167 : i32
        %get3A_169 = arith.index_cast %add3A_168 : i32 to index
        %get3A_170 = arith.constant 96 : index
        %get3A_171 = tpu.vector_load %arg18[%get3A_169, %get3A_170] {strides = array<i32>} : memref<128x128xf32, #tpu.memory_space<vmem>>, vector<16xf32>,
        %mul3A_172 = arith.mulf %get3A_171, %gather3A_101 : vector<16xf32>
        %add3A_173 = arith.constant 0 : i32
        %add3A_174 = arith.addi %mul3A_90, %add3A_173 : i32
        %swap3A_175 = arith.index_cast %add3A_174 : i32 to index
        %swap3A_176 = arith.constant 96 : index
        %swap3A_177 = tpu.vector_load %arg18[%swap3A_175, %swap3A_176] {strides = array<i32>} : memref<128x128xf32, #tpu.memory_space<vmem>>, vector<16xf32>,
        tpu.vector_store %arg18[%swap3A_175, %swap3A_176], %mul3A_172 {strides = array<i32>} : memref<128x128xf32, #tpu.memory_space<vmem>>, vector<16xf32>,
        %add3A_178 = arith.constant 0 : i32
        %add3A_179 = arith.addi %mul3A_90, %add3A_178 : i32
        %get3A_180 = arith.index_cast %add3A_179 : i32 to index
        %get3A_181 = arith.constant 112 : index
        %get3A_182 = tpu.vector_load %arg18[%get3A_180, %get3A_181] {strides = array<i32>} : memref<128x128xf32, #tpu.memory_space<vmem>>, vector<16xf32>,
        %mul3A_183 = arith.mulf %get3A_182, %gather3A_101 : vector<16xf32>
        %add3A_184 = arith.constant 0 : i32
        %add3A_185 = arith.addi %mul3A_90, %add3A_184 : i32
        %swap3A_186 = arith.index_cast %add3A_185 : i32 to index
        %swap3A_187 = arith.constant 112 : index
        %swap3A_188 = tpu.vector_load %arg18[%swap3A_186, %swap3A_187] {strides = array<i32>} : memref<128x128xf32, #tpu.memory_space<vmem>>, vector<16xf32>,
        tpu.vector_store %arg18[%swap3A_186, %swap3A_187], %mul3A_183 {strides = array<i32>} : memref<128x128xf32, #tpu.memory_space<vmem>>, vector<16xf32>,
        %broadcast_in_dim3A_189 = arith.constant 1 : i32
        %broadcast_in_dim3A_190 = vector.broadcast %broadcast_in_dim3A_189 : i32 to vector<16xi32>
        %lt3A_191 = arith.constant 0 : i32
        %lt3A_192 = vector.broadcast %lt3A_191 : i32 to vector<16xi32>
        %lt3A_193 = arith.cmpi slt, %broadcast_in_dim3A_190, %lt3A_192 : vector<16xi32>
        %add3A_194 = arith.constant 16 : i32
        %add3A_195 = vector.broadcast %add3A_194 : i32 to vector<16xi32>
        %add3A_196 = arith.addi %broadcast_in_dim3A_190, %add3A_195 : vector<16xi32>
        %select_n3A_197 = arith.select %lt3A_193, %add3A_196, %broadcast_in_dim3A_190 : vector<16xi1>, vector<16xi32>
        %broadcast_in_dim3A_198 = vector.shape_cast %select_n3A_197 : vector<16xi32> to vector<16x1xi32>
        %gather3A_199 = vector.shape_cast %broadcast_in_dim3A_198 : vector<16x1xi32> to vector<16xi32>
        %gather3A_200 = tpu.dynamic_gather %div3A[%gather3A_199] in [0] : vector<16xf32>, vector<16xi32> -> vector<16xf32>
        %add3A_201 = arith.constant 1 : i32
        %add3A_202 = arith.addi %mul3A_90, %add3A_201 : i32
        %get3A_203 = arith.index_cast %add3A_202 : i32 to index
        %get3A_204 = arith.constant 0 : index
        %get3A_205 = tpu.vector_load %arg18[%get3A_203, %get3A_204] {strides = array<i32>} : memref<128x128xf32, #tpu.memory_space<vmem>>, vector<16xf32>,
        %mul3A_206 = arith.mulf %get3A_205, %gather3A_200 : vector<16xf32>
        %add3A_207 = arith.constant 1 : i32
        %add3A_208 = arith.addi %mul3A_90, %add3A_207 : i32
        %swap3A_209 = arith.index_cast %add3A_208 : i32 to index
        %swap3A_210 = arith.constant 0 : index
        %swap3A_211 = tpu.vector_load %arg18[%swap3A_209, %swap3A_210] {strides = array<i32>} : memref<128x128xf32, #tpu.memory_space<vmem>>, vector<16xf32>,
        tpu.vector_store %arg18[%swap3A_209, %swap3A_210], %mul3A_206 {strides = array<i32>} : memref<128x128xf32, #tpu.memory_space<vmem>>, vector<16xf32>,
        %add3A_212 = arith.constant 1 : i32
        %add3A_213 = arith.addi %mul3A_90, %add3A_212 : i32
        %get3A_214 = arith.index_cast %add3A_213 : i32 to index
        %get3A_215 = arith.constant 16 : index
        %get3A_216 = tpu.vector_load %arg18[%get3A_214, %get3A_215] {strides = array<i32>} : memref<128x128xf32, #tpu.memory_space<vmem>>, vector<16xf32>,
        %mul3A_217 = arith.mulf %get3A_216, %gather3A_200 : vector<16xf32>
        %add3A_218 = arith.constant 1 : i32
        %add3A_219 = arith.addi %mul3A_90, %add3A_218 : i32
        %swap3A_220 = arith.index_cast %add3A_219 : i32 to index
        %swap3A_221 = arith.constant 16 : index
        %swap3A_222 = tpu.vector_load %arg18[%swap3A_220, %swap3A_221] {strides = array<i32>} : memref<128x128xf32, #tpu.memory_space<vmem>>, vector<16xf32>,
        tpu.vector_store %arg18[%swap3A_220, %swap3A_221], %mul3A_217 {strides = array<i32>} : memref<128x128xf32, #tpu.memory_space<vmem>>, vector<16xf32>,
        %add3A_223 = arith.constant 1 : i32
        %add3A_224 = arith.addi %mul3A_90, %add3A_223 : i32
        %get3A_225 = arith.index_cast %add3A_224 : i32 to index
        %get3A_226 = arith.constant 32 : index
        %get3A_227 = tpu.vector_load %arg18[%get3A_225, %get3A_226] {strides = array<i32>} : memref<128x128xf32, #tpu.memory_space<vmem>>, vector<16xf32>,
        %mul3A_228 = arith.mulf %get3A_227, %gather3A_200 : vector<16xf32>
        %add3A_229 = arith.constant 1 : i32
        %add3A_230 = arith.addi %mul3A_90, %add3A_229 : i32
        %swap3A_231 = arith.index_cast %add3A_230 : i32 to index
        %swap3A_232 = arith.constant 32 : index
        %swap3A_233 = tpu.vector_load %arg18[%swap3A_231, %swap3A_232] {strides = array<i32>} : memref<128x128xf32, #tpu.memory_space<vmem>>, vector<16xf32>,
        tpu.vector_store %arg18[%swap3A_231, %swap3A_232], %mul3A_228 {strides = array<i32>} : memref<128x128xf32, #tpu.memory_space<vmem>>, vector<16xf32>,
        %add3A_234 = arith.constant 1 : i32
        %add3A_235 = arith.addi %mul3A_90, %add3A_234 : i32
        %get3A_236 = arith.index_cast %add3A_235 : i32 to index
        %get3A_237 = arith.constant 48 : index
        %get3A_238 = tpu.vector_load %arg18[%get3A_236, %get3A_237] {strides = array<i32>} : memref<128x128xf32, #tpu.memory_space<vmem>>, vector<16xf32>,
        %mul3A_239 = arith.mulf %get3A_238, %gather3A_200 : vector<16xf32>
        %add3A_240 = arith.constant 1 : i32
        %add3A_241 = arith.addi %mul3A_90, %add3A_240 : i32
        %swap3A_242 = arith.index_cast %add3A_241 : i32 to index
        %swap3A_243 = arith.constant 48 : index
        %swap3A_244 = tpu.vector_load %arg18[%swap3A_242, %swap3A_243] {strides = array<i32>} : memref<128x128xf32, #tpu.memory_space<vmem>>, vector<16xf32>,
        tpu.vector_store %arg18[%swap3A_242, %swap3A_243], %mul3A_239 {strides = array<i32>} : memref<128x128xf32, #tpu.memory_space<vmem>>, vector<16xf32>,
        %add3A_245 = arith.constant 1 : i32
        %add3A_246 = arith.addi %mul3A_90, %add3A_245 : i32
        %get3A_247 = arith.index_cast %add3A_246 : i32 to index
        %get3A_248 = arith.constant 64 : index
        %get3A_249 = tpu.vector_load %arg18[%get3A_247, %get3A_248] {strides = array<i32>} : memref<128x128xf32, #tpu.memory_space<vmem>>, vector<16xf32>,
        %mul3A_250 = arith.mulf %get3A_249, %gather3A_200 : vector<16xf32>
        %add3A_251 = arith.constant 1 : i32
        %add3A_252 = arith.addi %mul3A_90, %add3A_251 : i32
        %swap3A_253 = arith.index_cast %add3A_252 : i32 to index
        %swap3A_254 = arith.constant 64 : index
        %swap3A_255 = tpu.vector_load %arg18[%swap3A_253, %swap3A_254] {strides = array<i32>} : memref<128x128xf32, #tpu.memory_space<vmem>>, vector<16xf32>,
        tpu.vector_store %arg18[%swap3A_253, %swap3A_254], %mul3A_250 {strides = array<i32>} : memref<128x128xf32, #tpu.memory_space<vmem>>, vector<16xf32>,
        %add3A_256 = arith.constant 1 : i32
        %add3A_257 = arith.addi %mul3A_90, %add3A_256 : i32
        %get3A_258 = arith.index_cast %add3A_257 : i32 to index
        %get3A_259 = arith.constant 80 : index
        %get3A_260 = tpu.vector_load %arg18[%get3A_258, %get3A_259] {strides = array<i32>} : memref<128x128xf32, #tpu.memory_space<vmem>>, vector<16xf32>,
        %mul3A_261 = arith.mulf %get3A_260, %gather3A_200 : vector<16xf32>
        %add3A_262 = arith.constant 1 : i32
        %add3A_263 = arith.addi %mul3A_90, %add3A_262 : i32
        %swap3A_264 = arith.index_cast %add3A_263 : i32 to index
        %swap3A_265 = arith.constant 80 : index
        %swap3A_266 = tpu.vector_load %arg18[%swap3A_264, %swap3A_265] {strides = array<i32>} : memref<128x128xf32, #tpu.memory_space<vmem>>, vector<16xf32>,
        tpu.vector_store %arg18[%swap3A_264, %swap3A_265], %mul3A_261 {strides = array<i32>} : memref<128x128xf32, #tpu.memory_space<vmem>>, vector<16xf32>,
        %add3A_267 = arith.constant 1 : i32
        %add3A_268 = arith.addi %mul3A_90, %add3A_267 : i32
        %get3A_269 = arith.index_cast %add3A_268 : i32 to index
        %get3A_270 = arith.constant 96 : index
        %get3A_271 = tpu.vector_load %arg18[%get3A_269, %get3A_270] {strides = array<i32>} : memref<128x128xf32, #tpu.memory_space<vmem>>, vector<16xf32>,
        %mul3A_272 = arith.mulf %get3A_271, %gather3A_200 : vector<16xf32>
        %add3A_273 = arith.constant 1 : i32
        %add3A_274 = arith.addi %mul3A_90, %add3A_273 : i32
        %swap3A_275 = arith.index_cast %add3A_274 : i32 to index
        %swap3A_276 = arith.constant 96 : index
        %swap3A_277 = tpu.vector_load %arg18[%swap3A_275, %swap3A_276] {strides = array<i32>} : memref<128x128xf32, #tpu.memory_space<vmem>>, vector<16xf32>,
        tpu.vector_store %arg18[%swap3A_275, %swap3A_276], %mul3A_272 {strides = array<i32>} : memref<128x128xf32, #tpu.memory_space<vmem>>, vector<16xf32>,
        %add3A_278 = arith.constant 1 : i32
        %add3A_279 = arith.addi %mul3A_90, %add3A_278 : i32
        %get3A_280 = arith.index_cast %add3A_279 : i32 to index
        %get3A_281 = arith.constant 112 : index
        %get3A_282 = tpu.vector_load %arg18[%get3A_280, %get3A_281] {strides = array<i32>} : memref<128x128xf32, #tpu.memory_space<vmem>>, vector<16xf32>,
        %mul3A_283 = arith.mulf %get3A_282, %gather3A_200 : vector<16xf32>
        %add3A_284 = arith.constant 1 : i32
        %add3A_285 = arith.addi %mul3A_90, %add3A_284 : i32
        %swap3A_286 = arith.index_cast %add3A_285 : i32 to index
        %swap3A_287 = arith.constant 112 : index
        %swap3A_288 = tpu.vector_load %arg18[%swap3A_286, %swap3A_287] {strides = array<i32>} : memref<128x128xf32, #tpu.memory_space<vmem>>, vector<16xf32>,
        tpu.vector_store %arg18[%swap3A_286, %swap3A_287], %mul3A_283 {strides = array<i32>} : memref<128x128xf32, #tpu.memory_space<vmem>>, vector<16xf32>,
        %broadcast_in_dim3A_289 = arith.constant 2 : i32
        %broadcast_in_dim3A_290 = vector.broadcast %broadcast_in_dim3A_289 : i32 to vector<16xi32>
        %lt3A_291 = arith.constant 0 : i32
        %lt3A_292 = vector.broadcast %lt3A_291 : i32 to vector<16xi32>
        %lt3A_293 = arith.cmpi slt, %broadcast_in_dim3A_290, %lt3A_292 : vector<16xi32>
        %add3A_294 = arith.constant 16 : i32
        %add3A_295 = vector.broadcast %add3A_294 : i32 to vector<16xi32>
        %add3A_296 = arith.addi %broadcast_in_dim3A_290, %add3A_295 : vector<16xi32>
        %select_n3A_297 = arith.select %lt3A_293, %add3A_296, %broadcast_in_dim3A_290 : vector<16xi1>, vector<16xi32>
        %broadcast_in_dim3A_298 = vector.shape_cast %select_n3A_297 : vector<16xi32> to vector<16x1xi32>
        %gather3A_299 = vector.shape_cast %broadcast_in_dim3A_298 : vector<16x1xi32> to vector<16xi32>
        %gather3A_300 = tpu.dynamic_gather %div3A[%gather3A_299] in [0] : vector<16xf32>, vector<16xi32> -> vector<16xf32>
        %add3A_301 = arith.constant 2 : i32
        %add3A_302 = arith.addi %mul3A_90, %add3A_301 : i32
        %get3A_303 = arith.index_cast %add3A_302 : i32 to index
        %get3A_304 = arith.constant 0 : index
        %get3A_305 = tpu.vector_load %arg18[%get3A_303, %get3A_304] {strides = array<i32>} : memref<128x128xf32, #tpu.memory_space<vmem>>, vector<16xf32>,
        %mul3A_306 = arith.mulf %get3A_305, %gather3A_300 : vector<16xf32>
        %add3A_307 = arith.constant 2 : i32
        %add3A_308 = arith.addi %mul3A_90, %add3A_307 : i32
        %swap3A_309 = arith.index_cast %add3A_308 : i32 to index
        %swap3A_310 = arith.constant 0 : index
        %swap3A_311 = tpu.vector_load %arg18[%swap3A_309, %swap3A_310] {strides = array<i32>} : memref<128x128xf32, #tpu.memory_space<vmem>>, vector<16xf32>,
        tpu.vector_store %arg18[%swap3A_309, %swap3A_310], %mul3A_306 {strides = array<i32>} : memref<128x128xf32, #tpu.memory_space<vmem>>, vector<16xf32>,
        %add3A_312 = arith.constant 2 : i32
        %add3A_313 = arith.addi %mul3A_90, %add3A_312 : i32
        %get3A_314 = arith.index_cast %add3A_313 : i32 to index
        %get3A_315 = arith.constant 16 : index
        %get3A_316 = tpu.vector_load %arg18[%get3A_314, %get3A_315] {strides = array<i32>} : memref<128x128xf32, #tpu.memory_space<vmem>>, vector<16xf32>,
        %mul3A_317 = arith.mulf %get3A_316, %gather3A_300 : vector<16xf32>
        %add3A_318 = arith.constant 2 : i32
        %add3A_319 = arith.addi %mul3A_90, %add3A_318 : i32
        %swap3A_320 = arith.index_cast %add3A_319 : i32 to index
        %swap3A_321 = arith.constant 16 : index
        %swap3A_322 = tpu.vector_load %arg18[%swap3A_320, %swap3A_321] {strides = array<i32>} : memref<128x128xf32, #tpu.memory_space<vmem>>, vector<16xf32>,
        tpu.vector_store %arg18[%swap3A_320, %swap3A_321], %mul3A_317 {strides = array<i32>} : memref<128x128xf32, #tpu.memory_space<vmem>>, vector<16xf32>,
        %add3A_323 = arith.constant 2 : i32
        %add3A_324 = arith.addi %mul3A_90, %add3A_323 : i32
        %get3A_325 = arith.index_cast %add3A_324 : i32 to index
        %get3A_326 = arith.constant 32 : index
        %get3A_327 = tpu.vector_load %arg18[%get3A_325, %get3A_326] {strides = array<i32>} : memref<128x128xf32, #tpu.memory_space<vmem>>, vector<16xf32>,
        %mul3A_328 = arith.mulf %get3A_327, %gather3A_300 : vector<16xf32>
        %add3A_329 = arith.constant 2 : i32
        %add3A_330 = arith.addi %mul3A_90, %add3A_329 : i32
        %swap3A_331 = arith.index_cast %add3A_330 : i32 to index
        %swap3A_332 = arith.constant 32 : index
        %swap3A_333 = tpu.vector_load %arg18[%swap3A_331, %swap3A_332] {strides = array<i32>} : memref<128x128xf32, #tpu.memory_space<vmem>>, vector<16xf32>,
        tpu.vector_store %arg18[%swap3A_331, %swap3A_332], %mul3A_328 {strides = array<i32>} : memref<128x128xf32, #tpu.memory_space<vmem>>, vector<16xf32>,
        %add3A_334 = arith.constant 2 : i32
        %add3A_335 = arith.addi %mul3A_90, %add3A_334 : i32
        %get3A_336 = arith.index_cast %add3A_335 : i32 to index
        %get3A_337 = arith.constant 48 : index
        %get3A_338 = tpu.vector_load %arg18[%get3A_336, %get3A_337] {strides = array<i32>} : memref<128x128xf32, #tpu.memory_space<vmem>>, vector<16xf32>,
        %mul3A_339 = arith.mulf %get3A_338, %gather3A_300 : vector<16xf32>
        %add3A_340 = arith.constant 2 : i32
        %add3A_341 = arith.addi %mul3A_90, %add3A_340 : i32
        %swap3A_342 = arith.index_cast %add3A_341 : i32 to index
        %swap3A_343 = arith.constant 48 : index
        %swap3A_344 = tpu.vector_load %arg18[%swap3A_342, %swap3A_343] {strides = array<i32>} : memref<128x128xf32, #tpu.memory_space<vmem>>, vector<16xf32>,
        tpu.vector_store %arg18[%swap3A_342, %swap3A_343], %mul3A_339 {strides = array<i32>} : memref<128x128xf32, #tpu.memory_space<vmem>>, vector<16xf32>,
        %add3A_345 = arith.constant 2 : i32
        %add3A_346 = arith.addi %mul3A_90, %add3A_345 : i32
        %get3A_347 = arith.index_cast %add3A_346 : i32 to index
        %get3A_348 = arith.constant 64 : index
        %get3A_349 = tpu.vector_load %arg18[%get3A_347, %get3A_348] {strides = array<i32>} : memref<128x128xf32, #tpu.memory_space<vmem>>, vector<16xf32>,
        %mul3A_350 = arith.mulf %get3A_349, %gather3A_300 : vector<16xf32>
        %add3A_351 = arith.constant 2 : i32
        %add3A_352 = arith.addi %mul3A_90, %add3A_351 : i32
        %swap3A_353 = arith.index_cast %add3A_352 : i32 to index
        %swap3A_354 = arith.constant 64 : index
        %swap3A_355 = tpu.vector_load %arg18[%swap3A_353, %swap3A_354] {strides = array<i32>} : memref<128x128xf32, #tpu.memory_space<vmem>>, vector<16xf32>,
        tpu.vector_store %arg18[%swap3A_353, %swap3A_354], %mul3A_350 {strides = array<i32>} : memref<128x128xf32, #tpu.memory_space<vmem>>, vector<16xf32>,
        %add3A_356 = arith.constant 2 : i32
        %add3A_357 = arith.addi %mul3A_90, %add3A_356 : i32
        %get3A_358 = arith.index_cast %add3A_357 : i32 to index
        %get3A_359 = arith.constant 80 : index
        %get3A_360 = tpu.vector_load %arg18[%get3A_358, %get3A_359] {strides = array<i32>} : memref<128x128xf32, #tpu.memory_space<vmem>>, vector<16xf32>,
        %mul3A_361 = arith.mulf %get3A_360, %gather3A_300 : vector<16xf32>
        %add3A_362 = arith.constant 2 : i32
        %add3A_363 = arith.addi %mul3A_90, %add3A_362 : i32
        %swap3A_364 = arith.index_cast %add3A_363 : i32 to index
        %swap3A_365 = arith.constant 80 : index
        %swap3A_366 = tpu.vector_load %arg18[%swap3A_364, %swap3A_365] {strides = array<i32>} : memref<128x128xf32, #tpu.memory_space<vmem>>, vector<16xf32>,
        tpu.vector_store %arg18[%swap3A_364, %swap3A_365], %mul3A_361 {strides = array<i32>} : memref<128x128xf32, #tpu.memory_space<vmem>>, vector<16xf32>,
        %add3A_367 = arith.constant 2 : i32
        %add3A_368 = arith.addi %mul3A_90, %add3A_367 : i32
        %get3A_369 = arith.index_cast %add3A_368 : i32 to index
        %get3A_370 = arith.constant 96 : index
        %get3A_371 = tpu.vector_load %arg18[%get3A_369, %get3A_370] {strides = array<i32>} : memref<128x128xf32, #tpu.memory_space<vmem>>, vector<16xf32>,
        %mul3A_372 = arith.mulf %get3A_371, %gather3A_300 : vector<16xf32>
        %add3A_373 = arith.constant 2 : i32
        %add3A_374 = arith.addi %mul3A_90, %add3A_373 : i32
        %swap3A_375 = arith.index_cast %add3A_374 : i32 to index
        %swap3A_376 = arith.constant 96 : index
        %swap3A_377 = tpu.vector_load %arg18[%swap3A_375, %swap3A_376] {strides = array<i32>} : memref<128x128xf32, #tpu.memory_space<vmem>>, vector<16xf32>,
        tpu.vector_store %arg18[%swap3A_375, %swap3A_376], %mul3A_372 {strides = array<i32>} : memref<128x128xf32, #tpu.memory_space<vmem>>, vector<16xf32>,
        %add3A_378 = arith.constant 2 : i32
        %add3A_379 = arith.addi %mul3A_90, %add3A_378 : i32
        %get3A_380 = arith.index_cast %add3A_379 : i32 to index
        %get3A_381 = arith.constant 112 : index
        %get3A_382 = tpu.vector_load %arg18[%get3A_380, %get3A_381] {strides = array<i32>} : memref<128x128xf32, #tpu.memory_space<vmem>>, vector<16xf32>,
        %mul3A_383 = arith.mulf %get3A_382, %gather3A_300 : vector<16xf32>
        %add3A_384 = arith.constant 2 : i32
        %add3A_385 = arith.addi %mul3A_90, %add3A_384 : i32
        %swap3A_386 = arith.index_cast %add3A_385 : i32 to index
        %swap3A_387 = arith.constant 112 : index
        %swap3A_388 = tpu.vector_load %arg18[%swap3A_386, %swap3A_387] {strides = array<i32>} : memref<128x128xf32, #tpu.memory_space<vmem>>, vector<16xf32>,
        tpu.vector_store %arg18[%swap3A_386, %swap3A_387], %mul3A_383 {strides = array<i32>} : memref<128x128xf32, #tpu.memory_space<vmem>>, vector<16xf32>,
        %broadcast_in_dim3A_389 = arith.constant 3 : i32
        %broadcast_in_dim3A_390 = vector.broadcast %broadcast_in_dim3A_389 : i32 to vector<16xi32>
        %lt3A_391 = arith.constant 0 : i32
        %lt3A_392 = vector.broadcast %lt3A_391 : i32 to vector<16xi32>
        %lt3A_393 = arith.cmpi slt, %broadcast_in_dim3A_390, %lt3A_392 : vector<16xi32>
        %add3A_394 = arith.constant 16 : i32
        %add3A_395 = vector.broadcast %add3A_394 : i32 to vector<16xi32>
        %add3A_396 = arith.addi %broadcast_in_dim3A_390, %add3A_395 : vector<16xi32>
        %select_n3A_397 = arith.select %lt3A_393, %add3A_396, %broadcast_in_dim3A_390 : vector<16xi1>, vector<16xi32>
        %broadcast_in_dim3A_398 = vector.shape_cast %select_n3A_397 : vector<16xi32> to vector<16x1xi32>
        %gather3A_399 = vector.shape_cast %broadcast_in_dim3A_398 : vector<16x1xi32> to vector<16xi32>
        %gather3A_400 = tpu.dynamic_gather %div3A[%gather3A_399] in [0] : vector<16xf32>, vector<16xi32> -> vector<16xf32>
        %add3A_401 = arith.constant 3 : i32
        %add3A_402 = arith.addi %mul3A_90, %add3A_401 : i32
        %get3A_403 = arith.index_cast %add3A_402 : i32 to index
        %get3A_404 = arith.constant 0 : index
        %get3A_405 = tpu.vector_load %arg18[%get3A_403, %get3A_404] {strides = array<i32>} : memref<128x128xf32, #tpu.memory_space<vmem>>, vector<16xf32>,
        %mul3A_406 = arith.mulf %get3A_405, %gather3A_400 : vector<16xf32>
        %add3A_407 = arith.constant 3 : i32
        %add3A_408 = arith.addi %mul3A_90, %add3A_407 : i32
        %swap3A_409 = arith.index_cast %add3A_408 : i32 to index
        %swap3A_410 = arith.constant 0 : index
        %swap3A_411 = tpu.vector_load %arg18[%swap3A_409, %swap3A_410] {strides = array<i32>} : memref<128x128xf32, #tpu.memory_space<vmem>>, vector<16xf32>,
        tpu.vector_store %arg18[%swap3A_409, %swap3A_410], %mul3A_406 {strides = array<i32>} : memref<128x128xf32, #tpu.memory_space<vmem>>, vector<16xf32>,
        %add3A_412 = arith.constant 3 : i32
        %add3A_413 = arith.addi %mul3A_90, %add3A_412 : i32
        %get3A_414 = arith.index_cast %add3A_413 : i32 to index
        %get3A_415 = arith.constant 16 : index
        %get3A_416 = tpu.vector_load %arg18[%get3A_414, %get3A_415] {strides = array<i32>} : memref<128x128xf32, #tpu.memory_space<vmem>>, vector<16xf32>,
        %mul3A_417 = arith.mulf %get3A_416, %gather3A_400 : vector<16xf32>
        %add3A_418 = arith.constant 3 : i32
        %add3A_419 = arith.addi %mul3A_90, %add3A_418 : i32
        %swap3A_420 = arith.index_cast %add3A_419 : i32 to index
        %swap3A_421 = arith.constant 16 : index
        %swap3A_422 = tpu.vector_load %arg18[%swap3A_420, %swap3A_421] {strides = array<i32>} : memref<128x128xf32, #tpu.memory_space<vmem>>, vector<16xf32>,
        tpu.vector_store %arg18[%swap3A_420, %swap3A_421], %mul3A_417 {strides = array<i32>} : memref<128x128xf32, #tpu.memory_space<vmem>>, vector<16xf32>,
        %add3A_423 = arith.constant 3 : i32
        %add3A_424 = arith.addi %mul3A_90, %add3A_423 : i32
        %get3A_425 = arith.index_cast %add3A_424 : i32 to index
        %get3A_426 = arith.constant 32 : index
        %get3A_427 = tpu.vector_load %arg18[%get3A_425, %get3A_426] {strides = array<i32>} : memref<128x128xf32, #tpu.memory_space<vmem>>, vector<16xf32>,
        %mul3A_428 = arith.mulf %get3A_427, %gather3A_400 : vector<16xf32>
        %add3A_429 = arith.constant 3 : i32
        %add3A_430 = arith.addi %mul3A_90, %add3A_429 : i32
        %swap3A_431 = arith.index_cast %add3A_430 : i32 to index
        %swap3A_432 = arith.constant 32 : index
        %swap3A_433 = tpu.vector_load %arg18[%swap3A_431, %swap3A_432] {strides = array<i32>} : memref<128x128xf32, #tpu.memory_space<vmem>>, vector<16xf32>,
        tpu.vector_store %arg18[%swap3A_431, %swap3A_432], %mul3A_428 {strides = array<i32>} : memref<128x128xf32, #tpu.memory_space<vmem>>, vector<16xf32>,
        %add3A_434 = arith.constant 3 : i32
        %add3A_435 = arith.addi %mul3A_90, %add3A_434 : i32
        %get3A_436 = arith.index_cast %add3A_435 : i32 to index
        %get3A_437 = arith.constant 48 : index
        %get3A_438 = tpu.vector_load %arg18[%get3A_436, %get3A_437] {strides = array<i32>} : memref<128x128xf32, #tpu.memory_space<vmem>>, vector<16xf32>,
        %mul3A_439 = arith.mulf %get3A_438, %gather3A_400 : vector<16xf32>
        %add3A_440 = arith.constant 3 : i32
        %add3A_441 = arith.addi %mul3A_90, %add3A_440 : i32
        %swap3A_442 = arith.index_cast %add3A_441 : i32 to index
        %swap3A_443 = arith.constant 48 : index
        %swap3A_444 = tpu.vector_load %arg18[%swap3A_442, %swap3A_443] {strides = array<i32>} : memref<128x128xf32, #tpu.memory_space<vmem>>, vector<16xf32>,
        tpu.vector_store %arg18[%swap3A_442, %swap3A_443], %mul3A_439 {strides = array<i32>} : memref<128x128xf32, #tpu.memory_space<vmem>>, vector<16xf32>,
        %add3A_445 = arith.constant 3 : i32
        %add3A_446 = arith.addi %mul3A_90, %add3A_445 : i32
        %get3A_447 = arith.index_cast %add3A_446 : i32 to index
        %get3A_448 = arith.constant 64 : index
        %get3A_449 = tpu.vector_load %arg18[%get3A_447, %get3A_448] {strides = array<i32>} : memref<128x128xf32, #tpu.memory_space<vmem>>, vector<16xf32>,
        %mul3A_450 = arith.mulf %get3A_449, %gather3A_400 : vector<16xf32>
        %add3A_451 = arith.constant 3 : i32
        %add3A_452 = arith.addi %mul3A_90, %add3A_451 : i32
        %swap3A_453 = arith.index_cast %add3A_452 : i32 to index
        %swap3A_454 = arith.constant 64 : index
        %swap3A_455 = tpu.vector_load %arg18[%swap3A_453, %swap3A_454] {strides = array<i32>} : memref<128x128xf32, #tpu.memory_space<vmem>>, vector<16xf32>,
        tpu.vector_store %arg18[%swap3A_453, %swap3A_454], %mul3A_450 {strides = array<i32>} : memref<128x128xf32, #tpu.memory_space<vmem>>, vector<16xf32>,
        %add3A_456 = arith.constant 3 : i32
        %add3A_457 = arith.addi %mul3A_90, %add3A_456 : i32
        %get3A_458 = arith.index_cast %add3A_457 : i32 to index
        %get3A_459 = arith.constant 80 : index
        %get3A_460 = tpu.vector_load %arg18[%get3A_458, %get3A_459] {strides = array<i32>} : memref<128x128xf32, #tpu.memory_space<vmem>>, vector<16xf32>,
        %mul3A_461 = arith.mulf %get3A_460, %gather3A_400 : vector<16xf32>
        %add3A_462 = arith.constant 3 : i32
        %add3A_463 = arith.addi %mul3A_90, %add3A_462 : i32
        %swap3A_464 = arith.index_cast %add3A_463 : i32 to index
        %swap3A_465 = arith.constant 80 : index
        %swap3A_466 = tpu.vector_load %arg18[%swap3A_464, %swap3A_465] {strides = array<i32>} : memref<128x128xf32, #tpu.memory_space<vmem>>, vector<16xf32>,
        tpu.vector_store %arg18[%swap3A_464, %swap3A_465], %mul3A_461 {strides = array<i32>} : memref<128x128xf32, #tpu.memory_space<vmem>>, vector<16xf32>,
        %add3A_467 = arith.constant 3 : i32
        %add3A_468 = arith.addi %mul3A_90, %add3A_467 : i32
        %get3A_469 = arith.index_cast %add3A_468 : i32 to index
        %get3A_470 = arith.constant 96 : index
        %get3A_471 = tpu.vector_load %arg18[%get3A_469, %get3A_470] {strides = array<i32>} : memref<128x128xf32, #tpu.memory_space<vmem>>, vector<16xf32>,
        %mul3A_472 = arith.mulf %get3A_471, %gather3A_400 : vector<16xf32>
        %add3A_473 = arith.constant 3 : i32
        %add3A_474 = arith.addi %mul3A_90, %add3A_473 : i32
        %swap3A_475 = arith.index_cast %add3A_474 : i32 to index
        %swap3A_476 = arith.constant 96 : index
        %swap3A_477 = tpu.vector_load %arg18[%swap3A_475, %swap3A_476] {strides = array<i32>} : memref<128x128xf32, #tpu.memory_space<vmem>>, vector<16xf32>,
        tpu.vector_store %arg18[%swap3A_475, %swap3A_476], %mul3A_472 {strides = array<i32>} : memref<128x128xf32, #tpu.memory_space<vmem>>, vector<16xf32>,
        %add3A_478 = arith.constant 3 : i32
        %add3A_479 = arith.addi %mul3A_90, %add3A_478 : i32
        %get3A_480 = arith.index_cast %add3A_479 : i32 to index
        %get3A_481 = arith.constant 112 : index
        %get3A_482 = tpu.vector_load %arg18[%get3A_480, %get3A_481] {strides = array<i32>} : memref<128x128xf32, #tpu.memory_space<vmem>>, vector<16xf32>,
        %mul3A_483 = arith.mulf %get3A_482, %gather3A_400 : vector<16xf32>
        %add3A_484 = arith.constant 3 : i32
        %add3A_485 = arith.addi %mul3A_90, %add3A_484 : i32
        %swap3A_486 = arith.index_cast %add3A_485 : i32 to index
        %swap3A_487 = arith.constant 112 : index
        %swap3A_488 = tpu.vector_load %arg18[%swap3A_486, %swap3A_487] {strides = array<i32>} : memref<128x128xf32, #tpu.memory_space<vmem>>, vector<16xf32>,
        tpu.vector_store %arg18[%swap3A_486, %swap3A_487], %mul3A_483 {strides = array<i32>} : memref<128x128xf32, #tpu.memory_space<vmem>>, vector<16xf32>,
        %broadcast_in_dim3A_489 = arith.constant 4 : i32
        %broadcast_in_dim3A_490 = vector.broadcast %broadcast_in_dim3A_489 : i32 to vector<16xi32>
        %lt3A_491 = arith.constant 0 : i32
        %lt3A_492 = vector.broadcast %lt3A_491 : i32 to vector<16xi32>
        %lt3A_493 = arith.cmpi slt, %broadcast_in_dim3A_490, %lt3A_492 : vector<16xi32>
        %add3A_494 = arith.constant 16 : i32
        %add3A_495 = vector.broadcast %add3A_494 : i32 to vector<16xi32>
        %add3A_496 = arith.addi %broadcast_in_dim3A_490, %add3A_495 : vector<16xi32>
        %select_n3A_497 = arith.select %lt3A_493, %add3A_496, %broadcast_in_dim3A_490 : vector<16xi1>, vector<16xi32>
        %broadcast_in_dim3A_498 = vector.shape_cast %select_n3A_497 : vector<16xi32> to vector<16x1xi32>
        %gather3A_499 = vector.shape_cast %broadcast_in_dim3A_498 : vector<16x1xi32> to vector<16xi32>
        %gather3A_500 = tpu.dynamic_gather %div3A[%gather3A_499] in [0] : vector<16xf32>, vector<16xi32> -> vector<16xf32>
        %add3A_501 = arith.constant 4 : i32
        %add3A_502 = arith.addi %mul3A_90, %add3A_501 : i32
        %get3A_503 = arith.index_cast %add3A_502 : i32 to index
        %get3A_504 = arith.constant 0 : index
        %get3A_505 = tpu.vector_load %arg18[%get3A_503, %get3A_504] {strides = array<i32>} : memref<128x128xf32, #tpu.memory_space<vmem>>, vector<16xf32>,
        %mul3A_506 = arith.mulf %get3A_505, %gather3A_500 : vector<16xf32>
        %add3A_507 = arith.constant 4 : i32
        %add3A_508 = arith.addi %mul3A_90, %add3A_507 : i32
        %swap3A_509 = arith.index_cast %add3A_508 : i32 to index
        %swap3A_510 = arith.constant 0 : index
        %swap3A_511 = tpu.vector_load %arg18[%swap3A_509, %swap3A_510] {strides = array<i32>} : memref<128x128xf32, #tpu.memory_space<vmem>>, vector<16xf32>,
        tpu.vector_store %arg18[%swap3A_509, %swap3A_510], %mul3A_506 {strides = array<i32>} : memref<128x128xf32, #tpu.memory_space<vmem>>, vector<16xf32>,
        %add3A_512 = arith.constant 4 : i32
        %add3A_513 = arith.addi %mul3A_90, %add3A_512 : i32
        %get3A_514 = arith.index_cast %add3A_513 : i32 to index
        %get3A_515 = arith.constant 16 : index
        %get3A_516 = tpu.vector_load %arg18[%get3A_514, %get3A_515] {strides = array<i32>} : memref<128x128xf32, #tpu.memory_space<vmem>>, vector<16xf32>,
        %mul3A_517 = arith.mulf %get3A_516, %gather3A_500 : vector<16xf32>
        %add3A_518 = arith.constant 4 : i32
        %add3A_519 = arith.addi %mul3A_90, %add3A_518 : i32
        %swap3A_520 = arith.index_cast %add3A_519 : i32 to index
        %swap3A_521 = arith.constant 16 : index
        %swap3A_522 = tpu.vector_load %arg18[%swap3A_520, %swap3A_521] {strides = array<i32>} : memref<128x128xf32, #tpu.memory_space<vmem>>, vector<16xf32>,
        tpu.vector_store %arg18[%swap3A_520, %swap3A_521], %mul3A_517 {strides = array<i32>} : memref<128x128xf32, #tpu.memory_space<vmem>>, vector<16xf32>,
        %add3A_523 = arith.constant 4 : i32
        %add3A_524 = arith.addi %mul3A_90, %add3A_523 : i32
        %get3A_525 = arith.index_cast %add3A_524 : i32 to index
        %get3A_526 = arith.constant 32 : index
        %get3A_527 = tpu.vector_load %arg18[%get3A_525, %get3A_526] {strides = array<i32>} : memref<128x128xf32, #tpu.memory_space<vmem>>, vector<16xf32>,
        %mul3A_528 = arith.mulf %get3A_527, %gather3A_500 : vector<16xf32>
        %add3A_529 = arith.constant 4 : i32
        %add3A_530 = arith.addi %mul3A_90, %add3A_529 : i32
        %swap3A_531 = arith.index_cast %add3A_530 : i32 to index
        %swap3A_532 = arith.constant 32 : index
        %swap3A_533 = tpu.vector_load %arg18[%swap3A_531, %swap3A_532] {strides = array<i32>} : memref<128x128xf32, #tpu.memory_space<vmem>>, vector<16xf32>,
        tpu.vector_store %arg18[%swap3A_531, %swap3A_532], %mul3A_528 {strides = array<i32>} : memref<128x128xf32, #tpu.memory_space<vmem>>, vector<16xf32>,
        %add3A_534 = arith.constant 4 : i32
        %add3A_535 = arith.addi %mul3A_90, %add3A_534 : i32
        %get3A_536 = arith.index_cast %add3A_535 : i32 to index
        %get3A_537 = arith.constant 48 : index
        %get3A_538 = tpu.vector_load %arg18[%get3A_536, %get3A_537] {strides = array<i32>} : memref<128x128xf32, #tpu.memory_space<vmem>>, vector<16xf32>,
        %mul3A_539 = arith.mulf %get3A_538, %gather3A_500 : vector<16xf32>
        %add3A_540 = arith.constant 4 : i32
        %add3A_541 = arith.addi %mul3A_90, %add3A_540 : i32
        %swap3A_542 = arith.index_cast %add3A_541 : i32 to index
        %swap3A_543 = arith.constant 48 : index
        %swap3A_544 = tpu.vector_load %arg18[%swap3A_542, %swap3A_543] {strides = array<i32>} : memref<128x128xf32, #tpu.memory_space<vmem>>, vector<16xf32>,
        tpu.vector_store %arg18[%swap3A_542, %swap3A_543], %mul3A_539 {strides = array<i32>} : memref<128x128xf32, #tpu.memory_space<vmem>>, vector<16xf32>,
        %add3A_545 = arith.constant 4 : i32
        %add3A_546 = arith.addi %mul3A_90, %add3A_545 : i32
        %get3A_547 = arith.index_cast %add3A_546 : i32 to index
        %get3A_548 = arith.constant 64 : index
        %get3A_549 = tpu.vector_load %arg18[%get3A_547, %get3A_548] {strides = array<i32>} : memref<128x128xf32, #tpu.memory_space<vmem>>, vector<16xf32>,
        %mul3A_550 = arith.mulf %get3A_549, %gather3A_500 : vector<16xf32>
        %add3A_551 = arith.constant 4 : i32
        %add3A_552 = arith.addi %mul3A_90, %add3A_551 : i32
        %swap3A_553 = arith.index_cast %add3A_552 : i32 to index
        %swap3A_554 = arith.constant 64 : index
        %swap3A_555 = tpu.vector_load %arg18[%swap3A_553, %swap3A_554] {strides = array<i32>} : memref<128x128xf32, #tpu.memory_space<vmem>>, vector<16xf32>,
        tpu.vector_store %arg18[%swap3A_553, %swap3A_554], %mul3A_550 {strides = array<i32>} : memref<128x128xf32, #tpu.memory_space<vmem>>, vector<16xf32>,
        %add3A_556 = arith.constant 4 : i32
        %add3A_557 = arith.addi %mul3A_90, %add3A_556 : i32
        %get3A_558 = arith.index_cast %add3A_557 : i32 to index
        %get3A_559 = arith.constant 80 : index
        %get3A_560 = tpu.vector_load %arg18[%get3A_558, %get3A_559] {strides = array<i32>} : memref<128x128xf32, #tpu.memory_space<vmem>>, vector<16xf32>,
        %mul3A_561 = arith.mulf %get3A_560, %gather3A_500 : vector<16xf32>
        %add3A_562 = arith.constant 4 : i32
        %add3A_563 = arith.addi %mul3A_90, %add3A_562 : i32
        %swap3A_564 = arith.index_cast %add3A_563 : i32 to index
        %swap3A_565 = arith.constant 80 : index
        %swap3A_566 = tpu.vector_load %arg18[%swap3A_564, %swap3A_565] {strides = array<i32>} : memref<128x128xf32, #tpu.memory_space<vmem>>, vector<16xf32>,
        tpu.vector_store %arg18[%swap3A_564, %swap3A_565], %mul3A_561 {strides = array<i32>} : memref<128x128xf32, #tpu.memory_space<vmem>>, vector<16xf32>,
        %add3A_567 = arith.constant 4 : i32
        %add3A_568 = arith.addi %mul3A_90, %add3A_567 : i32
        %get3A_569 = arith.index_cast %add3A_568 : i32 to index
        %get3A_570 = arith.constant 96 : index
        %get3A_571 = tpu.vector_load %arg18[%get3A_569, %get3A_570] {strides = array<i32>} : memref<128x128xf32, #tpu.memory_space<vmem>>, vector<16xf32>,
        %mul3A_572 = arith.mulf %get3A_571, %gather3A_500 : vector<16xf32>
        %add3A_573 = arith.constant 4 : i32
        %add3A_574 = arith.addi %mul3A_90, %add3A_573 : i32
        %swap3A_575 = arith.index_cast %add3A_574 : i32 to index
        %swap3A_576 = arith.constant 96 : index
        %swap3A_577 = tpu.vector_load %arg18[%swap3A_575, %swap3A_576] {strides = array<i32>} : memref<128x128xf32, #tpu.memory_space<vmem>>, vector<16xf32>,
        tpu.vector_store %arg18[%swap3A_575, %swap3A_576], %mul3A_572 {strides = array<i32>} : memref<128x128xf32, #tpu.memory_space<vmem>>, vector<16xf32>,
        %add3A_578 = arith.constant 4 : i32
        %add3A_579 = arith.addi %mul3A_90, %add3A_578 : i32
        %get3A_580 = arith.index_cast %add3A_579 : i32 to index
        %get3A_581 = arith.constant 112 : index
        %get3A_582 = tpu.vector_load %arg18[%get3A_580, %get3A_581] {strides = array<i32>} : memref<128x128xf32, #tpu.memory_space<vmem>>, vector<16xf32>,
        %mul3A_583 = arith.mulf %get3A_582, %gather3A_500 : vector<16xf32>
        %add3A_584 = arith.constant 4 : i32
        %add3A_585 = arith.addi %mul3A_90, %add3A_584 : i32
        %swap3A_586 = arith.index_cast %add3A_585 : i32 to index
        %swap3A_587 = arith.constant 112 : index
        %swap3A_588 = tpu.vector_load %arg18[%swap3A_586, %swap3A_587] {strides = array<i32>} : memref<128x128xf32, #tpu.memory_space<vmem>>, vector<16xf32>,
        tpu.vector_store %arg18[%swap3A_586, %swap3A_587], %mul3A_583 {strides = array<i32>} : memref<128x128xf32, #tpu.memory_space<vmem>>, vector<16xf32>,
        %broadcast_in_dim3A_589 = arith.constant 5 : i32
        %broadcast_in_dim3A_590 = vector.broadcast %broadcast_in_dim3A_589 : i32 to vector<16xi32>
        %lt3A_591 = arith.constant 0 : i32
        %lt3A_592 = vector.broadcast %lt3A_591 : i32 to vector<16xi32>
        %lt3A_593 = arith.cmpi slt, %broadcast_in_dim3A_590, %lt3A_592 : vector<16xi32>
        %add3A_594 = arith.constant 16 : i32
        %add3A_595 = vector.broadcast %add3A_594 : i32 to vector<16xi32>
        %add3A_596 = arith.addi %broadcast_in_dim3A_590, %add3A_595 : vector<16xi32>
        %select_n3A_597 = arith.select %lt3A_593, %add3A_596, %broadcast_in_dim3A_590 : vector<16xi1>, vector<16xi32>
        %broadcast_in_dim3A_598 = vector.shape_cast %select_n3A_597 : vector<16xi32> to vector<16x1xi32>
        %gather3A_599 = vector.shape_cast %broadcast_in_dim3A_598 : vector<16x1xi32> to vector<16xi32>
        %gather3A_600 = tpu.dynamic_gather %div3A[%gather3A_599] in [0] : vector<16xf32>, vector<16xi32> -> vector<16xf32>
        %add3A_601 = arith.constant 5 : i32
        %add3A_602 = arith.addi %mul3A_90, %add3A_601 : i32
        %get3A_603 = arith.index_cast %add3A_602 : i32 to index
        %get3A_604 = arith.constant 0 : index
        %get3A_605 = tpu.vector_load %arg18[%get3A_603, %get3A_604] {strides = array<i32>} : memref<128x128xf32, #tpu.memory_space<vmem>>, vector<16xf32>,
        %mul3A_606 = arith.mulf %get3A_605, %gather3A_600 : vector<16xf32>
        %add3A_607 = arith.constant 5 : i32
        %add3A_608 = arith.addi %mul3A_90, %add3A_607 : i32
        %swap3A_609 = arith.index_cast %add3A_608 : i32 to index
        %swap3A_610 = arith.constant 0 : index
        %swap3A_611 = tpu.vector_load %arg18[%swap3A_609, %swap3A_610] {strides = array<i32>} : memref<128x128xf32, #tpu.memory_space<vmem>>, vector<16xf32>,
        tpu.vector_store %arg18[%swap3A_609, %swap3A_610], %mul3A_606 {strides = array<i32>} : memref<128x128xf32, #tpu.memory_space<vmem>>, vector<16xf32>,
        %add3A_612 = arith.constant 5 : i32
        %add3A_613 = arith.addi %mul3A_90, %add3A_612 : i32
        %get3A_614 = arith.index_cast %add3A_613 : i32 to index
        %get3A_615 = arith.constant 16 : index
        %get3A_616 = tpu.vector_load %arg18[%get3A_614, %get3A_615] {strides = array<i32>} : memref<128x128xf32, #tpu.memory_space<vmem>>, vector<16xf32>,
        %mul3A_617 = arith.mulf %get3A_616, %gather3A_600 : vector<16xf32>
        %add3A_618 = arith.constant 5 : i32
        %add3A_619 = arith.addi %mul3A_90, %add3A_618 : i32
        %swap3A_620 = arith.index_cast %add3A_619 : i32 to index
        %swap3A_621 = arith.constant 16 : index
        %swap3A_622 = tpu.vector_load %arg18[%swap3A_620, %swap3A_621] {strides = array<i32>} : memref<128x128xf32, #tpu.memory_space<vmem>>, vector<16xf32>,
        tpu.vector_store %arg18[%swap3A_620, %swap3A_621], %mul3A_617 {strides = array<i32>} : memref<128x128xf32, #tpu.memory_space<vmem>>, vector<16xf32>,
        %add3A_623 = arith.constant 5 : i32
        %add3A_624 = arith.addi %mul3A_90, %add3A_623 : i32
        %get3A_625 = arith.index_cast %add3A_624 : i32 to index
        %get3A_626 = arith.constant 32 : index
        %get3A_627 = tpu.vector_load %arg18[%get3A_625, %get3A_626] {strides = array<i32>} : memref<128x128xf32, #tpu.memory_space<vmem>>, vector<16xf32>,
        %mul3A_628 = arith.mulf %get3A_627, %gather3A_600 : vector<16xf32>
        %add3A_629 = arith.constant 5 : i32
        %add3A_630 = arith.addi %mul3A_90, %add3A_629 : i32
        %swap3A_631 = arith.index_cast %add3A_630 : i32 to index
        %swap3A_632 = arith.constant 32 : index
        %swap3A_633 = tpu.vector_load %arg18[%swap3A_631, %swap3A_632] {strides = array<i32>} : memref<128x128xf32, #tpu.memory_space<vmem>>, vector<16xf32>,
        tpu.vector_store %arg18[%swap3A_631, %swap3A_632], %mul3A_628 {strides = array<i32>} : memref<128x128xf32, #tpu.memory_space<vmem>>, vector<16xf32>,
        %add3A_634 = arith.constant 5 : i32
        %add3A_635 = arith.addi %mul3A_90, %add3A_634 : i32
        %get3A_636 = arith.index_cast %add3A_635 : i32 to index
        %get3A_637 = arith.constant 48 : index
        %get3A_638 = tpu.vector_load %arg18[%get3A_636, %get3A_637] {strides = array<i32>} : memref<128x128xf32, #tpu.memory_space<vmem>>, vector<16xf32>,
        %mul3A_639 = arith.mulf %get3A_638, %gather3A_600 : vector<16xf32>
        %add3A_640 = arith.constant 5 : i32
        %add3A_641 = arith.addi %mul3A_90, %add3A_640 : i32
        %swap3A_642 = arith.index_cast %add3A_641 : i32 to index
        %swap3A_643 = arith.constant 48 : index
        %swap3A_644 = tpu.vector_load %arg18[%swap3A_642, %swap3A_643] {strides = array<i32>} : memref<128x128xf32, #tpu.memory_space<vmem>>, vector<16xf32>,
        tpu.vector_store %arg18[%swap3A_642, %swap3A_643], %mul3A_639 {strides = array<i32>} : memref<128x128xf32, #tpu.memory_space<vmem>>, vector<16xf32>,
        %add3A_645 = arith.constant 5 : i32
        %add3A_646 = arith.addi %mul3A_90, %add3A_645 : i32
        %get3A_647 = arith.index_cast %add3A_646 : i32 to index
        %get3A_648 = arith.constant 64 : index
        %get3A_649 = tpu.vector_load %arg18[%get3A_647, %get3A_648] {strides = array<i32>} : memref<128x128xf32, #tpu.memory_space<vmem>>, vector<16xf32>,
        %mul3A_650 = arith.mulf %get3A_649, %gather3A_600 : vector<16xf32>
        %add3A_651 = arith.constant 5 : i32
        %add3A_652 = arith.addi %mul3A_90, %add3A_651 : i32
        %swap3A_653 = arith.index_cast %add3A_652 : i32 to index
        %swap3A_654 = arith.constant 64 : index
        %swap3A_655 = tpu.vector_load %arg18[%swap3A_653, %swap3A_654] {strides = array<i32>} : memref<128x128xf32, #tpu.memory_space<vmem>>, vector<16xf32>,
        tpu.vector_store %arg18[%swap3A_653, %swap3A_654], %mul3A_650 {strides = array<i32>} : memref<128x128xf32, #tpu.memory_space<vmem>>, vector<16xf32>,
        %add3A_656 = arith.constant 5 : i32
        %add3A_657 = arith.addi %mul3A_90, %add3A_656 : i32
        %get3A_658 = arith.index_cast %add3A_657 : i32 to index
        %get3A_659 = arith.constant 80 : index
        %get3A_660 = tpu.vector_load %arg18[%get3A_658, %get3A_659] {strides = array<i32>} : memref<128x128xf32, #tpu.memory_space<vmem>>, vector<16xf32>,
        %mul3A_661 = arith.mulf %get3A_660, %gather3A_600 : vector<16xf32>
        %add3A_662 = arith.constant 5 : i32
        %add3A_663 = arith.addi %mul3A_90, %add3A_662 : i32
        %swap3A_664 = arith.index_cast %add3A_663 : i32 to index
        %swap3A_665 = arith.constant 80 : index
        %swap3A_666 = tpu.vector_load %arg18[%swap3A_664, %swap3A_665] {strides = array<i32>} : memref<128x128xf32, #tpu.memory_space<vmem>>, vector<16xf32>,
        tpu.vector_store %arg18[%swap3A_664, %swap3A_665], %mul3A_661 {strides = array<i32>} : memref<128x128xf32, #tpu.memory_space<vmem>>, vector<16xf32>,
        %add3A_667 = arith.constant 5 : i32
        %add3A_668 = arith.addi %mul3A_90, %add3A_667 : i32
        %get3A_669 = arith.index_cast %add3A_668 : i32 to index
        %get3A_670 = arith.constant 96 : index
        %get3A_671 = tpu.vector_load %arg18[%get3A_669, %get3A_670] {strides = array<i32>} : memref<128x128xf32, #tpu.memory_space<vmem>>, vector<16xf32>,
        %mul3A_672 = arith.mulf %get3A_671, %gather3A_600 : vector<16xf32>
        %add3A_673 = arith.constant 5 : i32
        %add3A_674 = arith.addi %mul3A_90, %add3A_673 : i32
        %swap3A_675 = arith.index_cast %add3A_674 : i32 to index
        %swap3A_676 = arith.constant 96 : index
        %swap3A_677 = tpu.vector_load %arg18[%swap3A_675, %swap3A_676] {strides = array<i32>} : memref<128x128xf32, #tpu.memory_space<vmem>>, vector<16xf32>,
        tpu.vector_store %arg18[%swap3A_675, %swap3A_676], %mul3A_672 {strides = array<i32>} : memref<128x128xf32, #tpu.memory_space<vmem>>, vector<16xf32>,
        %add3A_678 = arith.constant 5 : i32
        %add3A_679 = arith.addi %mul3A_90, %add3A_678 : i32
        %get3A_680 = arith.index_cast %add3A_679 : i32 to index
        %get3A_681 = arith.constant 112 : index
        %get3A_682 = tpu.vector_load %arg18[%get3A_680, %get3A_681] {strides = array<i32>} : memref<128x128xf32, #tpu.memory_space<vmem>>, vector<16xf32>,
        %mul3A_683 = arith.mulf %get3A_682, %gather3A_600 : vector<16xf32>
        %add3A_684 = arith.constant 5 : i32
        %add3A_685 = arith.addi %mul3A_90, %add3A_684 : i32
        %swap3A_686 = arith.index_cast %add3A_685 : i32 to index
        %swap3A_687 = arith.constant 112 : index
        %swap3A_688 = tpu.vector_load %arg18[%swap3A_686, %swap3A_687] {strides = array<i32>} : memref<128x128xf32, #tpu.memory_space<vmem>>, vector<16xf32>,
        tpu.vector_store %arg18[%swap3A_686, %swap3A_687], %mul3A_683 {strides = array<i32>} : memref<128x128xf32, #tpu.memory_space<vmem>>, vector<16xf32>,
        %broadcast_in_dim3A_689 = arith.constant 6 : i32
        %broadcast_in_dim3A_690 = vector.broadcast %broadcast_in_dim3A_689 : i32 to vector<16xi32>
        %lt3A_691 = arith.constant 0 : i32
        %lt3A_692 = vector.broadcast %lt3A_691 : i32 to vector<16xi32>
        %lt3A_693 = arith.cmpi slt, %broadcast_in_dim3A_690, %lt3A_692 : vector<16xi32>
        %add3A_694 = arith.constant 16 : i32
        %add3A_695 = vector.broadcast %add3A_694 : i32 to vector<16xi32>
        %add3A_696 = arith.addi %broadcast_in_dim3A_690, %add3A_695 : vector<16xi32>
        %select_n3A_697 = arith.select %lt3A_693, %add3A_696, %broadcast_in_dim3A_690 : vector<16xi1>, vector<16xi32>
        %broadcast_in_dim3A_698 = vector.shape_cast %select_n3A_697 : vector<16xi32> to vector<16x1xi32>
        %gather3A_699 = vector.shape_cast %broadcast_in_dim3A_698 : vector<16x1xi32> to vector<16xi32>
        %gather3A_700 = tpu.dynamic_gather %div3A[%gather3A_699] in [0] : vector<16xf32>, vector<16xi32> -> vector<16xf32>
        %add3A_701 = arith.constant 6 : i32
        %add3A_702 = arith.addi %mul3A_90, %add3A_701 : i32
        %get3A_703 = arith.index_cast %add3A_702 : i32 to index
        %get3A_704 = arith.constant 0 : index
        %get3A_705 = tpu.vector_load %arg18[%get3A_703, %get3A_704] {strides = array<i32>} : memref<128x128xf32, #tpu.memory_space<vmem>>, vector<16xf32>,
        %mul3A_706 = arith.mulf %get3A_705, %gather3A_700 : vector<16xf32>
        %add3A_707 = arith.constant 6 : i32
        %add3A_708 = arith.addi %mul3A_90, %add3A_707 : i32
        %swap3A_709 = arith.index_cast %add3A_708 : i32 to index
        %swap3A_710 = arith.constant 0 : index
        %swap3A_711 = tpu.vector_load %arg18[%swap3A_709, %swap3A_710] {strides = array<i32>} : memref<128x128xf32, #tpu.memory_space<vmem>>, vector<16xf32>,
        tpu.vector_store %arg18[%swap3A_709, %swap3A_710], %mul3A_706 {strides = array<i32>} : memref<128x128xf32, #tpu.memory_space<vmem>>, vector<16xf32>,
        %add3A_712 = arith.constant 6 : i32
        %add3A_713 = arith.addi %mul3A_90, %add3A_712 : i32
        %get3A_714 = arith.index_cast %add3A_713 : i32 to index
        %get3A_715 = arith.constant 16 : index
        %get3A_716 = tpu.vector_load %arg18[%get3A_714, %get3A_715] {strides = array<i32>} : memref<128x128xf32, #tpu.memory_space<vmem>>, vector<16xf32>,
        %mul3A_717 = arith.mulf %get3A_716, %gather3A_700 : vector<16xf32>
        %add3A_718 = arith.constant 6 : i32
        %add3A_719 = arith.addi %mul3A_90, %add3A_718 : i32
        %swap3A_720 = arith.index_cast %add3A_719 : i32 to index
        %swap3A_721 = arith.constant 16 : index
        %swap3A_722 = tpu.vector_load %arg18[%swap3A_720, %swap3A_721] {strides = array<i32>} : memref<128x128xf32, #tpu.memory_space<vmem>>, vector<16xf32>,
        tpu.vector_store %arg18[%swap3A_720, %swap3A_721], %mul3A_717 {strides = array<i32>} : memref<128x128xf32, #tpu.memory_space<vmem>>, vector<16xf32>,
        %add3A_723 = arith.constant 6 : i32
        %add3A_724 = arith.addi %mul3A_90, %add3A_723 : i32
        %get3A_725 = arith.index_cast %add3A_724 : i32 to index
        %get3A_726 = arith.constant 32 : index
        %get3A_727 = tpu.vector_load %arg18[%get3A_725, %get3A_726] {strides = array<i32>} : memref<128x128xf32, #tpu.memory_space<vmem>>, vector<16xf32>,
        %mul3A_728 = arith.mulf %get3A_727, %gather3A_700 : vector<16xf32>
        %add3A_729 = arith.constant 6 : i32
        %add3A_730 = arith.addi %mul3A_90, %add3A_729 : i32
        %swap3A_731 = arith.index_cast %add3A_730 : i32 to index
        %swap3A_732 = arith.constant 32 : index
        %swap3A_733 = tpu.vector_load %arg18[%swap3A_731, %swap3A_732] {strides = array<i32>} : memref<128x128xf32, #tpu.memory_space<vmem>>, vector<16xf32>,
        tpu.vector_store %arg18[%swap3A_731, %swap3A_732], %mul3A_728 {strides = array<i32>} : memref<128x128xf32, #tpu.memory_space<vmem>>, vector<16xf32>,
        %add3A_734 = arith.constant 6 : i32
        %add3A_735 = arith.addi %mul3A_90, %add3A_734 : i32
        %get3A_736 = arith.index_cast %add3A_735 : i32 to index
        %get3A_737 = arith.constant 48 : index
        %get3A_738 = tpu.vector_load %arg18[%get3A_736, %get3A_737] {strides = array<i32>} : memref<128x128xf32, #tpu.memory_space<vmem>>, vector<16xf32>,
        %mul3A_739 = arith.mulf %get3A_738, %gather3A_700 : vector<16xf32>
        %add3A_740 = arith.constant 6 : i32
        %add3A_741 = arith.addi %mul3A_90, %add3A_740 : i32
        %swap3A_742 = arith.index_cast %add3A_741 : i32 to index
        %swap3A_743 = arith.constant 48 : index
        %swap3A_744 = tpu.vector_load %arg18[%swap3A_742, %swap3A_743] {strides = array<i32>} : memref<128x128xf32, #tpu.memory_space<vmem>>, vector<16xf32>,
        tpu.vector_store %arg18[%swap3A_742, %swap3A_743], %mul3A_739 {strides = array<i32>} : memref<128x128xf32, #tpu.memory_space<vmem>>, vector<16xf32>,
        %add3A_745 = arith.constant 6 : i32
        %add3A_746 = arith.addi %mul3A_90, %add3A_745 : i32
        %get3A_747 = arith.index_cast %add3A_746 : i32 to index
        %get3A_748 = arith.constant 64 : index
        %get3A_749 = tpu.vector_load %arg18[%get3A_747, %get3A_748] {strides = array<i32>} : memref<128x128xf32, #tpu.memory_space<vmem>>, vector<16xf32>,
        %mul3A_750 = arith.mulf %get3A_749, %gather3A_700 : vector<16xf32>
        %add3A_751 = arith.constant 6 : i32
        %add3A_752 = arith.addi %mul3A_90, %add3A_751 : i32
        %swap3A_753 = arith.index_cast %add3A_752 : i32 to index
        %swap3A_754 = arith.constant 64 : index
        %swap3A_755 = tpu.vector_load %arg18[%swap3A_753, %swap3A_754] {strides = array<i32>} : memref<128x128xf32, #tpu.memory_space<vmem>>, vector<16xf32>,
        tpu.vector_store %arg18[%swap3A_753, %swap3A_754], %mul3A_750 {strides = array<i32>} : memref<128x128xf32, #tpu.memory_space<vmem>>, vector<16xf32>,
        %add3A_756 = arith.constant 6 : i32
        %add3A_757 = arith.addi %mul3A_90, %add3A_756 : i32
        %get3A_758 = arith.index_cast %add3A_757 : i32 to index
        %get3A_759 = arith.constant 80 : index
        %get3A_760 = tpu.vector_load %arg18[%get3A_758, %get3A_759] {strides = array<i32>} : memref<128x128xf32, #tpu.memory_space<vmem>>, vector<16xf32>,
        %mul3A_761 = arith.mulf %get3A_760, %gather3A_700 : vector<16xf32>
        %add3A_762 = arith.constant 6 : i32
        %add3A_763 = arith.addi %mul3A_90, %add3A_762 : i32
        %swap3A_764 = arith.index_cast %add3A_763 : i32 to index
        %swap3A_765 = arith.constant 80 : index
        %swap3A_766 = tpu.vector_load %arg18[%swap3A_764, %swap3A_765] {strides = array<i32>} : memref<128x128xf32, #tpu.memory_space<vmem>>, vector<16xf32>,
        tpu.vector_store %arg18[%swap3A_764, %swap3A_765], %mul3A_761 {strides = array<i32>} : memref<128x128xf32, #tpu.memory_space<vmem>>, vector<16xf32>,
        %add3A_767 = arith.constant 6 : i32
        %add3A_768 = arith.addi %mul3A_90, %add3A_767 : i32
        %get3A_769 = arith.index_cast %add3A_768 : i32 to index
        %get3A_770 = arith.constant 96 : index
        %get3A_771 = tpu.vector_load %arg18[%get3A_769, %get3A_770] {strides = array<i32>} : memref<128x128xf32, #tpu.memory_space<vmem>>, vector<16xf32>,
        %mul3A_772 = arith.mulf %get3A_771, %gather3A_700 : vector<16xf32>
        %add3A_773 = arith.constant 6 : i32
        %add3A_774 = arith.addi %mul3A_90, %add3A_773 : i32
        %swap3A_775 = arith.index_cast %add3A_774 : i32 to index
        %swap3A_776 = arith.constant 96 : index
        %swap3A_777 = tpu.vector_load %arg18[%swap3A_775, %swap3A_776] {strides = array<i32>} : memref<128x128xf32, #tpu.memory_space<vmem>>, vector<16xf32>,
        tpu.vector_store %arg18[%swap3A_775, %swap3A_776], %mul3A_772 {strides = array<i32>} : memref<128x128xf32, #tpu.memory_space<vmem>>, vector<16xf32>,
        %add3A_778 = arith.constant 6 : i32
        %add3A_779 = arith.addi %mul3A_90, %add3A_778 : i32
        %get3A_780 = arith.index_cast %add3A_779 : i32 to index
        %get3A_781 = arith.constant 112 : index
        %get3A_782 = tpu.vector_load %arg18[%get3A_780, %get3A_781] {strides = array<i32>} : memref<128x128xf32, #tpu.memory_space<vmem>>, vector<16xf32>,
        %mul3A_783 = arith.mulf %get3A_782, %gather3A_700 : vector<16xf32>
        %add3A_784 = arith.constant 6 : i32
        %add3A_785 = arith.addi %mul3A_90, %add3A_784 : i32
        %swap3A_786 = arith.index_cast %add3A_785 : i32 to index
        %swap3A_787 = arith.constant 112 : index
        %swap3A_788 = tpu.vector_load %arg18[%swap3A_786, %swap3A_787] {strides = array<i32>} : memref<128x128xf32, #tpu.memory_space<vmem>>, vector<16xf32>,
        tpu.vector_store %arg18[%swap3A_786, %swap3A_787], %mul3A_783 {strides = array<i32>} : memref<128x128xf32, #tpu.memory_space<vmem>>, vector<16xf32>,
        %broadcast_in_dim3A_789 = arith.constant 7 : i32
        %broadcast_in_dim3A_790 = vector.broadcast %broadcast_in_dim3A_789 : i32 to vector<16xi32>
        %lt3A_791 = arith.constant 0 : i32
        %lt3A_792 = vector.broadcast %lt3A_791 : i32 to vector<16xi32>
        %lt3A_793 = arith.cmpi slt, %broadcast_in_dim3A_790, %lt3A_792 : vector<16xi32>
        %add3A_794 = arith.constant 16 : i32
        %add3A_795 = vector.broadcast %add3A_794 : i32 to vector<16xi32>
        %add3A_796 = arith.addi %broadcast_in_dim3A_790, %add3A_795 : vector<16xi32>
        %select_n3A_797 = arith.select %lt3A_793, %add3A_796, %broadcast_in_dim3A_790 : vector<16xi1>, vector<16xi32>
        %broadcast_in_dim3A_798 = vector.shape_cast %select_n3A_797 : vector<16xi32> to vector<16x1xi32>
        %gather3A_799 = vector.shape_cast %broadcast_in_dim3A_798 : vector<16x1xi32> to vector<16xi32>
        %gather3A_800 = tpu.dynamic_gather %div3A[%gather3A_799] in [0] : vector<16xf32>, vector<16xi32> -> vector<16xf32>
        %add3A_801 = arith.constant 7 : i32
        %add3A_802 = arith.addi %mul3A_90, %add3A_801 : i32
        %get3A_803 = arith.index_cast %add3A_802 : i32 to index
        %get3A_804 = arith.constant 0 : index
        %get3A_805 = tpu.vector_load %arg18[%get3A_803, %get3A_804] {strides = array<i32>} : memref<128x128xf32, #tpu.memory_space<vmem>>, vector<16xf32>,
        %mul3A_806 = arith.mulf %get3A_805, %gather3A_800 : vector<16xf32>
        %add3A_807 = arith.constant 7 : i32
        %add3A_808 = arith.addi %mul3A_90, %add3A_807 : i32
        %swap3A_809 = arith.index_cast %add3A_808 : i32 to index
        %swap3A_810 = arith.constant 0 : index
        %swap3A_811 = tpu.vector_load %arg18[%swap3A_809, %swap3A_810] {strides = array<i32>} : memref<128x128xf32, #tpu.memory_space<vmem>>, vector<16xf32>,
        tpu.vector_store %arg18[%swap3A_809, %swap3A_810], %mul3A_806 {strides = array<i32>} : memref<128x128xf32, #tpu.memory_space<vmem>>, vector<16xf32>,
        %add3A_812 = arith.constant 7 : i32
        %add3A_813 = arith.addi %mul3A_90, %add3A_812 : i32
        %get3A_814 = arith.index_cast %add3A_813 : i32 to index
        %get3A_815 = arith.constant 16 : index
        %get3A_816 = tpu.vector_load %arg18[%get3A_814, %get3A_815] {strides = array<i32>} : memref<128x128xf32, #tpu.memory_space<vmem>>, vector<16xf32>,
        %mul3A_817 = arith.mulf %get3A_816, %gather3A_800 : vector<16xf32>
        %add3A_818 = arith.constant 7 : i32
        %add3A_819 = arith.addi %mul3A_90, %add3A_818 : i32
        %swap3A_820 = arith.index_cast %add3A_819 : i32 to index
        %swap3A_821 = arith.constant 16 : index
        %swap3A_822 = tpu.vector_load %arg18[%swap3A_820, %swap3A_821] {strides = array<i32>} : memref<128x128xf32, #tpu.memory_space<vmem>>, vector<16xf32>,
        tpu.vector_store %arg18[%swap3A_820, %swap3A_821], %mul3A_817 {strides = array<i32>} : memref<128x128xf32, #tpu.memory_space<vmem>>, vector<16xf32>,
        %add3A_823 = arith.constant 7 : i32
        %add3A_824 = arith.addi %mul3A_90, %add3A_823 : i32
        %get3A_825 = arith.index_cast %add3A_824 : i32 to index
        %get3A_826 = arith.constant 32 : index
        %get3A_827 = tpu.vector_load %arg18[%get3A_825, %get3A_826] {strides = array<i32>} : memref<128x128xf32, #tpu.memory_space<vmem>>, vector<16xf32>,
        %mul3A_828 = arith.mulf %get3A_827, %gather3A_800 : vector<16xf32>
        %add3A_829 = arith.constant 7 : i32
        %add3A_830 = arith.addi %mul3A_90, %add3A_829 : i32
        %swap3A_831 = arith.index_cast %add3A_830 : i32 to index
        %swap3A_832 = arith.constant 32 : index
        %swap3A_833 = tpu.vector_load %arg18[%swap3A_831, %swap3A_832] {strides = array<i32>} : memref<128x128xf32, #tpu.memory_space<vmem>>, vector<16xf32>,
        tpu.vector_store %arg18[%swap3A_831, %swap3A_832], %mul3A_828 {strides = array<i32>} : memref<128x128xf32, #tpu.memory_space<vmem>>, vector<16xf32>,
        %add3A_834 = arith.constant 7 : i32
        %add3A_835 = arith.addi %mul3A_90, %add3A_834 : i32
        %get3A_836 = arith.index_cast %add3A_835 : i32 to index
        %get3A_837 = arith.constant 48 : index
        %get3A_838 = tpu.vector_load %arg18[%get3A_836, %get3A_837] {strides = array<i32>} : memref<128x128xf32, #tpu.memory_space<vmem>>, vector<16xf32>,
        %mul3A_839 = arith.mulf %get3A_838, %gather3A_800 : vector<16xf32>
        %add3A_840 = arith.constant 7 : i32
        %add3A_841 = arith.addi %mul3A_90, %add3A_840 : i32
        %swap3A_842 = arith.index_cast %add3A_841 : i32 to index
        %swap3A_843 = arith.constant 48 : index
        %swap3A_844 = tpu.vector_load %arg18[%swap3A_842, %swap3A_843] {strides = array<i32>} : memref<128x128xf32, #tpu.memory_space<vmem>>, vector<16xf32>,
        tpu.vector_store %arg18[%swap3A_842, %swap3A_843], %mul3A_839 {strides = array<i32>} : memref<128x128xf32, #tpu.memory_space<vmem>>, vector<16xf32>,
        %add3A_845 = arith.constant 7 : i32
        %add3A_846 = arith.addi %mul3A_90, %add3A_845 : i32
        %get3A_847 = arith.index_cast %add3A_846 : i32 to index
        %get3A_848 = arith.constant 64 : index
        %get3A_849 = tpu.vector_load %arg18[%get3A_847, %get3A_848] {strides = array<i32>} : memref<128x128xf32, #tpu.memory_space<vmem>>, vector<16xf32>,
        %mul3A_850 = arith.mulf %get3A_849, %gather3A_800 : vector<16xf32>
        %add3A_851 = arith.constant 7 : i32
        %add3A_852 = arith.addi %mul3A_90, %add3A_851 : i32
        %swap3A_853 = arith.index_cast %add3A_852 : i32 to index
        %swap3A_854 = arith.constant 64 : index
        %swap3A_855 = tpu.vector_load %arg18[%swap3A_853, %swap3A_854] {strides = array<i32>} : memref<128x128xf32, #tpu.memory_space<vmem>>, vector<16xf32>,
        tpu.vector_store %arg18[%swap3A_853, %swap3A_854], %mul3A_850 {strides = array<i32>} : memref<128x128xf32, #tpu.memory_space<vmem>>, vector<16xf32>,
        %add3A_856 = arith.constant 7 : i32
        %add3A_857 = arith.addi %mul3A_90, %add3A_856 : i32
        %get3A_858 = arith.index_cast %add3A_857 : i32 to index
        %get3A_859 = arith.constant 80 : index
        %get3A_860 = tpu.vector_load %arg18[%get3A_858, %get3A_859] {strides = array<i32>} : memref<128x128xf32, #tpu.memory_space<vmem>>, vector<16xf32>,
        %mul3A_861 = arith.mulf %get3A_860, %gather3A_800 : vector<16xf32>
        %add3A_862 = arith.constant 7 : i32
        %add3A_863 = arith.addi %mul3A_90, %add3A_862 : i32
        %swap3A_864 = arith.index_cast %add3A_863 : i32 to index
        %swap3A_865 = arith.constant 80 : index
        %swap3A_866 = tpu.vector_load %arg18[%swap3A_864, %swap3A_865] {strides = array<i32>} : memref<128x128xf32, #tpu.memory_space<vmem>>, vector<16xf32>,
        tpu.vector_store %arg18[%swap3A_864, %swap3A_865], %mul3A_861 {strides = array<i32>} : memref<128x128xf32, #tpu.memory_space<vmem>>, vector<16xf32>,
        %add3A_867 = arith.constant 7 : i32
        %add3A_868 = arith.addi %mul3A_90, %add3A_867 : i32
        %get3A_869 = arith.index_cast %add3A_868 : i32 to index
        %get3A_870 = arith.constant 96 : index
        %get3A_871 = tpu.vector_load %arg18[%get3A_869, %get3A_870] {strides = array<i32>} : memref<128x128xf32, #tpu.memory_space<vmem>>, vector<16xf32>,
        %mul3A_872 = arith.mulf %get3A_871, %gather3A_800 : vector<16xf32>
        %add3A_873 = arith.constant 7 : i32
        %add3A_874 = arith.addi %mul3A_90, %add3A_873 : i32
        %swap3A_875 = arith.index_cast %add3A_874 : i32 to index
        %swap3A_876 = arith.constant 96 : index
        %swap3A_877 = tpu.vector_load %arg18[%swap3A_875, %swap3A_876] {strides = array<i32>} : memref<128x128xf32, #tpu.memory_space<vmem>>, vector<16xf32>,
        tpu.vector_store %arg18[%swap3A_875, %swap3A_876], %mul3A_872 {strides = array<i32>} : memref<128x128xf32, #tpu.memory_space<vmem>>, vector<16xf32>,
        %add3A_878 = arith.constant 7 : i32
        %add3A_879 = arith.addi %mul3A_90, %add3A_878 : i32
        %get3A_880 = arith.index_cast %add3A_879 : i32 to index
        %get3A_881 = arith.constant 112 : index
        %get3A_882 = tpu.vector_load %arg18[%get3A_880, %get3A_881] {strides = array<i32>} : memref<128x128xf32, #tpu.memory_space<vmem>>, vector<16xf32>,
        %mul3A_883 = arith.mulf %get3A_882, %gather3A_800 : vector<16xf32>
        %add3A_884 = arith.constant 7 : i32
        %add3A_885 = arith.addi %mul3A_90, %add3A_884 : i32
        %swap3A_886 = arith.index_cast %add3A_885 : i32 to index
        %swap3A_887 = arith.constant 112 : index
        %swap3A_888 = tpu.vector_load %arg18[%swap3A_886, %swap3A_887] {strides = array<i32>} : memref<128x128xf32, #tpu.memory_space<vmem>>, vector<16xf32>,
        tpu.vector_store %arg18[%swap3A_886, %swap3A_887], %mul3A_883 {strides = array<i32>} : memref<128x128xf32, #tpu.memory_space<vmem>>, vector<16xf32>,
        %broadcast_in_dim3A_889 = arith.constant 8 : i32
        %broadcast_in_dim3A_890 = vector.broadcast %broadcast_in_dim3A_889 : i32 to vector<16xi32>
        %lt3A_891 = arith.constant 0 : i32
        %lt3A_892 = vector.broadcast %lt3A_891 : i32 to vector<16xi32>
        %lt3A_893 = arith.cmpi slt, %broadcast_in_dim3A_890, %lt3A_892 : vector<16xi32>
        %add3A_894 = arith.constant 16 : i32
        %add3A_895 = vector.broadcast %add3A_894 : i32 to vector<16xi32>
        %add3A_896 = arith.addi %broadcast_in_dim3A_890, %add3A_895 : vector<16xi32>
        %select_n3A_897 = arith.select %lt3A_893, %add3A_896, %broadcast_in_dim3A_890 : vector<16xi1>, vector<16xi32>
        %broadcast_in_dim3A_898 = vector.shape_cast %select_n3A_897 : vector<16xi32> to vector<16x1xi32>
        %gather3A_899 = vector.shape_cast %broadcast_in_dim3A_898 : vector<16x1xi32> to vector<16xi32>
        %gather3A_900 = tpu.dynamic_gather %div3A[%gather3A_899] in [0] : vector<16xf32>, vector<16xi32> -> vector<16xf32>
        %add3A_901 = arith.constant 8 : i32
        %add3A_902 = arith.addi %mul3A_90, %add3A_901 : i32
        %get3A_903 = arith.index_cast %add3A_902 : i32 to index
        %get3A_904 = arith.constant 0 : index
        %get3A_905 = tpu.vector_load %arg18[%get3A_903, %get3A_904] {strides = array<i32>} : memref<128x128xf32, #tpu.memory_space<vmem>>, vector<16xf32>,
        %mul3A_906 = arith.mulf %get3A_905, %gather3A_900 : vector<16xf32>
        %add3A_907 = arith.constant 8 : i32
        %add3A_908 = arith.addi %mul3A_90, %add3A_907 : i32
        %swap3A_909 = arith.index_cast %add3A_908 : i32 to index
        %swap3A_910 = arith.constant 0 : index
        %swap3A_911 = tpu.vector_load %arg18[%swap3A_909, %swap3A_910] {strides = array<i32>} : memref<128x128xf32, #tpu.memory_space<vmem>>, vector<16xf32>,
        tpu.vector_store %arg18[%swap3A_909, %swap3A_910], %mul3A_906 {strides = array<i32>} : memref<128x128xf32, #tpu.memory_space<vmem>>, vector<16xf32>,
        %add3A_912 = arith.constant 8 : i32
        %add3A_913 = arith.addi %mul3A_90, %add3A_912 : i32
        %get3A_914 = arith.index_cast %add3A_913 : i32 to index
        %get3A_915 = arith.constant 16 : index
        %get3A_916 = tpu.vector_load %arg18[%get3A_914, %get3A_915] {strides = array<i32>} : memref<128x128xf32, #tpu.memory_space<vmem>>, vector<16xf32>,
        %mul3A_917 = arith.mulf %get3A_916, %gather3A_900 : vector<16xf32>
        %add3A_918 = arith.constant 8 : i32
        %add3A_919 = arith.addi %mul3A_90, %add3A_918 : i32
        %swap3A_920 = arith.index_cast %add3A_919 : i32 to index
        %swap3A_921 = arith.constant 16 : index
        %swap3A_922 = tpu.vector_load %arg18[%swap3A_920, %swap3A_921] {strides = array<i32>} : memref<128x128xf32, #tpu.memory_space<vmem>>, vector<16xf32>,
        tpu.vector_store %arg18[%swap3A_920, %swap3A_921], %mul3A_917 {strides = array<i32>} : memref<128x128xf32, #tpu.memory_space<vmem>>, vector<16xf32>,
        %add3A_923 = arith.constant 8 : i32
        %add3A_924 = arith.addi %mul3A_90, %add3A_923 : i32
        %get3A_925 = arith.index_cast %add3A_924 : i32 to index
        %get3A_926 = arith.constant 32 : index
        %get3A_927 = tpu.vector_load %arg18[%get3A_925, %get3A_926] {strides = array<i32>} : memref<128x128xf32, #tpu.memory_space<vmem>>, vector<16xf32>,
        %mul3A_928 = arith.mulf %get3A_927, %gather3A_900 : vector<16xf32>
        %add3A_929 = arith.constant 8 : i32
        %add3A_930 = arith.addi %mul3A_90, %add3A_929 : i32
        %swap3A_931 = arith.index_cast %add3A_930 : i32 to index
        %swap3A_932 = arith.constant 32 : index
        %swap3A_933 = tpu.vector_load %arg18[%swap3A_931, %swap3A_932] {strides = array<i32>} : memref<128x128xf32, #tpu.memory_space<vmem>>, vector<16xf32>,
        tpu.vector_store %arg18[%swap3A_931, %swap3A_932], %mul3A_928 {strides = array<i32>} : memref<128x128xf32, #tpu.memory_space<vmem>>, vector<16xf32>,
        %add3A_934 = arith.constant 8 : i32
        %add3A_935 = arith.addi %mul3A_90, %add3A_934 : i32
        %get3A_936 = arith.index_cast %add3A_935 : i32 to index
        %get3A_937 = arith.constant 48 : index
        %get3A_938 = tpu.vector_load %arg18[%get3A_936, %get3A_937] {strides = array<i32>} : memref<128x128xf32, #tpu.memory_space<vmem>>, vector<16xf32>,
        %mul3A_939 = arith.mulf %get3A_938, %gather3A_900 : vector<16xf32>
        %add3A_940 = arith.constant 8 : i32
        %add3A_941 = arith.addi %mul3A_90, %add3A_940 : i32
        %swap3A_942 = arith.index_cast %add3A_941 : i32 to index
        %swap3A_943 = arith.constant 48 : index
        %swap3A_944 = tpu.vector_load %arg18[%swap3A_942, %swap3A_943] {strides = array<i32>} : memref<128x128xf32, #tpu.memory_space<vmem>>, vector<16xf32>,
        tpu.vector_store %arg18[%swap3A_942, %swap3A_943], %mul3A_939 {strides = array<i32>} : memref<128x128xf32, #tpu.memory_space<vmem>>, vector<16xf32>,
        %add3A_945 = arith.constant 8 : i32
        %add3A_946 = arith.addi %mul3A_90, %add3A_945 : i32
        %get3A_947 = arith.index_cast %add3A_946 : i32 to index
        %get3A_948 = arith.constant 64 : index
        %get3A_949 = tpu.vector_load %arg18[%get3A_947, %get3A_948] {strides = array<i32>} : memref<128x128xf32, #tpu.memory_space<vmem>>, vector<16xf32>,
        %mul3A_950 = arith.mulf %get3A_949, %gather3A_900 : vector<16xf32>
        %add3A_951 = arith.constant 8 : i32
        %add3A_952 = arith.addi %mul3A_90, %add3A_951 : i32
        %swap3A_953 = arith.index_cast %add3A_952 : i32 to index
        %swap3A_954 = arith.constant 64 : index
        %swap3A_955 = tpu.vector_load %arg18[%swap3A_953, %swap3A_954] {strides = array<i32>} : memref<128x128xf32, #tpu.memory_space<vmem>>, vector<16xf32>,
        tpu.vector_store %arg18[%swap3A_953, %swap3A_954], %mul3A_950 {strides = array<i32>} : memref<128x128xf32, #tpu.memory_space<vmem>>, vector<16xf32>,
        %add3A_956 = arith.constant 8 : i32
        %add3A_957 = arith.addi %mul3A_90, %add3A_956 : i32
        %get3A_958 = arith.index_cast %add3A_957 : i32 to index
        %get3A_959 = arith.constant 80 : index
        %get3A_960 = tpu.vector_load %arg18[%get3A_958, %get3A_959] {strides = array<i32>} : memref<128x128xf32, #tpu.memory_space<vmem>>, vector<16xf32>,
        %mul3A_961 = arith.mulf %get3A_960, %gather3A_900 : vector<16xf32>
        %add3A_962 = arith.constant 8 : i32
        %add3A_963 = arith.addi %mul3A_90, %add3A_962 : i32
        %swap3A_964 = arith.index_cast %add3A_963 : i32 to index
        %swap3A_965 = arith.constant 80 : index
        %swap3A_966 = tpu.vector_load %arg18[%swap3A_964, %swap3A_965] {strides = array<i32>} : memref<128x128xf32, #tpu.memory_space<vmem>>, vector<16xf32>,
        tpu.vector_store %arg18[%swap3A_964, %swap3A_965], %mul3A_961 {strides = array<i32>} : memref<128x128xf32, #tpu.memory_space<vmem>>, vector<16xf32>,
        %add3A_967 = arith.constant 8 : i32
        %add3A_968 = arith.addi %mul3A_90, %add3A_967 : i32
        %get3A_969 = arith.index_cast %add3A_968 : i32 to index
        %get3A_970 = arith.constant 96 : index
        %get3A_971 = tpu.vector_load %arg18[%get3A_969, %get3A_970] {strides = array<i32>} : memref<128x128xf32, #tpu.memory_space<vmem>>, vector<16xf32>,
        %mul3A_972 = arith.mulf %get3A_971, %gather3A_900 : vector<16xf32>
        %add3A_973 = arith.constant 8 : i32
        %add3A_974 = arith.addi %mul3A_90, %add3A_973 : i32
        %swap3A_975 = arith.index_cast %add3A_974 : i32 to index
        %swap3A_976 = arith.constant 96 : index
        %swap3A_977 = tpu.vector_load %arg18[%swap3A_975, %swap3A_976] {strides = array<i32>} : memref<128x128xf32, #tpu.memory_space<vmem>>, vector<16xf32>,
        tpu.vector_store %arg18[%swap3A_975, %swap3A_976], %mul3A_972 {strides = array<i32>} : memref<128x128xf32, #tpu.memory_space<vmem>>, vector<16xf32>,
        %add3A_978 = arith.constant 8 : i32
        %add3A_979 = arith.addi %mul3A_90, %add3A_978 : i32
        %get3A_980 = arith.index_cast %add3A_979 : i32 to index
        %get3A_981 = arith.constant 112 : index
        %get3A_982 = tpu.vector_load %arg18[%get3A_980, %get3A_981] {strides = array<i32>} : memref<128x128xf32, #tpu.memory_space<vmem>>, vector<16xf32>,
        %mul3A_983 = arith.mulf %get3A_982, %gather3A_900 : vector<16xf32>
        %add3A_984 = arith.constant 8 : i32
        %add3A_985 = arith.addi %mul3A_90, %add3A_984 : i32
        %swap3A_986 = arith.index_cast %add3A_985 : i32 to index
        %swap3A_987 = arith.constant 112 : index
        %swap3A_988 = tpu.vector_load %arg18[%swap3A_986, %swap3A_987] {strides = array<i32>} : memref<128x128xf32, #tpu.memory_space<vmem>>, vector<16xf32>,
        tpu.vector_store %arg18[%swap3A_986, %swap3A_987], %mul3A_983 {strides = array<i32>} : memref<128x128xf32, #tpu.memory_space<vmem>>, vector<16xf32>,
        %broadcast_in_dim3A_989 = arith.constant 9 : i32
        %broadcast_in_dim3A_990 = vector.broadcast %broadcast_in_dim3A_989 : i32 to vector<16xi32>
        %lt3A_991 = arith.constant 0 : i32
        %lt3A_992 = vector.broadcast %lt3A_991 : i32 to vector<16xi32>
        %lt3A_993 = arith.cmpi slt, %broadcast_in_dim3A_990, %lt3A_992 : vector<16xi32>
        %add3A_994 = arith.constant 16 : i32
        %add3A_995 = vector.broadcast %add3A_994 : i32 to vector<16xi32>
        %add3A_996 = arith.addi %broadcast_in_dim3A_990, %add3A_995 : vector<16xi32>
        %select_n3A_997 = arith.select %lt3A_993, %add3A_996, %broadcast_in_dim3A_990 : vector<16xi1>, vector<16xi32>
        %broadcast_in_dim3A_998 = vector.shape_cast %select_n3A_997 : vector<16xi32> to vector<16x1xi32>
        %gather3A_999 = vector.shape_cast %broadcast_in_dim3A_998 : vector<16x1xi32> to vector<16xi32>
        %gather3A_1000 = tpu.dynamic_gather %div3A[%gather3A_999] in [0] : vector<16xf32>, vector<16xi32> -> vector<16xf32>
        %add3A_1001 = arith.constant 9 : i32
        %add3A_1002 = arith.addi %mul3A_90, %add3A_1001 : i32
        %get3A_1003 = arith.index_cast %add3A_1002 : i32 to index
        %get3A_1004 = arith.constant 0 : index
        %get3A_1005 = tpu.vector_load %arg18[%get3A_1003, %get3A_1004] {strides = array<i32>} : memref<128x128xf32, #tpu.memory_space<vmem>>, vector<16xf32>,
        %mul3A_1006 = arith.mulf %get3A_1005, %gather3A_1000 : vector<16xf32>
        %add3A_1007 = arith.constant 9 : i32
        %add3A_1008 = arith.addi %mul3A_90, %add3A_1007 : i32
        %swap3A_1009 = arith.index_cast %add3A_1008 : i32 to index
        %swap3A_1010 = arith.constant 0 : index
        %swap3A_1011 = tpu.vector_load %arg18[%swap3A_1009, %swap3A_1010] {strides = array<i32>} : memref<128x128xf32, #tpu.memory_space<vmem>>, vector<16xf32>,
        tpu.vector_store %arg18[%swap3A_1009, %swap3A_1010], %mul3A_1006 {strides = array<i32>} : memref<128x128xf32, #tpu.memory_space<vmem>>, vector<16xf32>,
        %add3A_1012 = arith.constant 9 : i32
        %add3A_1013 = arith.addi %mul3A_90, %add3A_1012 : i32
        %get3A_1014 = arith.index_cast %add3A_1013 : i32 to index
        %get3A_1015 = arith.constant 16 : index
        %get3A_1016 = tpu.vector_load %arg18[%get3A_1014, %get3A_1015] {strides = array<i32>} : memref<128x128xf32, #tpu.memory_space<vmem>>, vector<16xf32>,
        %mul3A_1017 = arith.mulf %get3A_1016, %gather3A_1000 : vector<16xf32>
        %add3A_1018 = arith.constant 9 : i32
        %add3A_1019 = arith.addi %mul3A_90, %add3A_1018 : i32
        %swap3A_1020 = arith.index_cast %add3A_1019 : i32 to index
        %swap3A_1021 = arith.constant 16 : index
        %swap3A_1022 = tpu.vector_load %arg18[%swap3A_1020, %swap3A_1021] {strides = array<i32>} : memref<128x128xf32, #tpu.memory_space<vmem>>, vector<16xf32>,
        tpu.vector_store %arg18[%swap3A_1020, %swap3A_1021], %mul3A_1017 {strides = array<i32>} : memref<128x128xf32, #tpu.memory_space<vmem>>, vector<16xf32>,
        %add3A_1023 = arith.constant 9 : i32
        %add3A_1024 = arith.addi %mul3A_90, %add3A_1023 : i32
        %get3A_1025 = arith.index_cast %add3A_1024 : i32 to index
        %get3A_1026 = arith.constant 32 : index
        %get3A_1027 = tpu.vector_load %arg18[%get3A_1025, %get3A_1026] {strides = array<i32>} : memref<128x128xf32, #tpu.memory_space<vmem>>, vector<16xf32>,
        %mul3A_1028 = arith.mulf %get3A_1027, %gather3A_1000 : vector<16xf32>
        %add3A_1029 = arith.constant 9 : i32
        %add3A_1030 = arith.addi %mul3A_90, %add3A_1029 : i32
        %swap3A_1031 = arith.index_cast %add3A_1030 : i32 to index
        %swap3A_1032 = arith.constant 32 : index
        %swap3A_1033 = tpu.vector_load %arg18[%swap3A_1031, %swap3A_1032] {strides = array<i32>} : memref<128x128xf32, #tpu.memory_space<vmem>>, vector<16xf32>,
        tpu.vector_store %arg18[%swap3A_1031, %swap3A_1032], %mul3A_1028 {strides = array<i32>} : memref<128x128xf32, #tpu.memory_space<vmem>>, vector<16xf32>,
        %add3A_1034 = arith.constant 9 : i32
        %add3A_1035 = arith.addi %mul3A_90, %add3A_1034 : i32
        %get3A_1036 = arith.index_cast %add3A_1035 : i32 to index
        %get3A_1037 = arith.constant 48 : index
        %get3A_1038 = tpu.vector_load %arg18[%get3A_1036, %get3A_1037] {strides = array<i32>} : memref<128x128xf32, #tpu.memory_space<vmem>>, vector<16xf32>,
        %mul3A_1039 = arith.mulf %get3A_1038, %gather3A_1000 : vector<16xf32>
        %add3A_1040 = arith.constant 9 : i32
        %add3A_1041 = arith.addi %mul3A_90, %add3A_1040 : i32
        %swap3A_1042 = arith.index_cast %add3A_1041 : i32 to index
        %swap3A_1043 = arith.constant 48 : index
        %swap3A_1044 = tpu.vector_load %arg18[%swap3A_1042, %swap3A_1043] {strides = array<i32>} : memref<128x128xf32, #tpu.memory_space<vmem>>, vector<16xf32>,
        tpu.vector_store %arg18[%swap3A_1042, %swap3A_1043], %mul3A_1039 {strides = array<i32>} : memref<128x128xf32, #tpu.memory_space<vmem>>, vector<16xf32>,
        %add3A_1045 = arith.constant 9 : i32
        %add3A_1046 = arith.addi %mul3A_90, %add3A_1045 : i32
        %get3A_1047 = arith.index_cast %add3A_1046 : i32 to index
        %get3A_1048 = arith.constant 64 : index
        %get3A_1049 = tpu.vector_load %arg18[%get3A_1047, %get3A_1048] {strides = array<i32>} : memref<128x128xf32, #tpu.memory_space<vmem>>, vector<16xf32>,
        %mul3A_1050 = arith.mulf %get3A_1049, %gather3A_1000 : vector<16xf32>
        %add3A_1051 = arith.constant 9 : i32
        %add3A_1052 = arith.addi %mul3A_90, %add3A_1051 : i32
        %swap3A_1053 = arith.index_cast %add3A_1052 : i32 to index
        %swap3A_1054 = arith.constant 64 : index
        %swap3A_1055 = tpu.vector_load %arg18[%swap3A_1053, %swap3A_1054] {strides = array<i32>} : memref<128x128xf32, #tpu.memory_space<vmem>>, vector<16xf32>,
        tpu.vector_store %arg18[%swap3A_1053, %swap3A_1054], %mul3A_1050 {strides = array<i32>} : memref<128x128xf32, #tpu.memory_space<vmem>>, vector<16xf32>,
        %add3A_1056 = arith.constant 9 : i32
        %add3A_1057 = arith.addi %mul3A_90, %add3A_1056 : i32
        %get3A_1058 = arith.index_cast %add3A_1057 : i32 to index
        %get3A_1059 = arith.constant 80 : index
        %get3A_1060 = tpu.vector_load %arg18[%get3A_1058, %get3A_1059] {strides = array<i32>} : memref<128x128xf32, #tpu.memory_space<vmem>>, vector<16xf32>,
        %mul3A_1061 = arith.mulf %get3A_1060, %gather3A_1000 : vector<16xf32>
        %add3A_1062 = arith.constant 9 : i32
        %add3A_1063 = arith.addi %mul3A_90, %add3A_1062 : i32
        %swap3A_1064 = arith.index_cast %add3A_1063 : i32 to index
        %swap3A_1065 = arith.constant 80 : index
        %swap3A_1066 = tpu.vector_load %arg18[%swap3A_1064, %swap3A_1065] {strides = array<i32>} : memref<128x128xf32, #tpu.memory_space<vmem>>, vector<16xf32>,
        tpu.vector_store %arg18[%swap3A_1064, %swap3A_1065], %mul3A_1061 {strides = array<i32>} : memref<128x128xf32, #tpu.memory_space<vmem>>, vector<16xf32>,
        %add3A_1067 = arith.constant 9 : i32
        %add3A_1068 = arith.addi %mul3A_90, %add3A_1067 : i32
        %get3A_1069 = arith.index_cast %add3A_1068 : i32 to index
        %get3A_1070 = arith.constant 96 : index
        %get3A_1071 = tpu.vector_load %arg18[%get3A_1069, %get3A_1070] {strides = array<i32>} : memref<128x128xf32, #tpu.memory_space<vmem>>, vector<16xf32>,
        %mul3A_1072 = arith.mulf %get3A_1071, %gather3A_1000 : vector<16xf32>
        %add3A_1073 = arith.constant 9 : i32
        %add3A_1074 = arith.addi %mul3A_90, %add3A_1073 : i32
        %swap3A_1075 = arith.index_cast %add3A_1074 : i32 to index
        %swap3A_1076 = arith.constant 96 : index
        %swap3A_1077 = tpu.vector_load %arg18[%swap3A_1075, %swap3A_1076] {strides = array<i32>} : memref<128x128xf32, #tpu.memory_space<vmem>>, vector<16xf32>,
        tpu.vector_store %arg18[%swap3A_1075, %swap3A_1076], %mul3A_1072 {strides = array<i32>} : memref<128x128xf32, #tpu.memory_space<vmem>>, vector<16xf32>,
        %add3A_1078 = arith.constant 9 : i32
        %add3A_1079 = arith.addi %mul3A_90, %add3A_1078 : i32
        %get3A_1080 = arith.index_cast %add3A_1079 : i32 to index
        %get3A_1081 = arith.constant 112 : index
        %get3A_1082 = tpu.vector_load %arg18[%get3A_1080, %get3A_1081] {strides = array<i32>} : memref<128x128xf32, #tpu.memory_space<vmem>>, vector<16xf32>,
        %mul3A_1083 = arith.mulf %get3A_1082, %gather3A_1000 : vector<16xf32>
        %add3A_1084 = arith.constant 9 : i32
        %add3A_1085 = arith.addi %mul3A_90, %add3A_1084 : i32
        %swap3A_1086 = arith.index_cast %add3A_1085 : i32 to index
        %swap3A_1087 = arith.constant 112 : index
        %swap3A_1088 = tpu.vector_load %arg18[%swap3A_1086, %swap3A_1087] {strides = array<i32>} : memref<128x128xf32, #tpu.memory_space<vmem>>, vector<16xf32>,
        tpu.vector_store %arg18[%swap3A_1086, %swap3A_1087], %mul3A_1083 {strides = array<i32>} : memref<128x128xf32, #tpu.memory_space<vmem>>, vector<16xf32>,
        %broadcast_in_dim3A_1089 = arith.constant 10 : i32
        %broadcast_in_dim3A_1090 = vector.broadcast %broadcast_in_dim3A_1089 : i32 to vector<16xi32>
        %lt3A_1091 = arith.constant 0 : i32
        %lt3A_1092 = vector.broadcast %lt3A_1091 : i32 to vector<16xi32>
        %lt3A_1093 = arith.cmpi slt, %broadcast_in_dim3A_1090, %lt3A_1092 : vector<16xi32>
        %add3A_1094 = arith.constant 16 : i32
        %add3A_1095 = vector.broadcast %add3A_1094 : i32 to vector<16xi32>
        %add3A_1096 = arith.addi %broadcast_in_dim3A_1090, %add3A_1095 : vector<16xi32>
        %select_n3A_1097 = arith.select %lt3A_1093, %add3A_1096, %broadcast_in_dim3A_1090 : vector<16xi1>, vector<16xi32>
        %broadcast_in_dim3A_1098 = vector.shape_cast %select_n3A_1097 : vector<16xi32> to vector<16x1xi32>
        %gather3A_1099 = vector.shape_cast %broadcast_in_dim3A_1098 : vector<16x1xi32> to vector<16xi32>
        %gather3A_1100 = tpu.dynamic_gather %div3A[%gather3A_1099] in [0] : vector<16xf32>, vector<16xi32> -> vector<16xf32>
        %add3A_1101 = arith.constant 10 : i32
        %add3A_1102 = arith.addi %mul3A_90, %add3A_1101 : i32
        %get3A_1103 = arith.index_cast %add3A_1102 : i32 to index
        %get3A_1104 = arith.constant 0 : index
        %get3A_1105 = tpu.vector_load %arg18[%get3A_1103, %get3A_1104] {strides = array<i32>} : memref<128x128xf32, #tpu.memory_space<vmem>>, vector<16xf32>,
        %mul3A_1106 = arith.mulf %get3A_1105, %gather3A_1100 : vector<16xf32>
        %add3A_1107 = arith.constant 10 : i32
        %add3A_1108 = arith.addi %mul3A_90, %add3A_1107 : i32
        %swap3A_1109 = arith.index_cast %add3A_1108 : i32 to index
        %swap3A_1110 = arith.constant 0 : index
        %swap3A_1111 = tpu.vector_load %arg18[%swap3A_1109, %swap3A_1110] {strides = array<i32>} : memref<128x128xf32, #tpu.memory_space<vmem>>, vector<16xf32>,
        tpu.vector_store %arg18[%swap3A_1109, %swap3A_1110], %mul3A_1106 {strides = array<i32>} : memref<128x128xf32, #tpu.memory_space<vmem>>, vector<16xf32>,
        %add3A_1112 = arith.constant 10 : i32
        %add3A_1113 = arith.addi %mul3A_90, %add3A_1112 : i32
        %get3A_1114 = arith.index_cast %add3A_1113 : i32 to index
        %get3A_1115 = arith.constant 16 : index
        %get3A_1116 = tpu.vector_load %arg18[%get3A_1114, %get3A_1115] {strides = array<i32>} : memref<128x128xf32, #tpu.memory_space<vmem>>, vector<16xf32>,
        %mul3A_1117 = arith.mulf %get3A_1116, %gather3A_1100 : vector<16xf32>
        %add3A_1118 = arith.constant 10 : i32
        %add3A_1119 = arith.addi %mul3A_90, %add3A_1118 : i32
        %swap3A_1120 = arith.index_cast %add3A_1119 : i32 to index
        %swap3A_1121 = arith.constant 16 : index
        %swap3A_1122 = tpu.vector_load %arg18[%swap3A_1120, %swap3A_1121] {strides = array<i32>} : memref<128x128xf32, #tpu.memory_space<vmem>>, vector<16xf32>,
        tpu.vector_store %arg18[%swap3A_1120, %swap3A_1121], %mul3A_1117 {strides = array<i32>} : memref<128x128xf32, #tpu.memory_space<vmem>>, vector<16xf32>,
        %add3A_1123 = arith.constant 10 : i32
        %add3A_1124 = arith.addi %mul3A_90, %add3A_1123 : i32
        %get3A_1125 = arith.index_cast %add3A_1124 : i32 to index
        %get3A_1126 = arith.constant 32 : index
        %get3A_1127 = tpu.vector_load %arg18[%get3A_1125, %get3A_1126] {strides = array<i32>} : memref<128x128xf32, #tpu.memory_space<vmem>>, vector<16xf32>,
        %mul3A_1128 = arith.mulf %get3A_1127, %gather3A_1100 : vector<16xf32>
        %add3A_1129 = arith.constant 10 : i32
        %add3A_1130 = arith.addi %mul3A_90, %add3A_1129 : i32
        %swap3A_1131 = arith.index_cast %add3A_1130 : i32 to index
        %swap3A_1132 = arith.constant 32 : index
        %swap3A_1133 = tpu.vector_load %arg18[%swap3A_1131, %swap3A_1132] {strides = array<i32>} : memref<128x128xf32, #tpu.memory_space<vmem>>, vector<16xf32>,
        tpu.vector_store %arg18[%swap3A_1131, %swap3A_1132], %mul3A_1128 {strides = array<i32>} : memref<128x128xf32, #tpu.memory_space<vmem>>, vector<16xf32>,
        %add3A_1134 = arith.constant 10 : i32
        %add3A_1135 = arith.addi %mul3A_90, %add3A_1134 : i32
        %get3A_1136 = arith.index_cast %add3A_1135 : i32 to index
        %get3A_1137 = arith.constant 48 : index
        %get3A_1138 = tpu.vector_load %arg18[%get3A_1136, %get3A_1137] {strides = array<i32>} : memref<128x128xf32, #tpu.memory_space<vmem>>, vector<16xf32>,
        %mul3A_1139 = arith.mulf %get3A_1138, %gather3A_1100 : vector<16xf32>
        %add3A_1140 = arith.constant 10 : i32
        %add3A_1141 = arith.addi %mul3A_90, %add3A_1140 : i32
        %swap3A_1142 = arith.index_cast %add3A_1141 : i32 to index
        %swap3A_1143 = arith.constant 48 : index
        %swap3A_1144 = tpu.vector_load %arg18[%swap3A_1142, %swap3A_1143] {strides = array<i32>} : memref<128x128xf32, #tpu.memory_space<vmem>>, vector<16xf32>,
        tpu.vector_store %arg18[%swap3A_1142, %swap3A_1143], %mul3A_1139 {strides = array<i32>} : memref<128x128xf32, #tpu.memory_space<vmem>>, vector<16xf32>,
        %add3A_1145 = arith.constant 10 : i32
        %add3A_1146 = arith.addi %mul3A_90, %add3A_1145 : i32
        %get3A_1147 = arith.index_cast %add3A_1146 : i32 to index
        %get3A_1148 = arith.constant 64 : index
        %get3A_1149 = tpu.vector_load %arg18[%get3A_1147, %get3A_1148] {strides = array<i32>} : memref<128x128xf32, #tpu.memory_space<vmem>>, vector<16xf32>,
        %mul3A_1150 = arith.mulf %get3A_1149, %gather3A_1100 : vector<16xf32>
        %add3A_1151 = arith.constant 10 : i32
        %add3A_1152 = arith.addi %mul3A_90, %add3A_1151 : i32
        %swap3A_1153 = arith.index_cast %add3A_1152 : i32 to index
        %swap3A_1154 = arith.constant 64 : index
        %swap3A_1155 = tpu.vector_load %arg18[%swap3A_1153, %swap3A_1154] {strides = array<i32>} : memref<128x128xf32, #tpu.memory_space<vmem>>, vector<16xf32>,
        tpu.vector_store %arg18[%swap3A_1153, %swap3A_1154], %mul3A_1150 {strides = array<i32>} : memref<128x128xf32, #tpu.memory_space<vmem>>, vector<16xf32>,
        %add3A_1156 = arith.constant 10 : i32
        %add3A_1157 = arith.addi %mul3A_90, %add3A_1156 : i32
        %get3A_1158 = arith.index_cast %add3A_1157 : i32 to index
        %get3A_1159 = arith.constant 80 : index
        %get3A_1160 = tpu.vector_load %arg18[%get3A_1158, %get3A_1159] {strides = array<i32>} : memref<128x128xf32, #tpu.memory_space<vmem>>, vector<16xf32>,
        %mul3A_1161 = arith.mulf %get3A_1160, %gather3A_1100 : vector<16xf32>
        %add3A_1162 = arith.constant 10 : i32
        %add3A_1163 = arith.addi %mul3A_90, %add3A_1162 : i32
        %swap3A_1164 = arith.index_cast %add3A_1163 : i32 to index
        %swap3A_1165 = arith.constant 80 : index
        %swap3A_1166 = tpu.vector_load %arg18[%swap3A_1164, %swap3A_1165] {strides = array<i32>} : memref<128x128xf32, #tpu.memory_space<vmem>>, vector<16xf32>,
        tpu.vector_store %arg18[%swap3A_1164, %swap3A_1165], %mul3A_1161 {strides = array<i32>} : memref<128x128xf32, #tpu.memory_space<vmem>>, vector<16xf32>,
        %add3A_1167 = arith.constant 10 : i32
        %add3A_1168 = arith.addi %mul3A_90, %add3A_1167 : i32
        %get3A_1169 = arith.index_cast %add3A_1168 : i32 to index
        %get3A_1170 = arith.constant 96 : index
        %get3A_1171 = tpu.vector_load %arg18[%get3A_1169, %get3A_1170] {strides = array<i32>} : memref<128x128xf32, #tpu.memory_space<vmem>>, vector<16xf32>,
        %mul3A_1172 = arith.mulf %get3A_1171, %gather3A_1100 : vector<16xf32>
        %add3A_1173 = arith.constant 10 : i32
        %add3A_1174 = arith.addi %mul3A_90, %add3A_1173 : i32
        %swap3A_1175 = arith.index_cast %add3A_1174 : i32 to index
        %swap3A_1176 = arith.constant 96 : index
        %swap3A_1177 = tpu.vector_load %arg18[%swap3A_1175, %swap3A_1176] {strides = array<i32>} : memref<128x128xf32, #tpu.memory_space<vmem>>, vector<16xf32>,
        tpu.vector_store %arg18[%swap3A_1175, %swap3A_1176], %mul3A_1172 {strides = array<i32>} : memref<128x128xf32, #tpu.memory_space<vmem>>, vector<16xf32>,
        %add3A_1178 = arith.constant 10 : i32
        %add3A_1179 = arith.addi %mul3A_90, %add3A_1178 : i32
        %get3A_1180 = arith.index_cast %add3A_1179 : i32 to index
        %get3A_1181 = arith.constant 112 : index
        %get3A_1182 = tpu.vector_load %arg18[%get3A_1180, %get3A_1181] {strides = array<i32>} : memref<128x128xf32, #tpu.memory_space<vmem>>, vector<16xf32>,
        %mul3A_1183 = arith.mulf %get3A_1182, %gather3A_1100 : vector<16xf32>
        %add3A_1184 = arith.constant 10 : i32
        %add3A_1185 = arith.addi %mul3A_90, %add3A_1184 : i32
        %swap3A_1186 = arith.index_cast %add3A_1185 : i32 to index
        %swap3A_1187 = arith.constant 112 : index
        %swap3A_1188 = tpu.vector_load %arg18[%swap3A_1186, %swap3A_1187] {strides = array<i32>} : memref<128x128xf32, #tpu.memory_space<vmem>>, vector<16xf32>,
        tpu.vector_store %arg18[%swap3A_1186, %swap3A_1187], %mul3A_1183 {strides = array<i32>} : memref<128x128xf32, #tpu.memory_space<vmem>>, vector<16xf32>,
        %broadcast_in_dim3A_1189 = arith.constant 11 : i32
        %broadcast_in_dim3A_1190 = vector.broadcast %broadcast_in_dim3A_1189 : i32 to vector<16xi32>
        %lt3A_1191 = arith.constant 0 : i32
        %lt3A_1192 = vector.broadcast %lt3A_1191 : i32 to vector<16xi32>
        %lt3A_1193 = arith.cmpi slt, %broadcast_in_dim3A_1190, %lt3A_1192 : vector<16xi32>
        %add3A_1194 = arith.constant 16 : i32
        %add3A_1195 = vector.broadcast %add3A_1194 : i32 to vector<16xi32>
        %add3A_1196 = arith.addi %broadcast_in_dim3A_1190, %add3A_1195 : vector<16xi32>
        %select_n3A_1197 = arith.select %lt3A_1193, %add3A_1196, %broadcast_in_dim3A_1190 : vector<16xi1>, vector<16xi32>
        %broadcast_in_dim3A_1198 = vector.shape_cast %select_n3A_1197 : vector<16xi32> to vector<16x1xi32>
        %gather3A_1199 = vector.shape_cast %broadcast_in_dim3A_1198 : vector<16x1xi32> to vector<16xi32>
        %gather3A_1200 = tpu.dynamic_gather %div3A[%gather3A_1199] in [0] : vector<16xf32>, vector<16xi32> -> vector<16xf32>
        %add3A_1201 = arith.constant 11 : i32
        %add3A_1202 = arith.addi %mul3A_90, %add3A_1201 : i32
        %get3A_1203 = arith.index_cast %add3A_1202 : i32 to index
        %get3A_1204 = arith.constant 0 : index
        %get3A_1205 = tpu.vector_load %arg18[%get3A_1203, %get3A_1204] {strides = array<i32>} : memref<128x128xf32, #tpu.memory_space<vmem>>, vector<16xf32>,
        %mul3A_1206 = arith.mulf %get3A_1205, %gather3A_1200 : vector<16xf32>
        %add3A_1207 = arith.constant 11 : i32
        %add3A_1208 = arith.addi %mul3A_90, %add3A_1207 : i32
        %swap3A_1209 = arith.index_cast %add3A_1208 : i32 to index
        %swap3A_1210 = arith.constant 0 : index
        %swap3A_1211 = tpu.vector_load %arg18[%swap3A_1209, %swap3A_1210] {strides = array<i32>} : memref<128x128xf32, #tpu.memory_space<vmem>>, vector<16xf32>,
        tpu.vector_store %arg18[%swap3A_1209, %swap3A_1210], %mul3A_1206 {strides = array<i32>} : memref<128x128xf32, #tpu.memory_space<vmem>>, vector<16xf32>,
        %add3A_1212 = arith.constant 11 : i32
        %add3A_1213 = arith.addi %mul3A_90, %add3A_1212 : i32
        %get3A_1214 = arith.index_cast %add3A_1213 : i32 to index
        %get3A_1215 = arith.constant 16 : index
        %get3A_1216 = tpu.vector_load %arg18[%get3A_1214, %get3A_1215] {strides = array<i32>} : memref<128x128xf32, #tpu.memory_space<vmem>>, vector<16xf32>,
        %mul3A_1217 = arith.mulf %get3A_1216, %gather3A_1200 : vector<16xf32>
        %add3A_1218 = arith.constant 11 : i32
        %add3A_1219 = arith.addi %mul3A_90, %add3A_1218 : i32
        %swap3A_1220 = arith.index_cast %add3A_1219 : i32 to index
        %swap3A_1221 = arith.constant 16 : index
        %swap3A_1222 = tpu.vector_load %arg18[%swap3A_1220, %swap3A_1221] {strides = array<i32>} : memref<128x128xf32, #tpu.memory_space<vmem>>, vector<16xf32>,
        tpu.vector_store %arg18[%swap3A_1220, %swap3A_1221], %mul3A_1217 {strides = array<i32>} : memref<128x128xf32, #tpu.memory_space<vmem>>, vector<16xf32>,
        %add3A_1223 = arith.constant 11 : i32
        %add3A_1224 = arith.addi %mul3A_90, %add3A_1223 : i32
        %get3A_1225 = arith.index_cast %add3A_1224 : i32 to index
        %get3A_1226 = arith.constant 32 : index
        %get3A_1227 = tpu.vector_load %arg18[%get3A_1225, %get3A_1226] {strides = array<i32>} : memref<128x128xf32, #tpu.memory_space<vmem>>, vector<16xf32>,
        %mul3A_1228 = arith.mulf %get3A_1227, %gather3A_1200 : vector<16xf32>
        %add3A_1229 = arith.constant 11 : i32
        %add3A_1230 = arith.addi %mul3A_90, %add3A_1229 : i32
        %swap3A_1231 = arith.index_cast %add3A_1230 : i32 to index
        %swap3A_1232 = arith.constant 32 : index
        %swap3A_1233 = tpu.vector_load %arg18[%swap3A_1231, %swap3A_1232] {strides = array<i32>} : memref<128x128xf32, #tpu.memory_space<vmem>>, vector<16xf32>,
        tpu.vector_store %arg18[%swap3A_1231, %swap3A_1232], %mul3A_1228 {strides = array<i32>} : memref<128x128xf32, #tpu.memory_space<vmem>>, vector<16xf32>,
        %add3A_1234 = arith.constant 11 : i32
        %add3A_1235 = arith.addi %mul3A_90, %add3A_1234 : i32
        %get3A_1236 = arith.index_cast %add3A_1235 : i32 to index
        %get3A_1237 = arith.constant 48 : index
        %get3A_1238 = tpu.vector_load %arg18[%get3A_1236, %get3A_1237] {strides = array<i32>} : memref<128x128xf32, #tpu.memory_space<vmem>>, vector<16xf32>,
        %mul3A_1239 = arith.mulf %get3A_1238, %gather3A_1200 : vector<16xf32>
        %add3A_1240 = arith.constant 11 : i32
        %add3A_1241 = arith.addi %mul3A_90, %add3A_1240 : i32
        %swap3A_1242 = arith.index_cast %add3A_1241 : i32 to index
        %swap3A_1243 = arith.constant 48 : index
        %swap3A_1244 = tpu.vector_load %arg18[%swap3A_1242, %swap3A_1243] {strides = array<i32>} : memref<128x128xf32, #tpu.memory_space<vmem>>, vector<16xf32>,
        tpu.vector_store %arg18[%swap3A_1242, %swap3A_1243], %mul3A_1239 {strides = array<i32>} : memref<128x128xf32, #tpu.memory_space<vmem>>, vector<16xf32>,
        %add3A_1245 = arith.constant 11 : i32
        %add3A_1246 = arith.addi %mul3A_90, %add3A_1245 : i32
        %get3A_1247 = arith.index_cast %add3A_1246 : i32 to index
        %get3A_1248 = arith.constant 64 : index
        %get3A_1249 = tpu.vector_load %arg18[%get3A_1247, %get3A_1248] {strides = array<i32>} : memref<128x128xf32, #tpu.memory_space<vmem>>, vector<16xf32>,
        %mul3A_1250 = arith.mulf %get3A_1249, %gather3A_1200 : vector<16xf32>
        %add3A_1251 = arith.constant 11 : i32
        %add3A_1252 = arith.addi %mul3A_90, %add3A_1251 : i32
        %swap3A_1253 = arith.index_cast %add3A_1252 : i32 to index
        %swap3A_1254 = arith.constant 64 : index
        %swap3A_1255 = tpu.vector_load %arg18[%swap3A_1253, %swap3A_1254] {strides = array<i32>} : memref<128x128xf32, #tpu.memory_space<vmem>>, vector<16xf32>,
        tpu.vector_store %arg18[%swap3A_1253, %swap3A_1254], %mul3A_1250 {strides = array<i32>} : memref<128x128xf32, #tpu.memory_space<vmem>>, vector<16xf32>,
        %add3A_1256 = arith.constant 11 : i32
        %add3A_1257 = arith.addi %mul3A_90, %add3A_1256 : i32
        %get3A_1258 = arith.index_cast %add3A_1257 : i32 to index
        %get3A_1259 = arith.constant 80 : index
        %get3A_1260 = tpu.vector_load %arg18[%get3A_1258, %get3A_1259] {strides = array<i32>} : memref<128x128xf32, #tpu.memory_space<vmem>>, vector<16xf32>,
        %mul3A_1261 = arith.mulf %get3A_1260, %gather3A_1200 : vector<16xf32>
        %add3A_1262 = arith.constant 11 : i32
        %add3A_1263 = arith.addi %mul3A_90, %add3A_1262 : i32
        %swap3A_1264 = arith.index_cast %add3A_1263 : i32 to index
        %swap3A_1265 = arith.constant 80 : index
        %swap3A_1266 = tpu.vector_load %arg18[%swap3A_1264, %swap3A_1265] {strides = array<i32>} : memref<128x128xf32, #tpu.memory_space<vmem>>, vector<16xf32>,
        tpu.vector_store %arg18[%swap3A_1264, %swap3A_1265], %mul3A_1261 {strides = array<i32>} : memref<128x128xf32, #tpu.memory_space<vmem>>, vector<16xf32>,
        %add3A_1267 = arith.constant 11 : i32
        %add3A_1268 = arith.addi %mul3A_90, %add3A_1267 : i32
        %get3A_1269 = arith.index_cast %add3A_1268 : i32 to index
        %get3A_1270 = arith.constant 96 : index
        %get3A_1271 = tpu.vector_load %arg18[%get3A_1269, %get3A_1270] {strides = array<i32>} : memref<128x128xf32, #tpu.memory_space<vmem>>, vector<16xf32>,
        %mul3A_1272 = arith.mulf %get3A_1271, %gather3A_1200 : vector<16xf32>
        %add3A_1273 = arith.constant 11 : i32
        %add3A_1274 = arith.addi %mul3A_90, %add3A_1273 : i32
        %swap3A_1275 = arith.index_cast %add3A_1274 : i32 to index
        %swap3A_1276 = arith.constant 96 : index
        %swap3A_1277 = tpu.vector_load %arg18[%swap3A_1275, %swap3A_1276] {strides = array<i32>} : memref<128x128xf32, #tpu.memory_space<vmem>>, vector<16xf32>,
        tpu.vector_store %arg18[%swap3A_1275, %swap3A_1276], %mul3A_1272 {strides = array<i32>} : memref<128x128xf32, #tpu.memory_space<vmem>>, vector<16xf32>,
        %add3A_1278 = arith.constant 11 : i32
        %add3A_1279 = arith.addi %mul3A_90, %add3A_1278 : i32
        %get3A_1280 = arith.index_cast %add3A_1279 : i32 to index
        %get3A_1281 = arith.constant 112 : index
        %get3A_1282 = tpu.vector_load %arg18[%get3A_1280, %get3A_1281] {strides = array<i32>} : memref<128x128xf32, #tpu.memory_space<vmem>>, vector<16xf32>,
        %mul3A_1283 = arith.mulf %get3A_1282, %gather3A_1200 : vector<16xf32>
        %add3A_1284 = arith.constant 11 : i32
        %add3A_1285 = arith.addi %mul3A_90, %add3A_1284 : i32
        %swap3A_1286 = arith.index_cast %add3A_1285 : i32 to index
        %swap3A_1287 = arith.constant 112 : index
        %swap3A_1288 = tpu.vector_load %arg18[%swap3A_1286, %swap3A_1287] {strides = array<i32>} : memref<128x128xf32, #tpu.memory_space<vmem>>, vector<16xf32>,
        tpu.vector_store %arg18[%swap3A_1286, %swap3A_1287], %mul3A_1283 {strides = array<i32>} : memref<128x128xf32, #tpu.memory_space<vmem>>, vector<16xf32>,
        %broadcast_in_dim3A_1289 = arith.constant 12 : i32
        %broadcast_in_dim3A_1290 = vector.broadcast %broadcast_in_dim3A_1289 : i32 to vector<16xi32>
        %lt3A_1291 = arith.constant 0 : i32
        %lt3A_1292 = vector.broadcast %lt3A_1291 : i32 to vector<16xi32>
        %lt3A_1293 = arith.cmpi slt, %broadcast_in_dim3A_1290, %lt3A_1292 : vector<16xi32>
        %add3A_1294 = arith.constant 16 : i32
        %add3A_1295 = vector.broadcast %add3A_1294 : i32 to vector<16xi32>
        %add3A_1296 = arith.addi %broadcast_in_dim3A_1290, %add3A_1295 : vector<16xi32>
        %select_n3A_1297 = arith.select %lt3A_1293, %add3A_1296, %broadcast_in_dim3A_1290 : vector<16xi1>, vector<16xi32>
        %broadcast_in_dim3A_1298 = vector.shape_cast %select_n3A_1297 : vector<16xi32> to vector<16x1xi32>
        %gather3A_1299 = vector.shape_cast %broadcast_in_dim3A_1298 : vector<16x1xi32> to vector<16xi32>
        %gather3A_1300 = tpu.dynamic_gather %div3A[%gather3A_1299] in [0] : vector<16xf32>, vector<16xi32> -> vector<16xf32>
        %add3A_1301 = arith.constant 12 : i32
        %add3A_1302 = arith.addi %mul3A_90, %add3A_1301 : i32
        %get3A_1303 = arith.index_cast %add3A_1302 : i32 to index
        %get3A_1304 = arith.constant 0 : index
        %get3A_1305 = tpu.vector_load %arg18[%get3A_1303, %get3A_1304] {strides = array<i32>} : memref<128x128xf32, #tpu.memory_space<vmem>>, vector<16xf32>,
        %mul3A_1306 = arith.mulf %get3A_1305, %gather3A_1300 : vector<16xf32>
        %add3A_1307 = arith.constant 12 : i32
        %add3A_1308 = arith.addi %mul3A_90, %add3A_1307 : i32
        %swap3A_1309 = arith.index_cast %add3A_1308 : i32 to index
        %swap3A_1310 = arith.constant 0 : index
        %swap3A_1311 = tpu.vector_load %arg18[%swap3A_1309, %swap3A_1310] {strides = array<i32>} : memref<128x128xf32, #tpu.memory_space<vmem>>, vector<16xf32>,
        tpu.vector_store %arg18[%swap3A_1309, %swap3A_1310], %mul3A_1306 {strides = array<i32>} : memref<128x128xf32, #tpu.memory_space<vmem>>, vector<16xf32>,
        %add3A_1312 = arith.constant 12 : i32
        %add3A_1313 = arith.addi %mul3A_90, %add3A_1312 : i32
        %get3A_1314 = arith.index_cast %add3A_1313 : i32 to index
        %get3A_1315 = arith.constant 16 : index
        %get3A_1316 = tpu.vector_load %arg18[%get3A_1314, %get3A_1315] {strides = array<i32>} : memref<128x128xf32, #tpu.memory_space<vmem>>, vector<16xf32>,
        %mul3A_1317 = arith.mulf %get3A_1316, %gather3A_1300 : vector<16xf32>
        %add3A_1318 = arith.constant 12 : i32
        %add3A_1319 = arith.addi %mul3A_90, %add3A_1318 : i32
        %swap3A_1320 = arith.index_cast %add3A_1319 : i32 to index
        %swap3A_1321 = arith.constant 16 : index
        %swap3A_1322 = tpu.vector_load %arg18[%swap3A_1320, %swap3A_1321] {strides = array<i32>} : memref<128x128xf32, #tpu.memory_space<vmem>>, vector<16xf32>,
        tpu.vector_store %arg18[%swap3A_1320, %swap3A_1321], %mul3A_1317 {strides = array<i32>} : memref<128x128xf32, #tpu.memory_space<vmem>>, vector<16xf32>,
        %add3A_1323 = arith.constant 12 : i32
        %add3A_1324 = arith.addi %mul3A_90, %add3A_1323 : i32
        %get3A_1325 = arith.index_cast %add3A_1324 : i32 to index
        %get3A_1326 = arith.constant 32 : index
        %get3A_1327 = tpu.vector_load %arg18[%get3A_1325, %get3A_1326] {strides = array<i32>} : memref<128x128xf32, #tpu.memory_space<vmem>>, vector<16xf32>,
        %mul3A_1328 = arith.mulf %get3A_1327, %gather3A_1300 : vector<16xf32>
        %add3A_1329 = arith.constant 12 : i32
        %add3A_1330 = arith.addi %mul3A_90, %add3A_1329 : i32
        %swap3A_1331 = arith.index_cast %add3A_1330 : i32 to index
        %swap3A_1332 = arith.constant 32 : index
        %swap3A_1333 = tpu.vector_load %arg18[%swap3A_1331, %swap3A_1332] {strides = array<i32>} : memref<128x128xf32, #tpu.memory_space<vmem>>, vector<16xf32>,
        tpu.vector_store %arg18[%swap3A_1331, %swap3A_1332], %mul3A_1328 {strides = array<i32>} : memref<128x128xf32, #tpu.memory_space<vmem>>, vector<16xf32>,
        %add3A_1334 = arith.constant 12 : i32
        %add3A_1335 = arith.addi %mul3A_90, %add3A_1334 : i32
        %get3A_1336 = arith.index_cast %add3A_1335 : i32 to index
        %get3A_1337 = arith.constant 48 : index
        %get3A_1338 = tpu.vector_load %arg18[%get3A_1336, %get3A_1337] {strides = array<i32>} : memref<128x128xf32, #tpu.memory_space<vmem>>, vector<16xf32>,
        %mul3A_1339 = arith.mulf %get3A_1338, %gather3A_1300 : vector<16xf32>
        %add3A_1340 = arith.constant 12 : i32
        %add3A_1341 = arith.addi %mul3A_90, %add3A_1340 : i32
        %swap3A_1342 = arith.index_cast %add3A_1341 : i32 to index
        %swap3A_1343 = arith.constant 48 : index
        %swap3A_1344 = tpu.vector_load %arg18[%swap3A_1342, %swap3A_1343] {strides = array<i32>} : memref<128x128xf32, #tpu.memory_space<vmem>>, vector<16xf32>,
        tpu.vector_store %arg18[%swap3A_1342, %swap3A_1343], %mul3A_1339 {strides = array<i32>} : memref<128x128xf32, #tpu.memory_space<vmem>>, vector<16xf32>,
        %add3A_1345 = arith.constant 12 : i32
        %add3A_1346 = arith.addi %mul3A_90, %add3A_1345 : i32
        %get3A_1347 = arith.index_cast %add3A_1346 : i32 to index
        %get3A_1348 = arith.constant 64 : index
        %get3A_1349 = tpu.vector_load %arg18[%get3A_1347, %get3A_1348] {strides = array<i32>} : memref<128x128xf32, #tpu.memory_space<vmem>>, vector<16xf32>,
        %mul3A_1350 = arith.mulf %get3A_1349, %gather3A_1300 : vector<16xf32>
        %add3A_1351 = arith.constant 12 : i32
        %add3A_1352 = arith.addi %mul3A_90, %add3A_1351 : i32
        %swap3A_1353 = arith.index_cast %add3A_1352 : i32 to index
        %swap3A_1354 = arith.constant 64 : index
        %swap3A_1355 = tpu.vector_load %arg18[%swap3A_1353, %swap3A_1354] {strides = array<i32>} : memref<128x128xf32, #tpu.memory_space<vmem>>, vector<16xf32>,
        tpu.vector_store %arg18[%swap3A_1353, %swap3A_1354], %mul3A_1350 {strides = array<i32>} : memref<128x128xf32, #tpu.memory_space<vmem>>, vector<16xf32>,
        %add3A_1356 = arith.constant 12 : i32
        %add3A_1357 = arith.addi %mul3A_90, %add3A_1356 : i32
        %get3A_1358 = arith.index_cast %add3A_1357 : i32 to index
        %get3A_1359 = arith.constant 80 : index
        %get3A_1360 = tpu.vector_load %arg18[%get3A_1358, %get3A_1359] {strides = array<i32>} : memref<128x128xf32, #tpu.memory_space<vmem>>, vector<16xf32>,
        %mul3A_1361 = arith.mulf %get3A_1360, %gather3A_1300 : vector<16xf32>
        %add3A_1362 = arith.constant 12 : i32
        %add3A_1363 = arith.addi %mul3A_90, %add3A_1362 : i32
        %swap3A_1364 = arith.index_cast %add3A_1363 : i32 to index
        %swap3A_1365 = arith.constant 80 : index
        %swap3A_1366 = tpu.vector_load %arg18[%swap3A_1364, %swap3A_1365] {strides = array<i32>} : memref<128x128xf32, #tpu.memory_space<vmem>>, vector<16xf32>,
        tpu.vector_store %arg18[%swap3A_1364, %swap3A_1365], %mul3A_1361 {strides = array<i32>} : memref<128x128xf32, #tpu.memory_space<vmem>>, vector<16xf32>,
        %add3A_1367 = arith.constant 12 : i32
        %add3A_1368 = arith.addi %mul3A_90, %add3A_1367 : i32
        %get3A_1369 = arith.index_cast %add3A_1368 : i32 to index
        %get3A_1370 = arith.constant 96 : index
        %get3A_1371 = tpu.vector_load %arg18[%get3A_1369, %get3A_1370] {strides = array<i32>} : memref<128x128xf32, #tpu.memory_space<vmem>>, vector<16xf32>,
        %mul3A_1372 = arith.mulf %get3A_1371, %gather3A_1300 : vector<16xf32>
        %add3A_1373 = arith.constant 12 : i32
        %add3A_1374 = arith.addi %mul3A_90, %add3A_1373 : i32
        %swap3A_1375 = arith.index_cast %add3A_1374 : i32 to index
        %swap3A_1376 = arith.constant 96 : index
        %swap3A_1377 = tpu.vector_load %arg18[%swap3A_1375, %swap3A_1376] {strides = array<i32>} : memref<128x128xf32, #tpu.memory_space<vmem>>, vector<16xf32>,
        tpu.vector_store %arg18[%swap3A_1375, %swap3A_1376], %mul3A_1372 {strides = array<i32>} : memref<128x128xf32, #tpu.memory_space<vmem>>, vector<16xf32>,
        %add3A_1378 = arith.constant 12 : i32
        %add3A_1379 = arith.addi %mul3A_90, %add3A_1378 : i32
        %get3A_1380 = arith.index_cast %add3A_1379 : i32 to index
        %get3A_1381 = arith.constant 112 : index
        %get3A_1382 = tpu.vector_load %arg18[%get3A_1380, %get3A_1381] {strides = array<i32>} : memref<128x128xf32, #tpu.memory_space<vmem>>, vector<16xf32>,
        %mul3A_1383 = arith.mulf %get3A_1382, %gather3A_1300 : vector<16xf32>
        %add3A_1384 = arith.constant 12 : i32
        %add3A_1385 = arith.addi %mul3A_90, %add3A_1384 : i32
        %swap3A_1386 = arith.index_cast %add3A_1385 : i32 to index
        %swap3A_1387 = arith.constant 112 : index
        %swap3A_1388 = tpu.vector_load %arg18[%swap3A_1386, %swap3A_1387] {strides = array<i32>} : memref<128x128xf32, #tpu.memory_space<vmem>>, vector<16xf32>,
        tpu.vector_store %arg18[%swap3A_1386, %swap3A_1387], %mul3A_1383 {strides = array<i32>} : memref<128x128xf32, #tpu.memory_space<vmem>>, vector<16xf32>,
        %broadcast_in_dim3A_1389 = arith.constant 13 : i32
        %broadcast_in_dim3A_1390 = vector.broadcast %broadcast_in_dim3A_1389 : i32 to vector<16xi32>
        %lt3A_1391 = arith.constant 0 : i32
        %lt3A_1392 = vector.broadcast %lt3A_1391 : i32 to vector<16xi32>
        %lt3A_1393 = arith.cmpi slt, %broadcast_in_dim3A_1390, %lt3A_1392 : vector<16xi32>
        %add3A_1394 = arith.constant 16 : i32
        %add3A_1395 = vector.broadcast %add3A_1394 : i32 to vector<16xi32>
        %add3A_1396 = arith.addi %broadcast_in_dim3A_1390, %add3A_1395 : vector<16xi32>
        %select_n3A_1397 = arith.select %lt3A_1393, %add3A_1396, %broadcast_in_dim3A_1390 : vector<16xi1>, vector<16xi32>
        %broadcast_in_dim3A_1398 = vector.shape_cast %select_n3A_1397 : vector<16xi32> to vector<16x1xi32>
        %gather3A_1399 = vector.shape_cast %broadcast_in_dim3A_1398 : vector<16x1xi32> to vector<16xi32>
        %gather3A_1400 = tpu.dynamic_gather %div3A[%gather3A_1399] in [0] : vector<16xf32>, vector<16xi32> -> vector<16xf32>
        %add3A_1401 = arith.constant 13 : i32
        %add3A_1402 = arith.addi %mul3A_90, %add3A_1401 : i32
        %get3A_1403 = arith.index_cast %add3A_1402 : i32 to index
        %get3A_1404 = arith.constant 0 : index
        %get3A_1405 = tpu.vector_load %arg18[%get3A_1403, %get3A_1404] {strides = array<i32>} : memref<128x128xf32, #tpu.memory_space<vmem>>, vector<16xf32>,
        %mul3A_1406 = arith.mulf %get3A_1405, %gather3A_1400 : vector<16xf32>
        %add3A_1407 = arith.constant 13 : i32
        %add3A_1408 = arith.addi %mul3A_90, %add3A_1407 : i32
        %swap3A_1409 = arith.index_cast %add3A_1408 : i32 to index
        %swap3A_1410 = arith.constant 0 : index
        %swap3A_1411 = tpu.vector_load %arg18[%swap3A_1409, %swap3A_1410] {strides = array<i32>} : memref<128x128xf32, #tpu.memory_space<vmem>>, vector<16xf32>,
        tpu.vector_store %arg18[%swap3A_1409, %swap3A_1410], %mul3A_1406 {strides = array<i32>} : memref<128x128xf32, #tpu.memory_space<vmem>>, vector<16xf32>,
        %add3A_1412 = arith.constant 13 : i32
        %add3A_1413 = arith.addi %mul3A_90, %add3A_1412 : i32
        %get3A_1414 = arith.index_cast %add3A_1413 : i32 to index
        %get3A_1415 = arith.constant 16 : index
        %get3A_1416 = tpu.vector_load %arg18[%get3A_1414, %get3A_1415] {strides = array<i32>} : memref<128x128xf32, #tpu.memory_space<vmem>>, vector<16xf32>,
        %mul3A_1417 = arith.mulf %get3A_1416, %gather3A_1400 : vector<16xf32>
        %add3A_1418 = arith.constant 13 : i32
        %add3A_1419 = arith.addi %mul3A_90, %add3A_1418 : i32
        %swap3A_1420 = arith.index_cast %add3A_1419 : i32 to index
        %swap3A_1421 = arith.constant 16 : index
        %swap3A_1422 = tpu.vector_load %arg18[%swap3A_1420, %swap3A_1421] {strides = array<i32>} : memref<128x128xf32, #tpu.memory_space<vmem>>, vector<16xf32>,
        tpu.vector_store %arg18[%swap3A_1420, %swap3A_1421], %mul3A_1417 {strides = array<i32>} : memref<128x128xf32, #tpu.memory_space<vmem>>, vector<16xf32>,
        %add3A_1423 = arith.constant 13 : i32
        %add3A_1424 = arith.addi %mul3A_90, %add3A_1423 : i32
        %get3A_1425 = arith.index_cast %add3A_1424 : i32 to index
        %get3A_1426 = arith.constant 32 : index
        %get3A_1427 = tpu.vector_load %arg18[%get3A_1425, %get3A_1426] {strides = array<i32>} : memref<128x128xf32, #tpu.memory_space<vmem>>, vector<16xf32>,
        %mul3A_1428 = arith.mulf %get3A_1427, %gather3A_1400 : vector<16xf32>
        %add3A_1429 = arith.constant 13 : i32
        %add3A_1430 = arith.addi %mul3A_90, %add3A_1429 : i32
        %swap3A_1431 = arith.index_cast %add3A_1430 : i32 to index
        %swap3A_1432 = arith.constant 32 : index
        %swap3A_1433 = tpu.vector_load %arg18[%swap3A_1431, %swap3A_1432] {strides = array<i32>} : memref<128x128xf32, #tpu.memory_space<vmem>>, vector<16xf32>,
        tpu.vector_store %arg18[%swap3A_1431, %swap3A_1432], %mul3A_1428 {strides = array<i32>} : memref<128x128xf32, #tpu.memory_space<vmem>>, vector<16xf32>,
        %add3A_1434 = arith.constant 13 : i32
        %add3A_1435 = arith.addi %mul3A_90, %add3A_1434 : i32
        %get3A_1436 = arith.index_cast %add3A_1435 : i32 to index
        %get3A_1437 = arith.constant 48 : index
        %get3A_1438 = tpu.vector_load %arg18[%get3A_1436, %get3A_1437] {strides = array<i32>} : memref<128x128xf32, #tpu.memory_space<vmem>>, vector<16xf32>,
        %mul3A_1439 = arith.mulf %get3A_1438, %gather3A_1400 : vector<16xf32>
        %add3A_1440 = arith.constant 13 : i32
        %add3A_1441 = arith.addi %mul3A_90, %add3A_1440 : i32
        %swap3A_1442 = arith.index_cast %add3A_1441 : i32 to index
        %swap3A_1443 = arith.constant 48 : index
        %swap3A_1444 = tpu.vector_load %arg18[%swap3A_1442, %swap3A_1443] {strides = array<i32>} : memref<128x128xf32, #tpu.memory_space<vmem>>, vector<16xf32>,
        tpu.vector_store %arg18[%swap3A_1442, %swap3A_1443], %mul3A_1439 {strides = array<i32>} : memref<128x128xf32, #tpu.memory_space<vmem>>, vector<16xf32>,
        %add3A_1445 = arith.constant 13 : i32
        %add3A_1446 = arith.addi %mul3A_90, %add3A_1445 : i32
        %get3A_1447 = arith.index_cast %add3A_1446 : i32 to index
        %get3A_1448 = arith.constant 64 : index
        %get3A_1449 = tpu.vector_load %arg18[%get3A_1447, %get3A_1448] {strides = array<i32>} : memref<128x128xf32, #tpu.memory_space<vmem>>, vector<16xf32>,
        %mul3A_1450 = arith.mulf %get3A_1449, %gather3A_1400 : vector<16xf32>
        %add3A_1451 = arith.constant 13 : i32
        %add3A_1452 = arith.addi %mul3A_90, %add3A_1451 : i32
        %swap3A_1453 = arith.index_cast %add3A_1452 : i32 to index
        %swap3A_1454 = arith.constant 64 : index
        %swap3A_1455 = tpu.vector_load %arg18[%swap3A_1453, %swap3A_1454] {strides = array<i32>} : memref<128x128xf32, #tpu.memory_space<vmem>>, vector<16xf32>,
        tpu.vector_store %arg18[%swap3A_1453, %swap3A_1454], %mul3A_1450 {strides = array<i32>} : memref<128x128xf32, #tpu.memory_space<vmem>>, vector<16xf32>,
        %add3A_1456 = arith.constant 13 : i32
        %add3A_1457 = arith.addi %mul3A_90, %add3A_1456 : i32
        %get3A_1458 = arith.index_cast %add3A_1457 : i32 to index
        %get3A_1459 = arith.constant 80 : index
        %get3A_1460 = tpu.vector_load %arg18[%get3A_1458, %get3A_1459] {strides = array<i32>} : memref<128x128xf32, #tpu.memory_space<vmem>>, vector<16xf32>,
        %mul3A_1461 = arith.mulf %get3A_1460, %gather3A_1400 : vector<16xf32>
        %add3A_1462 = arith.constant 13 : i32
        %add3A_1463 = arith.addi %mul3A_90, %add3A_1462 : i32
        %swap3A_1464 = arith.index_cast %add3A_1463 : i32 to index
        %swap3A_1465 = arith.constant 80 : index
        %swap3A_1466 = tpu.vector_load %arg18[%swap3A_1464, %swap3A_1465] {strides = array<i32>} : memref<128x128xf32, #tpu.memory_space<vmem>>, vector<16xf32>,
        tpu.vector_store %arg18[%swap3A_1464, %swap3A_1465], %mul3A_1461 {strides = array<i32>} : memref<128x128xf32, #tpu.memory_space<vmem>>, vector<16xf32>,
        %add3A_1467 = arith.constant 13 : i32
        %add3A_1468 = arith.addi %mul3A_90, %add3A_1467 : i32
        %get3A_1469 = arith.index_cast %add3A_1468 : i32 to index
        %get3A_1470 = arith.constant 96 : index
        %get3A_1471 = tpu.vector_load %arg18[%get3A_1469, %get3A_1470] {strides = array<i32>} : memref<128x128xf32, #tpu.memory_space<vmem>>, vector<16xf32>,
        %mul3A_1472 = arith.mulf %get3A_1471, %gather3A_1400 : vector<16xf32>
        %add3A_1473 = arith.constant 13 : i32
        %add3A_1474 = arith.addi %mul3A_90, %add3A_1473 : i32
        %swap3A_1475 = arith.index_cast %add3A_1474 : i32 to index
        %swap3A_1476 = arith.constant 96 : index
        %swap3A_1477 = tpu.vector_load %arg18[%swap3A_1475, %swap3A_1476] {strides = array<i32>} : memref<128x128xf32, #tpu.memory_space<vmem>>, vector<16xf32>,
        tpu.vector_store %arg18[%swap3A_1475, %swap3A_1476], %mul3A_1472 {strides = array<i32>} : memref<128x128xf32, #tpu.memory_space<vmem>>, vector<16xf32>,
        %add3A_1478 = arith.constant 13 : i32
        %add3A_1479 = arith.addi %mul3A_90, %add3A_1478 : i32
        %get3A_1480 = arith.index_cast %add3A_1479 : i32 to index
        %get3A_1481 = arith.constant 112 : index
        %get3A_1482 = tpu.vector_load %arg18[%get3A_1480, %get3A_1481] {strides = array<i32>} : memref<128x128xf32, #tpu.memory_space<vmem>>, vector<16xf32>,
        %mul3A_1483 = arith.mulf %get3A_1482, %gather3A_1400 : vector<16xf32>
        %add3A_1484 = arith.constant 13 : i32
        %add3A_1485 = arith.addi %mul3A_90, %add3A_1484 : i32
        %swap3A_1486 = arith.index_cast %add3A_1485 : i32 to index
        %swap3A_1487 = arith.constant 112 : index
        %swap3A_1488 = tpu.vector_load %arg18[%swap3A_1486, %swap3A_1487] {strides = array<i32>} : memref<128x128xf32, #tpu.memory_space<vmem>>, vector<16xf32>,
        tpu.vector_store %arg18[%swap3A_1486, %swap3A_1487], %mul3A_1483 {strides = array<i32>} : memref<128x128xf32, #tpu.memory_space<vmem>>, vector<16xf32>,
        %broadcast_in_dim3A_1489 = arith.constant 14 : i32
        %broadcast_in_dim3A_1490 = vector.broadcast %broadcast_in_dim3A_1489 : i32 to vector<16xi32>
        %lt3A_1491 = arith.constant 0 : i32
        %lt3A_1492 = vector.broadcast %lt3A_1491 : i32 to vector<16xi32>
        %lt3A_1493 = arith.cmpi slt, %broadcast_in_dim3A_1490, %lt3A_1492 : vector<16xi32>
        %add3A_1494 = arith.constant 16 : i32
        %add3A_1495 = vector.broadcast %add3A_1494 : i32 to vector<16xi32>
        %add3A_1496 = arith.addi %broadcast_in_dim3A_1490, %add3A_1495 : vector<16xi32>
        %select_n3A_1497 = arith.select %lt3A_1493, %add3A_1496, %broadcast_in_dim3A_1490 : vector<16xi1>, vector<16xi32>
        %broadcast_in_dim3A_1498 = vector.shape_cast %select_n3A_1497 : vector<16xi32> to vector<16x1xi32>
        %gather3A_1499 = vector.shape_cast %broadcast_in_dim3A_1498 : vector<16x1xi32> to vector<16xi32>
        %gather3A_1500 = tpu.dynamic_gather %div3A[%gather3A_1499] in [0] : vector<16xf32>, vector<16xi32> -> vector<16xf32>
        %add3A_1501 = arith.constant 14 : i32
        %add3A_1502 = arith.addi %mul3A_90, %add3A_1501 : i32
        %get3A_1503 = arith.index_cast %add3A_1502 : i32 to index
        %get3A_1504 = arith.constant 0 : index
        %get3A_1505 = tpu.vector_load %arg18[%get3A_1503, %get3A_1504] {strides = array<i32>} : memref<128x128xf32, #tpu.memory_space<vmem>>, vector<16xf32>,
        %mul3A_1506 = arith.mulf %get3A_1505, %gather3A_1500 : vector<16xf32>
        %add3A_1507 = arith.constant 14 : i32
        %add3A_1508 = arith.addi %mul3A_90, %add3A_1507 : i32
        %swap3A_1509 = arith.index_cast %add3A_1508 : i32 to index
        %swap3A_1510 = arith.constant 0 : index
        %swap3A_1511 = tpu.vector_load %arg18[%swap3A_1509, %swap3A_1510] {strides = array<i32>} : memref<128x128xf32, #tpu.memory_space<vmem>>, vector<16xf32>,
        tpu.vector_store %arg18[%swap3A_1509, %swap3A_1510], %mul3A_1506 {strides = array<i32>} : memref<128x128xf32, #tpu.memory_space<vmem>>, vector<16xf32>,
        %add3A_1512 = arith.constant 14 : i32
        %add3A_1513 = arith.addi %mul3A_90, %add3A_1512 : i32
        %get3A_1514 = arith.index_cast %add3A_1513 : i32 to index
        %get3A_1515 = arith.constant 16 : index
        %get3A_1516 = tpu.vector_load %arg18[%get3A_1514, %get3A_1515] {strides = array<i32>} : memref<128x128xf32, #tpu.memory_space<vmem>>, vector<16xf32>,
        %mul3A_1517 = arith.mulf %get3A_1516, %gather3A_1500 : vector<16xf32>
        %add3A_1518 = arith.constant 14 : i32
        %add3A_1519 = arith.addi %mul3A_90, %add3A_1518 : i32
        %swap3A_1520 = arith.index_cast %add3A_1519 : i32 to index
        %swap3A_1521 = arith.constant 16 : index
        %swap3A_1522 = tpu.vector_load %arg18[%swap3A_1520, %swap3A_1521] {strides = array<i32>} : memref<128x128xf32, #tpu.memory_space<vmem>>, vector<16xf32>,
        tpu.vector_store %arg18[%swap3A_1520, %swap3A_1521], %mul3A_1517 {strides = array<i32>} : memref<128x128xf32, #tpu.memory_space<vmem>>, vector<16xf32>,
        %add3A_1523 = arith.constant 14 : i32
        %add3A_1524 = arith.addi %mul3A_90, %add3A_1523 : i32
        %get3A_1525 = arith.index_cast %add3A_1524 : i32 to index
        %get3A_1526 = arith.constant 32 : index
        %get3A_1527 = tpu.vector_load %arg18[%get3A_1525, %get3A_1526] {strides = array<i32>} : memref<128x128xf32, #tpu.memory_space<vmem>>, vector<16xf32>,
        %mul3A_1528 = arith.mulf %get3A_1527, %gather3A_1500 : vector<16xf32>
        %add3A_1529 = arith.constant 14 : i32
        %add3A_1530 = arith.addi %mul3A_90, %add3A_1529 : i32
        %swap3A_1531 = arith.index_cast %add3A_1530 : i32 to index
        %swap3A_1532 = arith.constant 32 : index
        %swap3A_1533 = tpu.vector_load %arg18[%swap3A_1531, %swap3A_1532] {strides = array<i32>} : memref<128x128xf32, #tpu.memory_space<vmem>>, vector<16xf32>,
        tpu.vector_store %arg18[%swap3A_1531, %swap3A_1532], %mul3A_1528 {strides = array<i32>} : memref<128x128xf32, #tpu.memory_space<vmem>>, vector<16xf32>,
        %add3A_1534 = arith.constant 14 : i32
        %add3A_1535 = arith.addi %mul3A_90, %add3A_1534 : i32
        %get3A_1536 = arith.index_cast %add3A_1535 : i32 to index
        %get3A_1537 = arith.constant 48 : index
        %get3A_1538 = tpu.vector_load %arg18[%get3A_1536, %get3A_1537] {strides = array<i32>} : memref<128x128xf32, #tpu.memory_space<vmem>>, vector<16xf32>,
        %mul3A_1539 = arith.mulf %get3A_1538, %gather3A_1500 : vector<16xf32>
        %add3A_1540 = arith.constant 14 : i32
        %add3A_1541 = arith.addi %mul3A_90, %add3A_1540 : i32
        %swap3A_1542 = arith.index_cast %add3A_1541 : i32 to index
        %swap3A_1543 = arith.constant 48 : index
        %swap3A_1544 = tpu.vector_load %arg18[%swap3A_1542, %swap3A_1543] {strides = array<i32>} : memref<128x128xf32, #tpu.memory_space<vmem>>, vector<16xf32>,
        tpu.vector_store %arg18[%swap3A_1542, %swap3A_1543], %mul3A_1539 {strides = array<i32>} : memref<128x128xf32, #tpu.memory_space<vmem>>, vector<16xf32>,
        %add3A_1545 = arith.constant 14 : i32
        %add3A_1546 = arith.addi %mul3A_90, %add3A_1545 : i32
        %get3A_1547 = arith.index_cast %add3A_1546 : i32 to index
        %get3A_1548 = arith.constant 64 : index
        %get3A_1549 = tpu.vector_load %arg18[%get3A_1547, %get3A_1548] {strides = array<i32>} : memref<128x128xf32, #tpu.memory_space<vmem>>, vector<16xf32>,
        %mul3A_1550 = arith.mulf %get3A_1549, %gather3A_1500 : vector<16xf32>
        %add3A_1551 = arith.constant 14 : i32
        %add3A_1552 = arith.addi %mul3A_90, %add3A_1551 : i32
        %swap3A_1553 = arith.index_cast %add3A_1552 : i32 to index
        %swap3A_1554 = arith.constant 64 : index
        %swap3A_1555 = tpu.vector_load %arg18[%swap3A_1553, %swap3A_1554] {strides = array<i32>} : memref<128x128xf32, #tpu.memory_space<vmem>>, vector<16xf32>,
        tpu.vector_store %arg18[%swap3A_1553, %swap3A_1554], %mul3A_1550 {strides = array<i32>} : memref<128x128xf32, #tpu.memory_space<vmem>>, vector<16xf32>,
        %add3A_1556 = arith.constant 14 : i32
        %add3A_1557 = arith.addi %mul3A_90, %add3A_1556 : i32
        %get3A_1558 = arith.index_cast %add3A_1557 : i32 to index
        %get3A_1559 = arith.constant 80 : index
        %get3A_1560 = tpu.vector_load %arg18[%get3A_1558, %get3A_1559] {strides = array<i32>} : memref<128x128xf32, #tpu.memory_space<vmem>>, vector<16xf32>,
        %mul3A_1561 = arith.mulf %get3A_1560, %gather3A_1500 : vector<16xf32>
        %add3A_1562 = arith.constant 14 : i32
        %add3A_1563 = arith.addi %mul3A_90, %add3A_1562 : i32
        %swap3A_1564 = arith.index_cast %add3A_1563 : i32 to index
        %swap3A_1565 = arith.constant 80 : index
        %swap3A_1566 = tpu.vector_load %arg18[%swap3A_1564, %swap3A_1565] {strides = array<i32>} : memref<128x128xf32, #tpu.memory_space<vmem>>, vector<16xf32>,
        tpu.vector_store %arg18[%swap3A_1564, %swap3A_1565], %mul3A_1561 {strides = array<i32>} : memref<128x128xf32, #tpu.memory_space<vmem>>, vector<16xf32>,
        %add3A_1567 = arith.constant 14 : i32
        %add3A_1568 = arith.addi %mul3A_90, %add3A_1567 : i32
        %get3A_1569 = arith.index_cast %add3A_1568 : i32 to index
        %get3A_1570 = arith.constant 96 : index
        %get3A_1571 = tpu.vector_load %arg18[%get3A_1569, %get3A_1570] {strides = array<i32>} : memref<128x128xf32, #tpu.memory_space<vmem>>, vector<16xf32>,
        %mul3A_1572 = arith.mulf %get3A_1571, %gather3A_1500 : vector<16xf32>
        %add3A_1573 = arith.constant 14 : i32
        %add3A_1574 = arith.addi %mul3A_90, %add3A_1573 : i32
        %swap3A_1575 = arith.index_cast %add3A_1574 : i32 to index
        %swap3A_1576 = arith.constant 96 : index
        %swap3A_1577 = tpu.vector_load %arg18[%swap3A_1575, %swap3A_1576] {strides = array<i32>} : memref<128x128xf32, #tpu.memory_space<vmem>>, vector<16xf32>,
        tpu.vector_store %arg18[%swap3A_1575, %swap3A_1576], %mul3A_1572 {strides = array<i32>} : memref<128x128xf32, #tpu.memory_space<vmem>>, vector<16xf32>,
        %add3A_1578 = arith.constant 14 : i32
        %add3A_1579 = arith.addi %mul3A_90, %add3A_1578 : i32
        %get3A_1580 = arith.index_cast %add3A_1579 : i32 to index
        %get3A_1581 = arith.constant 112 : index
        %get3A_1582 = tpu.vector_load %arg18[%get3A_1580, %get3A_1581] {strides = array<i32>} : memref<128x128xf32, #tpu.memory_space<vmem>>, vector<16xf32>,
        %mul3A_1583 = arith.mulf %get3A_1582, %gather3A_1500 : vector<16xf32>
        %add3A_1584 = arith.constant 14 : i32
        %add3A_1585 = arith.addi %mul3A_90, %add3A_1584 : i32
        %swap3A_1586 = arith.index_cast %add3A_1585 : i32 to index
        %swap3A_1587 = arith.constant 112 : index
        %swap3A_1588 = tpu.vector_load %arg18[%swap3A_1586, %swap3A_1587] {strides = array<i32>} : memref<128x128xf32, #tpu.memory_space<vmem>>, vector<16xf32>,
        tpu.vector_store %arg18[%swap3A_1586, %swap3A_1587], %mul3A_1583 {strides = array<i32>} : memref<128x128xf32, #tpu.memory_space<vmem>>, vector<16xf32>,
        %broadcast_in_dim3A_1589 = arith.constant 15 : i32
        %broadcast_in_dim3A_1590 = vector.broadcast %broadcast_in_dim3A_1589 : i32 to vector<16xi32>
        %lt3A_1591 = arith.constant 0 : i32
        %lt3A_1592 = vector.broadcast %lt3A_1591 : i32 to vector<16xi32>
        %lt3A_1593 = arith.cmpi slt, %broadcast_in_dim3A_1590, %lt3A_1592 : vector<16xi32>
        %add3A_1594 = arith.constant 16 : i32
        %add3A_1595 = vector.broadcast %add3A_1594 : i32 to vector<16xi32>
        %add3A_1596 = arith.addi %broadcast_in_dim3A_1590, %add3A_1595 : vector<16xi32>
        %select_n3A_1597 = arith.select %lt3A_1593, %add3A_1596, %broadcast_in_dim3A_1590 : vector<16xi1>, vector<16xi32>
        %broadcast_in_dim3A_1598 = vector.shape_cast %select_n3A_1597 : vector<16xi32> to vector<16x1xi32>
        %gather3A_1599 = vector.shape_cast %broadcast_in_dim3A_1598 : vector<16x1xi32> to vector<16xi32>
        %gather3A_1600 = tpu.dynamic_gather %div3A[%gather3A_1599] in [0] : vector<16xf32>, vector<16xi32> -> vector<16xf32>
        %add3A_1601 = arith.constant 15 : i32
        %add3A_1602 = arith.addi %mul3A_90, %add3A_1601 : i32
        %get3A_1603 = arith.index_cast %add3A_1602 : i32 to index
        %get3A_1604 = arith.constant 0 : index
        %get3A_1605 = tpu.vector_load %arg18[%get3A_1603, %get3A_1604] {strides = array<i32>} : memref<128x128xf32, #tpu.memory_space<vmem>>, vector<16xf32>,
        %mul3A_1606 = arith.mulf %get3A_1605, %gather3A_1600 : vector<16xf32>
        %add3A_1607 = arith.constant 15 : i32
        %add3A_1608 = arith.addi %mul3A_90, %add3A_1607 : i32
        %swap3A_1609 = arith.index_cast %add3A_1608 : i32 to index
        %swap3A_1610 = arith.constant 0 : index
        %swap3A_1611 = tpu.vector_load %arg18[%swap3A_1609, %swap3A_1610] {strides = array<i32>} : memref<128x128xf32, #tpu.memory_space<vmem>>, vector<16xf32>,
        tpu.vector_store %arg18[%swap3A_1609, %swap3A_1610], %mul3A_1606 {strides = array<i32>} : memref<128x128xf32, #tpu.memory_space<vmem>>, vector<16xf32>,
        %add3A_1612 = arith.constant 15 : i32
        %add3A_1613 = arith.addi %mul3A_90, %add3A_1612 : i32
        %get3A_1614 = arith.index_cast %add3A_1613 : i32 to index
        %get3A_1615 = arith.constant 16 : index
        %get3A_1616 = tpu.vector_load %arg18[%get3A_1614, %get3A_1615] {strides = array<i32>} : memref<128x128xf32, #tpu.memory_space<vmem>>, vector<16xf32>,
        %mul3A_1617 = arith.mulf %get3A_1616, %gather3A_1600 : vector<16xf32>
        %add3A_1618 = arith.constant 15 : i32
        %add3A_1619 = arith.addi %mul3A_90, %add3A_1618 : i32
        %swap3A_1620 = arith.index_cast %add3A_1619 : i32 to index
        %swap3A_1621 = arith.constant 16 : index
        %swap3A_1622 = tpu.vector_load %arg18[%swap3A_1620, %swap3A_1621] {strides = array<i32>} : memref<128x128xf32, #tpu.memory_space<vmem>>, vector<16xf32>,
        tpu.vector_store %arg18[%swap3A_1620, %swap3A_1621], %mul3A_1617 {strides = array<i32>} : memref<128x128xf32, #tpu.memory_space<vmem>>, vector<16xf32>,
        %add3A_1623 = arith.constant 15 : i32
        %add3A_1624 = arith.addi %mul3A_90, %add3A_1623 : i32
        %get3A_1625 = arith.index_cast %add3A_1624 : i32 to index
        %get3A_1626 = arith.constant 32 : index
        %get3A_1627 = tpu.vector_load %arg18[%get3A_1625, %get3A_1626] {strides = array<i32>} : memref<128x128xf32, #tpu.memory_space<vmem>>, vector<16xf32>,
        %mul3A_1628 = arith.mulf %get3A_1627, %gather3A_1600 : vector<16xf32>
        %add3A_1629 = arith.constant 15 : i32
        %add3A_1630 = arith.addi %mul3A_90, %add3A_1629 : i32
        %swap3A_1631 = arith.index_cast %add3A_1630 : i32 to index
        %swap3A_1632 = arith.constant 32 : index
        %swap3A_1633 = tpu.vector_load %arg18[%swap3A_1631, %swap3A_1632] {strides = array<i32>} : memref<128x128xf32, #tpu.memory_space<vmem>>, vector<16xf32>,
        tpu.vector_store %arg18[%swap3A_1631, %swap3A_1632], %mul3A_1628 {strides = array<i32>} : memref<128x128xf32, #tpu.memory_space<vmem>>, vector<16xf32>,
        %add3A_1634 = arith.constant 15 : i32
        %add3A_1635 = arith.addi %mul3A_90, %add3A_1634 : i32
        %get3A_1636 = arith.index_cast %add3A_1635 : i32 to index
        %get3A_1637 = arith.constant 48 : index
        %get3A_1638 = tpu.vector_load %arg18[%get3A_1636, %get3A_1637] {strides = array<i32>} : memref<128x128xf32, #tpu.memory_space<vmem>>, vector<16xf32>,
        %mul3A_1639 = arith.mulf %get3A_1638, %gather3A_1600 : vector<16xf32>
        %add3A_1640 = arith.constant 15 : i32
        %add3A_1641 = arith.addi %mul3A_90, %add3A_1640 : i32
        %swap3A_1642 = arith.index_cast %add3A_1641 : i32 to index
        %swap3A_1643 = arith.constant 48 : index
        %swap3A_1644 = tpu.vector_load %arg18[%swap3A_1642, %swap3A_1643] {strides = array<i32>} : memref<128x128xf32, #tpu.memory_space<vmem>>, vector<16xf32>,
        tpu.vector_store %arg18[%swap3A_1642, %swap3A_1643], %mul3A_1639 {strides = array<i32>} : memref<128x128xf32, #tpu.memory_space<vmem>>, vector<16xf32>,
        %add3A_1645 = arith.constant 15 : i32
        %add3A_1646 = arith.addi %mul3A_90, %add3A_1645 : i32
        %get3A_1647 = arith.index_cast %add3A_1646 : i32 to index
        %get3A_1648 = arith.constant 64 : index
        %get3A_1649 = tpu.vector_load %arg18[%get3A_1647, %get3A_1648] {strides = array<i32>} : memref<128x128xf32, #tpu.memory_space<vmem>>, vector<16xf32>,
        %mul3A_1650 = arith.mulf %get3A_1649, %gather3A_1600 : vector<16xf32>
        %add3A_1651 = arith.constant 15 : i32
        %add3A_1652 = arith.addi %mul3A_90, %add3A_1651 : i32
        %swap3A_1653 = arith.index_cast %add3A_1652 : i32 to index
        %swap3A_1654 = arith.constant 64 : index
        %swap3A_1655 = tpu.vector_load %arg18[%swap3A_1653, %swap3A_1654] {strides = array<i32>} : memref<128x128xf32, #tpu.memory_space<vmem>>, vector<16xf32>,
        tpu.vector_store %arg18[%swap3A_1653, %swap3A_1654], %mul3A_1650 {strides = array<i32>} : memref<128x128xf32, #tpu.memory_space<vmem>>, vector<16xf32>,
        %add3A_1656 = arith.constant 15 : i32
        %add3A_1657 = arith.addi %mul3A_90, %add3A_1656 : i32
        %get3A_1658 = arith.index_cast %add3A_1657 : i32 to index
        %get3A_1659 = arith.constant 80 : index
        %get3A_1660 = tpu.vector_load %arg18[%get3A_1658, %get3A_1659] {strides = array<i32>} : memref<128x128xf32, #tpu.memory_space<vmem>>, vector<16xf32>,
        %mul3A_1661 = arith.mulf %get3A_1660, %gather3A_1600 : vector<16xf32>
        %add3A_1662 = arith.constant 15 : i32
        %add3A_1663 = arith.addi %mul3A_90, %add3A_1662 : i32
        %swap3A_1664 = arith.index_cast %add3A_1663 : i32 to index
        %swap3A_1665 = arith.constant 80 : index
        %swap3A_1666 = tpu.vector_load %arg18[%swap3A_1664, %swap3A_1665] {strides = array<i32>} : memref<128x128xf32, #tpu.memory_space<vmem>>, vector<16xf32>,
        tpu.vector_store %arg18[%swap3A_1664, %swap3A_1665], %mul3A_1661 {strides = array<i32>} : memref<128x128xf32, #tpu.memory_space<vmem>>, vector<16xf32>,
        %add3A_1667 = arith.constant 15 : i32
        %add3A_1668 = arith.addi %mul3A_90, %add3A_1667 : i32
        %get3A_1669 = arith.index_cast %add3A_1668 : i32 to index
        %get3A_1670 = arith.constant 96 : index
        %get3A_1671 = tpu.vector_load %arg18[%get3A_1669, %get3A_1670] {strides = array<i32>} : memref<128x128xf32, #tpu.memory_space<vmem>>, vector<16xf32>,
        %mul3A_1672 = arith.mulf %get3A_1671, %gather3A_1600 : vector<16xf32>
        %add3A_1673 = arith.constant 15 : i32
        %add3A_1674 = arith.addi %mul3A_90, %add3A_1673 : i32
        %swap3A_1675 = arith.index_cast %add3A_1674 : i32 to index
        %swap3A_1676 = arith.constant 96 : index
        %swap3A_1677 = tpu.vector_load %arg18[%swap3A_1675, %swap3A_1676] {strides = array<i32>} : memref<128x128xf32, #tpu.memory_space<vmem>>, vector<16xf32>,
        tpu.vector_store %arg18[%swap3A_1675, %swap3A_1676], %mul3A_1672 {strides = array<i32>} : memref<128x128xf32, #tpu.memory_space<vmem>>, vector<16xf32>,
        %add3A_1678 = arith.constant 15 : i32
        %add3A_1679 = arith.addi %mul3A_90, %add3A_1678 : i32
        %get3A_1680 = arith.index_cast %add3A_1679 : i32 to index
        %get3A_1681 = arith.constant 112 : index
        %get3A_1682 = tpu.vector_load %arg18[%get3A_1680, %get3A_1681] {strides = array<i32>} : memref<128x128xf32, #tpu.memory_space<vmem>>, vector<16xf32>,
        %mul3A_1683 = arith.mulf %get3A_1682, %gather3A_1600 : vector<16xf32>
        %add3A_1684 = arith.constant 15 : i32
        %add3A_1685 = arith.addi %mul3A_90, %add3A_1684 : i32
        %swap3A_1686 = arith.index_cast %add3A_1685 : i32 to index
        %swap3A_1687 = arith.constant 112 : index
        %swap3A_1688 = tpu.vector_load %arg18[%swap3A_1686, %swap3A_1687] {strides = array<i32>} : memref<128x128xf32, #tpu.memory_space<vmem>>, vector<16xf32>,
        tpu.vector_store %arg18[%swap3A_1686, %swap3A_1687], %mul3A_1683 {strides = array<i32>} : memref<128x128xf32, #tpu.memory_space<vmem>>, vector<16xf32>,
      }
      %scan3A_61 = arith.constant 8 : i32
      "tpu.region"() ({
        %run_scoped3A = tpu.sem_alloc : memref<!tpu.dma_semaphore, #tpu.memory_space<semaphore_mem>>
        %dma_start3A_62 = arith.constant 0 : i32
        %dma_start3A_63 = arith.constant 0 : i32
        %dma_start3A_64 = tpu.memref_slice %arg20[%dma_start3A_62, %dma_start3A_63] : memref<10240x128xf32, #tpu.memory_space<vmem_shared>> -> memref<10240x128xf32, #tpu.memory_space<vmem_shared>>
        tpu.enqueue_indirect_dma source(%arg18 : memref<128x128xf32, #tpu.memory_space<vmem>>) target(%dma_start3A_64 : memref<10240x128xf32, #tpu.memory_space<vmem_shared>>) offsets(%arg15 : memref<128xi32, #tpu.memory_space<vmem>>) semaphore(%run_scoped3A : memref<!tpu.dma_semaphore, #tpu.memory_space<semaphore_mem>>) {add = true}
        %dma_wait3A_65 = arith.constant 0 : i32
        %dma_wait3A_66 = arith.constant 0 : i32
        %dma_wait3A_67 = tpu.memref_slice %arg20[%dma_wait3A_65, %dma_wait3A_66] : memref<10240x128xf32, #tpu.memory_space<vmem_shared>> -> memref<10240x128xf32, #tpu.memory_space<vmem_shared>>
        tpu.wait_indirect_dma semaphore(%run_scoped3A : memref<!tpu.dma_semaphore, #tpu.memory_space<semaphore_mem>>) src(%arg18 : memref<128x128xf32, #tpu.memory_space<vmem>>) dst(%dma_wait3A_67 : memref<10240x128xf32, #tpu.memory_space<vmem_shared>>)
        tpu.yield
      }) : () -> ()
    }
    %while3A_35 = arith.constant 1 : i32
    scf.for %while3A_46 = %while3A_33 to %while3A_29 step %while3A_35  : i32 {
      %mul3A_47 = arith.constant 32 : i32
      %mul3A_48 = arith.muli %while3A_46, %mul3A_47 : i32
      %add3A_49 = arith.addi %mul3A_48, %add3A : i32
      %mul3A_50 = arith.constant 128 : i32
      %mul3A_51 = arith.muli %add3A_49, %mul3A_50 : i32
      "tpu.region"() ({
        %run_scoped3A = tpu.sem_alloc : memref<!tpu.dma_semaphore, #tpu.memory_space<semaphore_mem>>
        %dma_start3A_62 = tpu.memref_slice %arg5[%mul3A_51] : memref<320000xi32, #tpu.memory_space<hbm>> -> memref<128xi32, #tpu.memory_space<hbm>>
        %dma_start3A_63 = tpu.memref_slice %arg5[%mul3A_51] : memref<320000xi32, #tpu.memory_space<hbm>> -> memref<128xi32, #tpu.memory_space<hbm>>
        tpu.enqueue_dma source(%dma_start3A_63 : memref<128xi32, #tpu.memory_space<hbm>>) target(%arg15 : memref<128xi32, #tpu.memory_space<vmem>>) target_semaphore(%run_scoped3A : memref<!tpu.dma_semaphore, #tpu.memory_space<semaphore_mem>>)
        %dma_wait3A_64 = tpu.memref_slice %arg5[%mul3A_51] : memref<320000xi32, #tpu.memory_space<hbm>> -> memref<128xi32, #tpu.memory_space<hbm>>
        %dma_wait3A_65 = tpu.memref_slice %arg5[%mul3A_51] : memref<320000xi32, #tpu.memory_space<hbm>> -> memref<128xi32, #tpu.memory_space<hbm>>
        tpu.wait_dma2 semaphore(%run_scoped3A : memref<!tpu.dma_semaphore, #tpu.memory_space<semaphore_mem>>) src(%dma_wait3A_65 : memref<128xi32, #tpu.memory_space<hbm>>) dst(%arg15 : memref<128xi32, #tpu.memory_space<vmem>>)
        tpu.yield
      }) : () -> ()
      "tpu.region"() ({
        %run_scoped3A = tpu.sem_alloc : memref<!tpu.dma_semaphore, #tpu.memory_space<semaphore_mem>>
        %dma_start3A_62 = tpu.memref_slice %arg6[%mul3A_51] : memref<320000xi32, #tpu.memory_space<hbm>> -> memref<128xi32, #tpu.memory_space<hbm>>
        %dma_start3A_63 = tpu.memref_slice %arg6[%mul3A_51] : memref<320000xi32, #tpu.memory_space<hbm>> -> memref<128xi32, #tpu.memory_space<hbm>>
        tpu.enqueue_dma source(%dma_start3A_63 : memref<128xi32, #tpu.memory_space<hbm>>) target(%arg16 : memref<128xi32, #tpu.memory_space<vmem>>) target_semaphore(%run_scoped3A : memref<!tpu.dma_semaphore, #tpu.memory_space<semaphore_mem>>)
        %dma_wait3A_64 = tpu.memref_slice %arg6[%mul3A_51] : memref<320000xi32, #tpu.memory_space<hbm>> -> memref<128xi32, #tpu.memory_space<hbm>>
        %dma_wait3A_65 = tpu.memref_slice %arg6[%mul3A_51] : memref<320000xi32, #tpu.memory_space<hbm>> -> memref<128xi32, #tpu.memory_space<hbm>>
        tpu.wait_dma2 semaphore(%run_scoped3A : memref<!tpu.dma_semaphore, #tpu.memory_space<semaphore_mem>>) src(%dma_wait3A_65 : memref<128xi32, #tpu.memory_space<hbm>>) dst(%arg16 : memref<128xi32, #tpu.memory_space<vmem>>)
        tpu.yield
      }) : () -> ()
      %dma_start3A = arith.constant 0 : i32
      %dma_start3A_52 = arith.constant 0 : i32
      %dma_start3A_53 = tpu.memref_slice %arg7[%dma_start3A, %dma_start3A_52] : memref<10000x128xf32, #tpu.memory_space<hbm>> -> memref<10000x128xf32, #tpu.memory_space<hbm>>
      tpu.enqueue_indirect_dma source(%dma_start3A_53 : memref<10000x128xf32, #tpu.memory_space<hbm>>) target(%arg18 : memref<128x128xf32, #tpu.memory_space<vmem>>) offsets(%arg16 : memref<128xi32, #tpu.memory_space<vmem>>) semaphore(%arg21 : memref<!tpu.dma_semaphore, #tpu.memory_space<semaphore_mem>>)
      %dma_wait3A = arith.constant 0 : i32
      %dma_wait3A_54 = arith.constant 0 : i32
      %dma_wait3A_55 = tpu.memref_slice %arg7[%dma_wait3A, %dma_wait3A_54] : memref<10000x128xf32, #tpu.memory_space<hbm>> -> memref<10000x128xf32, #tpu.memory_space<hbm>>
      tpu.wait_indirect_dma semaphore(%arg21 : memref<!tpu.dma_semaphore, #tpu.memory_space<semaphore_mem>>) src(%dma_wait3A_55 : memref<10000x128xf32, #tpu.memory_space<hbm>>) dst(%arg18 : memref<128x128xf32, #tpu.memory_space<vmem>>)
      %scan3A_56 = arith.constant 0 : i32
      %scan3A_57 = arith.constant 0 : i32
      %scan3A_58 = arith.constant 8 : i32
      %scan3A_59 = arith.addi %scan3A_57, %scan3A_58 : i32
      %scan3A_60 = arith.constant 1 : i32
      scf.for %scan3A_62 = %scan3A_57 to %scan3A_59 step %scan3A_60  : i32 {
        %mul3A_63 = arith.constant 16 : i32
        %mul3A_64 = arith.muli %scan3A_62, %mul3A_63 : i32
        %get3A_65 = arith.index_cast %mul3A_64 : i32 to index
        %get3A_66 = tpu.vector_load %arg15[%get3A_65] {strides = array<i32>} : memref<128xi32, #tpu.memory_space<vmem>>, vector<16xi32>,
        %get3A_67 = arith.index_cast %mul3A_64 : i32 to index
        %get3A_68 = tpu.vector_load %arg16[%get3A_67] {strides = array<i32>} : memref<128xi32, #tpu.memory_space<vmem>>, vector<16xi32>,
        %gather3A = tpu.vector_load_idx %arg11[%get3A_66] : memref<10000xf32, #tpu.memory_space<vmem>>[vector<16xi32>], vector<16xf32>,
        %gather3A_69 = tpu.vector_load_idx %arg12[%get3A_68] : memref<10000xf32, #tpu.memory_space<vmem>>[vector<16xi32>], vector<16xf32>,
        %add3A_70 = arith.addf %gather3A, %gather3A_69 : vector<16xf32>
        %ge3A = arith.constant 0.000000e+00 : f32
        %ge3A_71 = vector.broadcast %ge3A : f32 to vector<16xf32>
        %ge3A_72 = arith.cmpf oge, %add3A_70, %ge3A_71 : vector<16xf32>
        %mul3A_73 = arith.constant 2.000000e-01 : f32
        %mul3A_74 = vector.broadcast %mul3A_73 : f32 to vector<16xf32>
        %mul3A_75 = arith.mulf %mul3A_74, %add3A_70 : vector<16xf32>
        %select_n3A_76 = arith.select %ge3A_72, %add3A_70, %mul3A_75 : vector<16xi1>, vector<16xf32>
        %add3A_77 = arith.addf %gather3A, %get3A_8 : vector<16xf32>
        %ge3A_78 = arith.constant 0.000000e+00 : f32
        %ge3A_79 = vector.broadcast %ge3A_78 : f32 to vector<16xf32>
        %ge3A_80 = arith.cmpf oge, %add3A_77, %ge3A_79 : vector<16xf32>
        %mul3A_81 = arith.constant 2.000000e-01 : f32
        %mul3A_82 = vector.broadcast %mul3A_81 : f32 to vector<16xf32>
        %mul3A_83 = arith.mulf %mul3A_82, %add3A_77 : vector<16xf32>
        %select_n3A_84 = arith.select %ge3A_80, %add3A_77, %mul3A_83 : vector<16xi1>, vector<16xf32>
        %sub3A = arith.subf %select_n3A_76, %select_n3A_84 : vector<16xf32>
        %exp3A = math.exp %sub3A : vector<16xf32>
        %gather3A_85 = tpu.vector_load_idx %arg13[%get3A_66] : memref<10240xf32, #tpu.memory_space<vmem>>[vector<16xi32>], vector<16xf32>,
        %add3A_86 = arith.constant 1.000000e-16 : f32
        %add3A_87 = vector.broadcast %add3A_86 : f32 to vector<16xf32>
        %add3A_88 = arith.addf %gather3A_85, %add3A_87 : vector<16xf32>
        %div3A = arith.divf %exp3A, %add3A_88 : vector<16xf32>
        %mul3A_89 = arith.constant 16 : i32
        %mul3A_90 = arith.muli %scan3A_62, %mul3A_89 : i32
        %broadcast_in_dim3A = arith.constant 0 : i32
        %broadcast_in_dim3A_91 = vector.broadcast %broadcast_in_dim3A : i32 to vector<16xi32>
        %lt3A_92 = arith.constant 0 : i32
        %lt3A_93 = vector.broadcast %lt3A_92 : i32 to vector<16xi32>
        %lt3A_94 = arith.cmpi slt, %broadcast_in_dim3A_91, %lt3A_93 : vector<16xi32>
        %add3A_95 = arith.constant 16 : i32
        %add3A_96 = vector.broadcast %add3A_95 : i32 to vector<16xi32>
        %add3A_97 = arith.addi %broadcast_in_dim3A_91, %add3A_96 : vector<16xi32>
        %select_n3A_98 = arith.select %lt3A_94, %add3A_97, %broadcast_in_dim3A_91 : vector<16xi1>, vector<16xi32>
        %broadcast_in_dim3A_99 = vector.shape_cast %select_n3A_98 : vector<16xi32> to vector<16x1xi32>
        %gather3A_100 = vector.shape_cast %broadcast_in_dim3A_99 : vector<16x1xi32> to vector<16xi32>
        %gather3A_101 = tpu.dynamic_gather %div3A[%gather3A_100] in [0] : vector<16xf32>, vector<16xi32> -> vector<16xf32>
        %add3A_102 = arith.constant 0 : i32
        %add3A_103 = arith.addi %mul3A_90, %add3A_102 : i32
        %get3A_104 = arith.index_cast %add3A_103 : i32 to index
        %get3A_105 = arith.constant 0 : index
        %get3A_106 = tpu.vector_load %arg18[%get3A_104, %get3A_105] {strides = array<i32>} : memref<128x128xf32, #tpu.memory_space<vmem>>, vector<16xf32>,
        %mul3A_107 = arith.mulf %get3A_106, %gather3A_101 : vector<16xf32>
        %add3A_108 = arith.constant 0 : i32
        %add3A_109 = arith.addi %mul3A_90, %add3A_108 : i32
        %swap3A = arith.index_cast %add3A_109 : i32 to index
        %swap3A_110 = arith.constant 0 : index
        %swap3A_111 = tpu.vector_load %arg18[%swap3A, %swap3A_110] {strides = array<i32>} : memref<128x128xf32, #tpu.memory_space<vmem>>, vector<16xf32>,
        tpu.vector_store %arg18[%swap3A, %swap3A_110], %mul3A_107 {strides = array<i32>} : memref<128x128xf32, #tpu.memory_space<vmem>>, vector<16xf32>,
        %add3A_112 = arith.constant 0 : i32
        %add3A_113 = arith.addi %mul3A_90, %add3A_112 : i32
        %get3A_114 = arith.index_cast %add3A_113 : i32 to index
        %get3A_115 = arith.constant 16 : index
        %get3A_116 = tpu.vector_load %arg18[%get3A_114, %get3A_115] {strides = array<i32>} : memref<128x128xf32, #tpu.memory_space<vmem>>, vector<16xf32>,
        %mul3A_117 = arith.mulf %get3A_116, %gather3A_101 : vector<16xf32>
        %add3A_118 = arith.constant 0 : i32
        %add3A_119 = arith.addi %mul3A_90, %add3A_118 : i32
        %swap3A_120 = arith.index_cast %add3A_119 : i32 to index
        %swap3A_121 = arith.constant 16 : index
        %swap3A_122 = tpu.vector_load %arg18[%swap3A_120, %swap3A_121] {strides = array<i32>} : memref<128x128xf32, #tpu.memory_space<vmem>>, vector<16xf32>,
        tpu.vector_store %arg18[%swap3A_120, %swap3A_121], %mul3A_117 {strides = array<i32>} : memref<128x128xf32, #tpu.memory_space<vmem>>, vector<16xf32>,
        %add3A_123 = arith.constant 0 : i32
        %add3A_124 = arith.addi %mul3A_90, %add3A_123 : i32
        %get3A_125 = arith.index_cast %add3A_124 : i32 to index
        %get3A_126 = arith.constant 32 : index
        %get3A_127 = tpu.vector_load %arg18[%get3A_125, %get3A_126] {strides = array<i32>} : memref<128x128xf32, #tpu.memory_space<vmem>>, vector<16xf32>,
        %mul3A_128 = arith.mulf %get3A_127, %gather3A_101 : vector<16xf32>
        %add3A_129 = arith.constant 0 : i32
        %add3A_130 = arith.addi %mul3A_90, %add3A_129 : i32
        %swap3A_131 = arith.index_cast %add3A_130 : i32 to index
        %swap3A_132 = arith.constant 32 : index
        %swap3A_133 = tpu.vector_load %arg18[%swap3A_131, %swap3A_132] {strides = array<i32>} : memref<128x128xf32, #tpu.memory_space<vmem>>, vector<16xf32>,
        tpu.vector_store %arg18[%swap3A_131, %swap3A_132], %mul3A_128 {strides = array<i32>} : memref<128x128xf32, #tpu.memory_space<vmem>>, vector<16xf32>,
        %add3A_134 = arith.constant 0 : i32
        %add3A_135 = arith.addi %mul3A_90, %add3A_134 : i32
        %get3A_136 = arith.index_cast %add3A_135 : i32 to index
        %get3A_137 = arith.constant 48 : index
        %get3A_138 = tpu.vector_load %arg18[%get3A_136, %get3A_137] {strides = array<i32>} : memref<128x128xf32, #tpu.memory_space<vmem>>, vector<16xf32>,
        %mul3A_139 = arith.mulf %get3A_138, %gather3A_101 : vector<16xf32>
        %add3A_140 = arith.constant 0 : i32
        %add3A_141 = arith.addi %mul3A_90, %add3A_140 : i32
        %swap3A_142 = arith.index_cast %add3A_141 : i32 to index
        %swap3A_143 = arith.constant 48 : index
        %swap3A_144 = tpu.vector_load %arg18[%swap3A_142, %swap3A_143] {strides = array<i32>} : memref<128x128xf32, #tpu.memory_space<vmem>>, vector<16xf32>,
        tpu.vector_store %arg18[%swap3A_142, %swap3A_143], %mul3A_139 {strides = array<i32>} : memref<128x128xf32, #tpu.memory_space<vmem>>, vector<16xf32>,
        %add3A_145 = arith.constant 0 : i32
        %add3A_146 = arith.addi %mul3A_90, %add3A_145 : i32
        %get3A_147 = arith.index_cast %add3A_146 : i32 to index
        %get3A_148 = arith.constant 64 : index
        %get3A_149 = tpu.vector_load %arg18[%get3A_147, %get3A_148] {strides = array<i32>} : memref<128x128xf32, #tpu.memory_space<vmem>>, vector<16xf32>,
        %mul3A_150 = arith.mulf %get3A_149, %gather3A_101 : vector<16xf32>
        %add3A_151 = arith.constant 0 : i32
        %add3A_152 = arith.addi %mul3A_90, %add3A_151 : i32
        %swap3A_153 = arith.index_cast %add3A_152 : i32 to index
        %swap3A_154 = arith.constant 64 : index
        %swap3A_155 = tpu.vector_load %arg18[%swap3A_153, %swap3A_154] {strides = array<i32>} : memref<128x128xf32, #tpu.memory_space<vmem>>, vector<16xf32>,
        tpu.vector_store %arg18[%swap3A_153, %swap3A_154], %mul3A_150 {strides = array<i32>} : memref<128x128xf32, #tpu.memory_space<vmem>>, vector<16xf32>,
        %add3A_156 = arith.constant 0 : i32
        %add3A_157 = arith.addi %mul3A_90, %add3A_156 : i32
        %get3A_158 = arith.index_cast %add3A_157 : i32 to index
        %get3A_159 = arith.constant 80 : index
        %get3A_160 = tpu.vector_load %arg18[%get3A_158, %get3A_159] {strides = array<i32>} : memref<128x128xf32, #tpu.memory_space<vmem>>, vector<16xf32>,
        %mul3A_161 = arith.mulf %get3A_160, %gather3A_101 : vector<16xf32>
        %add3A_162 = arith.constant 0 : i32
        %add3A_163 = arith.addi %mul3A_90, %add3A_162 : i32
        %swap3A_164 = arith.index_cast %add3A_163 : i32 to index
        %swap3A_165 = arith.constant 80 : index
        %swap3A_166 = tpu.vector_load %arg18[%swap3A_164, %swap3A_165] {strides = array<i32>} : memref<128x128xf32, #tpu.memory_space<vmem>>, vector<16xf32>,
        tpu.vector_store %arg18[%swap3A_164, %swap3A_165], %mul3A_161 {strides = array<i32>} : memref<128x128xf32, #tpu.memory_space<vmem>>, vector<16xf32>,
        %add3A_167 = arith.constant 0 : i32
        %add3A_168 = arith.addi %mul3A_90, %add3A_167 : i32
        %get3A_169 = arith.index_cast %add3A_168 : i32 to index
        %get3A_170 = arith.constant 96 : index
        %get3A_171 = tpu.vector_load %arg18[%get3A_169, %get3A_170] {strides = array<i32>} : memref<128x128xf32, #tpu.memory_space<vmem>>, vector<16xf32>,
        %mul3A_172 = arith.mulf %get3A_171, %gather3A_101 : vector<16xf32>
        %add3A_173 = arith.constant 0 : i32
        %add3A_174 = arith.addi %mul3A_90, %add3A_173 : i32
        %swap3A_175 = arith.index_cast %add3A_174 : i32 to index
        %swap3A_176 = arith.constant 96 : index
        %swap3A_177 = tpu.vector_load %arg18[%swap3A_175, %swap3A_176] {strides = array<i32>} : memref<128x128xf32, #tpu.memory_space<vmem>>, vector<16xf32>,
        tpu.vector_store %arg18[%swap3A_175, %swap3A_176], %mul3A_172 {strides = array<i32>} : memref<128x128xf32, #tpu.memory_space<vmem>>, vector<16xf32>,
        %add3A_178 = arith.constant 0 : i32
        %add3A_179 = arith.addi %mul3A_90, %add3A_178 : i32
        %get3A_180 = arith.index_cast %add3A_179 : i32 to index
        %get3A_181 = arith.constant 112 : index
        %get3A_182 = tpu.vector_load %arg18[%get3A_180, %get3A_181] {strides = array<i32>} : memref<128x128xf32, #tpu.memory_space<vmem>>, vector<16xf32>,
        %mul3A_183 = arith.mulf %get3A_182, %gather3A_101 : vector<16xf32>
        %add3A_184 = arith.constant 0 : i32
        %add3A_185 = arith.addi %mul3A_90, %add3A_184 : i32
        %swap3A_186 = arith.index_cast %add3A_185 : i32 to index
        %swap3A_187 = arith.constant 112 : index
        %swap3A_188 = tpu.vector_load %arg18[%swap3A_186, %swap3A_187] {strides = array<i32>} : memref<128x128xf32, #tpu.memory_space<vmem>>, vector<16xf32>,
        tpu.vector_store %arg18[%swap3A_186, %swap3A_187], %mul3A_183 {strides = array<i32>} : memref<128x128xf32, #tpu.memory_space<vmem>>, vector<16xf32>,
        %broadcast_in_dim3A_189 = arith.constant 1 : i32
        %broadcast_in_dim3A_190 = vector.broadcast %broadcast_in_dim3A_189 : i32 to vector<16xi32>
        %lt3A_191 = arith.constant 0 : i32
        %lt3A_192 = vector.broadcast %lt3A_191 : i32 to vector<16xi32>
        %lt3A_193 = arith.cmpi slt, %broadcast_in_dim3A_190, %lt3A_192 : vector<16xi32>
        %add3A_194 = arith.constant 16 : i32
        %add3A_195 = vector.broadcast %add3A_194 : i32 to vector<16xi32>
        %add3A_196 = arith.addi %broadcast_in_dim3A_190, %add3A_195 : vector<16xi32>
        %select_n3A_197 = arith.select %lt3A_193, %add3A_196, %broadcast_in_dim3A_190 : vector<16xi1>, vector<16xi32>
        %broadcast_in_dim3A_198 = vector.shape_cast %select_n3A_197 : vector<16xi32> to vector<16x1xi32>
        %gather3A_199 = vector.shape_cast %broadcast_in_dim3A_198 : vector<16x1xi32> to vector<16xi32>
        %gather3A_200 = tpu.dynamic_gather %div3A[%gather3A_199] in [0] : vector<16xf32>, vector<16xi32> -> vector<16xf32>
        %add3A_201 = arith.constant 1 : i32
        %add3A_202 = arith.addi %mul3A_90, %add3A_201 : i32
        %get3A_203 = arith.index_cast %add3A_202 : i32 to index
        %get3A_204 = arith.constant 0 : index
        %get3A_205 = tpu.vector_load %arg18[%get3A_203, %get3A_204] {strides = array<i32>} : memref<128x128xf32, #tpu.memory_space<vmem>>, vector<16xf32>,
        %mul3A_206 = arith.mulf %get3A_205, %gather3A_200 : vector<16xf32>
        %add3A_207 = arith.constant 1 : i32
        %add3A_208 = arith.addi %mul3A_90, %add3A_207 : i32
        %swap3A_209 = arith.index_cast %add3A_208 : i32 to index
        %swap3A_210 = arith.constant 0 : index
        %swap3A_211 = tpu.vector_load %arg18[%swap3A_209, %swap3A_210] {strides = array<i32>} : memref<128x128xf32, #tpu.memory_space<vmem>>, vector<16xf32>,
        tpu.vector_store %arg18[%swap3A_209, %swap3A_210], %mul3A_206 {strides = array<i32>} : memref<128x128xf32, #tpu.memory_space<vmem>>, vector<16xf32>,
        %add3A_212 = arith.constant 1 : i32
        %add3A_213 = arith.addi %mul3A_90, %add3A_212 : i32
        %get3A_214 = arith.index_cast %add3A_213 : i32 to index
        %get3A_215 = arith.constant 16 : index
        %get3A_216 = tpu.vector_load %arg18[%get3A_214, %get3A_215] {strides = array<i32>} : memref<128x128xf32, #tpu.memory_space<vmem>>, vector<16xf32>,
        %mul3A_217 = arith.mulf %get3A_216, %gather3A_200 : vector<16xf32>
        %add3A_218 = arith.constant 1 : i32
        %add3A_219 = arith.addi %mul3A_90, %add3A_218 : i32
        %swap3A_220 = arith.index_cast %add3A_219 : i32 to index
        %swap3A_221 = arith.constant 16 : index
        %swap3A_222 = tpu.vector_load %arg18[%swap3A_220, %swap3A_221] {strides = array<i32>} : memref<128x128xf32, #tpu.memory_space<vmem>>, vector<16xf32>,
        tpu.vector_store %arg18[%swap3A_220, %swap3A_221], %mul3A_217 {strides = array<i32>} : memref<128x128xf32, #tpu.memory_space<vmem>>, vector<16xf32>,
        %add3A_223 = arith.constant 1 : i32
        %add3A_224 = arith.addi %mul3A_90, %add3A_223 : i32
        %get3A_225 = arith.index_cast %add3A_224 : i32 to index
        %get3A_226 = arith.constant 32 : index
        %get3A_227 = tpu.vector_load %arg18[%get3A_225, %get3A_226] {strides = array<i32>} : memref<128x128xf32, #tpu.memory_space<vmem>>, vector<16xf32>,
        %mul3A_228 = arith.mulf %get3A_227, %gather3A_200 : vector<16xf32>
        %add3A_229 = arith.constant 1 : i32
        %add3A_230 = arith.addi %mul3A_90, %add3A_229 : i32
        %swap3A_231 = arith.index_cast %add3A_230 : i32 to index
        %swap3A_232 = arith.constant 32 : index
        %swap3A_233 = tpu.vector_load %arg18[%swap3A_231, %swap3A_232] {strides = array<i32>} : memref<128x128xf32, #tpu.memory_space<vmem>>, vector<16xf32>,
        tpu.vector_store %arg18[%swap3A_231, %swap3A_232], %mul3A_228 {strides = array<i32>} : memref<128x128xf32, #tpu.memory_space<vmem>>, vector<16xf32>,
        %add3A_234 = arith.constant 1 : i32
        %add3A_235 = arith.addi %mul3A_90, %add3A_234 : i32
        %get3A_236 = arith.index_cast %add3A_235 : i32 to index
        %get3A_237 = arith.constant 48 : index
        %get3A_238 = tpu.vector_load %arg18[%get3A_236, %get3A_237] {strides = array<i32>} : memref<128x128xf32, #tpu.memory_space<vmem>>, vector<16xf32>,
        %mul3A_239 = arith.mulf %get3A_238, %gather3A_200 : vector<16xf32>
        %add3A_240 = arith.constant 1 : i32
        %add3A_241 = arith.addi %mul3A_90, %add3A_240 : i32
        %swap3A_242 = arith.index_cast %add3A_241 : i32 to index
        %swap3A_243 = arith.constant 48 : index
        %swap3A_244 = tpu.vector_load %arg18[%swap3A_242, %swap3A_243] {strides = array<i32>} : memref<128x128xf32, #tpu.memory_space<vmem>>, vector<16xf32>,
        tpu.vector_store %arg18[%swap3A_242, %swap3A_243], %mul3A_239 {strides = array<i32>} : memref<128x128xf32, #tpu.memory_space<vmem>>, vector<16xf32>,
        %add3A_245 = arith.constant 1 : i32
        %add3A_246 = arith.addi %mul3A_90, %add3A_245 : i32
        %get3A_247 = arith.index_cast %add3A_246 : i32 to index
        %get3A_248 = arith.constant 64 : index
        %get3A_249 = tpu.vector_load %arg18[%get3A_247, %get3A_248] {strides = array<i32>} : memref<128x128xf32, #tpu.memory_space<vmem>>, vector<16xf32>,
        %mul3A_250 = arith.mulf %get3A_249, %gather3A_200 : vector<16xf32>
        %add3A_251 = arith.constant 1 : i32
        %add3A_252 = arith.addi %mul3A_90, %add3A_251 : i32
        %swap3A_253 = arith.index_cast %add3A_252 : i32 to index
        %swap3A_254 = arith.constant 64 : index
        %swap3A_255 = tpu.vector_load %arg18[%swap3A_253, %swap3A_254] {strides = array<i32>} : memref<128x128xf32, #tpu.memory_space<vmem>>, vector<16xf32>,
        tpu.vector_store %arg18[%swap3A_253, %swap3A_254], %mul3A_250 {strides = array<i32>} : memref<128x128xf32, #tpu.memory_space<vmem>>, vector<16xf32>,
        %add3A_256 = arith.constant 1 : i32
        %add3A_257 = arith.addi %mul3A_90, %add3A_256 : i32
        %get3A_258 = arith.index_cast %add3A_257 : i32 to index
        %get3A_259 = arith.constant 80 : index
        %get3A_260 = tpu.vector_load %arg18[%get3A_258, %get3A_259] {strides = array<i32>} : memref<128x128xf32, #tpu.memory_space<vmem>>, vector<16xf32>,
        %mul3A_261 = arith.mulf %get3A_260, %gather3A_200 : vector<16xf32>
        %add3A_262 = arith.constant 1 : i32
        %add3A_263 = arith.addi %mul3A_90, %add3A_262 : i32
        %swap3A_264 = arith.index_cast %add3A_263 : i32 to index
        %swap3A_265 = arith.constant 80 : index
        %swap3A_266 = tpu.vector_load %arg18[%swap3A_264, %swap3A_265] {strides = array<i32>} : memref<128x128xf32, #tpu.memory_space<vmem>>, vector<16xf32>,
        tpu.vector_store %arg18[%swap3A_264, %swap3A_265], %mul3A_261 {strides = array<i32>} : memref<128x128xf32, #tpu.memory_space<vmem>>, vector<16xf32>,
        %add3A_267 = arith.constant 1 : i32
        %add3A_268 = arith.addi %mul3A_90, %add3A_267 : i32
        %get3A_269 = arith.index_cast %add3A_268 : i32 to index
        %get3A_270 = arith.constant 96 : index
        %get3A_271 = tpu.vector_load %arg18[%get3A_269, %get3A_270] {strides = array<i32>} : memref<128x128xf32, #tpu.memory_space<vmem>>, vector<16xf32>,
        %mul3A_272 = arith.mulf %get3A_271, %gather3A_200 : vector<16xf32>
        %add3A_273 = arith.constant 1 : i32
        %add3A_274 = arith.addi %mul3A_90, %add3A_273 : i32
        %swap3A_275 = arith.index_cast %add3A_274 : i32 to index
        %swap3A_276 = arith.constant 96 : index
        %swap3A_277 = tpu.vector_load %arg18[%swap3A_275, %swap3A_276] {strides = array<i32>} : memref<128x128xf32, #tpu.memory_space<vmem>>, vector<16xf32>,
        tpu.vector_store %arg18[%swap3A_275, %swap3A_276], %mul3A_272 {strides = array<i32>} : memref<128x128xf32, #tpu.memory_space<vmem>>, vector<16xf32>,
        %add3A_278 = arith.constant 1 : i32
        %add3A_279 = arith.addi %mul3A_90, %add3A_278 : i32
        %get3A_280 = arith.index_cast %add3A_279 : i32 to index
        %get3A_281 = arith.constant 112 : index
        %get3A_282 = tpu.vector_load %arg18[%get3A_280, %get3A_281] {strides = array<i32>} : memref<128x128xf32, #tpu.memory_space<vmem>>, vector<16xf32>,
        %mul3A_283 = arith.mulf %get3A_282, %gather3A_200 : vector<16xf32>
        %add3A_284 = arith.constant 1 : i32
        %add3A_285 = arith.addi %mul3A_90, %add3A_284 : i32
        %swap3A_286 = arith.index_cast %add3A_285 : i32 to index
        %swap3A_287 = arith.constant 112 : index
        %swap3A_288 = tpu.vector_load %arg18[%swap3A_286, %swap3A_287] {strides = array<i32>} : memref<128x128xf32, #tpu.memory_space<vmem>>, vector<16xf32>,
        tpu.vector_store %arg18[%swap3A_286, %swap3A_287], %mul3A_283 {strides = array<i32>} : memref<128x128xf32, #tpu.memory_space<vmem>>, vector<16xf32>,
        %broadcast_in_dim3A_289 = arith.constant 2 : i32
        %broadcast_in_dim3A_290 = vector.broadcast %broadcast_in_dim3A_289 : i32 to vector<16xi32>
        %lt3A_291 = arith.constant 0 : i32
        %lt3A_292 = vector.broadcast %lt3A_291 : i32 to vector<16xi32>
        %lt3A_293 = arith.cmpi slt, %broadcast_in_dim3A_290, %lt3A_292 : vector<16xi32>
        %add3A_294 = arith.constant 16 : i32
        %add3A_295 = vector.broadcast %add3A_294 : i32 to vector<16xi32>
        %add3A_296 = arith.addi %broadcast_in_dim3A_290, %add3A_295 : vector<16xi32>
        %select_n3A_297 = arith.select %lt3A_293, %add3A_296, %broadcast_in_dim3A_290 : vector<16xi1>, vector<16xi32>
        %broadcast_in_dim3A_298 = vector.shape_cast %select_n3A_297 : vector<16xi32> to vector<16x1xi32>
        %gather3A_299 = vector.shape_cast %broadcast_in_dim3A_298 : vector<16x1xi32> to vector<16xi32>
        %gather3A_300 = tpu.dynamic_gather %div3A[%gather3A_299] in [0] : vector<16xf32>, vector<16xi32> -> vector<16xf32>
        %add3A_301 = arith.constant 2 : i32
        %add3A_302 = arith.addi %mul3A_90, %add3A_301 : i32
        %get3A_303 = arith.index_cast %add3A_302 : i32 to index
        %get3A_304 = arith.constant 0 : index
        %get3A_305 = tpu.vector_load %arg18[%get3A_303, %get3A_304] {strides = array<i32>} : memref<128x128xf32, #tpu.memory_space<vmem>>, vector<16xf32>,
        %mul3A_306 = arith.mulf %get3A_305, %gather3A_300 : vector<16xf32>
        %add3A_307 = arith.constant 2 : i32
        %add3A_308 = arith.addi %mul3A_90, %add3A_307 : i32
        %swap3A_309 = arith.index_cast %add3A_308 : i32 to index
        %swap3A_310 = arith.constant 0 : index
        %swap3A_311 = tpu.vector_load %arg18[%swap3A_309, %swap3A_310] {strides = array<i32>} : memref<128x128xf32, #tpu.memory_space<vmem>>, vector<16xf32>,
        tpu.vector_store %arg18[%swap3A_309, %swap3A_310], %mul3A_306 {strides = array<i32>} : memref<128x128xf32, #tpu.memory_space<vmem>>, vector<16xf32>,
        %add3A_312 = arith.constant 2 : i32
        %add3A_313 = arith.addi %mul3A_90, %add3A_312 : i32
        %get3A_314 = arith.index_cast %add3A_313 : i32 to index
        %get3A_315 = arith.constant 16 : index
        %get3A_316 = tpu.vector_load %arg18[%get3A_314, %get3A_315] {strides = array<i32>} : memref<128x128xf32, #tpu.memory_space<vmem>>, vector<16xf32>,
        %mul3A_317 = arith.mulf %get3A_316, %gather3A_300 : vector<16xf32>
        %add3A_318 = arith.constant 2 : i32
        %add3A_319 = arith.addi %mul3A_90, %add3A_318 : i32
        %swap3A_320 = arith.index_cast %add3A_319 : i32 to index
        %swap3A_321 = arith.constant 16 : index
        %swap3A_322 = tpu.vector_load %arg18[%swap3A_320, %swap3A_321] {strides = array<i32>} : memref<128x128xf32, #tpu.memory_space<vmem>>, vector<16xf32>,
        tpu.vector_store %arg18[%swap3A_320, %swap3A_321], %mul3A_317 {strides = array<i32>} : memref<128x128xf32, #tpu.memory_space<vmem>>, vector<16xf32>,
        %add3A_323 = arith.constant 2 : i32
        %add3A_324 = arith.addi %mul3A_90, %add3A_323 : i32
        %get3A_325 = arith.index_cast %add3A_324 : i32 to index
        %get3A_326 = arith.constant 32 : index
        %get3A_327 = tpu.vector_load %arg18[%get3A_325, %get3A_326] {strides = array<i32>} : memref<128x128xf32, #tpu.memory_space<vmem>>, vector<16xf32>,
        %mul3A_328 = arith.mulf %get3A_327, %gather3A_300 : vector<16xf32>
        %add3A_329 = arith.constant 2 : i32
        %add3A_330 = arith.addi %mul3A_90, %add3A_329 : i32
        %swap3A_331 = arith.index_cast %add3A_330 : i32 to index
        %swap3A_332 = arith.constant 32 : index
        %swap3A_333 = tpu.vector_load %arg18[%swap3A_331, %swap3A_332] {strides = array<i32>} : memref<128x128xf32, #tpu.memory_space<vmem>>, vector<16xf32>,
        tpu.vector_store %arg18[%swap3A_331, %swap3A_332], %mul3A_328 {strides = array<i32>} : memref<128x128xf32, #tpu.memory_space<vmem>>, vector<16xf32>,
        %add3A_334 = arith.constant 2 : i32
        %add3A_335 = arith.addi %mul3A_90, %add3A_334 : i32
        %get3A_336 = arith.index_cast %add3A_335 : i32 to index
        %get3A_337 = arith.constant 48 : index
        %get3A_338 = tpu.vector_load %arg18[%get3A_336, %get3A_337] {strides = array<i32>} : memref<128x128xf32, #tpu.memory_space<vmem>>, vector<16xf32>,
        %mul3A_339 = arith.mulf %get3A_338, %gather3A_300 : vector<16xf32>
        %add3A_340 = arith.constant 2 : i32
        %add3A_341 = arith.addi %mul3A_90, %add3A_340 : i32
        %swap3A_342 = arith.index_cast %add3A_341 : i32 to index
        %swap3A_343 = arith.constant 48 : index
        %swap3A_344 = tpu.vector_load %arg18[%swap3A_342, %swap3A_343] {strides = array<i32>} : memref<128x128xf32, #tpu.memory_space<vmem>>, vector<16xf32>,
        tpu.vector_store %arg18[%swap3A_342, %swap3A_343], %mul3A_339 {strides = array<i32>} : memref<128x128xf32, #tpu.memory_space<vmem>>, vector<16xf32>,
        %add3A_345 = arith.constant 2 : i32
        %add3A_346 = arith.addi %mul3A_90, %add3A_345 : i32
        %get3A_347 = arith.index_cast %add3A_346 : i32 to index
        %get3A_348 = arith.constant 64 : index
        %get3A_349 = tpu.vector_load %arg18[%get3A_347, %get3A_348] {strides = array<i32>} : memref<128x128xf32, #tpu.memory_space<vmem>>, vector<16xf32>,
        %mul3A_350 = arith.mulf %get3A_349, %gather3A_300 : vector<16xf32>
        %add3A_351 = arith.constant 2 : i32
        %add3A_352 = arith.addi %mul3A_90, %add3A_351 : i32
        %swap3A_353 = arith.index_cast %add3A_352 : i32 to index
        %swap3A_354 = arith.constant 64 : index
        %swap3A_355 = tpu.vector_load %arg18[%swap3A_353, %swap3A_354] {strides = array<i32>} : memref<128x128xf32, #tpu.memory_space<vmem>>, vector<16xf32>,
        tpu.vector_store %arg18[%swap3A_353, %swap3A_354], %mul3A_350 {strides = array<i32>} : memref<128x128xf32, #tpu.memory_space<vmem>>, vector<16xf32>,
        %add3A_356 = arith.constant 2 : i32
        %add3A_357 = arith.addi %mul3A_90, %add3A_356 : i32
        %get3A_358 = arith.index_cast %add3A_357 : i32 to index
        %get3A_359 = arith.constant 80 : index
        %get3A_360 = tpu.vector_load %arg18[%get3A_358, %get3A_359] {strides = array<i32>} : memref<128x128xf32, #tpu.memory_space<vmem>>, vector<16xf32>,
        %mul3A_361 = arith.mulf %get3A_360, %gather3A_300 : vector<16xf32>
        %add3A_362 = arith.constant 2 : i32
        %add3A_363 = arith.addi %mul3A_90, %add3A_362 : i32
        %swap3A_364 = arith.index_cast %add3A_363 : i32 to index
        %swap3A_365 = arith.constant 80 : index
        %swap3A_366 = tpu.vector_load %arg18[%swap3A_364, %swap3A_365] {strides = array<i32>} : memref<128x128xf32, #tpu.memory_space<vmem>>, vector<16xf32>,
        tpu.vector_store %arg18[%swap3A_364, %swap3A_365], %mul3A_361 {strides = array<i32>} : memref<128x128xf32, #tpu.memory_space<vmem>>, vector<16xf32>,
        %add3A_367 = arith.constant 2 : i32
        %add3A_368 = arith.addi %mul3A_90, %add3A_367 : i32
        %get3A_369 = arith.index_cast %add3A_368 : i32 to index
        %get3A_370 = arith.constant 96 : index
        %get3A_371 = tpu.vector_load %arg18[%get3A_369, %get3A_370] {strides = array<i32>} : memref<128x128xf32, #tpu.memory_space<vmem>>, vector<16xf32>,
        %mul3A_372 = arith.mulf %get3A_371, %gather3A_300 : vector<16xf32>
        %add3A_373 = arith.constant 2 : i32
        %add3A_374 = arith.addi %mul3A_90, %add3A_373 : i32
        %swap3A_375 = arith.index_cast %add3A_374 : i32 to index
        %swap3A_376 = arith.constant 96 : index
        %swap3A_377 = tpu.vector_load %arg18[%swap3A_375, %swap3A_376] {strides = array<i32>} : memref<128x128xf32, #tpu.memory_space<vmem>>, vector<16xf32>,
        tpu.vector_store %arg18[%swap3A_375, %swap3A_376], %mul3A_372 {strides = array<i32>} : memref<128x128xf32, #tpu.memory_space<vmem>>, vector<16xf32>,
        %add3A_378 = arith.constant 2 : i32
        %add3A_379 = arith.addi %mul3A_90, %add3A_378 : i32
        %get3A_380 = arith.index_cast %add3A_379 : i32 to index
        %get3A_381 = arith.constant 112 : index
        %get3A_382 = tpu.vector_load %arg18[%get3A_380, %get3A_381] {strides = array<i32>} : memref<128x128xf32, #tpu.memory_space<vmem>>, vector<16xf32>,
        %mul3A_383 = arith.mulf %get3A_382, %gather3A_300 : vector<16xf32>
        %add3A_384 = arith.constant 2 : i32
        %add3A_385 = arith.addi %mul3A_90, %add3A_384 : i32
        %swap3A_386 = arith.index_cast %add3A_385 : i32 to index
        %swap3A_387 = arith.constant 112 : index
        %swap3A_388 = tpu.vector_load %arg18[%swap3A_386, %swap3A_387] {strides = array<i32>} : memref<128x128xf32, #tpu.memory_space<vmem>>, vector<16xf32>,
        tpu.vector_store %arg18[%swap3A_386, %swap3A_387], %mul3A_383 {strides = array<i32>} : memref<128x128xf32, #tpu.memory_space<vmem>>, vector<16xf32>,
        %broadcast_in_dim3A_389 = arith.constant 3 : i32
        %broadcast_in_dim3A_390 = vector.broadcast %broadcast_in_dim3A_389 : i32 to vector<16xi32>
        %lt3A_391 = arith.constant 0 : i32
        %lt3A_392 = vector.broadcast %lt3A_391 : i32 to vector<16xi32>
        %lt3A_393 = arith.cmpi slt, %broadcast_in_dim3A_390, %lt3A_392 : vector<16xi32>
        %add3A_394 = arith.constant 16 : i32
        %add3A_395 = vector.broadcast %add3A_394 : i32 to vector<16xi32>
        %add3A_396 = arith.addi %broadcast_in_dim3A_390, %add3A_395 : vector<16xi32>
        %select_n3A_397 = arith.select %lt3A_393, %add3A_396, %broadcast_in_dim3A_390 : vector<16xi1>, vector<16xi32>
        %broadcast_in_dim3A_398 = vector.shape_cast %select_n3A_397 : vector<16xi32> to vector<16x1xi32>
        %gather3A_399 = vector.shape_cast %broadcast_in_dim3A_398 : vector<16x1xi32> to vector<16xi32>
        %gather3A_400 = tpu.dynamic_gather %div3A[%gather3A_399] in [0] : vector<16xf32>, vector<16xi32> -> vector<16xf32>
        %add3A_401 = arith.constant 3 : i32
        %add3A_402 = arith.addi %mul3A_90, %add3A_401 : i32
        %get3A_403 = arith.index_cast %add3A_402 : i32 to index
        %get3A_404 = arith.constant 0 : index
        %get3A_405 = tpu.vector_load %arg18[%get3A_403, %get3A_404] {strides = array<i32>} : memref<128x128xf32, #tpu.memory_space<vmem>>, vector<16xf32>,
        %mul3A_406 = arith.mulf %get3A_405, %gather3A_400 : vector<16xf32>
        %add3A_407 = arith.constant 3 : i32
        %add3A_408 = arith.addi %mul3A_90, %add3A_407 : i32
        %swap3A_409 = arith.index_cast %add3A_408 : i32 to index
        %swap3A_410 = arith.constant 0 : index
        %swap3A_411 = tpu.vector_load %arg18[%swap3A_409, %swap3A_410] {strides = array<i32>} : memref<128x128xf32, #tpu.memory_space<vmem>>, vector<16xf32>,
        tpu.vector_store %arg18[%swap3A_409, %swap3A_410], %mul3A_406 {strides = array<i32>} : memref<128x128xf32, #tpu.memory_space<vmem>>, vector<16xf32>,
        %add3A_412 = arith.constant 3 : i32
        %add3A_413 = arith.addi %mul3A_90, %add3A_412 : i32
        %get3A_414 = arith.index_cast %add3A_413 : i32 to index
        %get3A_415 = arith.constant 16 : index
        %get3A_416 = tpu.vector_load %arg18[%get3A_414, %get3A_415] {strides = array<i32>} : memref<128x128xf32, #tpu.memory_space<vmem>>, vector<16xf32>,
        %mul3A_417 = arith.mulf %get3A_416, %gather3A_400 : vector<16xf32>
        %add3A_418 = arith.constant 3 : i32
        %add3A_419 = arith.addi %mul3A_90, %add3A_418 : i32
        %swap3A_420 = arith.index_cast %add3A_419 : i32 to index
        %swap3A_421 = arith.constant 16 : index
        %swap3A_422 = tpu.vector_load %arg18[%swap3A_420, %swap3A_421] {strides = array<i32>} : memref<128x128xf32, #tpu.memory_space<vmem>>, vector<16xf32>,
        tpu.vector_store %arg18[%swap3A_420, %swap3A_421], %mul3A_417 {strides = array<i32>} : memref<128x128xf32, #tpu.memory_space<vmem>>, vector<16xf32>,
        %add3A_423 = arith.constant 3 : i32
        %add3A_424 = arith.addi %mul3A_90, %add3A_423 : i32
        %get3A_425 = arith.index_cast %add3A_424 : i32 to index
        %get3A_426 = arith.constant 32 : index
        %get3A_427 = tpu.vector_load %arg18[%get3A_425, %get3A_426] {strides = array<i32>} : memref<128x128xf32, #tpu.memory_space<vmem>>, vector<16xf32>,
        %mul3A_428 = arith.mulf %get3A_427, %gather3A_400 : vector<16xf32>
        %add3A_429 = arith.constant 3 : i32
        %add3A_430 = arith.addi %mul3A_90, %add3A_429 : i32
        %swap3A_431 = arith.index_cast %add3A_430 : i32 to index
        %swap3A_432 = arith.constant 32 : index
        %swap3A_433 = tpu.vector_load %arg18[%swap3A_431, %swap3A_432] {strides = array<i32>} : memref<128x128xf32, #tpu.memory_space<vmem>>, vector<16xf32>,
        tpu.vector_store %arg18[%swap3A_431, %swap3A_432], %mul3A_428 {strides = array<i32>} : memref<128x128xf32, #tpu.memory_space<vmem>>, vector<16xf32>,
        %add3A_434 = arith.constant 3 : i32
        %add3A_435 = arith.addi %mul3A_90, %add3A_434 : i32
        %get3A_436 = arith.index_cast %add3A_435 : i32 to index
        %get3A_437 = arith.constant 48 : index
        %get3A_438 = tpu.vector_load %arg18[%get3A_436, %get3A_437] {strides = array<i32>} : memref<128x128xf32, #tpu.memory_space<vmem>>, vector<16xf32>,
        %mul3A_439 = arith.mulf %get3A_438, %gather3A_400 : vector<16xf32>
        %add3A_440 = arith.constant 3 : i32
        %add3A_441 = arith.addi %mul3A_90, %add3A_440 : i32
        %swap3A_442 = arith.index_cast %add3A_441 : i32 to index
        %swap3A_443 = arith.constant 48 : index
        %swap3A_444 = tpu.vector_load %arg18[%swap3A_442, %swap3A_443] {strides = array<i32>} : memref<128x128xf32, #tpu.memory_space<vmem>>, vector<16xf32>,
        tpu.vector_store %arg18[%swap3A_442, %swap3A_443], %mul3A_439 {strides = array<i32>} : memref<128x128xf32, #tpu.memory_space<vmem>>, vector<16xf32>,
        %add3A_445 = arith.constant 3 : i32
        %add3A_446 = arith.addi %mul3A_90, %add3A_445 : i32
        %get3A_447 = arith.index_cast %add3A_446 : i32 to index
        %get3A_448 = arith.constant 64 : index
        %get3A_449 = tpu.vector_load %arg18[%get3A_447, %get3A_448] {strides = array<i32>} : memref<128x128xf32, #tpu.memory_space<vmem>>, vector<16xf32>,
        %mul3A_450 = arith.mulf %get3A_449, %gather3A_400 : vector<16xf32>
        %add3A_451 = arith.constant 3 : i32
        %add3A_452 = arith.addi %mul3A_90, %add3A_451 : i32
        %swap3A_453 = arith.index_cast %add3A_452 : i32 to index
        %swap3A_454 = arith.constant 64 : index
        %swap3A_455 = tpu.vector_load %arg18[%swap3A_453, %swap3A_454] {strides = array<i32>} : memref<128x128xf32, #tpu.memory_space<vmem>>, vector<16xf32>,
        tpu.vector_store %arg18[%swap3A_453, %swap3A_454], %mul3A_450 {strides = array<i32>} : memref<128x128xf32, #tpu.memory_space<vmem>>, vector<16xf32>,
        %add3A_456 = arith.constant 3 : i32
        %add3A_457 = arith.addi %mul3A_90, %add3A_456 : i32
        %get3A_458 = arith.index_cast %add3A_457 : i32 to index
        %get3A_459 = arith.constant 80 : index
        %get3A_460 = tpu.vector_load %arg18[%get3A_458, %get3A_459] {strides = array<i32>} : memref<128x128xf32, #tpu.memory_space<vmem>>, vector<16xf32>,
        %mul3A_461 = arith.mulf %get3A_460, %gather3A_400 : vector<16xf32>
        %add3A_462 = arith.constant 3 : i32
        %add3A_463 = arith.addi %mul3A_90, %add3A_462 : i32
        %swap3A_464 = arith.index_cast %add3A_463 : i32 to index
        %swap3A_465 = arith.constant 80 : index
        %swap3A_466 = tpu.vector_load %arg18[%swap3A_464, %swap3A_465] {strides = array<i32>} : memref<128x128xf32, #tpu.memory_space<vmem>>, vector<16xf32>,
        tpu.vector_store %arg18[%swap3A_464, %swap3A_465], %mul3A_461 {strides = array<i32>} : memref<128x128xf32, #tpu.memory_space<vmem>>, vector<16xf32>,
        %add3A_467 = arith.constant 3 : i32
        %add3A_468 = arith.addi %mul3A_90, %add3A_467 : i32
        %get3A_469 = arith.index_cast %add3A_468 : i32 to index
        %get3A_470 = arith.constant 96 : index
        %get3A_471 = tpu.vector_load %arg18[%get3A_469, %get3A_470] {strides = array<i32>} : memref<128x128xf32, #tpu.memory_space<vmem>>, vector<16xf32>,
        %mul3A_472 = arith.mulf %get3A_471, %gather3A_400 : vector<16xf32>
        %add3A_473 = arith.constant 3 : i32
        %add3A_474 = arith.addi %mul3A_90, %add3A_473 : i32
        %swap3A_475 = arith.index_cast %add3A_474 : i32 to index
        %swap3A_476 = arith.constant 96 : index
        %swap3A_477 = tpu.vector_load %arg18[%swap3A_475, %swap3A_476] {strides = array<i32>} : memref<128x128xf32, #tpu.memory_space<vmem>>, vector<16xf32>,
        tpu.vector_store %arg18[%swap3A_475, %swap3A_476], %mul3A_472 {strides = array<i32>} : memref<128x128xf32, #tpu.memory_space<vmem>>, vector<16xf32>,
        %add3A_478 = arith.constant 3 : i32
        %add3A_479 = arith.addi %mul3A_90, %add3A_478 : i32
        %get3A_480 = arith.index_cast %add3A_479 : i32 to index
        %get3A_481 = arith.constant 112 : index
        %get3A_482 = tpu.vector_load %arg18[%get3A_480, %get3A_481] {strides = array<i32>} : memref<128x128xf32, #tpu.memory_space<vmem>>, vector<16xf32>,
        %mul3A_483 = arith.mulf %get3A_482, %gather3A_400 : vector<16xf32>
        %add3A_484 = arith.constant 3 : i32
        %add3A_485 = arith.addi %mul3A_90, %add3A_484 : i32
        %swap3A_486 = arith.index_cast %add3A_485 : i32 to index
        %swap3A_487 = arith.constant 112 : index
        %swap3A_488 = tpu.vector_load %arg18[%swap3A_486, %swap3A_487] {strides = array<i32>} : memref<128x128xf32, #tpu.memory_space<vmem>>, vector<16xf32>,
        tpu.vector_store %arg18[%swap3A_486, %swap3A_487], %mul3A_483 {strides = array<i32>} : memref<128x128xf32, #tpu.memory_space<vmem>>, vector<16xf32>,
        %broadcast_in_dim3A_489 = arith.constant 4 : i32
        %broadcast_in_dim3A_490 = vector.broadcast %broadcast_in_dim3A_489 : i32 to vector<16xi32>
        %lt3A_491 = arith.constant 0 : i32
        %lt3A_492 = vector.broadcast %lt3A_491 : i32 to vector<16xi32>
        %lt3A_493 = arith.cmpi slt, %broadcast_in_dim3A_490, %lt3A_492 : vector<16xi32>
        %add3A_494 = arith.constant 16 : i32
        %add3A_495 = vector.broadcast %add3A_494 : i32 to vector<16xi32>
        %add3A_496 = arith.addi %broadcast_in_dim3A_490, %add3A_495 : vector<16xi32>
        %select_n3A_497 = arith.select %lt3A_493, %add3A_496, %broadcast_in_dim3A_490 : vector<16xi1>, vector<16xi32>
        %broadcast_in_dim3A_498 = vector.shape_cast %select_n3A_497 : vector<16xi32> to vector<16x1xi32>
        %gather3A_499 = vector.shape_cast %broadcast_in_dim3A_498 : vector<16x1xi32> to vector<16xi32>
        %gather3A_500 = tpu.dynamic_gather %div3A[%gather3A_499] in [0] : vector<16xf32>, vector<16xi32> -> vector<16xf32>
        %add3A_501 = arith.constant 4 : i32
        %add3A_502 = arith.addi %mul3A_90, %add3A_501 : i32
        %get3A_503 = arith.index_cast %add3A_502 : i32 to index
        %get3A_504 = arith.constant 0 : index
        %get3A_505 = tpu.vector_load %arg18[%get3A_503, %get3A_504] {strides = array<i32>} : memref<128x128xf32, #tpu.memory_space<vmem>>, vector<16xf32>,
        %mul3A_506 = arith.mulf %get3A_505, %gather3A_500 : vector<16xf32>
        %add3A_507 = arith.constant 4 : i32
        %add3A_508 = arith.addi %mul3A_90, %add3A_507 : i32
        %swap3A_509 = arith.index_cast %add3A_508 : i32 to index
        %swap3A_510 = arith.constant 0 : index
        %swap3A_511 = tpu.vector_load %arg18[%swap3A_509, %swap3A_510] {strides = array<i32>} : memref<128x128xf32, #tpu.memory_space<vmem>>, vector<16xf32>,
        tpu.vector_store %arg18[%swap3A_509, %swap3A_510], %mul3A_506 {strides = array<i32>} : memref<128x128xf32, #tpu.memory_space<vmem>>, vector<16xf32>,
        %add3A_512 = arith.constant 4 : i32
        %add3A_513 = arith.addi %mul3A_90, %add3A_512 : i32
        %get3A_514 = arith.index_cast %add3A_513 : i32 to index
        %get3A_515 = arith.constant 16 : index
        %get3A_516 = tpu.vector_load %arg18[%get3A_514, %get3A_515] {strides = array<i32>} : memref<128x128xf32, #tpu.memory_space<vmem>>, vector<16xf32>,
        %mul3A_517 = arith.mulf %get3A_516, %gather3A_500 : vector<16xf32>
        %add3A_518 = arith.constant 4 : i32
        %add3A_519 = arith.addi %mul3A_90, %add3A_518 : i32
        %swap3A_520 = arith.index_cast %add3A_519 : i32 to index
        %swap3A_521 = arith.constant 16 : index
        %swap3A_522 = tpu.vector_load %arg18[%swap3A_520, %swap3A_521] {strides = array<i32>} : memref<128x128xf32, #tpu.memory_space<vmem>>, vector<16xf32>,
        tpu.vector_store %arg18[%swap3A_520, %swap3A_521], %mul3A_517 {strides = array<i32>} : memref<128x128xf32, #tpu.memory_space<vmem>>, vector<16xf32>,
        %add3A_523 = arith.constant 4 : i32
        %add3A_524 = arith.addi %mul3A_90, %add3A_523 : i32
        %get3A_525 = arith.index_cast %add3A_524 : i32 to index
        %get3A_526 = arith.constant 32 : index
        %get3A_527 = tpu.vector_load %arg18[%get3A_525, %get3A_526] {strides = array<i32>} : memref<128x128xf32, #tpu.memory_space<vmem>>, vector<16xf32>,
        %mul3A_528 = arith.mulf %get3A_527, %gather3A_500 : vector<16xf32>
        %add3A_529 = arith.constant 4 : i32
        %add3A_530 = arith.addi %mul3A_90, %add3A_529 : i32
        %swap3A_531 = arith.index_cast %add3A_530 : i32 to index
        %swap3A_532 = arith.constant 32 : index
        %swap3A_533 = tpu.vector_load %arg18[%swap3A_531, %swap3A_532] {strides = array<i32>} : memref<128x128xf32, #tpu.memory_space<vmem>>, vector<16xf32>,
        tpu.vector_store %arg18[%swap3A_531, %swap3A_532], %mul3A_528 {strides = array<i32>} : memref<128x128xf32, #tpu.memory_space<vmem>>, vector<16xf32>,
        %add3A_534 = arith.constant 4 : i32
        %add3A_535 = arith.addi %mul3A_90, %add3A_534 : i32
        %get3A_536 = arith.index_cast %add3A_535 : i32 to index
        %get3A_537 = arith.constant 48 : index
        %get3A_538 = tpu.vector_load %arg18[%get3A_536, %get3A_537] {strides = array<i32>} : memref<128x128xf32, #tpu.memory_space<vmem>>, vector<16xf32>,
        %mul3A_539 = arith.mulf %get3A_538, %gather3A_500 : vector<16xf32>
        %add3A_540 = arith.constant 4 : i32
        %add3A_541 = arith.addi %mul3A_90, %add3A_540 : i32
        %swap3A_542 = arith.index_cast %add3A_541 : i32 to index
        %swap3A_543 = arith.constant 48 : index
        %swap3A_544 = tpu.vector_load %arg18[%swap3A_542, %swap3A_543] {strides = array<i32>} : memref<128x128xf32, #tpu.memory_space<vmem>>, vector<16xf32>,
        tpu.vector_store %arg18[%swap3A_542, %swap3A_543], %mul3A_539 {strides = array<i32>} : memref<128x128xf32, #tpu.memory_space<vmem>>, vector<16xf32>,
        %add3A_545 = arith.constant 4 : i32
        %add3A_546 = arith.addi %mul3A_90, %add3A_545 : i32
        %get3A_547 = arith.index_cast %add3A_546 : i32 to index
        %get3A_548 = arith.constant 64 : index
        %get3A_549 = tpu.vector_load %arg18[%get3A_547, %get3A_548] {strides = array<i32>} : memref<128x128xf32, #tpu.memory_space<vmem>>, vector<16xf32>,
        %mul3A_550 = arith.mulf %get3A_549, %gather3A_500 : vector<16xf32>
        %add3A_551 = arith.constant 4 : i32
        %add3A_552 = arith.addi %mul3A_90, %add3A_551 : i32
        %swap3A_553 = arith.index_cast %add3A_552 : i32 to index
        %swap3A_554 = arith.constant 64 : index
        %swap3A_555 = tpu.vector_load %arg18[%swap3A_553, %swap3A_554] {strides = array<i32>} : memref<128x128xf32, #tpu.memory_space<vmem>>, vector<16xf32>,
        tpu.vector_store %arg18[%swap3A_553, %swap3A_554], %mul3A_550 {strides = array<i32>} : memref<128x128xf32, #tpu.memory_space<vmem>>, vector<16xf32>,
        %add3A_556 = arith.constant 4 : i32
        %add3A_557 = arith.addi %mul3A_90, %add3A_556 : i32
        %get3A_558 = arith.index_cast %add3A_557 : i32 to index
        %get3A_559 = arith.constant 80 : index
        %get3A_560 = tpu.vector_load %arg18[%get3A_558, %get3A_559] {strides = array<i32>} : memref<128x128xf32, #tpu.memory_space<vmem>>, vector<16xf32>,
        %mul3A_561 = arith.mulf %get3A_560, %gather3A_500 : vector<16xf32>
        %add3A_562 = arith.constant 4 : i32
        %add3A_563 = arith.addi %mul3A_90, %add3A_562 : i32
        %swap3A_564 = arith.index_cast %add3A_563 : i32 to index
        %swap3A_565 = arith.constant 80 : index
        %swap3A_566 = tpu.vector_load %arg18[%swap3A_564, %swap3A_565] {strides = array<i32>} : memref<128x128xf32, #tpu.memory_space<vmem>>, vector<16xf32>,
        tpu.vector_store %arg18[%swap3A_564, %swap3A_565], %mul3A_561 {strides = array<i32>} : memref<128x128xf32, #tpu.memory_space<vmem>>, vector<16xf32>,
        %add3A_567 = arith.constant 4 : i32
        %add3A_568 = arith.addi %mul3A_90, %add3A_567 : i32
        %get3A_569 = arith.index_cast %add3A_568 : i32 to index
        %get3A_570 = arith.constant 96 : index
        %get3A_571 = tpu.vector_load %arg18[%get3A_569, %get3A_570] {strides = array<i32>} : memref<128x128xf32, #tpu.memory_space<vmem>>, vector<16xf32>,
        %mul3A_572 = arith.mulf %get3A_571, %gather3A_500 : vector<16xf32>
        %add3A_573 = arith.constant 4 : i32
        %add3A_574 = arith.addi %mul3A_90, %add3A_573 : i32
        %swap3A_575 = arith.index_cast %add3A_574 : i32 to index
        %swap3A_576 = arith.constant 96 : index
        %swap3A_577 = tpu.vector_load %arg18[%swap3A_575, %swap3A_576] {strides = array<i32>} : memref<128x128xf32, #tpu.memory_space<vmem>>, vector<16xf32>,
        tpu.vector_store %arg18[%swap3A_575, %swap3A_576], %mul3A_572 {strides = array<i32>} : memref<128x128xf32, #tpu.memory_space<vmem>>, vector<16xf32>,
        %add3A_578 = arith.constant 4 : i32
        %add3A_579 = arith.addi %mul3A_90, %add3A_578 : i32
        %get3A_580 = arith.index_cast %add3A_579 : i32 to index
        %get3A_581 = arith.constant 112 : index
        %get3A_582 = tpu.vector_load %arg18[%get3A_580, %get3A_581] {strides = array<i32>} : memref<128x128xf32, #tpu.memory_space<vmem>>, vector<16xf32>,
        %mul3A_583 = arith.mulf %get3A_582, %gather3A_500 : vector<16xf32>
        %add3A_584 = arith.constant 4 : i32
        %add3A_585 = arith.addi %mul3A_90, %add3A_584 : i32
        %swap3A_586 = arith.index_cast %add3A_585 : i32 to index
        %swap3A_587 = arith.constant 112 : index
        %swap3A_588 = tpu.vector_load %arg18[%swap3A_586, %swap3A_587] {strides = array<i32>} : memref<128x128xf32, #tpu.memory_space<vmem>>, vector<16xf32>,
        tpu.vector_store %arg18[%swap3A_586, %swap3A_587], %mul3A_583 {strides = array<i32>} : memref<128x128xf32, #tpu.memory_space<vmem>>, vector<16xf32>,
        %broadcast_in_dim3A_589 = arith.constant 5 : i32
        %broadcast_in_dim3A_590 = vector.broadcast %broadcast_in_dim3A_589 : i32 to vector<16xi32>
        %lt3A_591 = arith.constant 0 : i32
        %lt3A_592 = vector.broadcast %lt3A_591 : i32 to vector<16xi32>
        %lt3A_593 = arith.cmpi slt, %broadcast_in_dim3A_590, %lt3A_592 : vector<16xi32>
        %add3A_594 = arith.constant 16 : i32
        %add3A_595 = vector.broadcast %add3A_594 : i32 to vector<16xi32>
        %add3A_596 = arith.addi %broadcast_in_dim3A_590, %add3A_595 : vector<16xi32>
        %select_n3A_597 = arith.select %lt3A_593, %add3A_596, %broadcast_in_dim3A_590 : vector<16xi1>, vector<16xi32>
        %broadcast_in_dim3A_598 = vector.shape_cast %select_n3A_597 : vector<16xi32> to vector<16x1xi32>
        %gather3A_599 = vector.shape_cast %broadcast_in_dim3A_598 : vector<16x1xi32> to vector<16xi32>
        %gather3A_600 = tpu.dynamic_gather %div3A[%gather3A_599] in [0] : vector<16xf32>, vector<16xi32> -> vector<16xf32>
        %add3A_601 = arith.constant 5 : i32
        %add3A_602 = arith.addi %mul3A_90, %add3A_601 : i32
        %get3A_603 = arith.index_cast %add3A_602 : i32 to index
        %get3A_604 = arith.constant 0 : index
        %get3A_605 = tpu.vector_load %arg18[%get3A_603, %get3A_604] {strides = array<i32>} : memref<128x128xf32, #tpu.memory_space<vmem>>, vector<16xf32>,
        %mul3A_606 = arith.mulf %get3A_605, %gather3A_600 : vector<16xf32>
        %add3A_607 = arith.constant 5 : i32
        %add3A_608 = arith.addi %mul3A_90, %add3A_607 : i32
        %swap3A_609 = arith.index_cast %add3A_608 : i32 to index
        %swap3A_610 = arith.constant 0 : index
        %swap3A_611 = tpu.vector_load %arg18[%swap3A_609, %swap3A_610] {strides = array<i32>} : memref<128x128xf32, #tpu.memory_space<vmem>>, vector<16xf32>,
        tpu.vector_store %arg18[%swap3A_609, %swap3A_610], %mul3A_606 {strides = array<i32>} : memref<128x128xf32, #tpu.memory_space<vmem>>, vector<16xf32>,
        %add3A_612 = arith.constant 5 : i32
        %add3A_613 = arith.addi %mul3A_90, %add3A_612 : i32
        %get3A_614 = arith.index_cast %add3A_613 : i32 to index
        %get3A_615 = arith.constant 16 : index
        %get3A_616 = tpu.vector_load %arg18[%get3A_614, %get3A_615] {strides = array<i32>} : memref<128x128xf32, #tpu.memory_space<vmem>>, vector<16xf32>,
        %mul3A_617 = arith.mulf %get3A_616, %gather3A_600 : vector<16xf32>
        %add3A_618 = arith.constant 5 : i32
        %add3A_619 = arith.addi %mul3A_90, %add3A_618 : i32
        %swap3A_620 = arith.index_cast %add3A_619 : i32 to index
        %swap3A_621 = arith.constant 16 : index
        %swap3A_622 = tpu.vector_load %arg18[%swap3A_620, %swap3A_621] {strides = array<i32>} : memref<128x128xf32, #tpu.memory_space<vmem>>, vector<16xf32>,
        tpu.vector_store %arg18[%swap3A_620, %swap3A_621], %mul3A_617 {strides = array<i32>} : memref<128x128xf32, #tpu.memory_space<vmem>>, vector<16xf32>,
        %add3A_623 = arith.constant 5 : i32
        %add3A_624 = arith.addi %mul3A_90, %add3A_623 : i32
        %get3A_625 = arith.index_cast %add3A_624 : i32 to index
        %get3A_626 = arith.constant 32 : index
        %get3A_627 = tpu.vector_load %arg18[%get3A_625, %get3A_626] {strides = array<i32>} : memref<128x128xf32, #tpu.memory_space<vmem>>, vector<16xf32>,
        %mul3A_628 = arith.mulf %get3A_627, %gather3A_600 : vector<16xf32>
        %add3A_629 = arith.constant 5 : i32
        %add3A_630 = arith.addi %mul3A_90, %add3A_629 : i32
        %swap3A_631 = arith.index_cast %add3A_630 : i32 to index
        %swap3A_632 = arith.constant 32 : index
        %swap3A_633 = tpu.vector_load %arg18[%swap3A_631, %swap3A_632] {strides = array<i32>} : memref<128x128xf32, #tpu.memory_space<vmem>>, vector<16xf32>,
        tpu.vector_store %arg18[%swap3A_631, %swap3A_632], %mul3A_628 {strides = array<i32>} : memref<128x128xf32, #tpu.memory_space<vmem>>, vector<16xf32>,
        %add3A_634 = arith.constant 5 : i32
        %add3A_635 = arith.addi %mul3A_90, %add3A_634 : i32
        %get3A_636 = arith.index_cast %add3A_635 : i32 to index
        %get3A_637 = arith.constant 48 : index
        %get3A_638 = tpu.vector_load %arg18[%get3A_636, %get3A_637] {strides = array<i32>} : memref<128x128xf32, #tpu.memory_space<vmem>>, vector<16xf32>,
        %mul3A_639 = arith.mulf %get3A_638, %gather3A_600 : vector<16xf32>
        %add3A_640 = arith.constant 5 : i32
        %add3A_641 = arith.addi %mul3A_90, %add3A_640 : i32
        %swap3A_642 = arith.index_cast %add3A_641 : i32 to index
        %swap3A_643 = arith.constant 48 : index
        %swap3A_644 = tpu.vector_load %arg18[%swap3A_642, %swap3A_643] {strides = array<i32>} : memref<128x128xf32, #tpu.memory_space<vmem>>, vector<16xf32>,
        tpu.vector_store %arg18[%swap3A_642, %swap3A_643], %mul3A_639 {strides = array<i32>} : memref<128x128xf32, #tpu.memory_space<vmem>>, vector<16xf32>,
        %add3A_645 = arith.constant 5 : i32
        %add3A_646 = arith.addi %mul3A_90, %add3A_645 : i32
        %get3A_647 = arith.index_cast %add3A_646 : i32 to index
        %get3A_648 = arith.constant 64 : index
        %get3A_649 = tpu.vector_load %arg18[%get3A_647, %get3A_648] {strides = array<i32>} : memref<128x128xf32, #tpu.memory_space<vmem>>, vector<16xf32>,
        %mul3A_650 = arith.mulf %get3A_649, %gather3A_600 : vector<16xf32>
        %add3A_651 = arith.constant 5 : i32
        %add3A_652 = arith.addi %mul3A_90, %add3A_651 : i32
        %swap3A_653 = arith.index_cast %add3A_652 : i32 to index
        %swap3A_654 = arith.constant 64 : index
        %swap3A_655 = tpu.vector_load %arg18[%swap3A_653, %swap3A_654] {strides = array<i32>} : memref<128x128xf32, #tpu.memory_space<vmem>>, vector<16xf32>,
        tpu.vector_store %arg18[%swap3A_653, %swap3A_654], %mul3A_650 {strides = array<i32>} : memref<128x128xf32, #tpu.memory_space<vmem>>, vector<16xf32>,
        %add3A_656 = arith.constant 5 : i32
        %add3A_657 = arith.addi %mul3A_90, %add3A_656 : i32
        %get3A_658 = arith.index_cast %add3A_657 : i32 to index
        %get3A_659 = arith.constant 80 : index
        %get3A_660 = tpu.vector_load %arg18[%get3A_658, %get3A_659] {strides = array<i32>} : memref<128x128xf32, #tpu.memory_space<vmem>>, vector<16xf32>,
        %mul3A_661 = arith.mulf %get3A_660, %gather3A_600 : vector<16xf32>
        %add3A_662 = arith.constant 5 : i32
        %add3A_663 = arith.addi %mul3A_90, %add3A_662 : i32
        %swap3A_664 = arith.index_cast %add3A_663 : i32 to index
        %swap3A_665 = arith.constant 80 : index
        %swap3A_666 = tpu.vector_load %arg18[%swap3A_664, %swap3A_665] {strides = array<i32>} : memref<128x128xf32, #tpu.memory_space<vmem>>, vector<16xf32>,
        tpu.vector_store %arg18[%swap3A_664, %swap3A_665], %mul3A_661 {strides = array<i32>} : memref<128x128xf32, #tpu.memory_space<vmem>>, vector<16xf32>,
        %add3A_667 = arith.constant 5 : i32
        %add3A_668 = arith.addi %mul3A_90, %add3A_667 : i32
        %get3A_669 = arith.index_cast %add3A_668 : i32 to index
        %get3A_670 = arith.constant 96 : index
        %get3A_671 = tpu.vector_load %arg18[%get3A_669, %get3A_670] {strides = array<i32>} : memref<128x128xf32, #tpu.memory_space<vmem>>, vector<16xf32>,
        %mul3A_672 = arith.mulf %get3A_671, %gather3A_600 : vector<16xf32>
        %add3A_673 = arith.constant 5 : i32
        %add3A_674 = arith.addi %mul3A_90, %add3A_673 : i32
        %swap3A_675 = arith.index_cast %add3A_674 : i32 to index
        %swap3A_676 = arith.constant 96 : index
        %swap3A_677 = tpu.vector_load %arg18[%swap3A_675, %swap3A_676] {strides = array<i32>} : memref<128x128xf32, #tpu.memory_space<vmem>>, vector<16xf32>,
        tpu.vector_store %arg18[%swap3A_675, %swap3A_676], %mul3A_672 {strides = array<i32>} : memref<128x128xf32, #tpu.memory_space<vmem>>, vector<16xf32>,
        %add3A_678 = arith.constant 5 : i32
        %add3A_679 = arith.addi %mul3A_90, %add3A_678 : i32
        %get3A_680 = arith.index_cast %add3A_679 : i32 to index
        %get3A_681 = arith.constant 112 : index
        %get3A_682 = tpu.vector_load %arg18[%get3A_680, %get3A_681] {strides = array<i32>} : memref<128x128xf32, #tpu.memory_space<vmem>>, vector<16xf32>,
        %mul3A_683 = arith.mulf %get3A_682, %gather3A_600 : vector<16xf32>
        %add3A_684 = arith.constant 5 : i32
        %add3A_685 = arith.addi %mul3A_90, %add3A_684 : i32
        %swap3A_686 = arith.index_cast %add3A_685 : i32 to index
        %swap3A_687 = arith.constant 112 : index
        %swap3A_688 = tpu.vector_load %arg18[%swap3A_686, %swap3A_687] {strides = array<i32>} : memref<128x128xf32, #tpu.memory_space<vmem>>, vector<16xf32>,
        tpu.vector_store %arg18[%swap3A_686, %swap3A_687], %mul3A_683 {strides = array<i32>} : memref<128x128xf32, #tpu.memory_space<vmem>>, vector<16xf32>,
        %broadcast_in_dim3A_689 = arith.constant 6 : i32
        %broadcast_in_dim3A_690 = vector.broadcast %broadcast_in_dim3A_689 : i32 to vector<16xi32>
        %lt3A_691 = arith.constant 0 : i32
        %lt3A_692 = vector.broadcast %lt3A_691 : i32 to vector<16xi32>
        %lt3A_693 = arith.cmpi slt, %broadcast_in_dim3A_690, %lt3A_692 : vector<16xi32>
        %add3A_694 = arith.constant 16 : i32
        %add3A_695 = vector.broadcast %add3A_694 : i32 to vector<16xi32>
        %add3A_696 = arith.addi %broadcast_in_dim3A_690, %add3A_695 : vector<16xi32>
        %select_n3A_697 = arith.select %lt3A_693, %add3A_696, %broadcast_in_dim3A_690 : vector<16xi1>, vector<16xi32>
        %broadcast_in_dim3A_698 = vector.shape_cast %select_n3A_697 : vector<16xi32> to vector<16x1xi32>
        %gather3A_699 = vector.shape_cast %broadcast_in_dim3A_698 : vector<16x1xi32> to vector<16xi32>
        %gather3A_700 = tpu.dynamic_gather %div3A[%gather3A_699] in [0] : vector<16xf32>, vector<16xi32> -> vector<16xf32>
        %add3A_701 = arith.constant 6 : i32
        %add3A_702 = arith.addi %mul3A_90, %add3A_701 : i32
        %get3A_703 = arith.index_cast %add3A_702 : i32 to index
        %get3A_704 = arith.constant 0 : index
        %get3A_705 = tpu.vector_load %arg18[%get3A_703, %get3A_704] {strides = array<i32>} : memref<128x128xf32, #tpu.memory_space<vmem>>, vector<16xf32>,
        %mul3A_706 = arith.mulf %get3A_705, %gather3A_700 : vector<16xf32>
        %add3A_707 = arith.constant 6 : i32
        %add3A_708 = arith.addi %mul3A_90, %add3A_707 : i32
        %swap3A_709 = arith.index_cast %add3A_708 : i32 to index
        %swap3A_710 = arith.constant 0 : index
        %swap3A_711 = tpu.vector_load %arg18[%swap3A_709, %swap3A_710] {strides = array<i32>} : memref<128x128xf32, #tpu.memory_space<vmem>>, vector<16xf32>,
        tpu.vector_store %arg18[%swap3A_709, %swap3A_710], %mul3A_706 {strides = array<i32>} : memref<128x128xf32, #tpu.memory_space<vmem>>, vector<16xf32>,
        %add3A_712 = arith.constant 6 : i32
        %add3A_713 = arith.addi %mul3A_90, %add3A_712 : i32
        %get3A_714 = arith.index_cast %add3A_713 : i32 to index
        %get3A_715 = arith.constant 16 : index
        %get3A_716 = tpu.vector_load %arg18[%get3A_714, %get3A_715] {strides = array<i32>} : memref<128x128xf32, #tpu.memory_space<vmem>>, vector<16xf32>,
        %mul3A_717 = arith.mulf %get3A_716, %gather3A_700 : vector<16xf32>
        %add3A_718 = arith.constant 6 : i32
        %add3A_719 = arith.addi %mul3A_90, %add3A_718 : i32
        %swap3A_720 = arith.index_cast %add3A_719 : i32 to index
        %swap3A_721 = arith.constant 16 : index
        %swap3A_722 = tpu.vector_load %arg18[%swap3A_720, %swap3A_721] {strides = array<i32>} : memref<128x128xf32, #tpu.memory_space<vmem>>, vector<16xf32>,
        tpu.vector_store %arg18[%swap3A_720, %swap3A_721], %mul3A_717 {strides = array<i32>} : memref<128x128xf32, #tpu.memory_space<vmem>>, vector<16xf32>,
        %add3A_723 = arith.constant 6 : i32
        %add3A_724 = arith.addi %mul3A_90, %add3A_723 : i32
        %get3A_725 = arith.index_cast %add3A_724 : i32 to index
        %get3A_726 = arith.constant 32 : index
        %get3A_727 = tpu.vector_load %arg18[%get3A_725, %get3A_726] {strides = array<i32>} : memref<128x128xf32, #tpu.memory_space<vmem>>, vector<16xf32>,
        %mul3A_728 = arith.mulf %get3A_727, %gather3A_700 : vector<16xf32>
        %add3A_729 = arith.constant 6 : i32
        %add3A_730 = arith.addi %mul3A_90, %add3A_729 : i32
        %swap3A_731 = arith.index_cast %add3A_730 : i32 to index
        %swap3A_732 = arith.constant 32 : index
        %swap3A_733 = tpu.vector_load %arg18[%swap3A_731, %swap3A_732] {strides = array<i32>} : memref<128x128xf32, #tpu.memory_space<vmem>>, vector<16xf32>,
        tpu.vector_store %arg18[%swap3A_731, %swap3A_732], %mul3A_728 {strides = array<i32>} : memref<128x128xf32, #tpu.memory_space<vmem>>, vector<16xf32>,
        %add3A_734 = arith.constant 6 : i32
        %add3A_735 = arith.addi %mul3A_90, %add3A_734 : i32
        %get3A_736 = arith.index_cast %add3A_735 : i32 to index
        %get3A_737 = arith.constant 48 : index
        %get3A_738 = tpu.vector_load %arg18[%get3A_736, %get3A_737] {strides = array<i32>} : memref<128x128xf32, #tpu.memory_space<vmem>>, vector<16xf32>,
        %mul3A_739 = arith.mulf %get3A_738, %gather3A_700 : vector<16xf32>
        %add3A_740 = arith.constant 6 : i32
        %add3A_741 = arith.addi %mul3A_90, %add3A_740 : i32
        %swap3A_742 = arith.index_cast %add3A_741 : i32 to index
        %swap3A_743 = arith.constant 48 : index
        %swap3A_744 = tpu.vector_load %arg18[%swap3A_742, %swap3A_743] {strides = array<i32>} : memref<128x128xf32, #tpu.memory_space<vmem>>, vector<16xf32>,
        tpu.vector_store %arg18[%swap3A_742, %swap3A_743], %mul3A_739 {strides = array<i32>} : memref<128x128xf32, #tpu.memory_space<vmem>>, vector<16xf32>,
        %add3A_745 = arith.constant 6 : i32
        %add3A_746 = arith.addi %mul3A_90, %add3A_745 : i32
        %get3A_747 = arith.index_cast %add3A_746 : i32 to index
        %get3A_748 = arith.constant 64 : index
        %get3A_749 = tpu.vector_load %arg18[%get3A_747, %get3A_748] {strides = array<i32>} : memref<128x128xf32, #tpu.memory_space<vmem>>, vector<16xf32>,
        %mul3A_750 = arith.mulf %get3A_749, %gather3A_700 : vector<16xf32>
        %add3A_751 = arith.constant 6 : i32
        %add3A_752 = arith.addi %mul3A_90, %add3A_751 : i32
        %swap3A_753 = arith.index_cast %add3A_752 : i32 to index
        %swap3A_754 = arith.constant 64 : index
        %swap3A_755 = tpu.vector_load %arg18[%swap3A_753, %swap3A_754] {strides = array<i32>} : memref<128x128xf32, #tpu.memory_space<vmem>>, vector<16xf32>,
        tpu.vector_store %arg18[%swap3A_753, %swap3A_754], %mul3A_750 {strides = array<i32>} : memref<128x128xf32, #tpu.memory_space<vmem>>, vector<16xf32>,
        %add3A_756 = arith.constant 6 : i32
        %add3A_757 = arith.addi %mul3A_90, %add3A_756 : i32
        %get3A_758 = arith.index_cast %add3A_757 : i32 to index
        %get3A_759 = arith.constant 80 : index
        %get3A_760 = tpu.vector_load %arg18[%get3A_758, %get3A_759] {strides = array<i32>} : memref<128x128xf32, #tpu.memory_space<vmem>>, vector<16xf32>,
        %mul3A_761 = arith.mulf %get3A_760, %gather3A_700 : vector<16xf32>
        %add3A_762 = arith.constant 6 : i32
        %add3A_763 = arith.addi %mul3A_90, %add3A_762 : i32
        %swap3A_764 = arith.index_cast %add3A_763 : i32 to index
        %swap3A_765 = arith.constant 80 : index
        %swap3A_766 = tpu.vector_load %arg18[%swap3A_764, %swap3A_765] {strides = array<i32>} : memref<128x128xf32, #tpu.memory_space<vmem>>, vector<16xf32>,
        tpu.vector_store %arg18[%swap3A_764, %swap3A_765], %mul3A_761 {strides = array<i32>} : memref<128x128xf32, #tpu.memory_space<vmem>>, vector<16xf32>,
        %add3A_767 = arith.constant 6 : i32
        %add3A_768 = arith.addi %mul3A_90, %add3A_767 : i32
        %get3A_769 = arith.index_cast %add3A_768 : i32 to index
        %get3A_770 = arith.constant 96 : index
        %get3A_771 = tpu.vector_load %arg18[%get3A_769, %get3A_770] {strides = array<i32>} : memref<128x128xf32, #tpu.memory_space<vmem>>, vector<16xf32>,
        %mul3A_772 = arith.mulf %get3A_771, %gather3A_700 : vector<16xf32>
        %add3A_773 = arith.constant 6 : i32
        %add3A_774 = arith.addi %mul3A_90, %add3A_773 : i32
        %swap3A_775 = arith.index_cast %add3A_774 : i32 to index
        %swap3A_776 = arith.constant 96 : index
        %swap3A_777 = tpu.vector_load %arg18[%swap3A_775, %swap3A_776] {strides = array<i32>} : memref<128x128xf32, #tpu.memory_space<vmem>>, vector<16xf32>,
        tpu.vector_store %arg18[%swap3A_775, %swap3A_776], %mul3A_772 {strides = array<i32>} : memref<128x128xf32, #tpu.memory_space<vmem>>, vector<16xf32>,
        %add3A_778 = arith.constant 6 : i32
        %add3A_779 = arith.addi %mul3A_90, %add3A_778 : i32
        %get3A_780 = arith.index_cast %add3A_779 : i32 to index
        %get3A_781 = arith.constant 112 : index
        %get3A_782 = tpu.vector_load %arg18[%get3A_780, %get3A_781] {strides = array<i32>} : memref<128x128xf32, #tpu.memory_space<vmem>>, vector<16xf32>,
        %mul3A_783 = arith.mulf %get3A_782, %gather3A_700 : vector<16xf32>
        %add3A_784 = arith.constant 6 : i32
        %add3A_785 = arith.addi %mul3A_90, %add3A_784 : i32
        %swap3A_786 = arith.index_cast %add3A_785 : i32 to index
        %swap3A_787 = arith.constant 112 : index
        %swap3A_788 = tpu.vector_load %arg18[%swap3A_786, %swap3A_787] {strides = array<i32>} : memref<128x128xf32, #tpu.memory_space<vmem>>, vector<16xf32>,
        tpu.vector_store %arg18[%swap3A_786, %swap3A_787], %mul3A_783 {strides = array<i32>} : memref<128x128xf32, #tpu.memory_space<vmem>>, vector<16xf32>,
        %broadcast_in_dim3A_789 = arith.constant 7 : i32
        %broadcast_in_dim3A_790 = vector.broadcast %broadcast_in_dim3A_789 : i32 to vector<16xi32>
        %lt3A_791 = arith.constant 0 : i32
        %lt3A_792 = vector.broadcast %lt3A_791 : i32 to vector<16xi32>
        %lt3A_793 = arith.cmpi slt, %broadcast_in_dim3A_790, %lt3A_792 : vector<16xi32>
        %add3A_794 = arith.constant 16 : i32
        %add3A_795 = vector.broadcast %add3A_794 : i32 to vector<16xi32>
        %add3A_796 = arith.addi %broadcast_in_dim3A_790, %add3A_795 : vector<16xi32>
        %select_n3A_797 = arith.select %lt3A_793, %add3A_796, %broadcast_in_dim3A_790 : vector<16xi1>, vector<16xi32>
        %broadcast_in_dim3A_798 = vector.shape_cast %select_n3A_797 : vector<16xi32> to vector<16x1xi32>
        %gather3A_799 = vector.shape_cast %broadcast_in_dim3A_798 : vector<16x1xi32> to vector<16xi32>
        %gather3A_800 = tpu.dynamic_gather %div3A[%gather3A_799] in [0] : vector<16xf32>, vector<16xi32> -> vector<16xf32>
        %add3A_801 = arith.constant 7 : i32
        %add3A_802 = arith.addi %mul3A_90, %add3A_801 : i32
        %get3A_803 = arith.index_cast %add3A_802 : i32 to index
        %get3A_804 = arith.constant 0 : index
        %get3A_805 = tpu.vector_load %arg18[%get3A_803, %get3A_804] {strides = array<i32>} : memref<128x128xf32, #tpu.memory_space<vmem>>, vector<16xf32>,
        %mul3A_806 = arith.mulf %get3A_805, %gather3A_800 : vector<16xf32>
        %add3A_807 = arith.constant 7 : i32
        %add3A_808 = arith.addi %mul3A_90, %add3A_807 : i32
        %swap3A_809 = arith.index_cast %add3A_808 : i32 to index
        %swap3A_810 = arith.constant 0 : index
        %swap3A_811 = tpu.vector_load %arg18[%swap3A_809, %swap3A_810] {strides = array<i32>} : memref<128x128xf32, #tpu.memory_space<vmem>>, vector<16xf32>,
        tpu.vector_store %arg18[%swap3A_809, %swap3A_810], %mul3A_806 {strides = array<i32>} : memref<128x128xf32, #tpu.memory_space<vmem>>, vector<16xf32>,
        %add3A_812 = arith.constant 7 : i32
        %add3A_813 = arith.addi %mul3A_90, %add3A_812 : i32
        %get3A_814 = arith.index_cast %add3A_813 : i32 to index
        %get3A_815 = arith.constant 16 : index
        %get3A_816 = tpu.vector_load %arg18[%get3A_814, %get3A_815] {strides = array<i32>} : memref<128x128xf32, #tpu.memory_space<vmem>>, vector<16xf32>,
        %mul3A_817 = arith.mulf %get3A_816, %gather3A_800 : vector<16xf32>
        %add3A_818 = arith.constant 7 : i32
        %add3A_819 = arith.addi %mul3A_90, %add3A_818 : i32
        %swap3A_820 = arith.index_cast %add3A_819 : i32 to index
        %swap3A_821 = arith.constant 16 : index
        %swap3A_822 = tpu.vector_load %arg18[%swap3A_820, %swap3A_821] {strides = array<i32>} : memref<128x128xf32, #tpu.memory_space<vmem>>, vector<16xf32>,
        tpu.vector_store %arg18[%swap3A_820, %swap3A_821], %mul3A_817 {strides = array<i32>} : memref<128x128xf32, #tpu.memory_space<vmem>>, vector<16xf32>,
        %add3A_823 = arith.constant 7 : i32
        %add3A_824 = arith.addi %mul3A_90, %add3A_823 : i32
        %get3A_825 = arith.index_cast %add3A_824 : i32 to index
        %get3A_826 = arith.constant 32 : index
        %get3A_827 = tpu.vector_load %arg18[%get3A_825, %get3A_826] {strides = array<i32>} : memref<128x128xf32, #tpu.memory_space<vmem>>, vector<16xf32>,
        %mul3A_828 = arith.mulf %get3A_827, %gather3A_800 : vector<16xf32>
        %add3A_829 = arith.constant 7 : i32
        %add3A_830 = arith.addi %mul3A_90, %add3A_829 : i32
        %swap3A_831 = arith.index_cast %add3A_830 : i32 to index
        %swap3A_832 = arith.constant 32 : index
        %swap3A_833 = tpu.vector_load %arg18[%swap3A_831, %swap3A_832] {strides = array<i32>} : memref<128x128xf32, #tpu.memory_space<vmem>>, vector<16xf32>,
        tpu.vector_store %arg18[%swap3A_831, %swap3A_832], %mul3A_828 {strides = array<i32>} : memref<128x128xf32, #tpu.memory_space<vmem>>, vector<16xf32>,
        %add3A_834 = arith.constant 7 : i32
        %add3A_835 = arith.addi %mul3A_90, %add3A_834 : i32
        %get3A_836 = arith.index_cast %add3A_835 : i32 to index
        %get3A_837 = arith.constant 48 : index
        %get3A_838 = tpu.vector_load %arg18[%get3A_836, %get3A_837] {strides = array<i32>} : memref<128x128xf32, #tpu.memory_space<vmem>>, vector<16xf32>,
        %mul3A_839 = arith.mulf %get3A_838, %gather3A_800 : vector<16xf32>
        %add3A_840 = arith.constant 7 : i32
        %add3A_841 = arith.addi %mul3A_90, %add3A_840 : i32
        %swap3A_842 = arith.index_cast %add3A_841 : i32 to index
        %swap3A_843 = arith.constant 48 : index
        %swap3A_844 = tpu.vector_load %arg18[%swap3A_842, %swap3A_843] {strides = array<i32>} : memref<128x128xf32, #tpu.memory_space<vmem>>, vector<16xf32>,
        tpu.vector_store %arg18[%swap3A_842, %swap3A_843], %mul3A_839 {strides = array<i32>} : memref<128x128xf32, #tpu.memory_space<vmem>>, vector<16xf32>,
        %add3A_845 = arith.constant 7 : i32
        %add3A_846 = arith.addi %mul3A_90, %add3A_845 : i32
        %get3A_847 = arith.index_cast %add3A_846 : i32 to index
        %get3A_848 = arith.constant 64 : index
        %get3A_849 = tpu.vector_load %arg18[%get3A_847, %get3A_848] {strides = array<i32>} : memref<128x128xf32, #tpu.memory_space<vmem>>, vector<16xf32>,
        %mul3A_850 = arith.mulf %get3A_849, %gather3A_800 : vector<16xf32>
        %add3A_851 = arith.constant 7 : i32
        %add3A_852 = arith.addi %mul3A_90, %add3A_851 : i32
        %swap3A_853 = arith.index_cast %add3A_852 : i32 to index
        %swap3A_854 = arith.constant 64 : index
        %swap3A_855 = tpu.vector_load %arg18[%swap3A_853, %swap3A_854] {strides = array<i32>} : memref<128x128xf32, #tpu.memory_space<vmem>>, vector<16xf32>,
        tpu.vector_store %arg18[%swap3A_853, %swap3A_854], %mul3A_850 {strides = array<i32>} : memref<128x128xf32, #tpu.memory_space<vmem>>, vector<16xf32>,
        %add3A_856 = arith.constant 7 : i32
        %add3A_857 = arith.addi %mul3A_90, %add3A_856 : i32
        %get3A_858 = arith.index_cast %add3A_857 : i32 to index
        %get3A_859 = arith.constant 80 : index
        %get3A_860 = tpu.vector_load %arg18[%get3A_858, %get3A_859] {strides = array<i32>} : memref<128x128xf32, #tpu.memory_space<vmem>>, vector<16xf32>,
        %mul3A_861 = arith.mulf %get3A_860, %gather3A_800 : vector<16xf32>
        %add3A_862 = arith.constant 7 : i32
        %add3A_863 = arith.addi %mul3A_90, %add3A_862 : i32
        %swap3A_864 = arith.index_cast %add3A_863 : i32 to index
        %swap3A_865 = arith.constant 80 : index
        %swap3A_866 = tpu.vector_load %arg18[%swap3A_864, %swap3A_865] {strides = array<i32>} : memref<128x128xf32, #tpu.memory_space<vmem>>, vector<16xf32>,
        tpu.vector_store %arg18[%swap3A_864, %swap3A_865], %mul3A_861 {strides = array<i32>} : memref<128x128xf32, #tpu.memory_space<vmem>>, vector<16xf32>,
        %add3A_867 = arith.constant 7 : i32
        %add3A_868 = arith.addi %mul3A_90, %add3A_867 : i32
        %get3A_869 = arith.index_cast %add3A_868 : i32 to index
        %get3A_870 = arith.constant 96 : index
        %get3A_871 = tpu.vector_load %arg18[%get3A_869, %get3A_870] {strides = array<i32>} : memref<128x128xf32, #tpu.memory_space<vmem>>, vector<16xf32>,
        %mul3A_872 = arith.mulf %get3A_871, %gather3A_800 : vector<16xf32>
        %add3A_873 = arith.constant 7 : i32
        %add3A_874 = arith.addi %mul3A_90, %add3A_873 : i32
        %swap3A_875 = arith.index_cast %add3A_874 : i32 to index
        %swap3A_876 = arith.constant 96 : index
        %swap3A_877 = tpu.vector_load %arg18[%swap3A_875, %swap3A_876] {strides = array<i32>} : memref<128x128xf32, #tpu.memory_space<vmem>>, vector<16xf32>,
        tpu.vector_store %arg18[%swap3A_875, %swap3A_876], %mul3A_872 {strides = array<i32>} : memref<128x128xf32, #tpu.memory_space<vmem>>, vector<16xf32>,
        %add3A_878 = arith.constant 7 : i32
        %add3A_879 = arith.addi %mul3A_90, %add3A_878 : i32
        %get3A_880 = arith.index_cast %add3A_879 : i32 to index
        %get3A_881 = arith.constant 112 : index
        %get3A_882 = tpu.vector_load %arg18[%get3A_880, %get3A_881] {strides = array<i32>} : memref<128x128xf32, #tpu.memory_space<vmem>>, vector<16xf32>,
        %mul3A_883 = arith.mulf %get3A_882, %gather3A_800 : vector<16xf32>
        %add3A_884 = arith.constant 7 : i32
        %add3A_885 = arith.addi %mul3A_90, %add3A_884 : i32
        %swap3A_886 = arith.index_cast %add3A_885 : i32 to index
        %swap3A_887 = arith.constant 112 : index
        %swap3A_888 = tpu.vector_load %arg18[%swap3A_886, %swap3A_887] {strides = array<i32>} : memref<128x128xf32, #tpu.memory_space<vmem>>, vector<16xf32>,
        tpu.vector_store %arg18[%swap3A_886, %swap3A_887], %mul3A_883 {strides = array<i32>} : memref<128x128xf32, #tpu.memory_space<vmem>>, vector<16xf32>,
        %broadcast_in_dim3A_889 = arith.constant 8 : i32
        %broadcast_in_dim3A_890 = vector.broadcast %broadcast_in_dim3A_889 : i32 to vector<16xi32>
        %lt3A_891 = arith.constant 0 : i32
        %lt3A_892 = vector.broadcast %lt3A_891 : i32 to vector<16xi32>
        %lt3A_893 = arith.cmpi slt, %broadcast_in_dim3A_890, %lt3A_892 : vector<16xi32>
        %add3A_894 = arith.constant 16 : i32
        %add3A_895 = vector.broadcast %add3A_894 : i32 to vector<16xi32>
        %add3A_896 = arith.addi %broadcast_in_dim3A_890, %add3A_895 : vector<16xi32>
        %select_n3A_897 = arith.select %lt3A_893, %add3A_896, %broadcast_in_dim3A_890 : vector<16xi1>, vector<16xi32>
        %broadcast_in_dim3A_898 = vector.shape_cast %select_n3A_897 : vector<16xi32> to vector<16x1xi32>
        %gather3A_899 = vector.shape_cast %broadcast_in_dim3A_898 : vector<16x1xi32> to vector<16xi32>
        %gather3A_900 = tpu.dynamic_gather %div3A[%gather3A_899] in [0] : vector<16xf32>, vector<16xi32> -> vector<16xf32>
        %add3A_901 = arith.constant 8 : i32
        %add3A_902 = arith.addi %mul3A_90, %add3A_901 : i32
        %get3A_903 = arith.index_cast %add3A_902 : i32 to index
        %get3A_904 = arith.constant 0 : index
        %get3A_905 = tpu.vector_load %arg18[%get3A_903, %get3A_904] {strides = array<i32>} : memref<128x128xf32, #tpu.memory_space<vmem>>, vector<16xf32>,
        %mul3A_906 = arith.mulf %get3A_905, %gather3A_900 : vector<16xf32>
        %add3A_907 = arith.constant 8 : i32
        %add3A_908 = arith.addi %mul3A_90, %add3A_907 : i32
        %swap3A_909 = arith.index_cast %add3A_908 : i32 to index
        %swap3A_910 = arith.constant 0 : index
        %swap3A_911 = tpu.vector_load %arg18[%swap3A_909, %swap3A_910] {strides = array<i32>} : memref<128x128xf32, #tpu.memory_space<vmem>>, vector<16xf32>,
        tpu.vector_store %arg18[%swap3A_909, %swap3A_910], %mul3A_906 {strides = array<i32>} : memref<128x128xf32, #tpu.memory_space<vmem>>, vector<16xf32>,
        %add3A_912 = arith.constant 8 : i32
        %add3A_913 = arith.addi %mul3A_90, %add3A_912 : i32
        %get3A_914 = arith.index_cast %add3A_913 : i32 to index
        %get3A_915 = arith.constant 16 : index
        %get3A_916 = tpu.vector_load %arg18[%get3A_914, %get3A_915] {strides = array<i32>} : memref<128x128xf32, #tpu.memory_space<vmem>>, vector<16xf32>,
        %mul3A_917 = arith.mulf %get3A_916, %gather3A_900 : vector<16xf32>
        %add3A_918 = arith.constant 8 : i32
        %add3A_919 = arith.addi %mul3A_90, %add3A_918 : i32
        %swap3A_920 = arith.index_cast %add3A_919 : i32 to index
        %swap3A_921 = arith.constant 16 : index
        %swap3A_922 = tpu.vector_load %arg18[%swap3A_920, %swap3A_921] {strides = array<i32>} : memref<128x128xf32, #tpu.memory_space<vmem>>, vector<16xf32>,
        tpu.vector_store %arg18[%swap3A_920, %swap3A_921], %mul3A_917 {strides = array<i32>} : memref<128x128xf32, #tpu.memory_space<vmem>>, vector<16xf32>,
        %add3A_923 = arith.constant 8 : i32
        %add3A_924 = arith.addi %mul3A_90, %add3A_923 : i32
        %get3A_925 = arith.index_cast %add3A_924 : i32 to index
        %get3A_926 = arith.constant 32 : index
        %get3A_927 = tpu.vector_load %arg18[%get3A_925, %get3A_926] {strides = array<i32>} : memref<128x128xf32, #tpu.memory_space<vmem>>, vector<16xf32>,
        %mul3A_928 = arith.mulf %get3A_927, %gather3A_900 : vector<16xf32>
        %add3A_929 = arith.constant 8 : i32
        %add3A_930 = arith.addi %mul3A_90, %add3A_929 : i32
        %swap3A_931 = arith.index_cast %add3A_930 : i32 to index
        %swap3A_932 = arith.constant 32 : index
        %swap3A_933 = tpu.vector_load %arg18[%swap3A_931, %swap3A_932] {strides = array<i32>} : memref<128x128xf32, #tpu.memory_space<vmem>>, vector<16xf32>,
        tpu.vector_store %arg18[%swap3A_931, %swap3A_932], %mul3A_928 {strides = array<i32>} : memref<128x128xf32, #tpu.memory_space<vmem>>, vector<16xf32>,
        %add3A_934 = arith.constant 8 : i32
        %add3A_935 = arith.addi %mul3A_90, %add3A_934 : i32
        %get3A_936 = arith.index_cast %add3A_935 : i32 to index
        %get3A_937 = arith.constant 48 : index
        %get3A_938 = tpu.vector_load %arg18[%get3A_936, %get3A_937] {strides = array<i32>} : memref<128x128xf32, #tpu.memory_space<vmem>>, vector<16xf32>,
        %mul3A_939 = arith.mulf %get3A_938, %gather3A_900 : vector<16xf32>
        %add3A_940 = arith.constant 8 : i32
        %add3A_941 = arith.addi %mul3A_90, %add3A_940 : i32
        %swap3A_942 = arith.index_cast %add3A_941 : i32 to index
        %swap3A_943 = arith.constant 48 : index
        %swap3A_944 = tpu.vector_load %arg18[%swap3A_942, %swap3A_943] {strides = array<i32>} : memref<128x128xf32, #tpu.memory_space<vmem>>, vector<16xf32>,
        tpu.vector_store %arg18[%swap3A_942, %swap3A_943], %mul3A_939 {strides = array<i32>} : memref<128x128xf32, #tpu.memory_space<vmem>>, vector<16xf32>,
        %add3A_945 = arith.constant 8 : i32
        %add3A_946 = arith.addi %mul3A_90, %add3A_945 : i32
        %get3A_947 = arith.index_cast %add3A_946 : i32 to index
        %get3A_948 = arith.constant 64 : index
        %get3A_949 = tpu.vector_load %arg18[%get3A_947, %get3A_948] {strides = array<i32>} : memref<128x128xf32, #tpu.memory_space<vmem>>, vector<16xf32>,
        %mul3A_950 = arith.mulf %get3A_949, %gather3A_900 : vector<16xf32>
        %add3A_951 = arith.constant 8 : i32
        %add3A_952 = arith.addi %mul3A_90, %add3A_951 : i32
        %swap3A_953 = arith.index_cast %add3A_952 : i32 to index
        %swap3A_954 = arith.constant 64 : index
        %swap3A_955 = tpu.vector_load %arg18[%swap3A_953, %swap3A_954] {strides = array<i32>} : memref<128x128xf32, #tpu.memory_space<vmem>>, vector<16xf32>,
        tpu.vector_store %arg18[%swap3A_953, %swap3A_954], %mul3A_950 {strides = array<i32>} : memref<128x128xf32, #tpu.memory_space<vmem>>, vector<16xf32>,
        %add3A_956 = arith.constant 8 : i32
        %add3A_957 = arith.addi %mul3A_90, %add3A_956 : i32
        %get3A_958 = arith.index_cast %add3A_957 : i32 to index
        %get3A_959 = arith.constant 80 : index
        %get3A_960 = tpu.vector_load %arg18[%get3A_958, %get3A_959] {strides = array<i32>} : memref<128x128xf32, #tpu.memory_space<vmem>>, vector<16xf32>,
        %mul3A_961 = arith.mulf %get3A_960, %gather3A_900 : vector<16xf32>
        %add3A_962 = arith.constant 8 : i32
        %add3A_963 = arith.addi %mul3A_90, %add3A_962 : i32
        %swap3A_964 = arith.index_cast %add3A_963 : i32 to index
        %swap3A_965 = arith.constant 80 : index
        %swap3A_966 = tpu.vector_load %arg18[%swap3A_964, %swap3A_965] {strides = array<i32>} : memref<128x128xf32, #tpu.memory_space<vmem>>, vector<16xf32>,
        tpu.vector_store %arg18[%swap3A_964, %swap3A_965], %mul3A_961 {strides = array<i32>} : memref<128x128xf32, #tpu.memory_space<vmem>>, vector<16xf32>,
        %add3A_967 = arith.constant 8 : i32
        %add3A_968 = arith.addi %mul3A_90, %add3A_967 : i32
        %get3A_969 = arith.index_cast %add3A_968 : i32 to index
        %get3A_970 = arith.constant 96 : index
        %get3A_971 = tpu.vector_load %arg18[%get3A_969, %get3A_970] {strides = array<i32>} : memref<128x128xf32, #tpu.memory_space<vmem>>, vector<16xf32>,
        %mul3A_972 = arith.mulf %get3A_971, %gather3A_900 : vector<16xf32>
        %add3A_973 = arith.constant 8 : i32
        %add3A_974 = arith.addi %mul3A_90, %add3A_973 : i32
        %swap3A_975 = arith.index_cast %add3A_974 : i32 to index
        %swap3A_976 = arith.constant 96 : index
        %swap3A_977 = tpu.vector_load %arg18[%swap3A_975, %swap3A_976] {strides = array<i32>} : memref<128x128xf32, #tpu.memory_space<vmem>>, vector<16xf32>,
        tpu.vector_store %arg18[%swap3A_975, %swap3A_976], %mul3A_972 {strides = array<i32>} : memref<128x128xf32, #tpu.memory_space<vmem>>, vector<16xf32>,
        %add3A_978 = arith.constant 8 : i32
        %add3A_979 = arith.addi %mul3A_90, %add3A_978 : i32
        %get3A_980 = arith.index_cast %add3A_979 : i32 to index
        %get3A_981 = arith.constant 112 : index
        %get3A_982 = tpu.vector_load %arg18[%get3A_980, %get3A_981] {strides = array<i32>} : memref<128x128xf32, #tpu.memory_space<vmem>>, vector<16xf32>,
        %mul3A_983 = arith.mulf %get3A_982, %gather3A_900 : vector<16xf32>
        %add3A_984 = arith.constant 8 : i32
        %add3A_985 = arith.addi %mul3A_90, %add3A_984 : i32
        %swap3A_986 = arith.index_cast %add3A_985 : i32 to index
        %swap3A_987 = arith.constant 112 : index
        %swap3A_988 = tpu.vector_load %arg18[%swap3A_986, %swap3A_987] {strides = array<i32>} : memref<128x128xf32, #tpu.memory_space<vmem>>, vector<16xf32>,
        tpu.vector_store %arg18[%swap3A_986, %swap3A_987], %mul3A_983 {strides = array<i32>} : memref<128x128xf32, #tpu.memory_space<vmem>>, vector<16xf32>,
        %broadcast_in_dim3A_989 = arith.constant 9 : i32
        %broadcast_in_dim3A_990 = vector.broadcast %broadcast_in_dim3A_989 : i32 to vector<16xi32>
        %lt3A_991 = arith.constant 0 : i32
        %lt3A_992 = vector.broadcast %lt3A_991 : i32 to vector<16xi32>
        %lt3A_993 = arith.cmpi slt, %broadcast_in_dim3A_990, %lt3A_992 : vector<16xi32>
        %add3A_994 = arith.constant 16 : i32
        %add3A_995 = vector.broadcast %add3A_994 : i32 to vector<16xi32>
        %add3A_996 = arith.addi %broadcast_in_dim3A_990, %add3A_995 : vector<16xi32>
        %select_n3A_997 = arith.select %lt3A_993, %add3A_996, %broadcast_in_dim3A_990 : vector<16xi1>, vector<16xi32>
        %broadcast_in_dim3A_998 = vector.shape_cast %select_n3A_997 : vector<16xi32> to vector<16x1xi32>
        %gather3A_999 = vector.shape_cast %broadcast_in_dim3A_998 : vector<16x1xi32> to vector<16xi32>
        %gather3A_1000 = tpu.dynamic_gather %div3A[%gather3A_999] in [0] : vector<16xf32>, vector<16xi32> -> vector<16xf32>
        %add3A_1001 = arith.constant 9 : i32
        %add3A_1002 = arith.addi %mul3A_90, %add3A_1001 : i32
        %get3A_1003 = arith.index_cast %add3A_1002 : i32 to index
        %get3A_1004 = arith.constant 0 : index
        %get3A_1005 = tpu.vector_load %arg18[%get3A_1003, %get3A_1004] {strides = array<i32>} : memref<128x128xf32, #tpu.memory_space<vmem>>, vector<16xf32>,
        %mul3A_1006 = arith.mulf %get3A_1005, %gather3A_1000 : vector<16xf32>
        %add3A_1007 = arith.constant 9 : i32
        %add3A_1008 = arith.addi %mul3A_90, %add3A_1007 : i32
        %swap3A_1009 = arith.index_cast %add3A_1008 : i32 to index
        %swap3A_1010 = arith.constant 0 : index
        %swap3A_1011 = tpu.vector_load %arg18[%swap3A_1009, %swap3A_1010] {strides = array<i32>} : memref<128x128xf32, #tpu.memory_space<vmem>>, vector<16xf32>,
        tpu.vector_store %arg18[%swap3A_1009, %swap3A_1010], %mul3A_1006 {strides = array<i32>} : memref<128x128xf32, #tpu.memory_space<vmem>>, vector<16xf32>,
        %add3A_1012 = arith.constant 9 : i32
        %add3A_1013 = arith.addi %mul3A_90, %add3A_1012 : i32
        %get3A_1014 = arith.index_cast %add3A_1013 : i32 to index
        %get3A_1015 = arith.constant 16 : index
        %get3A_1016 = tpu.vector_load %arg18[%get3A_1014, %get3A_1015] {strides = array<i32>} : memref<128x128xf32, #tpu.memory_space<vmem>>, vector<16xf32>,
        %mul3A_1017 = arith.mulf %get3A_1016, %gather3A_1000 : vector<16xf32>
        %add3A_1018 = arith.constant 9 : i32
        %add3A_1019 = arith.addi %mul3A_90, %add3A_1018 : i32
        %swap3A_1020 = arith.index_cast %add3A_1019 : i32 to index
        %swap3A_1021 = arith.constant 16 : index
        %swap3A_1022 = tpu.vector_load %arg18[%swap3A_1020, %swap3A_1021] {strides = array<i32>} : memref<128x128xf32, #tpu.memory_space<vmem>>, vector<16xf32>,
        tpu.vector_store %arg18[%swap3A_1020, %swap3A_1021], %mul3A_1017 {strides = array<i32>} : memref<128x128xf32, #tpu.memory_space<vmem>>, vector<16xf32>,
        %add3A_1023 = arith.constant 9 : i32
        %add3A_1024 = arith.addi %mul3A_90, %add3A_1023 : i32
        %get3A_1025 = arith.index_cast %add3A_1024 : i32 to index
        %get3A_1026 = arith.constant 32 : index
        %get3A_1027 = tpu.vector_load %arg18[%get3A_1025, %get3A_1026] {strides = array<i32>} : memref<128x128xf32, #tpu.memory_space<vmem>>, vector<16xf32>,
        %mul3A_1028 = arith.mulf %get3A_1027, %gather3A_1000 : vector<16xf32>
        %add3A_1029 = arith.constant 9 : i32
        %add3A_1030 = arith.addi %mul3A_90, %add3A_1029 : i32
        %swap3A_1031 = arith.index_cast %add3A_1030 : i32 to index
        %swap3A_1032 = arith.constant 32 : index
        %swap3A_1033 = tpu.vector_load %arg18[%swap3A_1031, %swap3A_1032] {strides = array<i32>} : memref<128x128xf32, #tpu.memory_space<vmem>>, vector<16xf32>,
        tpu.vector_store %arg18[%swap3A_1031, %swap3A_1032], %mul3A_1028 {strides = array<i32>} : memref<128x128xf32, #tpu.memory_space<vmem>>, vector<16xf32>,
        %add3A_1034 = arith.constant 9 : i32
        %add3A_1035 = arith.addi %mul3A_90, %add3A_1034 : i32
        %get3A_1036 = arith.index_cast %add3A_1035 : i32 to index
        %get3A_1037 = arith.constant 48 : index
        %get3A_1038 = tpu.vector_load %arg18[%get3A_1036, %get3A_1037] {strides = array<i32>} : memref<128x128xf32, #tpu.memory_space<vmem>>, vector<16xf32>,
        %mul3A_1039 = arith.mulf %get3A_1038, %gather3A_1000 : vector<16xf32>
        %add3A_1040 = arith.constant 9 : i32
        %add3A_1041 = arith.addi %mul3A_90, %add3A_1040 : i32
        %swap3A_1042 = arith.index_cast %add3A_1041 : i32 to index
        %swap3A_1043 = arith.constant 48 : index
        %swap3A_1044 = tpu.vector_load %arg18[%swap3A_1042, %swap3A_1043] {strides = array<i32>} : memref<128x128xf32, #tpu.memory_space<vmem>>, vector<16xf32>,
        tpu.vector_store %arg18[%swap3A_1042, %swap3A_1043], %mul3A_1039 {strides = array<i32>} : memref<128x128xf32, #tpu.memory_space<vmem>>, vector<16xf32>,
        %add3A_1045 = arith.constant 9 : i32
        %add3A_1046 = arith.addi %mul3A_90, %add3A_1045 : i32
        %get3A_1047 = arith.index_cast %add3A_1046 : i32 to index
        %get3A_1048 = arith.constant 64 : index
        %get3A_1049 = tpu.vector_load %arg18[%get3A_1047, %get3A_1048] {strides = array<i32>} : memref<128x128xf32, #tpu.memory_space<vmem>>, vector<16xf32>,
        %mul3A_1050 = arith.mulf %get3A_1049, %gather3A_1000 : vector<16xf32>
        %add3A_1051 = arith.constant 9 : i32
        %add3A_1052 = arith.addi %mul3A_90, %add3A_1051 : i32
        %swap3A_1053 = arith.index_cast %add3A_1052 : i32 to index
        %swap3A_1054 = arith.constant 64 : index
        %swap3A_1055 = tpu.vector_load %arg18[%swap3A_1053, %swap3A_1054] {strides = array<i32>} : memref<128x128xf32, #tpu.memory_space<vmem>>, vector<16xf32>,
        tpu.vector_store %arg18[%swap3A_1053, %swap3A_1054], %mul3A_1050 {strides = array<i32>} : memref<128x128xf32, #tpu.memory_space<vmem>>, vector<16xf32>,
        %add3A_1056 = arith.constant 9 : i32
        %add3A_1057 = arith.addi %mul3A_90, %add3A_1056 : i32
        %get3A_1058 = arith.index_cast %add3A_1057 : i32 to index
        %get3A_1059 = arith.constant 80 : index
        %get3A_1060 = tpu.vector_load %arg18[%get3A_1058, %get3A_1059] {strides = array<i32>} : memref<128x128xf32, #tpu.memory_space<vmem>>, vector<16xf32>,
        %mul3A_1061 = arith.mulf %get3A_1060, %gather3A_1000 : vector<16xf32>
        %add3A_1062 = arith.constant 9 : i32
        %add3A_1063 = arith.addi %mul3A_90, %add3A_1062 : i32
        %swap3A_1064 = arith.index_cast %add3A_1063 : i32 to index
        %swap3A_1065 = arith.constant 80 : index
        %swap3A_1066 = tpu.vector_load %arg18[%swap3A_1064, %swap3A_1065] {strides = array<i32>} : memref<128x128xf32, #tpu.memory_space<vmem>>, vector<16xf32>,
        tpu.vector_store %arg18[%swap3A_1064, %swap3A_1065], %mul3A_1061 {strides = array<i32>} : memref<128x128xf32, #tpu.memory_space<vmem>>, vector<16xf32>,
        %add3A_1067 = arith.constant 9 : i32
        %add3A_1068 = arith.addi %mul3A_90, %add3A_1067 : i32
        %get3A_1069 = arith.index_cast %add3A_1068 : i32 to index
        %get3A_1070 = arith.constant 96 : index
        %get3A_1071 = tpu.vector_load %arg18[%get3A_1069, %get3A_1070] {strides = array<i32>} : memref<128x128xf32, #tpu.memory_space<vmem>>, vector<16xf32>,
        %mul3A_1072 = arith.mulf %get3A_1071, %gather3A_1000 : vector<16xf32>
        %add3A_1073 = arith.constant 9 : i32
        %add3A_1074 = arith.addi %mul3A_90, %add3A_1073 : i32
        %swap3A_1075 = arith.index_cast %add3A_1074 : i32 to index
        %swap3A_1076 = arith.constant 96 : index
        %swap3A_1077 = tpu.vector_load %arg18[%swap3A_1075, %swap3A_1076] {strides = array<i32>} : memref<128x128xf32, #tpu.memory_space<vmem>>, vector<16xf32>,
        tpu.vector_store %arg18[%swap3A_1075, %swap3A_1076], %mul3A_1072 {strides = array<i32>} : memref<128x128xf32, #tpu.memory_space<vmem>>, vector<16xf32>,
        %add3A_1078 = arith.constant 9 : i32
        %add3A_1079 = arith.addi %mul3A_90, %add3A_1078 : i32
        %get3A_1080 = arith.index_cast %add3A_1079 : i32 to index
        %get3A_1081 = arith.constant 112 : index
        %get3A_1082 = tpu.vector_load %arg18[%get3A_1080, %get3A_1081] {strides = array<i32>} : memref<128x128xf32, #tpu.memory_space<vmem>>, vector<16xf32>,
        %mul3A_1083 = arith.mulf %get3A_1082, %gather3A_1000 : vector<16xf32>
        %add3A_1084 = arith.constant 9 : i32
        %add3A_1085 = arith.addi %mul3A_90, %add3A_1084 : i32
        %swap3A_1086 = arith.index_cast %add3A_1085 : i32 to index
        %swap3A_1087 = arith.constant 112 : index
        %swap3A_1088 = tpu.vector_load %arg18[%swap3A_1086, %swap3A_1087] {strides = array<i32>} : memref<128x128xf32, #tpu.memory_space<vmem>>, vector<16xf32>,
        tpu.vector_store %arg18[%swap3A_1086, %swap3A_1087], %mul3A_1083 {strides = array<i32>} : memref<128x128xf32, #tpu.memory_space<vmem>>, vector<16xf32>,
        %broadcast_in_dim3A_1089 = arith.constant 10 : i32
        %broadcast_in_dim3A_1090 = vector.broadcast %broadcast_in_dim3A_1089 : i32 to vector<16xi32>
        %lt3A_1091 = arith.constant 0 : i32
        %lt3A_1092 = vector.broadcast %lt3A_1091 : i32 to vector<16xi32>
        %lt3A_1093 = arith.cmpi slt, %broadcast_in_dim3A_1090, %lt3A_1092 : vector<16xi32>
        %add3A_1094 = arith.constant 16 : i32
        %add3A_1095 = vector.broadcast %add3A_1094 : i32 to vector<16xi32>
        %add3A_1096 = arith.addi %broadcast_in_dim3A_1090, %add3A_1095 : vector<16xi32>
        %select_n3A_1097 = arith.select %lt3A_1093, %add3A_1096, %broadcast_in_dim3A_1090 : vector<16xi1>, vector<16xi32>
        %broadcast_in_dim3A_1098 = vector.shape_cast %select_n3A_1097 : vector<16xi32> to vector<16x1xi32>
        %gather3A_1099 = vector.shape_cast %broadcast_in_dim3A_1098 : vector<16x1xi32> to vector<16xi32>
        %gather3A_1100 = tpu.dynamic_gather %div3A[%gather3A_1099] in [0] : vector<16xf32>, vector<16xi32> -> vector<16xf32>
        %add3A_1101 = arith.constant 10 : i32
        %add3A_1102 = arith.addi %mul3A_90, %add3A_1101 : i32
        %get3A_1103 = arith.index_cast %add3A_1102 : i32 to index
        %get3A_1104 = arith.constant 0 : index
        %get3A_1105 = tpu.vector_load %arg18[%get3A_1103, %get3A_1104] {strides = array<i32>} : memref<128x128xf32, #tpu.memory_space<vmem>>, vector<16xf32>,
        %mul3A_1106 = arith.mulf %get3A_1105, %gather3A_1100 : vector<16xf32>
        %add3A_1107 = arith.constant 10 : i32
        %add3A_1108 = arith.addi %mul3A_90, %add3A_1107 : i32
        %swap3A_1109 = arith.index_cast %add3A_1108 : i32 to index
        %swap3A_1110 = arith.constant 0 : index
        %swap3A_1111 = tpu.vector_load %arg18[%swap3A_1109, %swap3A_1110] {strides = array<i32>} : memref<128x128xf32, #tpu.memory_space<vmem>>, vector<16xf32>,
        tpu.vector_store %arg18[%swap3A_1109, %swap3A_1110], %mul3A_1106 {strides = array<i32>} : memref<128x128xf32, #tpu.memory_space<vmem>>, vector<16xf32>,
        %add3A_1112 = arith.constant 10 : i32
        %add3A_1113 = arith.addi %mul3A_90, %add3A_1112 : i32
        %get3A_1114 = arith.index_cast %add3A_1113 : i32 to index
        %get3A_1115 = arith.constant 16 : index
        %get3A_1116 = tpu.vector_load %arg18[%get3A_1114, %get3A_1115] {strides = array<i32>} : memref<128x128xf32, #tpu.memory_space<vmem>>, vector<16xf32>,
        %mul3A_1117 = arith.mulf %get3A_1116, %gather3A_1100 : vector<16xf32>
        %add3A_1118 = arith.constant 10 : i32
        %add3A_1119 = arith.addi %mul3A_90, %add3A_1118 : i32
        %swap3A_1120 = arith.index_cast %add3A_1119 : i32 to index
        %swap3A_1121 = arith.constant 16 : index
        %swap3A_1122 = tpu.vector_load %arg18[%swap3A_1120, %swap3A_1121] {strides = array<i32>} : memref<128x128xf32, #tpu.memory_space<vmem>>, vector<16xf32>,
        tpu.vector_store %arg18[%swap3A_1120, %swap3A_1121], %mul3A_1117 {strides = array<i32>} : memref<128x128xf32, #tpu.memory_space<vmem>>, vector<16xf32>,
        %add3A_1123 = arith.constant 10 : i32
        %add3A_1124 = arith.addi %mul3A_90, %add3A_1123 : i32
        %get3A_1125 = arith.index_cast %add3A_1124 : i32 to index
        %get3A_1126 = arith.constant 32 : index
        %get3A_1127 = tpu.vector_load %arg18[%get3A_1125, %get3A_1126] {strides = array<i32>} : memref<128x128xf32, #tpu.memory_space<vmem>>, vector<16xf32>,
        %mul3A_1128 = arith.mulf %get3A_1127, %gather3A_1100 : vector<16xf32>
        %add3A_1129 = arith.constant 10 : i32
        %add3A_1130 = arith.addi %mul3A_90, %add3A_1129 : i32
        %swap3A_1131 = arith.index_cast %add3A_1130 : i32 to index
        %swap3A_1132 = arith.constant 32 : index
        %swap3A_1133 = tpu.vector_load %arg18[%swap3A_1131, %swap3A_1132] {strides = array<i32>} : memref<128x128xf32, #tpu.memory_space<vmem>>, vector<16xf32>,
        tpu.vector_store %arg18[%swap3A_1131, %swap3A_1132], %mul3A_1128 {strides = array<i32>} : memref<128x128xf32, #tpu.memory_space<vmem>>, vector<16xf32>,
        %add3A_1134 = arith.constant 10 : i32
        %add3A_1135 = arith.addi %mul3A_90, %add3A_1134 : i32
        %get3A_1136 = arith.index_cast %add3A_1135 : i32 to index
        %get3A_1137 = arith.constant 48 : index
        %get3A_1138 = tpu.vector_load %arg18[%get3A_1136, %get3A_1137] {strides = array<i32>} : memref<128x128xf32, #tpu.memory_space<vmem>>, vector<16xf32>,
        %mul3A_1139 = arith.mulf %get3A_1138, %gather3A_1100 : vector<16xf32>
        %add3A_1140 = arith.constant 10 : i32
        %add3A_1141 = arith.addi %mul3A_90, %add3A_1140 : i32
        %swap3A_1142 = arith.index_cast %add3A_1141 : i32 to index
        %swap3A_1143 = arith.constant 48 : index
        %swap3A_1144 = tpu.vector_load %arg18[%swap3A_1142, %swap3A_1143] {strides = array<i32>} : memref<128x128xf32, #tpu.memory_space<vmem>>, vector<16xf32>,
        tpu.vector_store %arg18[%swap3A_1142, %swap3A_1143], %mul3A_1139 {strides = array<i32>} : memref<128x128xf32, #tpu.memory_space<vmem>>, vector<16xf32>,
        %add3A_1145 = arith.constant 10 : i32
        %add3A_1146 = arith.addi %mul3A_90, %add3A_1145 : i32
        %get3A_1147 = arith.index_cast %add3A_1146 : i32 to index
        %get3A_1148 = arith.constant 64 : index
        %get3A_1149 = tpu.vector_load %arg18[%get3A_1147, %get3A_1148] {strides = array<i32>} : memref<128x128xf32, #tpu.memory_space<vmem>>, vector<16xf32>,
        %mul3A_1150 = arith.mulf %get3A_1149, %gather3A_1100 : vector<16xf32>
        %add3A_1151 = arith.constant 10 : i32
        %add3A_1152 = arith.addi %mul3A_90, %add3A_1151 : i32
        %swap3A_1153 = arith.index_cast %add3A_1152 : i32 to index
        %swap3A_1154 = arith.constant 64 : index
        %swap3A_1155 = tpu.vector_load %arg18[%swap3A_1153, %swap3A_1154] {strides = array<i32>} : memref<128x128xf32, #tpu.memory_space<vmem>>, vector<16xf32>,
        tpu.vector_store %arg18[%swap3A_1153, %swap3A_1154], %mul3A_1150 {strides = array<i32>} : memref<128x128xf32, #tpu.memory_space<vmem>>, vector<16xf32>,
        %add3A_1156 = arith.constant 10 : i32
        %add3A_1157 = arith.addi %mul3A_90, %add3A_1156 : i32
        %get3A_1158 = arith.index_cast %add3A_1157 : i32 to index
        %get3A_1159 = arith.constant 80 : index
        %get3A_1160 = tpu.vector_load %arg18[%get3A_1158, %get3A_1159] {strides = array<i32>} : memref<128x128xf32, #tpu.memory_space<vmem>>, vector<16xf32>,
        %mul3A_1161 = arith.mulf %get3A_1160, %gather3A_1100 : vector<16xf32>
        %add3A_1162 = arith.constant 10 : i32
        %add3A_1163 = arith.addi %mul3A_90, %add3A_1162 : i32
        %swap3A_1164 = arith.index_cast %add3A_1163 : i32 to index
        %swap3A_1165 = arith.constant 80 : index
        %swap3A_1166 = tpu.vector_load %arg18[%swap3A_1164, %swap3A_1165] {strides = array<i32>} : memref<128x128xf32, #tpu.memory_space<vmem>>, vector<16xf32>,
        tpu.vector_store %arg18[%swap3A_1164, %swap3A_1165], %mul3A_1161 {strides = array<i32>} : memref<128x128xf32, #tpu.memory_space<vmem>>, vector<16xf32>,
        %add3A_1167 = arith.constant 10 : i32
        %add3A_1168 = arith.addi %mul3A_90, %add3A_1167 : i32
        %get3A_1169 = arith.index_cast %add3A_1168 : i32 to index
        %get3A_1170 = arith.constant 96 : index
        %get3A_1171 = tpu.vector_load %arg18[%get3A_1169, %get3A_1170] {strides = array<i32>} : memref<128x128xf32, #tpu.memory_space<vmem>>, vector<16xf32>,
        %mul3A_1172 = arith.mulf %get3A_1171, %gather3A_1100 : vector<16xf32>
        %add3A_1173 = arith.constant 10 : i32
        %add3A_1174 = arith.addi %mul3A_90, %add3A_1173 : i32
        %swap3A_1175 = arith.index_cast %add3A_1174 : i32 to index
        %swap3A_1176 = arith.constant 96 : index
        %swap3A_1177 = tpu.vector_load %arg18[%swap3A_1175, %swap3A_1176] {strides = array<i32>} : memref<128x128xf32, #tpu.memory_space<vmem>>, vector<16xf32>,
        tpu.vector_store %arg18[%swap3A_1175, %swap3A_1176], %mul3A_1172 {strides = array<i32>} : memref<128x128xf32, #tpu.memory_space<vmem>>, vector<16xf32>,
        %add3A_1178 = arith.constant 10 : i32
        %add3A_1179 = arith.addi %mul3A_90, %add3A_1178 : i32
        %get3A_1180 = arith.index_cast %add3A_1179 : i32 to index
        %get3A_1181 = arith.constant 112 : index
        %get3A_1182 = tpu.vector_load %arg18[%get3A_1180, %get3A_1181] {strides = array<i32>} : memref<128x128xf32, #tpu.memory_space<vmem>>, vector<16xf32>,
        %mul3A_1183 = arith.mulf %get3A_1182, %gather3A_1100 : vector<16xf32>
        %add3A_1184 = arith.constant 10 : i32
        %add3A_1185 = arith.addi %mul3A_90, %add3A_1184 : i32
        %swap3A_1186 = arith.index_cast %add3A_1185 : i32 to index
        %swap3A_1187 = arith.constant 112 : index
        %swap3A_1188 = tpu.vector_load %arg18[%swap3A_1186, %swap3A_1187] {strides = array<i32>} : memref<128x128xf32, #tpu.memory_space<vmem>>, vector<16xf32>,
        tpu.vector_store %arg18[%swap3A_1186, %swap3A_1187], %mul3A_1183 {strides = array<i32>} : memref<128x128xf32, #tpu.memory_space<vmem>>, vector<16xf32>,
        %broadcast_in_dim3A_1189 = arith.constant 11 : i32
        %broadcast_in_dim3A_1190 = vector.broadcast %broadcast_in_dim3A_1189 : i32 to vector<16xi32>
        %lt3A_1191 = arith.constant 0 : i32
        %lt3A_1192 = vector.broadcast %lt3A_1191 : i32 to vector<16xi32>
        %lt3A_1193 = arith.cmpi slt, %broadcast_in_dim3A_1190, %lt3A_1192 : vector<16xi32>
        %add3A_1194 = arith.constant 16 : i32
        %add3A_1195 = vector.broadcast %add3A_1194 : i32 to vector<16xi32>
        %add3A_1196 = arith.addi %broadcast_in_dim3A_1190, %add3A_1195 : vector<16xi32>
        %select_n3A_1197 = arith.select %lt3A_1193, %add3A_1196, %broadcast_in_dim3A_1190 : vector<16xi1>, vector<16xi32>
        %broadcast_in_dim3A_1198 = vector.shape_cast %select_n3A_1197 : vector<16xi32> to vector<16x1xi32>
        %gather3A_1199 = vector.shape_cast %broadcast_in_dim3A_1198 : vector<16x1xi32> to vector<16xi32>
        %gather3A_1200 = tpu.dynamic_gather %div3A[%gather3A_1199] in [0] : vector<16xf32>, vector<16xi32> -> vector<16xf32>
        %add3A_1201 = arith.constant 11 : i32
        %add3A_1202 = arith.addi %mul3A_90, %add3A_1201 : i32
        %get3A_1203 = arith.index_cast %add3A_1202 : i32 to index
        %get3A_1204 = arith.constant 0 : index
        %get3A_1205 = tpu.vector_load %arg18[%get3A_1203, %get3A_1204] {strides = array<i32>} : memref<128x128xf32, #tpu.memory_space<vmem>>, vector<16xf32>,
        %mul3A_1206 = arith.mulf %get3A_1205, %gather3A_1200 : vector<16xf32>
        %add3A_1207 = arith.constant 11 : i32
        %add3A_1208 = arith.addi %mul3A_90, %add3A_1207 : i32
        %swap3A_1209 = arith.index_cast %add3A_1208 : i32 to index
        %swap3A_1210 = arith.constant 0 : index
        %swap3A_1211 = tpu.vector_load %arg18[%swap3A_1209, %swap3A_1210] {strides = array<i32>} : memref<128x128xf32, #tpu.memory_space<vmem>>, vector<16xf32>,
        tpu.vector_store %arg18[%swap3A_1209, %swap3A_1210], %mul3A_1206 {strides = array<i32>} : memref<128x128xf32, #tpu.memory_space<vmem>>, vector<16xf32>,
        %add3A_1212 = arith.constant 11 : i32
        %add3A_1213 = arith.addi %mul3A_90, %add3A_1212 : i32
        %get3A_1214 = arith.index_cast %add3A_1213 : i32 to index
        %get3A_1215 = arith.constant 16 : index
        %get3A_1216 = tpu.vector_load %arg18[%get3A_1214, %get3A_1215] {strides = array<i32>} : memref<128x128xf32, #tpu.memory_space<vmem>>, vector<16xf32>,
        %mul3A_1217 = arith.mulf %get3A_1216, %gather3A_1200 : vector<16xf32>
        %add3A_1218 = arith.constant 11 : i32
        %add3A_1219 = arith.addi %mul3A_90, %add3A_1218 : i32
        %swap3A_1220 = arith.index_cast %add3A_1219 : i32 to index
        %swap3A_1221 = arith.constant 16 : index
        %swap3A_1222 = tpu.vector_load %arg18[%swap3A_1220, %swap3A_1221] {strides = array<i32>} : memref<128x128xf32, #tpu.memory_space<vmem>>, vector<16xf32>,
        tpu.vector_store %arg18[%swap3A_1220, %swap3A_1221], %mul3A_1217 {strides = array<i32>} : memref<128x128xf32, #tpu.memory_space<vmem>>, vector<16xf32>,
        %add3A_1223 = arith.constant 11 : i32
        %add3A_1224 = arith.addi %mul3A_90, %add3A_1223 : i32
        %get3A_1225 = arith.index_cast %add3A_1224 : i32 to index
        %get3A_1226 = arith.constant 32 : index
        %get3A_1227 = tpu.vector_load %arg18[%get3A_1225, %get3A_1226] {strides = array<i32>} : memref<128x128xf32, #tpu.memory_space<vmem>>, vector<16xf32>,
        %mul3A_1228 = arith.mulf %get3A_1227, %gather3A_1200 : vector<16xf32>
        %add3A_1229 = arith.constant 11 : i32
        %add3A_1230 = arith.addi %mul3A_90, %add3A_1229 : i32
        %swap3A_1231 = arith.index_cast %add3A_1230 : i32 to index
        %swap3A_1232 = arith.constant 32 : index
        %swap3A_1233 = tpu.vector_load %arg18[%swap3A_1231, %swap3A_1232] {strides = array<i32>} : memref<128x128xf32, #tpu.memory_space<vmem>>, vector<16xf32>,
        tpu.vector_store %arg18[%swap3A_1231, %swap3A_1232], %mul3A_1228 {strides = array<i32>} : memref<128x128xf32, #tpu.memory_space<vmem>>, vector<16xf32>,
        %add3A_1234 = arith.constant 11 : i32
        %add3A_1235 = arith.addi %mul3A_90, %add3A_1234 : i32
        %get3A_1236 = arith.index_cast %add3A_1235 : i32 to index
        %get3A_1237 = arith.constant 48 : index
        %get3A_1238 = tpu.vector_load %arg18[%get3A_1236, %get3A_1237] {strides = array<i32>} : memref<128x128xf32, #tpu.memory_space<vmem>>, vector<16xf32>,
        %mul3A_1239 = arith.mulf %get3A_1238, %gather3A_1200 : vector<16xf32>
        %add3A_1240 = arith.constant 11 : i32
        %add3A_1241 = arith.addi %mul3A_90, %add3A_1240 : i32
        %swap3A_1242 = arith.index_cast %add3A_1241 : i32 to index
        %swap3A_1243 = arith.constant 48 : index
        %swap3A_1244 = tpu.vector_load %arg18[%swap3A_1242, %swap3A_1243] {strides = array<i32>} : memref<128x128xf32, #tpu.memory_space<vmem>>, vector<16xf32>,
        tpu.vector_store %arg18[%swap3A_1242, %swap3A_1243], %mul3A_1239 {strides = array<i32>} : memref<128x128xf32, #tpu.memory_space<vmem>>, vector<16xf32>,
        %add3A_1245 = arith.constant 11 : i32
        %add3A_1246 = arith.addi %mul3A_90, %add3A_1245 : i32
        %get3A_1247 = arith.index_cast %add3A_1246 : i32 to index
        %get3A_1248 = arith.constant 64 : index
        %get3A_1249 = tpu.vector_load %arg18[%get3A_1247, %get3A_1248] {strides = array<i32>} : memref<128x128xf32, #tpu.memory_space<vmem>>, vector<16xf32>,
        %mul3A_1250 = arith.mulf %get3A_1249, %gather3A_1200 : vector<16xf32>
        %add3A_1251 = arith.constant 11 : i32
        %add3A_1252 = arith.addi %mul3A_90, %add3A_1251 : i32
        %swap3A_1253 = arith.index_cast %add3A_1252 : i32 to index
        %swap3A_1254 = arith.constant 64 : index
        %swap3A_1255 = tpu.vector_load %arg18[%swap3A_1253, %swap3A_1254] {strides = array<i32>} : memref<128x128xf32, #tpu.memory_space<vmem>>, vector<16xf32>,
        tpu.vector_store %arg18[%swap3A_1253, %swap3A_1254], %mul3A_1250 {strides = array<i32>} : memref<128x128xf32, #tpu.memory_space<vmem>>, vector<16xf32>,
        %add3A_1256 = arith.constant 11 : i32
        %add3A_1257 = arith.addi %mul3A_90, %add3A_1256 : i32
        %get3A_1258 = arith.index_cast %add3A_1257 : i32 to index
        %get3A_1259 = arith.constant 80 : index
        %get3A_1260 = tpu.vector_load %arg18[%get3A_1258, %get3A_1259] {strides = array<i32>} : memref<128x128xf32, #tpu.memory_space<vmem>>, vector<16xf32>,
        %mul3A_1261 = arith.mulf %get3A_1260, %gather3A_1200 : vector<16xf32>
        %add3A_1262 = arith.constant 11 : i32
        %add3A_1263 = arith.addi %mul3A_90, %add3A_1262 : i32
        %swap3A_1264 = arith.index_cast %add3A_1263 : i32 to index
        %swap3A_1265 = arith.constant 80 : index
        %swap3A_1266 = tpu.vector_load %arg18[%swap3A_1264, %swap3A_1265] {strides = array<i32>} : memref<128x128xf32, #tpu.memory_space<vmem>>, vector<16xf32>,
        tpu.vector_store %arg18[%swap3A_1264, %swap3A_1265], %mul3A_1261 {strides = array<i32>} : memref<128x128xf32, #tpu.memory_space<vmem>>, vector<16xf32>,
        %add3A_1267 = arith.constant 11 : i32
        %add3A_1268 = arith.addi %mul3A_90, %add3A_1267 : i32
        %get3A_1269 = arith.index_cast %add3A_1268 : i32 to index
        %get3A_1270 = arith.constant 96 : index
        %get3A_1271 = tpu.vector_load %arg18[%get3A_1269, %get3A_1270] {strides = array<i32>} : memref<128x128xf32, #tpu.memory_space<vmem>>, vector<16xf32>,
        %mul3A_1272 = arith.mulf %get3A_1271, %gather3A_1200 : vector<16xf32>
        %add3A_1273 = arith.constant 11 : i32
        %add3A_1274 = arith.addi %mul3A_90, %add3A_1273 : i32
        %swap3A_1275 = arith.index_cast %add3A_1274 : i32 to index
        %swap3A_1276 = arith.constant 96 : index
        %swap3A_1277 = tpu.vector_load %arg18[%swap3A_1275, %swap3A_1276] {strides = array<i32>} : memref<128x128xf32, #tpu.memory_space<vmem>>, vector<16xf32>,
        tpu.vector_store %arg18[%swap3A_1275, %swap3A_1276], %mul3A_1272 {strides = array<i32>} : memref<128x128xf32, #tpu.memory_space<vmem>>, vector<16xf32>,
        %add3A_1278 = arith.constant 11 : i32
        %add3A_1279 = arith.addi %mul3A_90, %add3A_1278 : i32
        %get3A_1280 = arith.index_cast %add3A_1279 : i32 to index
        %get3A_1281 = arith.constant 112 : index
        %get3A_1282 = tpu.vector_load %arg18[%get3A_1280, %get3A_1281] {strides = array<i32>} : memref<128x128xf32, #tpu.memory_space<vmem>>, vector<16xf32>,
        %mul3A_1283 = arith.mulf %get3A_1282, %gather3A_1200 : vector<16xf32>
        %add3A_1284 = arith.constant 11 : i32
        %add3A_1285 = arith.addi %mul3A_90, %add3A_1284 : i32
        %swap3A_1286 = arith.index_cast %add3A_1285 : i32 to index
        %swap3A_1287 = arith.constant 112 : index
        %swap3A_1288 = tpu.vector_load %arg18[%swap3A_1286, %swap3A_1287] {strides = array<i32>} : memref<128x128xf32, #tpu.memory_space<vmem>>, vector<16xf32>,
        tpu.vector_store %arg18[%swap3A_1286, %swap3A_1287], %mul3A_1283 {strides = array<i32>} : memref<128x128xf32, #tpu.memory_space<vmem>>, vector<16xf32>,
        %broadcast_in_dim3A_1289 = arith.constant 12 : i32
        %broadcast_in_dim3A_1290 = vector.broadcast %broadcast_in_dim3A_1289 : i32 to vector<16xi32>
        %lt3A_1291 = arith.constant 0 : i32
        %lt3A_1292 = vector.broadcast %lt3A_1291 : i32 to vector<16xi32>
        %lt3A_1293 = arith.cmpi slt, %broadcast_in_dim3A_1290, %lt3A_1292 : vector<16xi32>
        %add3A_1294 = arith.constant 16 : i32
        %add3A_1295 = vector.broadcast %add3A_1294 : i32 to vector<16xi32>
        %add3A_1296 = arith.addi %broadcast_in_dim3A_1290, %add3A_1295 : vector<16xi32>
        %select_n3A_1297 = arith.select %lt3A_1293, %add3A_1296, %broadcast_in_dim3A_1290 : vector<16xi1>, vector<16xi32>
        %broadcast_in_dim3A_1298 = vector.shape_cast %select_n3A_1297 : vector<16xi32> to vector<16x1xi32>
        %gather3A_1299 = vector.shape_cast %broadcast_in_dim3A_1298 : vector<16x1xi32> to vector<16xi32>
        %gather3A_1300 = tpu.dynamic_gather %div3A[%gather3A_1299] in [0] : vector<16xf32>, vector<16xi32> -> vector<16xf32>
        %add3A_1301 = arith.constant 12 : i32
        %add3A_1302 = arith.addi %mul3A_90, %add3A_1301 : i32
        %get3A_1303 = arith.index_cast %add3A_1302 : i32 to index
        %get3A_1304 = arith.constant 0 : index
        %get3A_1305 = tpu.vector_load %arg18[%get3A_1303, %get3A_1304] {strides = array<i32>} : memref<128x128xf32, #tpu.memory_space<vmem>>, vector<16xf32>,
        %mul3A_1306 = arith.mulf %get3A_1305, %gather3A_1300 : vector<16xf32>
        %add3A_1307 = arith.constant 12 : i32
        %add3A_1308 = arith.addi %mul3A_90, %add3A_1307 : i32
        %swap3A_1309 = arith.index_cast %add3A_1308 : i32 to index
        %swap3A_1310 = arith.constant 0 : index
        %swap3A_1311 = tpu.vector_load %arg18[%swap3A_1309, %swap3A_1310] {strides = array<i32>} : memref<128x128xf32, #tpu.memory_space<vmem>>, vector<16xf32>,
        tpu.vector_store %arg18[%swap3A_1309, %swap3A_1310], %mul3A_1306 {strides = array<i32>} : memref<128x128xf32, #tpu.memory_space<vmem>>, vector<16xf32>,
        %add3A_1312 = arith.constant 12 : i32
        %add3A_1313 = arith.addi %mul3A_90, %add3A_1312 : i32
        %get3A_1314 = arith.index_cast %add3A_1313 : i32 to index
        %get3A_1315 = arith.constant 16 : index
        %get3A_1316 = tpu.vector_load %arg18[%get3A_1314, %get3A_1315] {strides = array<i32>} : memref<128x128xf32, #tpu.memory_space<vmem>>, vector<16xf32>,
        %mul3A_1317 = arith.mulf %get3A_1316, %gather3A_1300 : vector<16xf32>
        %add3A_1318 = arith.constant 12 : i32
        %add3A_1319 = arith.addi %mul3A_90, %add3A_1318 : i32
        %swap3A_1320 = arith.index_cast %add3A_1319 : i32 to index
        %swap3A_1321 = arith.constant 16 : index
        %swap3A_1322 = tpu.vector_load %arg18[%swap3A_1320, %swap3A_1321] {strides = array<i32>} : memref<128x128xf32, #tpu.memory_space<vmem>>, vector<16xf32>,
        tpu.vector_store %arg18[%swap3A_1320, %swap3A_1321], %mul3A_1317 {strides = array<i32>} : memref<128x128xf32, #tpu.memory_space<vmem>>, vector<16xf32>,
        %add3A_1323 = arith.constant 12 : i32
        %add3A_1324 = arith.addi %mul3A_90, %add3A_1323 : i32
        %get3A_1325 = arith.index_cast %add3A_1324 : i32 to index
        %get3A_1326 = arith.constant 32 : index
        %get3A_1327 = tpu.vector_load %arg18[%get3A_1325, %get3A_1326] {strides = array<i32>} : memref<128x128xf32, #tpu.memory_space<vmem>>, vector<16xf32>,
        %mul3A_1328 = arith.mulf %get3A_1327, %gather3A_1300 : vector<16xf32>
        %add3A_1329 = arith.constant 12 : i32
        %add3A_1330 = arith.addi %mul3A_90, %add3A_1329 : i32
        %swap3A_1331 = arith.index_cast %add3A_1330 : i32 to index
        %swap3A_1332 = arith.constant 32 : index
        %swap3A_1333 = tpu.vector_load %arg18[%swap3A_1331, %swap3A_1332] {strides = array<i32>} : memref<128x128xf32, #tpu.memory_space<vmem>>, vector<16xf32>,
        tpu.vector_store %arg18[%swap3A_1331, %swap3A_1332], %mul3A_1328 {strides = array<i32>} : memref<128x128xf32, #tpu.memory_space<vmem>>, vector<16xf32>,
        %add3A_1334 = arith.constant 12 : i32
        %add3A_1335 = arith.addi %mul3A_90, %add3A_1334 : i32
        %get3A_1336 = arith.index_cast %add3A_1335 : i32 to index
        %get3A_1337 = arith.constant 48 : index
        %get3A_1338 = tpu.vector_load %arg18[%get3A_1336, %get3A_1337] {strides = array<i32>} : memref<128x128xf32, #tpu.memory_space<vmem>>, vector<16xf32>,
        %mul3A_1339 = arith.mulf %get3A_1338, %gather3A_1300 : vector<16xf32>
        %add3A_1340 = arith.constant 12 : i32
        %add3A_1341 = arith.addi %mul3A_90, %add3A_1340 : i32
        %swap3A_1342 = arith.index_cast %add3A_1341 : i32 to index
        %swap3A_1343 = arith.constant 48 : index
        %swap3A_1344 = tpu.vector_load %arg18[%swap3A_1342, %swap3A_1343] {strides = array<i32>} : memref<128x128xf32, #tpu.memory_space<vmem>>, vector<16xf32>,
        tpu.vector_store %arg18[%swap3A_1342, %swap3A_1343], %mul3A_1339 {strides = array<i32>} : memref<128x128xf32, #tpu.memory_space<vmem>>, vector<16xf32>,
        %add3A_1345 = arith.constant 12 : i32
        %add3A_1346 = arith.addi %mul3A_90, %add3A_1345 : i32
        %get3A_1347 = arith.index_cast %add3A_1346 : i32 to index
        %get3A_1348 = arith.constant 64 : index
        %get3A_1349 = tpu.vector_load %arg18[%get3A_1347, %get3A_1348] {strides = array<i32>} : memref<128x128xf32, #tpu.memory_space<vmem>>, vector<16xf32>,
        %mul3A_1350 = arith.mulf %get3A_1349, %gather3A_1300 : vector<16xf32>
        %add3A_1351 = arith.constant 12 : i32
        %add3A_1352 = arith.addi %mul3A_90, %add3A_1351 : i32
        %swap3A_1353 = arith.index_cast %add3A_1352 : i32 to index
        %swap3A_1354 = arith.constant 64 : index
        %swap3A_1355 = tpu.vector_load %arg18[%swap3A_1353, %swap3A_1354] {strides = array<i32>} : memref<128x128xf32, #tpu.memory_space<vmem>>, vector<16xf32>,
        tpu.vector_store %arg18[%swap3A_1353, %swap3A_1354], %mul3A_1350 {strides = array<i32>} : memref<128x128xf32, #tpu.memory_space<vmem>>, vector<16xf32>,
        %add3A_1356 = arith.constant 12 : i32
        %add3A_1357 = arith.addi %mul3A_90, %add3A_1356 : i32
        %get3A_1358 = arith.index_cast %add3A_1357 : i32 to index
        %get3A_1359 = arith.constant 80 : index
        %get3A_1360 = tpu.vector_load %arg18[%get3A_1358, %get3A_1359] {strides = array<i32>} : memref<128x128xf32, #tpu.memory_space<vmem>>, vector<16xf32>,
        %mul3A_1361 = arith.mulf %get3A_1360, %gather3A_1300 : vector<16xf32>
        %add3A_1362 = arith.constant 12 : i32
        %add3A_1363 = arith.addi %mul3A_90, %add3A_1362 : i32
        %swap3A_1364 = arith.index_cast %add3A_1363 : i32 to index
        %swap3A_1365 = arith.constant 80 : index
        %swap3A_1366 = tpu.vector_load %arg18[%swap3A_1364, %swap3A_1365] {strides = array<i32>} : memref<128x128xf32, #tpu.memory_space<vmem>>, vector<16xf32>,
        tpu.vector_store %arg18[%swap3A_1364, %swap3A_1365], %mul3A_1361 {strides = array<i32>} : memref<128x128xf32, #tpu.memory_space<vmem>>, vector<16xf32>,
        %add3A_1367 = arith.constant 12 : i32
        %add3A_1368 = arith.addi %mul3A_90, %add3A_1367 : i32
        %get3A_1369 = arith.index_cast %add3A_1368 : i32 to index
        %get3A_1370 = arith.constant 96 : index
        %get3A_1371 = tpu.vector_load %arg18[%get3A_1369, %get3A_1370] {strides = array<i32>} : memref<128x128xf32, #tpu.memory_space<vmem>>, vector<16xf32>,
        %mul3A_1372 = arith.mulf %get3A_1371, %gather3A_1300 : vector<16xf32>
        %add3A_1373 = arith.constant 12 : i32
        %add3A_1374 = arith.addi %mul3A_90, %add3A_1373 : i32
        %swap3A_1375 = arith.index_cast %add3A_1374 : i32 to index
        %swap3A_1376 = arith.constant 96 : index
        %swap3A_1377 = tpu.vector_load %arg18[%swap3A_1375, %swap3A_1376] {strides = array<i32>} : memref<128x128xf32, #tpu.memory_space<vmem>>, vector<16xf32>,
        tpu.vector_store %arg18[%swap3A_1375, %swap3A_1376], %mul3A_1372 {strides = array<i32>} : memref<128x128xf32, #tpu.memory_space<vmem>>, vector<16xf32>,
        %add3A_1378 = arith.constant 12 : i32
        %add3A_1379 = arith.addi %mul3A_90, %add3A_1378 : i32
        %get3A_1380 = arith.index_cast %add3A_1379 : i32 to index
        %get3A_1381 = arith.constant 112 : index
        %get3A_1382 = tpu.vector_load %arg18[%get3A_1380, %get3A_1381] {strides = array<i32>} : memref<128x128xf32, #tpu.memory_space<vmem>>, vector<16xf32>,
        %mul3A_1383 = arith.mulf %get3A_1382, %gather3A_1300 : vector<16xf32>
        %add3A_1384 = arith.constant 12 : i32
        %add3A_1385 = arith.addi %mul3A_90, %add3A_1384 : i32
        %swap3A_1386 = arith.index_cast %add3A_1385 : i32 to index
        %swap3A_1387 = arith.constant 112 : index
        %swap3A_1388 = tpu.vector_load %arg18[%swap3A_1386, %swap3A_1387] {strides = array<i32>} : memref<128x128xf32, #tpu.memory_space<vmem>>, vector<16xf32>,
        tpu.vector_store %arg18[%swap3A_1386, %swap3A_1387], %mul3A_1383 {strides = array<i32>} : memref<128x128xf32, #tpu.memory_space<vmem>>, vector<16xf32>,
        %broadcast_in_dim3A_1389 = arith.constant 13 : i32
        %broadcast_in_dim3A_1390 = vector.broadcast %broadcast_in_dim3A_1389 : i32 to vector<16xi32>
        %lt3A_1391 = arith.constant 0 : i32
        %lt3A_1392 = vector.broadcast %lt3A_1391 : i32 to vector<16xi32>
        %lt3A_1393 = arith.cmpi slt, %broadcast_in_dim3A_1390, %lt3A_1392 : vector<16xi32>
        %add3A_1394 = arith.constant 16 : i32
        %add3A_1395 = vector.broadcast %add3A_1394 : i32 to vector<16xi32>
        %add3A_1396 = arith.addi %broadcast_in_dim3A_1390, %add3A_1395 : vector<16xi32>
        %select_n3A_1397 = arith.select %lt3A_1393, %add3A_1396, %broadcast_in_dim3A_1390 : vector<16xi1>, vector<16xi32>
        %broadcast_in_dim3A_1398 = vector.shape_cast %select_n3A_1397 : vector<16xi32> to vector<16x1xi32>
        %gather3A_1399 = vector.shape_cast %broadcast_in_dim3A_1398 : vector<16x1xi32> to vector<16xi32>
        %gather3A_1400 = tpu.dynamic_gather %div3A[%gather3A_1399] in [0] : vector<16xf32>, vector<16xi32> -> vector<16xf32>
        %add3A_1401 = arith.constant 13 : i32
        %add3A_1402 = arith.addi %mul3A_90, %add3A_1401 : i32
        %get3A_1403 = arith.index_cast %add3A_1402 : i32 to index
        %get3A_1404 = arith.constant 0 : index
        %get3A_1405 = tpu.vector_load %arg18[%get3A_1403, %get3A_1404] {strides = array<i32>} : memref<128x128xf32, #tpu.memory_space<vmem>>, vector<16xf32>,
        %mul3A_1406 = arith.mulf %get3A_1405, %gather3A_1400 : vector<16xf32>
        %add3A_1407 = arith.constant 13 : i32
        %add3A_1408 = arith.addi %mul3A_90, %add3A_1407 : i32
        %swap3A_1409 = arith.index_cast %add3A_1408 : i32 to index
        %swap3A_1410 = arith.constant 0 : index
        %swap3A_1411 = tpu.vector_load %arg18[%swap3A_1409, %swap3A_1410] {strides = array<i32>} : memref<128x128xf32, #tpu.memory_space<vmem>>, vector<16xf32>,
        tpu.vector_store %arg18[%swap3A_1409, %swap3A_1410], %mul3A_1406 {strides = array<i32>} : memref<128x128xf32, #tpu.memory_space<vmem>>, vector<16xf32>,
        %add3A_1412 = arith.constant 13 : i32
        %add3A_1413 = arith.addi %mul3A_90, %add3A_1412 : i32
        %get3A_1414 = arith.index_cast %add3A_1413 : i32 to index
        %get3A_1415 = arith.constant 16 : index
        %get3A_1416 = tpu.vector_load %arg18[%get3A_1414, %get3A_1415] {strides = array<i32>} : memref<128x128xf32, #tpu.memory_space<vmem>>, vector<16xf32>,
        %mul3A_1417 = arith.mulf %get3A_1416, %gather3A_1400 : vector<16xf32>
        %add3A_1418 = arith.constant 13 : i32
        %add3A_1419 = arith.addi %mul3A_90, %add3A_1418 : i32
        %swap3A_1420 = arith.index_cast %add3A_1419 : i32 to index
        %swap3A_1421 = arith.constant 16 : index
        %swap3A_1422 = tpu.vector_load %arg18[%swap3A_1420, %swap3A_1421] {strides = array<i32>} : memref<128x128xf32, #tpu.memory_space<vmem>>, vector<16xf32>,
        tpu.vector_store %arg18[%swap3A_1420, %swap3A_1421], %mul3A_1417 {strides = array<i32>} : memref<128x128xf32, #tpu.memory_space<vmem>>, vector<16xf32>,
        %add3A_1423 = arith.constant 13 : i32
        %add3A_1424 = arith.addi %mul3A_90, %add3A_1423 : i32
        %get3A_1425 = arith.index_cast %add3A_1424 : i32 to index
        %get3A_1426 = arith.constant 32 : index
        %get3A_1427 = tpu.vector_load %arg18[%get3A_1425, %get3A_1426] {strides = array<i32>} : memref<128x128xf32, #tpu.memory_space<vmem>>, vector<16xf32>,
        %mul3A_1428 = arith.mulf %get3A_1427, %gather3A_1400 : vector<16xf32>
        %add3A_1429 = arith.constant 13 : i32
        %add3A_1430 = arith.addi %mul3A_90, %add3A_1429 : i32
        %swap3A_1431 = arith.index_cast %add3A_1430 : i32 to index
        %swap3A_1432 = arith.constant 32 : index
        %swap3A_1433 = tpu.vector_load %arg18[%swap3A_1431, %swap3A_1432] {strides = array<i32>} : memref<128x128xf32, #tpu.memory_space<vmem>>, vector<16xf32>,
        tpu.vector_store %arg18[%swap3A_1431, %swap3A_1432], %mul3A_1428 {strides = array<i32>} : memref<128x128xf32, #tpu.memory_space<vmem>>, vector<16xf32>,
        %add3A_1434 = arith.constant 13 : i32
        %add3A_1435 = arith.addi %mul3A_90, %add3A_1434 : i32
        %get3A_1436 = arith.index_cast %add3A_1435 : i32 to index
        %get3A_1437 = arith.constant 48 : index
        %get3A_1438 = tpu.vector_load %arg18[%get3A_1436, %get3A_1437] {strides = array<i32>} : memref<128x128xf32, #tpu.memory_space<vmem>>, vector<16xf32>,
        %mul3A_1439 = arith.mulf %get3A_1438, %gather3A_1400 : vector<16xf32>
        %add3A_1440 = arith.constant 13 : i32
        %add3A_1441 = arith.addi %mul3A_90, %add3A_1440 : i32
        %swap3A_1442 = arith.index_cast %add3A_1441 : i32 to index
        %swap3A_1443 = arith.constant 48 : index
        %swap3A_1444 = tpu.vector_load %arg18[%swap3A_1442, %swap3A_1443] {strides = array<i32>} : memref<128x128xf32, #tpu.memory_space<vmem>>, vector<16xf32>,
        tpu.vector_store %arg18[%swap3A_1442, %swap3A_1443], %mul3A_1439 {strides = array<i32>} : memref<128x128xf32, #tpu.memory_space<vmem>>, vector<16xf32>,
        %add3A_1445 = arith.constant 13 : i32
        %add3A_1446 = arith.addi %mul3A_90, %add3A_1445 : i32
        %get3A_1447 = arith.index_cast %add3A_1446 : i32 to index
        %get3A_1448 = arith.constant 64 : index
        %get3A_1449 = tpu.vector_load %arg18[%get3A_1447, %get3A_1448] {strides = array<i32>} : memref<128x128xf32, #tpu.memory_space<vmem>>, vector<16xf32>,
        %mul3A_1450 = arith.mulf %get3A_1449, %gather3A_1400 : vector<16xf32>
        %add3A_1451 = arith.constant 13 : i32
        %add3A_1452 = arith.addi %mul3A_90, %add3A_1451 : i32
        %swap3A_1453 = arith.index_cast %add3A_1452 : i32 to index
        %swap3A_1454 = arith.constant 64 : index
        %swap3A_1455 = tpu.vector_load %arg18[%swap3A_1453, %swap3A_1454] {strides = array<i32>} : memref<128x128xf32, #tpu.memory_space<vmem>>, vector<16xf32>,
        tpu.vector_store %arg18[%swap3A_1453, %swap3A_1454], %mul3A_1450 {strides = array<i32>} : memref<128x128xf32, #tpu.memory_space<vmem>>, vector<16xf32>,
        %add3A_1456 = arith.constant 13 : i32
        %add3A_1457 = arith.addi %mul3A_90, %add3A_1456 : i32
        %get3A_1458 = arith.index_cast %add3A_1457 : i32 to index
        %get3A_1459 = arith.constant 80 : index
        %get3A_1460 = tpu.vector_load %arg18[%get3A_1458, %get3A_1459] {strides = array<i32>} : memref<128x128xf32, #tpu.memory_space<vmem>>, vector<16xf32>,
        %mul3A_1461 = arith.mulf %get3A_1460, %gather3A_1400 : vector<16xf32>
        %add3A_1462 = arith.constant 13 : i32
        %add3A_1463 = arith.addi %mul3A_90, %add3A_1462 : i32
        %swap3A_1464 = arith.index_cast %add3A_1463 : i32 to index
        %swap3A_1465 = arith.constant 80 : index
        %swap3A_1466 = tpu.vector_load %arg18[%swap3A_1464, %swap3A_1465] {strides = array<i32>} : memref<128x128xf32, #tpu.memory_space<vmem>>, vector<16xf32>,
        tpu.vector_store %arg18[%swap3A_1464, %swap3A_1465], %mul3A_1461 {strides = array<i32>} : memref<128x128xf32, #tpu.memory_space<vmem>>, vector<16xf32>,
        %add3A_1467 = arith.constant 13 : i32
        %add3A_1468 = arith.addi %mul3A_90, %add3A_1467 : i32
        %get3A_1469 = arith.index_cast %add3A_1468 : i32 to index
        %get3A_1470 = arith.constant 96 : index
        %get3A_1471 = tpu.vector_load %arg18[%get3A_1469, %get3A_1470] {strides = array<i32>} : memref<128x128xf32, #tpu.memory_space<vmem>>, vector<16xf32>,
        %mul3A_1472 = arith.mulf %get3A_1471, %gather3A_1400 : vector<16xf32>
        %add3A_1473 = arith.constant 13 : i32
        %add3A_1474 = arith.addi %mul3A_90, %add3A_1473 : i32
        %swap3A_1475 = arith.index_cast %add3A_1474 : i32 to index
        %swap3A_1476 = arith.constant 96 : index
        %swap3A_1477 = tpu.vector_load %arg18[%swap3A_1475, %swap3A_1476] {strides = array<i32>} : memref<128x128xf32, #tpu.memory_space<vmem>>, vector<16xf32>,
        tpu.vector_store %arg18[%swap3A_1475, %swap3A_1476], %mul3A_1472 {strides = array<i32>} : memref<128x128xf32, #tpu.memory_space<vmem>>, vector<16xf32>,
        %add3A_1478 = arith.constant 13 : i32
        %add3A_1479 = arith.addi %mul3A_90, %add3A_1478 : i32
        %get3A_1480 = arith.index_cast %add3A_1479 : i32 to index
        %get3A_1481 = arith.constant 112 : index
        %get3A_1482 = tpu.vector_load %arg18[%get3A_1480, %get3A_1481] {strides = array<i32>} : memref<128x128xf32, #tpu.memory_space<vmem>>, vector<16xf32>,
        %mul3A_1483 = arith.mulf %get3A_1482, %gather3A_1400 : vector<16xf32>
        %add3A_1484 = arith.constant 13 : i32
        %add3A_1485 = arith.addi %mul3A_90, %add3A_1484 : i32
        %swap3A_1486 = arith.index_cast %add3A_1485 : i32 to index
        %swap3A_1487 = arith.constant 112 : index
        %swap3A_1488 = tpu.vector_load %arg18[%swap3A_1486, %swap3A_1487] {strides = array<i32>} : memref<128x128xf32, #tpu.memory_space<vmem>>, vector<16xf32>,
        tpu.vector_store %arg18[%swap3A_1486, %swap3A_1487], %mul3A_1483 {strides = array<i32>} : memref<128x128xf32, #tpu.memory_space<vmem>>, vector<16xf32>,
        %broadcast_in_dim3A_1489 = arith.constant 14 : i32
        %broadcast_in_dim3A_1490 = vector.broadcast %broadcast_in_dim3A_1489 : i32 to vector<16xi32>
        %lt3A_1491 = arith.constant 0 : i32
        %lt3A_1492 = vector.broadcast %lt3A_1491 : i32 to vector<16xi32>
        %lt3A_1493 = arith.cmpi slt, %broadcast_in_dim3A_1490, %lt3A_1492 : vector<16xi32>
        %add3A_1494 = arith.constant 16 : i32
        %add3A_1495 = vector.broadcast %add3A_1494 : i32 to vector<16xi32>
        %add3A_1496 = arith.addi %broadcast_in_dim3A_1490, %add3A_1495 : vector<16xi32>
        %select_n3A_1497 = arith.select %lt3A_1493, %add3A_1496, %broadcast_in_dim3A_1490 : vector<16xi1>, vector<16xi32>
        %broadcast_in_dim3A_1498 = vector.shape_cast %select_n3A_1497 : vector<16xi32> to vector<16x1xi32>
        %gather3A_1499 = vector.shape_cast %broadcast_in_dim3A_1498 : vector<16x1xi32> to vector<16xi32>
        %gather3A_1500 = tpu.dynamic_gather %div3A[%gather3A_1499] in [0] : vector<16xf32>, vector<16xi32> -> vector<16xf32>
        %add3A_1501 = arith.constant 14 : i32
        %add3A_1502 = arith.addi %mul3A_90, %add3A_1501 : i32
        %get3A_1503 = arith.index_cast %add3A_1502 : i32 to index
        %get3A_1504 = arith.constant 0 : index
        %get3A_1505 = tpu.vector_load %arg18[%get3A_1503, %get3A_1504] {strides = array<i32>} : memref<128x128xf32, #tpu.memory_space<vmem>>, vector<16xf32>,
        %mul3A_1506 = arith.mulf %get3A_1505, %gather3A_1500 : vector<16xf32>
        %add3A_1507 = arith.constant 14 : i32
        %add3A_1508 = arith.addi %mul3A_90, %add3A_1507 : i32
        %swap3A_1509 = arith.index_cast %add3A_1508 : i32 to index
        %swap3A_1510 = arith.constant 0 : index
        %swap3A_1511 = tpu.vector_load %arg18[%swap3A_1509, %swap3A_1510] {strides = array<i32>} : memref<128x128xf32, #tpu.memory_space<vmem>>, vector<16xf32>,
        tpu.vector_store %arg18[%swap3A_1509, %swap3A_1510], %mul3A_1506 {strides = array<i32>} : memref<128x128xf32, #tpu.memory_space<vmem>>, vector<16xf32>,
        %add3A_1512 = arith.constant 14 : i32
        %add3A_1513 = arith.addi %mul3A_90, %add3A_1512 : i32
        %get3A_1514 = arith.index_cast %add3A_1513 : i32 to index
        %get3A_1515 = arith.constant 16 : index
        %get3A_1516 = tpu.vector_load %arg18[%get3A_1514, %get3A_1515] {strides = array<i32>} : memref<128x128xf32, #tpu.memory_space<vmem>>, vector<16xf32>,
        %mul3A_1517 = arith.mulf %get3A_1516, %gather3A_1500 : vector<16xf32>
        %add3A_1518 = arith.constant 14 : i32
        %add3A_1519 = arith.addi %mul3A_90, %add3A_1518 : i32
        %swap3A_1520 = arith.index_cast %add3A_1519 : i32 to index
        %swap3A_1521 = arith.constant 16 : index
        %swap3A_1522 = tpu.vector_load %arg18[%swap3A_1520, %swap3A_1521] {strides = array<i32>} : memref<128x128xf32, #tpu.memory_space<vmem>>, vector<16xf32>,
        tpu.vector_store %arg18[%swap3A_1520, %swap3A_1521], %mul3A_1517 {strides = array<i32>} : memref<128x128xf32, #tpu.memory_space<vmem>>, vector<16xf32>,
        %add3A_1523 = arith.constant 14 : i32
        %add3A_1524 = arith.addi %mul3A_90, %add3A_1523 : i32
        %get3A_1525 = arith.index_cast %add3A_1524 : i32 to index
        %get3A_1526 = arith.constant 32 : index
        %get3A_1527 = tpu.vector_load %arg18[%get3A_1525, %get3A_1526] {strides = array<i32>} : memref<128x128xf32, #tpu.memory_space<vmem>>, vector<16xf32>,
        %mul3A_1528 = arith.mulf %get3A_1527, %gather3A_1500 : vector<16xf32>
        %add3A_1529 = arith.constant 14 : i32
        %add3A_1530 = arith.addi %mul3A_90, %add3A_1529 : i32
        %swap3A_1531 = arith.index_cast %add3A_1530 : i32 to index
        %swap3A_1532 = arith.constant 32 : index
        %swap3A_1533 = tpu.vector_load %arg18[%swap3A_1531, %swap3A_1532] {strides = array<i32>} : memref<128x128xf32, #tpu.memory_space<vmem>>, vector<16xf32>,
        tpu.vector_store %arg18[%swap3A_1531, %swap3A_1532], %mul3A_1528 {strides = array<i32>} : memref<128x128xf32, #tpu.memory_space<vmem>>, vector<16xf32>,
        %add3A_1534 = arith.constant 14 : i32
        %add3A_1535 = arith.addi %mul3A_90, %add3A_1534 : i32
        %get3A_1536 = arith.index_cast %add3A_1535 : i32 to index
        %get3A_1537 = arith.constant 48 : index
        %get3A_1538 = tpu.vector_load %arg18[%get3A_1536, %get3A_1537] {strides = array<i32>} : memref<128x128xf32, #tpu.memory_space<vmem>>, vector<16xf32>,
        %mul3A_1539 = arith.mulf %get3A_1538, %gather3A_1500 : vector<16xf32>
        %add3A_1540 = arith.constant 14 : i32
        %add3A_1541 = arith.addi %mul3A_90, %add3A_1540 : i32
        %swap3A_1542 = arith.index_cast %add3A_1541 : i32 to index
        %swap3A_1543 = arith.constant 48 : index
        %swap3A_1544 = tpu.vector_load %arg18[%swap3A_1542, %swap3A_1543] {strides = array<i32>} : memref<128x128xf32, #tpu.memory_space<vmem>>, vector<16xf32>,
        tpu.vector_store %arg18[%swap3A_1542, %swap3A_1543], %mul3A_1539 {strides = array<i32>} : memref<128x128xf32, #tpu.memory_space<vmem>>, vector<16xf32>,
        %add3A_1545 = arith.constant 14 : i32
        %add3A_1546 = arith.addi %mul3A_90, %add3A_1545 : i32
        %get3A_1547 = arith.index_cast %add3A_1546 : i32 to index
        %get3A_1548 = arith.constant 64 : index
        %get3A_1549 = tpu.vector_load %arg18[%get3A_1547, %get3A_1548] {strides = array<i32>} : memref<128x128xf32, #tpu.memory_space<vmem>>, vector<16xf32>,
        %mul3A_1550 = arith.mulf %get3A_1549, %gather3A_1500 : vector<16xf32>
        %add3A_1551 = arith.constant 14 : i32
        %add3A_1552 = arith.addi %mul3A_90, %add3A_1551 : i32
        %swap3A_1553 = arith.index_cast %add3A_1552 : i32 to index
        %swap3A_1554 = arith.constant 64 : index
        %swap3A_1555 = tpu.vector_load %arg18[%swap3A_1553, %swap3A_1554] {strides = array<i32>} : memref<128x128xf32, #tpu.memory_space<vmem>>, vector<16xf32>,
        tpu.vector_store %arg18[%swap3A_1553, %swap3A_1554], %mul3A_1550 {strides = array<i32>} : memref<128x128xf32, #tpu.memory_space<vmem>>, vector<16xf32>,
        %add3A_1556 = arith.constant 14 : i32
        %add3A_1557 = arith.addi %mul3A_90, %add3A_1556 : i32
        %get3A_1558 = arith.index_cast %add3A_1557 : i32 to index
        %get3A_1559 = arith.constant 80 : index
        %get3A_1560 = tpu.vector_load %arg18[%get3A_1558, %get3A_1559] {strides = array<i32>} : memref<128x128xf32, #tpu.memory_space<vmem>>, vector<16xf32>,
        %mul3A_1561 = arith.mulf %get3A_1560, %gather3A_1500 : vector<16xf32>
        %add3A_1562 = arith.constant 14 : i32
        %add3A_1563 = arith.addi %mul3A_90, %add3A_1562 : i32
        %swap3A_1564 = arith.index_cast %add3A_1563 : i32 to index
        %swap3A_1565 = arith.constant 80 : index
        %swap3A_1566 = tpu.vector_load %arg18[%swap3A_1564, %swap3A_1565] {strides = array<i32>} : memref<128x128xf32, #tpu.memory_space<vmem>>, vector<16xf32>,
        tpu.vector_store %arg18[%swap3A_1564, %swap3A_1565], %mul3A_1561 {strides = array<i32>} : memref<128x128xf32, #tpu.memory_space<vmem>>, vector<16xf32>,
        %add3A_1567 = arith.constant 14 : i32
        %add3A_1568 = arith.addi %mul3A_90, %add3A_1567 : i32
        %get3A_1569 = arith.index_cast %add3A_1568 : i32 to index
        %get3A_1570 = arith.constant 96 : index
        %get3A_1571 = tpu.vector_load %arg18[%get3A_1569, %get3A_1570] {strides = array<i32>} : memref<128x128xf32, #tpu.memory_space<vmem>>, vector<16xf32>,
        %mul3A_1572 = arith.mulf %get3A_1571, %gather3A_1500 : vector<16xf32>
        %add3A_1573 = arith.constant 14 : i32
        %add3A_1574 = arith.addi %mul3A_90, %add3A_1573 : i32
        %swap3A_1575 = arith.index_cast %add3A_1574 : i32 to index
        %swap3A_1576 = arith.constant 96 : index
        %swap3A_1577 = tpu.vector_load %arg18[%swap3A_1575, %swap3A_1576] {strides = array<i32>} : memref<128x128xf32, #tpu.memory_space<vmem>>, vector<16xf32>,
        tpu.vector_store %arg18[%swap3A_1575, %swap3A_1576], %mul3A_1572 {strides = array<i32>} : memref<128x128xf32, #tpu.memory_space<vmem>>, vector<16xf32>,
        %add3A_1578 = arith.constant 14 : i32
        %add3A_1579 = arith.addi %mul3A_90, %add3A_1578 : i32
        %get3A_1580 = arith.index_cast %add3A_1579 : i32 to index
        %get3A_1581 = arith.constant 112 : index
        %get3A_1582 = tpu.vector_load %arg18[%get3A_1580, %get3A_1581] {strides = array<i32>} : memref<128x128xf32, #tpu.memory_space<vmem>>, vector<16xf32>,
        %mul3A_1583 = arith.mulf %get3A_1582, %gather3A_1500 : vector<16xf32>
        %add3A_1584 = arith.constant 14 : i32
        %add3A_1585 = arith.addi %mul3A_90, %add3A_1584 : i32
        %swap3A_1586 = arith.index_cast %add3A_1585 : i32 to index
        %swap3A_1587 = arith.constant 112 : index
        %swap3A_1588 = tpu.vector_load %arg18[%swap3A_1586, %swap3A_1587] {strides = array<i32>} : memref<128x128xf32, #tpu.memory_space<vmem>>, vector<16xf32>,
        tpu.vector_store %arg18[%swap3A_1586, %swap3A_1587], %mul3A_1583 {strides = array<i32>} : memref<128x128xf32, #tpu.memory_space<vmem>>, vector<16xf32>,
        %broadcast_in_dim3A_1589 = arith.constant 15 : i32
        %broadcast_in_dim3A_1590 = vector.broadcast %broadcast_in_dim3A_1589 : i32 to vector<16xi32>
        %lt3A_1591 = arith.constant 0 : i32
        %lt3A_1592 = vector.broadcast %lt3A_1591 : i32 to vector<16xi32>
        %lt3A_1593 = arith.cmpi slt, %broadcast_in_dim3A_1590, %lt3A_1592 : vector<16xi32>
        %add3A_1594 = arith.constant 16 : i32
        %add3A_1595 = vector.broadcast %add3A_1594 : i32 to vector<16xi32>
        %add3A_1596 = arith.addi %broadcast_in_dim3A_1590, %add3A_1595 : vector<16xi32>
        %select_n3A_1597 = arith.select %lt3A_1593, %add3A_1596, %broadcast_in_dim3A_1590 : vector<16xi1>, vector<16xi32>
        %broadcast_in_dim3A_1598 = vector.shape_cast %select_n3A_1597 : vector<16xi32> to vector<16x1xi32>
        %gather3A_1599 = vector.shape_cast %broadcast_in_dim3A_1598 : vector<16x1xi32> to vector<16xi32>
        %gather3A_1600 = tpu.dynamic_gather %div3A[%gather3A_1599] in [0] : vector<16xf32>, vector<16xi32> -> vector<16xf32>
        %add3A_1601 = arith.constant 15 : i32
        %add3A_1602 = arith.addi %mul3A_90, %add3A_1601 : i32
        %get3A_1603 = arith.index_cast %add3A_1602 : i32 to index
        %get3A_1604 = arith.constant 0 : index
        %get3A_1605 = tpu.vector_load %arg18[%get3A_1603, %get3A_1604] {strides = array<i32>} : memref<128x128xf32, #tpu.memory_space<vmem>>, vector<16xf32>,
        %mul3A_1606 = arith.mulf %get3A_1605, %gather3A_1600 : vector<16xf32>
        %add3A_1607 = arith.constant 15 : i32
        %add3A_1608 = arith.addi %mul3A_90, %add3A_1607 : i32
        %swap3A_1609 = arith.index_cast %add3A_1608 : i32 to index
        %swap3A_1610 = arith.constant 0 : index
        %swap3A_1611 = tpu.vector_load %arg18[%swap3A_1609, %swap3A_1610] {strides = array<i32>} : memref<128x128xf32, #tpu.memory_space<vmem>>, vector<16xf32>,
        tpu.vector_store %arg18[%swap3A_1609, %swap3A_1610], %mul3A_1606 {strides = array<i32>} : memref<128x128xf32, #tpu.memory_space<vmem>>, vector<16xf32>,
        %add3A_1612 = arith.constant 15 : i32
        %add3A_1613 = arith.addi %mul3A_90, %add3A_1612 : i32
        %get3A_1614 = arith.index_cast %add3A_1613 : i32 to index
        %get3A_1615 = arith.constant 16 : index
        %get3A_1616 = tpu.vector_load %arg18[%get3A_1614, %get3A_1615] {strides = array<i32>} : memref<128x128xf32, #tpu.memory_space<vmem>>, vector<16xf32>,
        %mul3A_1617 = arith.mulf %get3A_1616, %gather3A_1600 : vector<16xf32>
        %add3A_1618 = arith.constant 15 : i32
        %add3A_1619 = arith.addi %mul3A_90, %add3A_1618 : i32
        %swap3A_1620 = arith.index_cast %add3A_1619 : i32 to index
        %swap3A_1621 = arith.constant 16 : index
        %swap3A_1622 = tpu.vector_load %arg18[%swap3A_1620, %swap3A_1621] {strides = array<i32>} : memref<128x128xf32, #tpu.memory_space<vmem>>, vector<16xf32>,
        tpu.vector_store %arg18[%swap3A_1620, %swap3A_1621], %mul3A_1617 {strides = array<i32>} : memref<128x128xf32, #tpu.memory_space<vmem>>, vector<16xf32>,
        %add3A_1623 = arith.constant 15 : i32
        %add3A_1624 = arith.addi %mul3A_90, %add3A_1623 : i32
        %get3A_1625 = arith.index_cast %add3A_1624 : i32 to index
        %get3A_1626 = arith.constant 32 : index
        %get3A_1627 = tpu.vector_load %arg18[%get3A_1625, %get3A_1626] {strides = array<i32>} : memref<128x128xf32, #tpu.memory_space<vmem>>, vector<16xf32>,
        %mul3A_1628 = arith.mulf %get3A_1627, %gather3A_1600 : vector<16xf32>
        %add3A_1629 = arith.constant 15 : i32
        %add3A_1630 = arith.addi %mul3A_90, %add3A_1629 : i32
        %swap3A_1631 = arith.index_cast %add3A_1630 : i32 to index
        %swap3A_1632 = arith.constant 32 : index
        %swap3A_1633 = tpu.vector_load %arg18[%swap3A_1631, %swap3A_1632] {strides = array<i32>} : memref<128x128xf32, #tpu.memory_space<vmem>>, vector<16xf32>,
        tpu.vector_store %arg18[%swap3A_1631, %swap3A_1632], %mul3A_1628 {strides = array<i32>} : memref<128x128xf32, #tpu.memory_space<vmem>>, vector<16xf32>,
        %add3A_1634 = arith.constant 15 : i32
        %add3A_1635 = arith.addi %mul3A_90, %add3A_1634 : i32
        %get3A_1636 = arith.index_cast %add3A_1635 : i32 to index
        %get3A_1637 = arith.constant 48 : index
        %get3A_1638 = tpu.vector_load %arg18[%get3A_1636, %get3A_1637] {strides = array<i32>} : memref<128x128xf32, #tpu.memory_space<vmem>>, vector<16xf32>,
        %mul3A_1639 = arith.mulf %get3A_1638, %gather3A_1600 : vector<16xf32>
        %add3A_1640 = arith.constant 15 : i32
        %add3A_1641 = arith.addi %mul3A_90, %add3A_1640 : i32
        %swap3A_1642 = arith.index_cast %add3A_1641 : i32 to index
        %swap3A_1643 = arith.constant 48 : index
        %swap3A_1644 = tpu.vector_load %arg18[%swap3A_1642, %swap3A_1643] {strides = array<i32>} : memref<128x128xf32, #tpu.memory_space<vmem>>, vector<16xf32>,
        tpu.vector_store %arg18[%swap3A_1642, %swap3A_1643], %mul3A_1639 {strides = array<i32>} : memref<128x128xf32, #tpu.memory_space<vmem>>, vector<16xf32>,
        %add3A_1645 = arith.constant 15 : i32
        %add3A_1646 = arith.addi %mul3A_90, %add3A_1645 : i32
        %get3A_1647 = arith.index_cast %add3A_1646 : i32 to index
        %get3A_1648 = arith.constant 64 : index
        %get3A_1649 = tpu.vector_load %arg18[%get3A_1647, %get3A_1648] {strides = array<i32>} : memref<128x128xf32, #tpu.memory_space<vmem>>, vector<16xf32>,
        %mul3A_1650 = arith.mulf %get3A_1649, %gather3A_1600 : vector<16xf32>
        %add3A_1651 = arith.constant 15 : i32
        %add3A_1652 = arith.addi %mul3A_90, %add3A_1651 : i32
        %swap3A_1653 = arith.index_cast %add3A_1652 : i32 to index
        %swap3A_1654 = arith.constant 64 : index
        %swap3A_1655 = tpu.vector_load %arg18[%swap3A_1653, %swap3A_1654] {strides = array<i32>} : memref<128x128xf32, #tpu.memory_space<vmem>>, vector<16xf32>,
        tpu.vector_store %arg18[%swap3A_1653, %swap3A_1654], %mul3A_1650 {strides = array<i32>} : memref<128x128xf32, #tpu.memory_space<vmem>>, vector<16xf32>,
        %add3A_1656 = arith.constant 15 : i32
        %add3A_1657 = arith.addi %mul3A_90, %add3A_1656 : i32
        %get3A_1658 = arith.index_cast %add3A_1657 : i32 to index
        %get3A_1659 = arith.constant 80 : index
        %get3A_1660 = tpu.vector_load %arg18[%get3A_1658, %get3A_1659] {strides = array<i32>} : memref<128x128xf32, #tpu.memory_space<vmem>>, vector<16xf32>,
        %mul3A_1661 = arith.mulf %get3A_1660, %gather3A_1600 : vector<16xf32>
        %add3A_1662 = arith.constant 15 : i32
        %add3A_1663 = arith.addi %mul3A_90, %add3A_1662 : i32
        %swap3A_1664 = arith.index_cast %add3A_1663 : i32 to index
        %swap3A_1665 = arith.constant 80 : index
        %swap3A_1666 = tpu.vector_load %arg18[%swap3A_1664, %swap3A_1665] {strides = array<i32>} : memref<128x128xf32, #tpu.memory_space<vmem>>, vector<16xf32>,
        tpu.vector_store %arg18[%swap3A_1664, %swap3A_1665], %mul3A_1661 {strides = array<i32>} : memref<128x128xf32, #tpu.memory_space<vmem>>, vector<16xf32>,
        %add3A_1667 = arith.constant 15 : i32
        %add3A_1668 = arith.addi %mul3A_90, %add3A_1667 : i32
        %get3A_1669 = arith.index_cast %add3A_1668 : i32 to index
        %get3A_1670 = arith.constant 96 : index
        %get3A_1671 = tpu.vector_load %arg18[%get3A_1669, %get3A_1670] {strides = array<i32>} : memref<128x128xf32, #tpu.memory_space<vmem>>, vector<16xf32>,
        %mul3A_1672 = arith.mulf %get3A_1671, %gather3A_1600 : vector<16xf32>
        %add3A_1673 = arith.constant 15 : i32
        %add3A_1674 = arith.addi %mul3A_90, %add3A_1673 : i32
        %swap3A_1675 = arith.index_cast %add3A_1674 : i32 to index
        %swap3A_1676 = arith.constant 96 : index
        %swap3A_1677 = tpu.vector_load %arg18[%swap3A_1675, %swap3A_1676] {strides = array<i32>} : memref<128x128xf32, #tpu.memory_space<vmem>>, vector<16xf32>,
        tpu.vector_store %arg18[%swap3A_1675, %swap3A_1676], %mul3A_1672 {strides = array<i32>} : memref<128x128xf32, #tpu.memory_space<vmem>>, vector<16xf32>,
        %add3A_1678 = arith.constant 15 : i32
        %add3A_1679 = arith.addi %mul3A_90, %add3A_1678 : i32
        %get3A_1680 = arith.index_cast %add3A_1679 : i32 to index
        %get3A_1681 = arith.constant 112 : index
        %get3A_1682 = tpu.vector_load %arg18[%get3A_1680, %get3A_1681] {strides = array<i32>} : memref<128x128xf32, #tpu.memory_space<vmem>>, vector<16xf32>,
        %mul3A_1683 = arith.mulf %get3A_1682, %gather3A_1600 : vector<16xf32>
        %add3A_1684 = arith.constant 15 : i32
        %add3A_1685 = arith.addi %mul3A_90, %add3A_1684 : i32
        %swap3A_1686 = arith.index_cast %add3A_1685 : i32 to index
        %swap3A_1687 = arith.constant 112 : index
        %swap3A_1688 = tpu.vector_load %arg18[%swap3A_1686, %swap3A_1687] {strides = array<i32>} : memref<128x128xf32, #tpu.memory_space<vmem>>, vector<16xf32>,
        tpu.vector_store %arg18[%swap3A_1686, %swap3A_1687], %mul3A_1683 {strides = array<i32>} : memref<128x128xf32, #tpu.memory_space<vmem>>, vector<16xf32>,
      }
      %scan3A_61 = arith.constant 8 : i32
      "tpu.region"() ({
        %run_scoped3A = tpu.sem_alloc : memref<!tpu.dma_semaphore, #tpu.memory_space<semaphore_mem>>
        %dma_start3A_62 = arith.constant 0 : i32
        %dma_start3A_63 = arith.constant 0 : i32
        %dma_start3A_64 = tpu.memref_slice %arg20[%dma_start3A_62, %dma_start3A_63] : memref<10240x128xf32, #tpu.memory_space<vmem_shared>> -> memref<10240x128xf32, #tpu.memory_space<vmem_shared>>
        tpu.enqueue_indirect_dma source(%arg18 : memref<128x128xf32, #tpu.memory_space<vmem>>) target(%dma_start3A_64 : memref<10240x128xf32, #tpu.memory_space<vmem_shared>>) offsets(%arg15 : memref<128xi32, #tpu.memory_space<vmem>>) semaphore(%run_scoped3A : memref<!tpu.dma_semaphore, #tpu.memory_space<semaphore_mem>>) {add = true}
        %dma_wait3A_65 = arith.constant 0 : i32
        %dma_wait3A_66 = arith.constant 0 : i32
        %dma_wait3A_67 = tpu.memref_slice %arg20[%dma_wait3A_65, %dma_wait3A_66] : memref<10240x128xf32, #tpu.memory_space<vmem_shared>> -> memref<10240x128xf32, #tpu.memory_space<vmem_shared>>
        tpu.wait_indirect_dma semaphore(%run_scoped3A : memref<!tpu.dma_semaphore, #tpu.memory_space<semaphore_mem>>) src(%arg18 : memref<128x128xf32, #tpu.memory_space<vmem>>) dst(%dma_wait3A_67 : memref<10240x128xf32, #tpu.memory_space<vmem_shared>>)
        tpu.yield
      }) : () -> ()
    }
    %barrier3A_36 = arith.constant 0 : index
    tpu.barrier barrier_id(%barrier3A_36)
    %mul3A_37 = arith.constant 10240 : i32
    %mul3A_38 = arith.muli %arg0, %mul3A_37 : i32
    %add3A_39 = arith.addi %mul3A_38, %mul3A_2 : i32
    %scan3A_40 = arith.constant 0 : i32
    %scan3A_41 = arith.constant 0 : i32
    %scan3A_42 = arith.constant 5 : i32
    %scan3A_43 = arith.addi %scan3A_41, %scan3A_42 : i32
    %scan3A_44 = arith.constant 1 : i32
    scf.for %scan3A_46 = %scan3A_41 to %scan3A_43 step %scan3A_44  : i32 {
      %mul3A_47 = arith.constant 128 : i32
      %mul3A_48 = arith.muli %scan3A_46, %mul3A_47 : i32
      %add3A_49 = arith.addi %mul3A_2, %mul3A_48 : i32
      %mul3A_50 = arith.constant 128 : i32
      %mul3A_51 = arith.muli %scan3A_46, %mul3A_50 : i32
      %add3A_52 = arith.addi %add3A_39, %mul3A_51 : i32
      "tpu.region"() ({
        %run_scoped3A = tpu.sem_alloc : memref<!tpu.dma_semaphore, #tpu.memory_space<semaphore_mem>>
        %dma_start3A = arith.constant 0 : i32
        %dma_start3A_53 = tpu.memref_slice %arg10[%add3A_52, %dma_start3A] : memref<20480x128xf32, #tpu.memory_space<hbm>> -> memref<128x128xf32, #tpu.memory_space<hbm>>
        %dma_start3A_54 = arith.constant 0 : i32
        %dma_start3A_55 = tpu.memref_slice %arg20[%add3A_49, %dma_start3A_54] : memref<10240x128xf32, #tpu.memory_space<vmem_shared>> -> memref<128x128xf32, #tpu.memory_space<vmem_shared>>
        tpu.enqueue_dma source(%dma_start3A_55 : memref<128x128xf32, #tpu.memory_space<vmem_shared>>) target(%dma_start3A_53 : memref<128x128xf32, #tpu.memory_space<hbm>>) target_semaphore(%run_scoped3A : memref<!tpu.dma_semaphore, #tpu.memory_space<semaphore_mem>>)
        %dma_wait3A = arith.constant 0 : i32
        %dma_wait3A_56 = tpu.memref_slice %arg10[%add3A_52, %dma_wait3A] : memref<20480x128xf32, #tpu.memory_space<hbm>> -> memref<128x128xf32, #tpu.memory_space<hbm>>
        %dma_wait3A_57 = arith.constant 0 : i32
        %dma_wait3A_58 = tpu.memref_slice %arg20[%add3A_49, %dma_wait3A_57] : memref<10240x128xf32, #tpu.memory_space<vmem_shared>> -> memref<128x128xf32, #tpu.memory_space<vmem_shared>>
        tpu.wait_dma2 semaphore(%run_scoped3A : memref<!tpu.dma_semaphore, #tpu.memory_space<semaphore_mem>>) src(%dma_wait3A_58 : memref<128x128xf32, #tpu.memory_space<vmem_shared>>) dst(%dma_wait3A_56 : memref<128x128xf32, #tpu.memory_space<hbm>>)
        tpu.yield
      }) : () -> ()
    }
    %scan3A_45 = arith.constant 5 : i32
    return
  }
}

module attributes {stable_mosaic.version = 14 : i64} {
  func.func @body(%arg0: i32, %arg1: memref<1000x128xf32, #tpu.memory_space<vmem>>, %arg2: memref<128x128xf32, #tpu.memory_space<vmem>>, %arg3: memref<128x128xf32, #tpu.memory_space<vmem>>, %arg4: memref<1000x128xf32, #tpu.memory_space<vmem>>, %arg5: memref<1000x128xf32, #tpu.memory_space<vmem>>, %arg6: memref<1xf32, #tpu.memory_space<smem>>) attributes {dimension_semantics = [#tpu.dimension_semantics<arbitrary>], iteration_bounds = array<i64: 10>, scalar_prefetch = 0 : i64, scratch_operands = 0 : i64, tpu.core_type = #tpu.core_type<tc>, window_params = [{transform_indices = @transform_0, window_bounds = array<i64: 1000, 128>}, {pipeline_mode = #tpu.pipeline_mode<synchronous>, transform_indices = @transform_1, window_bounds = array<i64: 128, 128>}, {pipeline_mode = #tpu.pipeline_mode<synchronous>, transform_indices = @transform_2, window_bounds = array<i64: 128, 128>}, {transform_indices = @transform_3, window_bounds = array<i64: 1000, 128>}, {transform_indices = @transform_4, window_bounds = array<i64: 1000, 128>}, {transform_indices = @transform_5, window_bounds = array<i64: 1>}]} {
    %get3A = arith.constant 0 : index
    %get3A_0 = arith.constant 0 : index
    %get3A_1 = vector.load %arg1[%get3A, %get3A_0] : memref<1000x128xf32, #tpu.memory_space<vmem>>, vector<1000x128xf32>
    %get3A_2 = arith.constant 0 : index
    %get3A_3 = arith.constant 0 : index
    %get3A_4 = vector.load %arg2[%get3A_2, %get3A_3] : memref<128x128xf32, #tpu.memory_space<vmem>>, vector<128x128xf32>
    %dot_general3A = arith.constant dense<0.000000e+00> : vector<1000x128xf32>
    %dot_general3A_5 = tpu.matmul %get3A_1, %get3A_4, %dot_general3A {dimension_numbers = #tpu.dot_dimension_numbers<[1], [0], [0], [1], [0, 0, 1, 1], [], []>, transpose_lhs_hint = false} : vector<1000x128xf32>, vector<128x128xf32>, vector<1000x128xf32> -> vector<1000x128xf32>
    %swap3A = arith.constant 0 : index
    %swap3A_6 = arith.constant 0 : index
    %swap3A_7 = vector.load %arg4[%swap3A, %swap3A_6] : memref<1000x128xf32, #tpu.memory_space<vmem>>, vector<1000x128xf32>
    tpu.vector_store %arg4[%swap3A, %swap3A_6], %dot_general3A_5 {strides = array<i32>} : memref<1000x128xf32, #tpu.memory_space<vmem>>, vector<1000x128xf32>,
    %get3A_8 = arith.constant 0 : index
    %get3A_9 = arith.constant 0 : index
    %get3A_10 = vector.load %arg3[%get3A_8, %get3A_9] : memref<128x128xf32, #tpu.memory_space<vmem>>, vector<128x128xf32>
    %dot_general3A_11 = arith.constant dense<0.000000e+00> : vector<1000x128xf32>
    %dot_general3A_12 = tpu.matmul %dot_general3A_5, %get3A_10, %dot_general3A_11 {dimension_numbers = #tpu.dot_dimension_numbers<[1], [0], [0], [1], [0, 0, 1, 1], [], []>, transpose_lhs_hint = false} : vector<1000x128xf32>, vector<128x128xf32>, vector<1000x128xf32> -> vector<1000x128xf32>
    %swap3A_13 = arith.constant 0 : index
    %swap3A_14 = arith.constant 0 : index
    %swap3A_15 = vector.load %arg5[%swap3A_13, %swap3A_14] : memref<1000x128xf32, #tpu.memory_space<vmem>>, vector<1000x128xf32>
    tpu.vector_store %arg5[%swap3A_13, %swap3A_14], %dot_general3A_12 {strides = array<i32>} : memref<1000x128xf32, #tpu.memory_space<vmem>>, vector<1000x128xf32>,
    %slice3A = vector.extract_strided_slice %dot_general3A_12 {offsets = [0, 1], sizes = [1000, 1], strides = [1, 1]} : vector<1000x128xf32> to vector<1000x1xf32>
    %squeeze3A = vector.shape_cast %slice3A : vector<1000x1xf32> to vector<1000xf32>
    %reduce_max3A = vector.shape_cast %squeeze3A : vector<1000xf32> to vector<1x1000xf32>
    %reduce_max3A_16 = arith.constant dense<0xFF800000> : vector<1xf32>
    %reduce_max3A_17 = vector.multi_reduction <maximumf>, %reduce_max3A, %reduce_max3A_16 [1] : vector<1x1000xf32> to vector<1xf32>
    %reduce_max3A_18 = vector.shape_cast %reduce_max3A_17 : vector<1xf32> to vector<1x1xf32>
    %reduce_max3A_19 = vector.extract %reduce_max3A_18[0, 0] : f32 from vector<1x1xf32>
    %eq3A = arith.constant 0 : i32
    %eq3A_20 = arith.cmpi eq, %arg0, %eq3A : i32
    %convert_element_type3A = arith.extui %eq3A_20 : i1 to i32
    %cond3A = arith.constant 0 : i32
    %cond3A_21 = arith.cmpi ne, %convert_element_type3A, %cond3A : i32
    scf.if %cond3A_21 {
      %swap3A_26 = arith.constant 0 : index
      %swap3A_27 = memref.load %arg6[%swap3A_26] : memref<1xf32, #tpu.memory_space<smem>>
      memref.store %reduce_max3A_19, %arg6[%swap3A_26] : memref<1xf32, #tpu.memory_space<smem>>
    } else {
    }
    %ne3A = arith.constant 0 : i32
    %ne3A_22 = arith.cmpi ne, %arg0, %ne3A : i32
    %convert_element_type3A_23 = arith.extui %ne3A_22 : i1 to i32
    %cond3A_24 = arith.constant 0 : i32
    %cond3A_25 = arith.cmpi ne, %convert_element_type3A_23, %cond3A_24 : i32
    scf.if %cond3A_25 {
      %get3A_26 = arith.constant 0 : index
      %get3A_27 = memref.load %arg6[%get3A_26] : memref<1xf32, #tpu.memory_space<smem>>
      %max3A = arith.maximumf %get3A_27, %reduce_max3A_19 : f32
      %swap3A_28 = arith.constant 0 : index
      %swap3A_29 = memref.load %arg6[%swap3A_28] : memref<1xf32, #tpu.memory_space<smem>>
      memref.store %max3A, %arg6[%swap3A_28] : memref<1xf32, #tpu.memory_space<smem>>
    } else {
    }
    return
  }
  func.func @transform_0(%arg0: i32) -> (i32, i32) {
    %c0_i32 = arith.constant 0 : i32
    %c0_i32_0 = arith.constant 0 : i32
    return %arg0, %c0_i32 : i32, i32
  }
  func.func @transform_1(%arg0: i32) -> (i32, i32) {
    %c0_i32 = arith.constant 0 : i32
    %c0_i32_0 = arith.constant 0 : i32
    %c0_i32_1 = arith.constant 0 : i32
    return %c0_i32, %c0_i32_0 : i32, i32
  }
  func.func @transform_2(%arg0: i32) -> (i32, i32) {
    %c0_i32 = arith.constant 0 : i32
    %c0_i32_0 = arith.constant 0 : i32
    %c0_i32_1 = arith.constant 0 : i32
    return %c0_i32, %c0_i32_0 : i32, i32
  }
  func.func @transform_3(%arg0: i32) -> (i32, i32) {
    %c0_i32 = arith.constant 0 : i32
    %c0_i32_0 = arith.constant 0 : i32
    return %arg0, %c0_i32 : i32, i32
  }
  func.func @transform_4(%arg0: i32) -> (i32, i32) {
    %c0_i32 = arith.constant 0 : i32
    %c0_i32_0 = arith.constant 0 : i32
    return %arg0, %c0_i32 : i32, i32
  }
  func.func @transform_5(%arg0: i32) -> i32 {
    %c0_i32 = arith.constant 0 : i32
    %c0_i32_0 = arith.constant 0 : i32
    return %c0_i32 : i32
  }
}

module attributes {stable_mosaic.version = 14 : i64} {
  func.func @body(%arg0: i32, %arg1: memref<2x640x128xf32, #tpu.memory_space<vmem>>, %arg2: memref<640x128xf32, #tpu.memory_space<vmem>>) attributes {dimension_semantics = [#tpu.dimension_semantics<arbitrary>], iteration_bounds = array<i64: 16>, scalar_prefetch = 0 : i64, scratch_operands = 0 : i64, tpu.core_type = #tpu.core_type<tc>, window_params = [{transform_indices = @transform_0, window_bounds = array<i64: 2, 640, 128>}, {transform_indices = @transform_1, window_bounds = array<i64: 640, 128>}]} {
    %get3A = arith.constant 0 : index
    %get3A_0 = arith.constant 0 : index
    %get3A_1 = arith.constant 0 : index
    %get3A_2 = vector.load %arg1[%get3A, %get3A_0, %get3A_1] : memref<2x640x128xf32, #tpu.memory_space<vmem>>, vector<1x640x128xf32>
    %get3A_3 = vector.shape_cast %get3A_2 : vector<1x640x128xf32> to vector<640x128xf32>
    %get3A_4 = arith.constant 1 : index
    %get3A_5 = arith.constant 0 : index
    %get3A_6 = arith.constant 0 : index
    %get3A_7 = vector.load %arg1[%get3A_4, %get3A_5, %get3A_6] : memref<2x640x128xf32, #tpu.memory_space<vmem>>, vector<1x640x128xf32>
    %get3A_8 = vector.shape_cast %get3A_7 : vector<1x640x128xf32> to vector<640x128xf32>
    %add3A = arith.addf %get3A_3, %get3A_8 : vector<640x128xf32>
    %gt3A = arith.constant 0.000000e+00 : f32
    %gt3A_9 = vector.broadcast %gt3A : f32 to vector<640x128xf32>
    %gt3A_10 = arith.cmpf ogt, %add3A, %gt3A_9 : vector<640x128xf32>
    %min3A = arith.constant 0.000000e+00 : f32
    %min3A_11 = vector.broadcast %min3A : f32 to vector<640x128xf32>
    %min3A_12 = arith.minimumf %add3A, %min3A_11 : vector<640x128xf32>
    %exp3A = math.exp %min3A_12 : vector<640x128xf32>
    %sub3A = arith.constant 1.000000e+00 : f32
    %sub3A_13 = vector.broadcast %sub3A : f32 to vector<640x128xf32>
    %sub3A_14 = arith.subf %exp3A, %sub3A_13 : vector<640x128xf32>
    %select_n3A = arith.select %gt3A_10, %add3A, %sub3A_14 : vector<640x128xi1>, vector<640x128xf32>
    %swap3A = arith.constant 0 : index
    %swap3A_15 = arith.constant 0 : index
    %swap3A_16 = vector.load %arg2[%swap3A, %swap3A_15] : memref<640x128xf32, #tpu.memory_space<vmem>>, vector<640x128xf32>
    tpu.vector_store %arg2[%swap3A, %swap3A_15], %select_n3A {strides = array<i32>} : memref<640x128xf32, #tpu.memory_space<vmem>>, vector<640x128xf32>,
    return
  }
  func.func @transform_0(%arg0: i32) -> (i32, i32, i32) {
    %c0_i32 = arith.constant 0 : i32
    %c0_i32_0 = arith.constant 0 : i32
    %c0_i32_1 = arith.constant 0 : i32
    return %c0_i32, %arg0, %c0_i32_0 : i32, i32, i32
  }
  func.func @transform_1(%arg0: i32) -> (i32, i32) {
    %c0_i32 = arith.constant 0 : i32
    %c0_i32_0 = arith.constant 0 : i32
    return %arg0, %c0_i32 : i32, i32
  }
}

</mosaic_0001>

<sc_bundles>
// kernel: kernel.5.cloned.1.call-start
scs
__scs_entry_jumppad:
0x0: {  	(pc) =	sbr.rel $0x88, $3  }
0x1: {  	(tag) =	ssettag $0x0;
	lr =	simm.s32 $0x1  }
0x2: {  	[smem:$0x3F9D] =	sst lr;
	_ =	strace $0xD0000000  }
0x3: {  	_ = 	snop  }
0x4: {  	_ = 	snop  }
0x5: {  	_ = 	snop  }
0x6: {  	_ = 	snop  }
0x7: {  	_ = 	snop  }
__scs_overlays_trampoline_lowered:
0x8: {  	[smem:$0x3FAC] =	sst s0  }
0x9: {  	[smem:$0x3FAD] =	sst s1  }
0xa: {  	[smem:$0x3FAE] =	sst s2  }
0xb: {  	[smem:$0x3FAF] =	sst s3  }
0xc: {  	[smem:$0x3FB0] =	sst s4  }
0xd: {  	[smem:$0x3FB1] =	sst s5  }
0xe: {  	[smem:$0x3FB2] =	sst s6  }
0xf: {  	[smem:$0x3FB3] =	sst s7  }
0x10: {  	[smem:$0x3FB4] =	sst s8  }
0x11: {  	[smem:$0x3FB5] =	sst s9;
	s0 =	simm.s32 @!p0 $0x0  }
0x12: {  	s1 =	sld [smem:$0x3F9B];
	s0 =	simm.s32 @p0 $0x1  }
0x13: {  	[smem:$0x3FB6] =	sst s0;
	s0 =	simm.s32 @!p1 $0x0  }
0x14: {  	s2 =	sld [smem:$0x3F9A];
	s0 =	simm.s32 @p1 $0x1  }
0x15: {  	[smem:$0x3FB7] =	sst s0;
	s0 =	simm.s32 @!p2 $0x0  }
0x16: {  	s3 =	sld [smem:$0x3FDB];
	s0 =	simm.s32 @p2 $0x1  }
0x17: {  	s4 =	simm.s32 $0x1BF5;
	[smem:$0x3FB9] =	sst s0  }
0x18: {  	s0 =	sld [smem:$0x3F9C];
	_ =	swait.ge [sflag:s4], $0x0  }
0x19: {  	s7 =	sld [smem:$0x3F9D]  }
0x1a: {  	s8 =	sadd.s32 $0xFFFFE003, lr  }
0x1b: {  	s9 =	sadd.s32 $0xFFFFFEF7, lr;
	s5 =	simm.s32 $0xFFFFFFFF;
	p2 =	slt.u32 s8, $0xFFFFF086  }
0x1c: {  	p1 =	slt.u32 s9, $0xF7A;
	s5 =	simm.s32 @!p2 $0x0  }
0x1d: {  	s5 =	simm.s32 @p1 $0x1;
	p0 =	seq.s32 s7, s2  }
0x1e: {  	s7 =	smul.u32 @!p0 $0xF7A, s2;
	p2 =	seq.s32 @!p0 s5, $0x0  }
0x1f: {  	s9 =	smul.u32 $0xF7A, s1;
	s8 =	simm.s32 @!p0 $0x1BF5;
	p2 =	por !p2, p0  }
0x20: {  	[sflag:s8] =	ssyncset.s32 @!p0 $0xFFFFF086;
	s6 =	sadd.s32 @!p0 s3, s7;
	s7 =	simm.s32 @!p0 $0x108  }
0x21: {  	s3 =	sadd.s32 s3, s9;
	s6 =	sadd.s32 @!p0 $0x88, s6;
	s7 =	simm.s32 @p2 $0x1082  }
0x22: {  	[simem:s7], [sflag:s8] =	dma.local @!p0 [hbm:s6], $0xF7A  }
0x23: {  	s9 =	sor.u32 $0xD0000000, s2;
	s6 =	simm.s32 $0x108;
	_ =	swait.ge @!p0 [sflag:s8], $0x0  }
0x24: {  	s3 =	sadd.s32 $0x88, s3;
	s6 =	simm.s32 @!p1 $0x1082;
	[sflag:s4] =	ssyncset.s32 $0xFFFFF086  }
0x25: {  	[simem:s6], [sflag:s4] =	dma.local [hbm:s3], $0xF7A  }
0x26: {  	[smem:$0x3F9D] =	sst s1;
	(tag) =	ssettag s2;
	_ =	strace s9  }
0x27: {  	s1 =	sld [smem:$0x3FAD]  }
0x28: {  	s2 =	sld [smem:$0x3FAE]  }
0x29: {  	s4 =	sld [smem:$0x3FB0]  }
0x2a: {  	p0 =	seq.s32 s5, $0x0;
	s5 =	sld [smem:$0x3FB1]  }
0x2b: {  	s6 =	sld [smem:$0x3FB2]  }
0x2c: {  	s7 =	sld [smem:$0x3FB3]  }
0x2d: {  	s3 =	simm.s32 $0x108;
	s8 =	sld [smem:$0x3FB4]  }
0x2e: {  	s3 =	simm.s32 @!p0 $0x1082;
	s9 =	sld [smem:$0x3FB5]  }
0x2f: {  	lr =	sadd.s32 s0, s3;
	s0 =	sld [smem:$0x3FAC]  }
0x30: {  	s3 =	sld [smem:$0x3FAF]  }
0x31: {  	[smem:$0x3FB8] =	sst s10  }
0x32: {  	s10 =	sld [smem:$0x3FB6];
	_ =	sdelay $0x3  }
0x33: {  	p0 =	seq.s32 s10, $0x1;
	s10 =	sld [smem:$0x3FB8];
	_ =	sdelay $0x3  }
0x34: {  	[smem:$0x3FB8] =	sst s10  }
0x35: {  	s10 =	sld [smem:$0x3FB7];
	_ =	sdelay $0x3  }
0x36: {  	p1 =	seq.s32 s10, $0x1;
	s10 =	sld [smem:$0x3FB8];
	_ =	sdelay $0x3  }
0x37: {  	[smem:$0x3FB8] =	sst s10  }
0x38: {  	s10 =	sld [smem:$0x3FB9]  }
0x39: {  	_ = 	snop;
	(pc) =	sbr.ind lr, $3  }
0x3a: {  	_ = 	snop  }
0x3b: {  	_ = 	snop  }
0x3c: {  	p2 =	seq.s32 s10, $0x1;
	s10 =	sld [smem:$0x3FB8]  }
0x3d: {  	_ =	shalt  }
0x3e: {  	_ =	shalt  }
0x3f: {  	_ =	shalt  }
0x40: {  	_ =	shalt  }
0x41: {  	_ =	shalt  }
0x42: {  	_ =	shalt  }
0x43: {  	_ =	shalt  }
0x44: {  	_ =	shalt  }
0x45: {  	_ =	shalt  }
0x46: {  	_ =	shalt  }
0x47: {  	_ =	shalt  }
0x48: {  	_ =	shalt  }
0x49: {  	_ =	shalt  }
0x4a: {  	_ =	shalt  }
0x4b: {  	_ =	shalt  }
0x4c: {  	_ =	shalt  }
0x4d: {  	_ =	shalt  }
0x4e: {  	_ =	shalt  }
0x4f: {  	_ =	shalt  }
0x50: {  	_ =	shalt  }
0x51: {  	_ =	shalt  }
0x52: {  	_ =	shalt  }
0x53: {  	_ =	shalt  }
0x54: {  	_ =	shalt  }
0x55: {  	_ =	shalt  }
0x56: {  	_ =	shalt  }
0x57: {  	_ =	shalt  }
0x58: {  	_ =	shalt  }
0x59: {  	_ =	shalt  }
0x5a: {  	_ =	shalt  }
0x5b: {  	_ =	shalt  }
0x5c: {  	_ =	shalt  }
0x5d: {  	_ =	shalt  }
0x5e: {  	_ =	shalt  }
0x5f: {  	_ =	shalt  }
0x60: {  	_ =	shalt  }
0x61: {  	_ =	shalt  }
0x62: {  	_ =	shalt  }
0x63: {  	_ =	shalt  }
0x64: {  	_ =	shalt  }
0x65: {  	_ =	shalt  }
0x66: {  	_ =	shalt  }
0x67: {  	_ =	shalt  }
0x68: {  	_ =	shalt  }
0x69: {  	_ =	shalt  }
0x6a: {  	_ =	shalt  }
0x6b: {  	_ =	shalt  }
0x6c: {  	_ =	shalt  }
0x6d: {  	_ =	shalt  }
0x6e: {  	_ =	shalt  }
0x6f: {  	_ =	shalt  }
0x70: {  	_ =	shalt  }
0x71: {  	_ =	shalt  }
0x72: {  	_ =	shalt  }
0x73: {  	_ =	shalt  }
0x74: {  	_ =	shalt  }
0x75: {  	_ =	shalt  }
0x76: {  	_ =	shalt  }
0x77: {  	_ =	shalt  }
0x78: {  	_ =	shalt  }
0x79: {  	_ =	shalt  }
0x7a: {  	_ =	shalt  }
0x7b: {  	_ =	shalt  }
0x7c: {  	_ =	shalt  }
0x7d: {  	_ =	shalt  }
0x7e: {  	_ =	shalt  }
0x7f: {  	_ =	shalt  }
0x80: {  	_ =	shalt  }
0x81: {  	_ =	shalt  }
0x82: {  	_ =	shalt  }
0x83: {  	_ =	shalt  }
0x84: {  	_ =	shalt  }
0x85: {  	_ =	shalt  }
0x86: {  	_ =	shalt  }
0x87: {  	_ =	shalt  }
.Lfunc_end0:
.L_simem_size_0:
called_computation_lowered:
.L_overlay_start_0:
0x88: {  	s2 =	sld [smem:$0x3FD9]  }
0x89: {  	s3 =	sld [smem:$0x3FFE];
	_ =	sdelay $0x1  }
0x8a: {  	s1 =	srdreg.scid  }
0x8b: {  	s0 =	sand.u32 $0x1, s1  }
0x8c: {  	s17 =	sshll.u32 s0, $0xA;
	s2 =	sadd.s32 s3, s2  }
0x8d: {  	s2 =	sadd.s32 s2, s17  }
0x8e: {  	[smem:$0x3FC4] =	sst s2  }
0x8f: {  	_ = 	snop  }
0x90: {  	s2 =	sld [smem:$0x3FD0];
	(tm) =	ssettm $0x1  }
0x91: {  	s18 =	sld [smem:$0x3FFB];
	_ =	sdelay $0x3  }
0x92: {  	_ =	strace s18  }
0x93: {  	s3 =	sld [smem:$0x3FFC];
	_ =	sdelay $0x3  }
0x94: {  	_ =	strace s3  }
0x95: {  	s3 =	sld [smem:$0x3FFD];
	_ =	sdelay $0x3  }
0x96: {  	_ =	strace s3  }
0x97: {  	_ =	strace $0x8FFFFFFF  }
0x98: {  	s19 =	sld [smem:$0x3FDB];
	_ =	sdelay $0x1  }
0x99: {  	s4 =	simm.s32 $_scs_section_size  }
0x9a: {  	s5 =	simm.s32 $_size__tile_overlayer_lowered;
	s6 =	simm.s32 $_tile_overlayer_lowered  }
0x9b: {  	s22 =	simm.s32 $0x1BFF;
	s21 =	sshll.u32 s6, $0x1;
	s3 =	sadd.s32 s4, s19  }
0x9c: {  	s7 =	simm.s32 $0x0;
	s20 =	sshll.u32 s5, $0x1;
	s5 =	sadd.s32 s21, s3  }
0x9d: {  	[timem:s7], [sflag:s22] =	dma.local [hbm:s5], s20  }
0x9e: {  	_ =	swait.ge [sflag:s22], s20  }
0x9f: {  	s4 =	ssub.s32 $0x0, s20;
	[sflag:s22] =	ssyncset.done $0x0  }
0xa0: {  	[sflag:s22] =	ssyncadd.s32 s4;
	_ =	sdelay $0x1  }
0xa1: {  	s23 =	simm.s32 $0x1B8B  }
0xa2: {  	_ =	swait.ge [sflag:s23], $0x1  }
0xa3: {  	[sflag:s23] =	ssyncset.done $0x0  }
0xa4: {  	s25 =	simm.s32 $0x1B8E;
	s24 =	sld [smem:$0x3FFE];
	[sflag:s23] =	ssyncadd.s32 $0xFFFFFFFF  }
0xa5: {  	s26 =	simm.s32 $execute0_lowered;
	[smem:$0x3FD2] =	sst s25  }
0xa6: {  	s5 =	sshll.u32 s26, $0x1;
	_ =	strace $0x80000046;
	[dreg:$0x1] =	wrdreg $0xFFFFFFFF  }
0xa7: {  	s28 =	simm.s32 $_size_execute0_lowered;
	s3 =	sadd.s32 s3, s5;
	[dreg:$0x0] =	wrdreg $0x0  }
0xa8: {  	s5 =	sshll.u32 s28, $0x1;
	[dreg:$0x2] =	wrdreg s3  }
0xa9: {  	[dreg:$0x3] =	wrdreg s5  }
0xaa: {  	[dreg:$0x4] =	wrdreg $0xC0  }
0xab: {  	_ =	task [dreg:s7], $0x5FFFF  }
0xac: {  	[dreg:$0x1] =	wrdreg $0xFFFFFFFF  }
0xad: {  	[dreg:$0x0] =	wrdreg $0x60  }
0xae: {  	[dreg:$0x2] =	wrdreg s24  }
0xaf: {  	[dreg:$0x3] =	wrdreg s2  }
0xb0: {  	[dreg:$0x4] =	wrdreg $0xBB800  }
0xb1: {  	[dreg:$0x5] =	wrdreg $0xB9000  }
0xb2: {  	[dreg:$0x6] =	wrdreg $0x9  }
0xb3: {  	_ =	task.clear_ibuf [dreg:s7], $0x7FFFF;
	_ =	strace $0x90000046  }
0xb4: {  	s29 =	simm.s32 $0x9;
	_ =	strace $0x80000048  }
0xb5: {  	_ =	swait.ge [sflag:s29], $0x1  }
0xb6: {  	[sflag:s29] =	ssyncadd.s32 $0xFFFFFFFF  }
0xb7: {  	_ =	strace $0x90000048  }
0xb8: {  	_ =	sfence  }
0xb9: {  	s30 =	sld [smem:$0x0];
	_ =	sdelay $0x2  }
0xba: {  	s31 =	sshll.u32 s1, $0xD;
	s1 =	sshrl.u32 s1, $0x2  }
0xbb: {  	s3 =	sand.u32 $0x4000, s31;
	s1 =	sadd.s32 s1, s30  }
0xbc: {  	s0 =	sor.u32 s3, s0;
	s1 =	sshll.u32 s1, $0x11  }
0xbd: {  	s0 =	sor.u32 s1, s0  }
0xbe: {  	s0 =	sadd.s32 $0x8F2B, s0  }
0xbf: {  	[sflag:s0] =	ssyncadd.remote.s32 $0x1  }
0xc0: {  	_ =	sfence.sel $0xFFFF  }
0xc1: {  	[dreg:$0x0] =	wrdreg $0xFFFFFFFF;
	(pc) =	sbr.abs _section_cstart, $3  }
0xc2: {  	[dreg:$0x1] =	wrdreg $0xFFFFFFFF  }
0xc3: {  	_ =	task.clear_ibuf [dreg:s7], $0x2FFFF;
	_ =	strace $0x9FFFFFFF  }
0xc4: {  	(tm) =	ssettm $0x7FFFFFFF  }
0xc5: {  	_ =	shalt  }
tec
execute0_lowered:
.L_overlay_start_1:
0x0: {  	(tag) =	ssettag $0x1  }
0x1: {  	s0 =	rddreg [dreg:$0x0]  }
0x2: {  	s1 =	rddreg [dreg:$0x1]  }
0x3: {  	s2 =	rddreg [dreg:$0x2]  }
0x4: {  	s3 =	rddreg [dreg:$0x3]  }
0x5: {  	s5 =	simm.s32 $0x0;
	s4 =	srdreg.scid;
	s14 =	stileid.u32  }
0x6: {  	s15 =	simm.s32 $0x4F;
	s31 =	simm.s32 $0x2;
	[smem:$0x7FF] =	sst s5  }
0x7: {  	s6 =	sadd.s32 $0x14400, s0;
	s4 =	sand.u32 $0x1, s4;
	s23 =	smul.u32 $0x280, s14  }
0x8: {  	s7 =	sadd.s32 $0x13E00, s0;
	s24 =	sadd.s32 $0x14A00, s0;
	s9 =	sadd.s32 $0xA000, s0  }
0x9: {  	s10 =	sadd.s32 $0x200, s0;
	_ =	strace $0x80000047;
	[dreg:$0x5] =	wrdreg s6  }
0xa: {  	s8 =	sadd.s32 $0x14C00, s0;
	s12 =	sadd.s32 $0x14E00, s0;
	[dreg:$0x6] =	wrdreg s7  }
0xb: {  	s13 =	smul.u32 $0x50000, s14;
	p0 =	slt.u32 s14, $0x4;
	[dreg:$0x7] =	wrdreg s24  }
0xc: {  	s17 =	sshll.u32 s14, $0x8;
	s25 =	smul.u32 $0x2800, s4;
	[dreg:$0x8] =	wrdreg s8  }
0xd: {  	s26 =	ssub.s32 $0x2, s4;
	s4 =	sshll.u32 s4, $0x7;
	s8 =	simm.s32 $0x7880  }
0xe: {  	s11 =	sshrl.u32 s26, $0x1;
	s6 =	sadd.s32 s23, s3;
	s29 =	sshrl.u32 s13, $0x2  }
0xf: {  	s13 =	simm.s32 $0x9D;
	s16 =	sor.u32 s4, s17;
	s4 =	simm.s32 $0x7780  }
0x10: {  	s17 =	simm.s32 $0x7900;
	s7 =	sadd.s32 s23, s25;
	s25 =	sshrl.u32 s6, $0x3  }
0x11: {  	s28 =	ssub.s32 s26, s11;
	s30 =	sadd.s32 s29, s2;
	[dreg:$0x11] =	wrdreg s25  }
0x12: {  	s23 =	sshll.u32 s14, $0x4;
	s19 =	smax.u32 s28, $0x1;
	[dreg:$0x9] =	wrdreg s30  }
0x13: {  	s13 =	simm.s32 @!p0 $0x9C;
	s24 =	sadd.s32 s23, s10;
	[dreg:$0xb] =	wrdreg s19  }
0x14: {  	p0 =	slt.u32 s14, $0x2;
	s26 =	sadd.s32 $0x4000, s30;
	[dreg:$0x10] =	wrdreg s24  }
0x15: {  	s6 =	simm.s32 $0x7800;
	s28 =	sadd.s32 $0x8000, s30;
	[dreg:$0x12] =	wrdreg s26  }
0x16: {  	s7 =	sshll.u32 s7, $0x4;
	s29 =	sadd.s32 $0xC000, s30;
	[dreg:$0x13] =	wrdreg s28  }
0x17: {  	s30 =	sadd.s32 $0x10000, s30;
	s0 =	sadd.s32 s7, s0;
	[dreg:$0x14] =	wrdreg s29  }
0x18: {  	v0 =	vimm.s32 $0x0;
	s11 =	simm.s32 $0x4F00;
	[dreg:$0x15] =	wrdreg s30;
	s18 =	sadd.s32 $0x15600, s0  }
0x19: {  	v1 =	vimm.s32 $0x1;
	v2 =	vimm.s32 $0x2;
	v3 =	vimm.s32 $0x3;
	s15 =	simm.s32 @!p0 $0x4E;
	s20 =	sadd.s32 $0x15E00, s0;
	[dreg:$0xa] =	wrdreg s18  }
0x1a: {  	v4 =	vimm.s32 $0x4;
	v5 =	vimm.s32 $0x5;
	v6 =	vimm.s32 $0x6;
	s24 =	sadd.s32 s23, s9;
	s21 =	sadd.s32 $0x16600, s0;
	[dreg:$0xc] =	wrdreg s20  }
0x1b: {  	v7 =	vimm.s32 $0x7;
	v8 =	vimm.s32 $0x8;
	v9 =	vimm.s32 $0x9;
	s7 =	simm.s32 $0x80;
	s22 =	sadd.s32 $0x16E00, s0;
	[dreg:$0xd] =	wrdreg s21  }
0x1c: {  	v10 =	vimm.s32 $0xA;
	v11 =	vimm.s32 $0xB;
	v12 =	vimm.s32 $0xC;
	s19 =	simm.s32 $0x0;
	s0 =	sadd.s32 $0x17600, s0;
	[dreg:$0xe] =	wrdreg s22  }
0x1d: {  	v13 =	vimm.s32 $0xD;
	v14 =	vimm.s32 $0xE;
	v15 =	vimm.s32 $0xF;
	[dreg:$0xf] =	wrdreg s0;
	s0 =	simm.s32 $0x2780;
	s18 =	simm.s32 $0x1  }
.LBB2_1:
0x1e: {  	s14 =	rddreg [dreg:$0x5]  }
0x1f: {  	[tilespmem:s5], [sflag:$0x2] =	stream.linear.gather [hbm4b:s14+s5], $0x2780, $0x38;
	[tilespmem:$0x1FB80] =	vst v63  }
0x20: {  	_ =	swait.ge [sflag:s31], $0x2780  }
0x21: {  	[sflag:s31] =	ssyncset.done $0x0  }
0x22: {  	s23 =	rddreg [dreg:$0x6];
	[sflag:s31] =	ssyncadd.s32 $0xFFFFD880  }
0x23: {  	[tilespmem:s0], [sflag:$0x2] =	stream.linear.gather [hbm4b:s23+s5], $0x2780, $0x38;
	[tilespmem:$0x1FB80] =	vst v63  }
0x24: {  	_ =	swait.ge [sflag:s31], $0x2780  }
0x25: {  	[sflag:s31] =	ssyncset.done $0x0  }
0x26: {  	s20 =	simm.s32 $0x7700;
	s25 =	rddreg [dreg:$0x7];
	[sflag:s31] =	ssyncadd.s32 $0xFFFFD880  }
0x27: {  	[tilespmem:s20], [sflag:$0x2] =	stream.linear.gather [hbm4b:s25+s5], $0x80, $0x38;
	[tilespmem:$0x1FB80] =	vst v63  }
0x28: {  	s26 =	stileid.u32;
	_ =	swait.ge [sflag:s31], $0x80  }
0x29: {  	s14 =	sshll.u32 s26, $0x6;
	[sflag:s31] =	ssyncset.done $0x0;
	s30 =	rddreg [dreg:$0x8]  }
0x2a: {  	s20 =	sor.u32 $0x1C02, s14;
	s21 =	rddreg [dreg:$0x11];
	[sflag:s31] =	ssyncadd.s32 $0xFFFFFF80  }
0x2b: {  	[spmem:s21], [sflag:s20] =	dma.local [hbm:s30], $0x50  }
0x2c: {  	_ =	swait.ge [sflag:s31], $0x50  }
0x2d: {  	[sflag:s31] =	ssyncset.done $0x0;
	s22 =	rddreg [dreg:$0x9]  }
0x2e: {  	[sflag:s31] =	ssyncadd.s32 $0xFFFFFFB0;
	s21 =	sshrl.u32 s22, $0x3  }
0x2f: {  	[spmem:s21], [sflag:s20] =	dma.local [hbm:s12], $0x800  }
0x30: {  	_ =	swait.ge [sflag:s31], $0x800  }
0x31: {  	[sflag:s31] =	ssyncset.done $0x0;
	s23 =	rddreg [dreg:$0x12]  }
0x32: {  	[sflag:s31] =	ssyncadd.s32 $0xFFFFF800;
	s22 =	sshrl.u32 s23, $0x3  }
0x33: {  	[spmem:s22], [sflag:s20] =	dma.local [hbm:s12], $0x800  }
0x34: {  	_ =	swait.ge [sflag:s31], $0x800  }
0x35: {  	[sflag:s31] =	ssyncset.done $0x0;
	s25 =	rddreg [dreg:$0x13]  }
0x36: {  	[sflag:s31] =	ssyncadd.s32 $0xFFFFF800;
	s25 =	sshrl.u32 s25, $0x3  }
0x37: {  	[spmem:s25], [sflag:s20] =	dma.local [hbm:s12], $0x800  }
0x38: {  	_ =	swait.ge [sflag:s31], $0x800  }
0x39: {  	[sflag:s31] =	ssyncset.done $0x0;
	s26 =	rddreg [dreg:$0x14]  }
0x3a: {  	[sflag:s31] =	ssyncadd.s32 $0xFFFFF800;
	s26 =	sshrl.u32 s26, $0x3  }
0x3b: {  	[spmem:s26], [sflag:s20] =	dma.local [hbm:s12], $0x800  }
0x3c: {  	_ =	swait.ge [sflag:s31], $0x800  }
0x3d: {  	[sflag:s31] =	ssyncset.done $0x0;
	s30 =	rddreg [dreg:$0x15]  }
0x3e: {  	[sflag:s31] =	ssyncadd.s32 $0xFFFFF800;
	s28 =	sshrl.u32 s30, $0x3  }
0x3f: {  	[spmem:s28], [sflag:s20] =	dma.local [hbm:s12], $0x800  }
0x40: {  	_ =	swait.ge [sflag:s31], $0x800  }
0x41: {  	[sflag:s31] =	ssyncset.done $0x0  }
0x42: {  	[sflag:s31] =	ssyncadd.s32 $0xFFFFF800  }
0x43: {  	[bflag:$0x0] =	sbarrier.arrive $0xFFFF  }
0x44: {  	v16 =	vld [tilespmem:$0x7700];
	[tilespmem:s4], [sflag:$0x2] =	stream.linear.gather [hbm4b:s24+s5], $0x80, $0x38  }
0x45: {  	_ =	swait.ge [sflag:s31], $0x80  }
0x46: {  	[sflag:s31] =	ssyncset.done $0x0  }
0x47: {  	s23 =	rddreg [dreg:$0x10];
	[sflag:s31] =	ssyncadd.s32 $0xFFFFFF80  }
0x48: {  	[tilespmem:s6], [sflag:$0x2] =	stream.linear.gather [hbm4b:s23+s5], $0x80, $0x38;
	[tilespmem:$0x1FB80] =	vst v63  }
0x49: {  	_ =	swait.ge [sflag:s31], $0x80  }
0x4a: {  	[sflag:s31] =	ssyncset.done $0x0  }
0x4b: {  	[sflag:s31] =	ssyncadd.s32 $0xFFFFFF80  }
0x4c: {  	v17 =	vld [tilespmem:$0x7780]  }
0x4d: {  	v18 =	vld [tilespmem:$0x7800];
	_ =	sdelay $0x6  }
0x4e: {  	v17 =	vld.idx.msk [tilespmem:v17+s5+$0x0], $0xffff  }
0x4f: {  	v18 =	vld.idx.msk [tilespmem:v18+s0+$0x0], $0xffff;
	_ =	sdelay $0x4  }
0x50: {  	v19 =	vadd.f32 v17, v16;
	v17 =	vadd.f32 v18, v17;
	_ =	sdelay $0x1  }
0x51: {  	v18 =	vmul.f32 $2.000000030e-01, v19;
	v20 =	vmul.f32 $2.000000030e-01, v17  }
0x52: {  	vm0 =	vge.f32 v17, $0.0e+00;
	vm1 =	vge.f32 v19, $0.0e+00  }
0x53: {  	v18 =	vsel vm1, v19, v18;
	v17 =	vsel vm0, v17, v20  }
0x54: {  	v17 =	vsub.f32 v17, v18;
	_ =	sdelay $0x1  }
0x55: {  	v17 =	vmul.f32 $1.442695020e+00, v17;
	_ =	sdelay $0x1  }
0x56: {  	(erf) = vpow2.f32 v17;
	_ =	sdelay $0x2  }
0x57: {  	v17 =	vld [tilespmem:$0x7790]  }
0x58: {  	v18 =	vld [tilespmem:$0x7810];
	_ =	sdelay $0x4  }
0x59: {  	v19 =	vpop (erf)  }
0x5a: {  	[tilespmem:$0x7880] =	vst v19  }
0x5b: {  	v17 =	vld.idx.msk [tilespmem:v17+s5+$0x0], $0xffff  }
0x5c: {  	v18 =	vld.idx.msk [tilespmem:v18+s0+$0x0], $0xffff;
	_ =	sdelay $0x4  }
0x5d: {  	v19 =	vadd.f32 v17, v16;
	v17 =	vadd.f32 v18, v17;
	_ =	sdelay $0x1  }
0x5e: {  	v18 =	vmul.f32 $2.000000030e-01, v19;
	v57 =	vmul.f32 $2.000000030e-01, v17  }
0x5f: {  	vm14 =	vge.f32 v19, $0.0e+00;
	vm15 =	vge.f32 v17, $0.0e+00  }
0x60: {  	v18 =	vsel vm14, v19, v18;
	v17 =	vsel vm15, v17, v57  }
0x61: {  	v17 =	vsub.f32 v17, v18;
	_ =	sdelay $0x1  }
0x62: {  	v17 =	vmul.f32 $1.442695020e+00, v17;
	_ =	sdelay $0x1  }
0x63: {  	(erf) = vpow2.f32 v17;
	_ =	sdelay $0x2  }
0x64: {  	v17 =	vld [tilespmem:$0x77A0]  }
0x65: {  	v18 =	vld [tilespmem:$0x7820];
	_ =	sdelay $0x4  }
0x66: {  	v19 =	vpop (erf)  }
0x67: {  	[tilespmem:$0x7890] =	vst v19  }
0x68: {  	v17 =	vld.idx.msk [tilespmem:v17+s5+$0x0], $0xffff  }
0x69: {  	v18 =	vld.idx.msk [tilespmem:v18+s0+$0x0], $0xffff;
	_ =	sdelay $0x4  }
0x6a: {  	v19 =	vadd.f32 v17, v16;
	v17 =	vadd.f32 v18, v17;
	_ =	sdelay $0x1  }
0x6b: {  	v18 =	vmul.f32 $2.000000030e-01, v19;
	v58 =	vmul.f32 $2.000000030e-01, v17  }
0x6c: {  	vm4 =	vge.f32 v19, $0.0e+00;
	vm5 =	vge.f32 v17, $0.0e+00  }
0x6d: {  	v18 =	vsel vm4, v19, v18;
	v17 =	vsel vm5, v17, v58  }
0x6e: {  	v17 =	vsub.f32 v17, v18;
	_ =	sdelay $0x1  }
0x6f: {  	v17 =	vmul.f32 $1.442695020e+00, v17;
	_ =	sdelay $0x1  }
0x70: {  	(erf) = vpow2.f32 v17;
	_ =	sdelay $0x2  }
0x71: {  	v17 =	vld [tilespmem:$0x77B0]  }
0x72: {  	v18 =	vld [tilespmem:$0x7830];
	_ =	sdelay $0x4  }
0x73: {  	v19 =	vpop (erf)  }
0x74: {  	[tilespmem:$0x78A0] =	vst v19  }
0x75: {  	v17 =	vld.idx.msk [tilespmem:v17+s5+$0x0], $0xffff  }
0x76: {  	v18 =	vld.idx.msk [tilespmem:v18+s0+$0x0], $0xffff;
	_ =	sdelay $0x4  }
0x77: {  	v19 =	vadd.f32 v17, v16;
	v17 =	vadd.f32 v18, v17;
	_ =	sdelay $0x1  }
0x78: {  	v18 =	vmul.f32 $2.000000030e-01, v19;
	v59 =	vmul.f32 $2.000000030e-01, v17  }
0x79: {  	vm6 =	vge.f32 v19, $0.0e+00;
	vm7 =	vge.f32 v17, $0.0e+00  }
0x7a: {  	v18 =	vsel vm6, v19, v18;
	v17 =	vsel vm7, v17, v59  }
0x7b: {  	v17 =	vsub.f32 v17, v18;
	_ =	sdelay $0x1  }
0x7c: {  	v17 =	vmul.f32 $1.442695020e+00, v17;
	_ =	sdelay $0x1  }
0x7d: {  	(erf) = vpow2.f32 v17;
	_ =	sdelay $0x2  }
0x7e: {  	v17 =	vld [tilespmem:$0x77C0]  }
0x7f: {  	v18 =	vld [tilespmem:$0x7840];
	_ =	sdelay $0x4  }
0x80: {  	v19 =	vpop (erf)  }
0x81: {  	[tilespmem:$0x78B0] =	vst v19  }
0x82: {  	v17 =	vld.idx.msk [tilespmem:v17+s5+$0x0], $0xffff  }
0x83: {  	v18 =	vld.idx.msk [tilespmem:v18+s0+$0x0], $0xffff;
	_ =	sdelay $0x4  }
0x84: {  	v19 =	vadd.f32 v17, v16;
	v17 =	vadd.f32 v18, v17;
	_ =	sdelay $0x1  }
0x85: {  	v18 =	vmul.f32 $2.000000030e-01, v19;
	v60 =	vmul.f32 $2.000000030e-01, v17  }
0x86: {  	vm8 =	vge.f32 v19, $0.0e+00;
	vm9 =	vge.f32 v17, $0.0e+00  }
0x87: {  	v18 =	vsel vm8, v19, v18;
	v17 =	vsel vm9, v17, v60  }
0x88: {  	v17 =	vsub.f32 v17, v18;
	_ =	sdelay $0x1  }
0x89: {  	v17 =	vmul.f32 $1.442695020e+00, v17;
	_ =	sdelay $0x1  }
0x8a: {  	(erf) = vpow2.f32 v17;
	_ =	sdelay $0x2  }
0x8b: {  	v17 =	vld [tilespmem:$0x77D0]  }
0x8c: {  	v18 =	vld [tilespmem:$0x7850];
	_ =	sdelay $0x4  }
0x8d: {  	v19 =	vpop (erf)  }
0x8e: {  	[tilespmem:$0x78C0] =	vst v19  }
0x8f: {  	v17 =	vld.idx.msk [tilespmem:v17+s5+$0x0], $0xffff  }
0x90: {  	v18 =	vld.idx.msk [tilespmem:v18+s0+$0x0], $0xffff;
	_ =	sdelay $0x4  }
0x91: {  	v19 =	vadd.f32 v17, v16;
	v17 =	vadd.f32 v18, v17;
	_ =	sdelay $0x1  }
0x92: {  	v18 =	vmul.f32 $2.000000030e-01, v19;
	v61 =	vmul.f32 $2.000000030e-01, v17  }
0x93: {  	vm10 =	vge.f32 v19, $0.0e+00;
	vm11 =	vge.f32 v17, $0.0e+00  }
0x94: {  	v18 =	vsel vm10, v19, v18;
	v17 =	vsel vm11, v17, v61  }
0x95: {  	v17 =	vsub.f32 v17, v18;
	_ =	sdelay $0x1  }
0x96: {  	v17 =	vmul.f32 $1.442695020e+00, v17;
	_ =	sdelay $0x1  }
0x97: {  	(erf) = vpow2.f32 v17;
	_ =	sdelay $0x2  }
0x98: {  	v17 =	vld [tilespmem:$0x77E0]  }
0x99: {  	v18 =	vld [tilespmem:$0x7860];
	_ =	sdelay $0x4  }
0x9a: {  	v19 =	vpop (erf)  }
0x9b: {  	[tilespmem:$0x78D0] =	vst v19  }
0x9c: {  	v17 =	vld.idx.msk [tilespmem:v17+s5+$0x0], $0xffff  }
0x9d: {  	v18 =	vld.idx.msk [tilespmem:v18+s0+$0x0], $0xffff;
	_ =	sdelay $0x4  }
0x9e: {  	v19 =	vadd.f32 v17, v16;
	v17 =	vadd.f32 v18, v17;
	_ =	sdelay $0x1  }
0x9f: {  	v18 =	vmul.f32 $2.000000030e-01, v19;
	v62 =	vmul.f32 $2.000000030e-01, v17  }
0xa0: {  	vm12 =	vge.f32 v19, $0.0e+00;
	vm13 =	vge.f32 v17, $0.0e+00  }
0xa1: {  	v18 =	vsel vm12, v19, v18;
	v17 =	vsel vm13, v17, v62  }
0xa2: {  	v17 =	vsub.f32 v17, v18;
	_ =	sdelay $0x1  }
0xa3: {  	v17 =	vmul.f32 $1.442695020e+00, v17;
	_ =	sdelay $0x1  }
0xa4: {  	(erf) = vpow2.f32 v17;
	_ =	sdelay $0x2  }
0xa5: {  	v17 =	vld [tilespmem:$0x77F0]  }
0xa6: {  	v18 =	vld [tilespmem:$0x7870];
	_ =	sdelay $0x4  }
0xa7: {  	v19 =	vpop (erf)  }
0xa8: {  	[tilespmem:$0x78E0] =	vst v19  }
0xa9: {  	v17 =	vld.idx.msk [tilespmem:v17+s5+$0x0], $0xffff  }
0xaa: {  	v18 =	vld.idx.msk [tilespmem:v18+s0+$0x0], $0xffff;
	_ =	sdelay $0x4  }
0xab: {  	v19 =	vadd.f32 v17, v16;
	v17 =	vadd.f32 v18, v17;
	_ =	sdelay $0x1  }
0xac: {  	v18 =	vmul.f32 $2.000000030e-01, v19;
	v63 =	vmul.f32 $2.000000030e-01, v17  }
0xad: {  	vm14 =	vge.f32 v19, $0.0e+00;
	vm15 =	vge.f32 v17, $0.0e+00  }
0xae: {  	p0 =	sne.s32 s13, $0x1;
	v18 =	vsel vm14, v19, v18;
	v17 =	vsel vm15, v17, v63  }
.Ltmp0:
0xaf: {  	v17 =	vsub.f32 v17, v18;
	(pc) =	sbr.rel @!p0 .LBB2_3-.Ltmp0, $3  }
0xb0: {  	_ = 	snop  }
0xb1: {  	v17 =	vmul.f32 $1.442695020e+00, v17;
	_ =	sdelay $0x1  }
0xb2: {  	s29 =	smov.u32 s24;
	s14 =	sadd.s32 $0xFFFFFFFF, s13;
	(erf) = vpow2.f32 v17  }
.LBB2_2:
0xb3: {  	_ =	sdelay $0x4  }
0xb4: {  	p0 =	sne.s32 s14, $0x1;
	s23 =	sadd.s32 $0x100, s23;
	s29 =	sadd.s32 $0x100, s29  }
0xb5: {  	s14 =	sadd.s32 $0xFFFFFFFF, s14;
	_ =	sdelay $0x1  }
0xb6: {  	v17 =	vpop (erf)  }
0xb7: {  	[tilespmem:$0x78F0] =	vst v17  }
0xb8: {  	[spmem:s3] =	stream.indirect.scatter.add.f32 [tilespmem:s8], [sflag:$0x2], $0x1, s4, s7, $0xb8;
	[tilespmem:$0x1FB80] =	vst v63  }
0xb9: {  	_ =	swait.ge [sflag:s31], $0x80  }
0xba: {  	[sflag:s31] =	ssyncset.done $0x0  }
0xbb: {  	[sflag:s31] =	ssyncadd.s32 $0xFFFFFF80  }
0xbc: {  	[tilespmem:s4], [sflag:$0x2] =	stream.linear.gather [hbm4b:s29+s5], $0x80, $0x38;
	[tilespmem:$0x1FB80] =	vst v63  }
0xbd: {  	_ =	swait.ge [sflag:s31], $0x80  }
0xbe: {  	[sflag:s31] =	ssyncset.done $0x0  }
0xbf: {  	[sflag:s31] =	ssyncadd.s32 $0xFFFFFF80  }
0xc0: {  	[tilespmem:s6], [sflag:$0x2] =	stream.linear.gather [hbm4b:s23+s5], $0x80, $0x38;
	[tilespmem:$0x1FB80] =	vst v63  }
0xc1: {  	_ =	swait.ge [sflag:s31], $0x80  }
0xc2: {  	[sflag:s31] =	ssyncset.done $0x0  }
0xc3: {  	[sflag:s31] =	ssyncadd.s32 $0xFFFFFF80  }
0xc4: {  	v17 =	vld [tilespmem:$0x7780]  }
0xc5: {  	v18 =	vld [tilespmem:$0x7800];
	_ =	sdelay $0x6  }
0xc6: {  	v17 =	vld.idx.msk [tilespmem:v17+s5+$0x0], $0xffff  }
0xc7: {  	v18 =	vld.idx.msk [tilespmem:v18+s0+$0x0], $0xffff;
	_ =	sdelay $0x4  }
0xc8: {  	v19 =	vadd.f32 v17, v16  }
0xc9: {  	v17 =	vadd.f32 v18, v17  }
0xca: {  	v18 =	vmul.f32 $2.000000030e-01, v19  }
0xcb: {  	vm1 =	vge.f32 v19, $0.0e+00;
	vm0 =	vge.f32 v17, $0.0e+00;
	v20 =	vmul.f32 $2.000000030e-01, v17  }
0xcc: {  	v18 =	vsel vm1, v19, v18  }
0xcd: {  	v17 =	vsel vm0, v17, v20  }
0xce: {  	v17 =	vsub.f32 v17, v18;
	_ =	sdelay $0x1  }
0xcf: {  	v17 =	vmul.f32 $1.442695020e+00, v17;
	_ =	sdelay $0x1  }
0xd0: {  	(erf) = vpow2.f32 v17;
	_ =	sdelay $0x1  }
0xd1: {  	v17 =	vld [tilespmem:$0x7810]  }
0xd2: {  	v18 =	vld [tilespmem:$0x7790];
	_ =	sdelay $0x5  }
0xd3: {  	v19 =	vpop (erf)  }
0xd4: {  	[tilespmem:$0x7880] =	vst v19  }
0xd5: {  	v18 =	vld.idx.msk [tilespmem:v18+s5+$0x0], $0xffff  }
0xd6: {  	v17 =	vld.idx.msk [tilespmem:v17+s0+$0x0], $0xffff;
	_ =	sdelay $0x4  }
0xd7: {  	v19 =	vadd.f32 v18, v16  }
0xd8: {  	v17 =	vadd.f32 v17, v18  }
0xd9: {  	vm0 =	vge.f32 v19, $0.0e+00;
	v18 =	vmul.f32 $2.000000030e-01, v19  }
0xda: {  	vm1 =	vge.f32 v17, $0.0e+00;
	v20 =	vmul.f32 $2.000000030e-01, v17  }
0xdb: {  	v18 =	vsel vm0, v19, v18  }
0xdc: {  	v17 =	vsel vm1, v17, v20  }
0xdd: {  	v17 =	vsub.f32 v17, v18;
	_ =	sdelay $0x1  }
0xde: {  	v17 =	vmul.f32 $1.442695020e+00, v17;
	_ =	sdelay $0x1  }
0xdf: {  	(erf) = vpow2.f32 v17;
	_ =	sdelay $0x1  }
0xe0: {  	v17 =	vld [tilespmem:$0x7820]  }
0xe1: {  	v18 =	vld [tilespmem:$0x77A0];
	_ =	sdelay $0x5  }
0xe2: {  	v19 =	vpop (erf)  }
0xe3: {  	[tilespmem:$0x7890] =	vst v19  }
0xe4: {  	v18 =	vld.idx.msk [tilespmem:v18+s5+$0x0], $0xffff  }
0xe5: {  	v17 =	vld.idx.msk [tilespmem:v17+s0+$0x0], $0xffff;
	_ =	sdelay $0x4  }
0xe6: {  	v19 =	vadd.f32 v18, v16  }
0xe7: {  	v17 =	vadd.f32 v17, v18  }
0xe8: {  	vm0 =	vge.f32 v19, $0.0e+00;
	v18 =	vmul.f32 $2.000000030e-01, v19  }
0xe9: {  	vm1 =	vge.f32 v17, $0.0e+00;
	v20 =	vmul.f32 $2.000000030e-01, v17  }
0xea: {  	v18 =	vsel vm0, v19, v18  }
0xeb: {  	v17 =	vsel vm1, v17, v20  }
0xec: {  	v17 =	vsub.f32 v17, v18;
	_ =	sdelay $0x1  }
0xed: {  	v17 =	vmul.f32 $1.442695020e+00, v17;
	_ =	sdelay $0x1  }
0xee: {  	(erf) = vpow2.f32 v17;
	_ =	sdelay $0x1  }
0xef: {  	v17 =	vld [tilespmem:$0x7830]  }
0xf0: {  	v18 =	vld [tilespmem:$0x77B0];
	_ =	sdelay $0x5  }
0xf1: {  	v19 =	vpop (erf)  }
0xf2: {  	[tilespmem:$0x78A0] =	vst v19  }
0xf3: {  	v18 =	vld.idx.msk [tilespmem:v18+s5+$0x0], $0xffff  }
0xf4: {  	v17 =	vld.idx.msk [tilespmem:v17+s0+$0x0], $0xffff;
	_ =	sdelay $0x4  }
0xf5: {  	v19 =	vadd.f32 v18, v16  }
0xf6: {  	v17 =	vadd.f32 v17, v18  }
0xf7: {  	vm0 =	vge.f32 v19, $0.0e+00;
	v18 =	vmul.f32 $2.000000030e-01, v19  }
0xf8: {  	vm1 =	vge.f32 v17, $0.0e+00;
	v20 =	vmul.f32 $2.000000030e-01, v17  }
0xf9: {  	v18 =	vsel vm0, v19, v18  }
0xfa: {  	v17 =	vsel vm1, v17, v20  }
0xfb: {  	v17 =	vsub.f32 v17, v18;
	_ =	sdelay $0x1  }
0xfc: {  	v17 =	vmul.f32 $1.442695020e+00, v17;
	_ =	sdelay $0x1  }
0xfd: {  	(erf) = vpow2.f32 v17;
	_ =	sdelay $0x1  }
0xfe: {  	v17 =	vld [tilespmem:$0x7840]  }
0xff: {  	v18 =	vld [tilespmem:$0x77C0];
	_ =	sdelay $0x5  }
0x100: {  	v19 =	vpop (erf)  }
0x101: {  	[tilespmem:$0x78B0] =	vst v19  }
0x102: {  	v18 =	vld.idx.msk [tilespmem:v18+s5+$0x0], $0xffff  }
0x103: {  	v17 =	vld.idx.msk [tilespmem:v17+s0+$0x0], $0xffff;
	_ =	sdelay $0x4  }
0x104: {  	v19 =	vadd.f32 v18, v16  }
0x105: {  	v17 =	vadd.f32 v17, v18  }
0x106: {  	vm0 =	vge.f32 v19, $0.0e+00;
	v18 =	vmul.f32 $2.000000030e-01, v19  }
0x107: {  	vm1 =	vge.f32 v17, $0.0e+00;
	v20 =	vmul.f32 $2.000000030e-01, v17  }
0x108: {  	v18 =	vsel vm0, v19, v18  }
0x109: {  	v17 =	vsel vm1, v17, v20  }
0x10a: {  	v17 =	vsub.f32 v17, v18;
	_ =	sdelay $0x1  }
0x10b: {  	v17 =	vmul.f32 $1.442695020e+00, v17;
	_ =	sdelay $0x1  }
0x10c: {  	(erf) = vpow2.f32 v17;
	_ =	sdelay $0x1  }
0x10d: {  	v17 =	vld [tilespmem:$0x7850]  }
0x10e: {  	v18 =	vld [tilespmem:$0x77D0];
	_ =	sdelay $0x5  }
0x10f: {  	v19 =	vpop (erf)  }
0x110: {  	[tilespmem:$0x78C0] =	vst v19  }
0x111: {  	v18 =	vld.idx.msk [tilespmem:v18+s5+$0x0], $0xffff  }
0x112: {  	v17 =	vld.idx.msk [tilespmem:v17+s0+$0x0], $0xffff;
	_ =	sdelay $0x4  }
0x113: {  	v19 =	vadd.f32 v18, v16  }
0x114: {  	v17 =	vadd.f32 v17, v18  }
0x115: {  	vm0 =	vge.f32 v19, $0.0e+00;
	v18 =	vmul.f32 $2.000000030e-01, v19  }
0x116: {  	vm1 =	vge.f32 v17, $0.0e+00;
	v20 =	vmul.f32 $2.000000030e-01, v17  }
0x117: {  	v18 =	vsel vm0, v19, v18  }
0x118: {  	v17 =	vsel vm1, v17, v20  }
0x119: {  	v17 =	vsub.f32 v17, v18;
	_ =	sdelay $0x1  }
0x11a: {  	v17 =	vmul.f32 $1.442695020e+00, v17;
	_ =	sdelay $0x1  }
0x11b: {  	(erf) = vpow2.f32 v17;
	_ =	sdelay $0x1  }
0x11c: {  	v17 =	vld [tilespmem:$0x7860]  }
0x11d: {  	v18 =	vld [tilespmem:$0x77E0];
	_ =	sdelay $0x5  }
0x11e: {  	v19 =	vpop (erf)  }
0x11f: {  	[tilespmem:$0x78D0] =	vst v19  }
0x120: {  	v18 =	vld.idx.msk [tilespmem:v18+s5+$0x0], $0xffff  }
0x121: {  	v17 =	vld.idx.msk [tilespmem:v17+s0+$0x0], $0xffff;
	_ =	sdelay $0x4  }
0x122: {  	v19 =	vadd.f32 v18, v16  }
0x123: {  	v17 =	vadd.f32 v17, v18  }
0x124: {  	vm0 =	vge.f32 v19, $0.0e+00;
	v18 =	vmul.f32 $2.000000030e-01, v19  }
0x125: {  	vm1 =	vge.f32 v17, $0.0e+00;
	v20 =	vmul.f32 $2.000000030e-01, v17  }
0x126: {  	v18 =	vsel vm0, v19, v18  }
0x127: {  	v17 =	vsel vm1, v17, v20  }
0x128: {  	v17 =	vsub.f32 v17, v18;
	_ =	sdelay $0x1  }
0x129: {  	v17 =	vmul.f32 $1.442695020e+00, v17;
	_ =	sdelay $0x1  }
0x12a: {  	(erf) = vpow2.f32 v17;
	_ =	sdelay $0x1  }
0x12b: {  	v17 =	vld [tilespmem:$0x7870]  }
0x12c: {  	v18 =	vld [tilespmem:$0x77F0];
	_ =	sdelay $0x5  }
0x12d: {  	v19 =	vpop (erf)  }
0x12e: {  	[tilespmem:$0x78E0] =	vst v19  }
0x12f: {  	v18 =	vld.idx.msk [tilespmem:v18+s5+$0x0], $0xffff  }
0x130: {  	v17 =	vld.idx.msk [tilespmem:v17+s0+$0x0], $0xffff;
	_ =	sdelay $0x4  }
0x131: {  	v19 =	vadd.f32 v18, v16  }
0x132: {  	v17 =	vadd.f32 v17, v18  }
0x133: {  	vm0 =	vge.f32 v19, $0.0e+00;
	v18 =	vmul.f32 $2.000000030e-01, v19  }
0x134: {  	vm1 =	vge.f32 v17, $0.0e+00;
	v20 =	vmul.f32 $2.000000030e-01, v17  }
0x135: {  	v18 =	vsel vm0, v19, v18  }
0x136: {  	v17 =	vsel vm1, v17, v20  }
.Ltmp1:
0x137: {  	v17 =	vsub.f32 v17, v18;
	(pc) =	sbr.rel @p0 .LBB2_2-.Ltmp1, $3  }
0x138: {  	_ = 	snop  }
0x139: {  	v17 =	vmul.f32 $1.442695020e+00, v17;
	_ =	sdelay $0x1  }
0x13a: {  	(erf) = vpow2.f32 v17  }
.LBB2_3:
0x13b: {  	_ =	sdelay $0x7  }
0x13c: {  	v17 =	vpop (erf)  }
0x13d: {  	[tilespmem:$0x78F0] =	vst v17  }
0x13e: {  	[spmem:s3] =	stream.indirect.scatter.add.f32 [tilespmem:s8], [sflag:$0x2], $0x1, s4, s7, $0xb8;
	[tilespmem:$0x1FB80] =	vst v63  }
0x13f: {  	_ =	swait.ge [sflag:s31], $0x80  }
0x140: {  	[sflag:s31] =	ssyncset.done $0x0  }
0x141: {  	[sflag:s31] =	ssyncadd.s32 $0xFFFFFF80  }
0x142: {  	[bflag:$0x0] =	sbarrier.arrive $0xFFFF  }
0x143: {  	[tilespmem:s11], [sflag:$0x2] =	stream.linear.gather [spmem:s3], $0x2800, $0x38;
	[tilespmem:$0x1FB80] =	vst v63  }
0x144: {  	_ =	swait.ge [sflag:s31], $0x2800  }
0x145: {  	[sflag:s31] =	ssyncset.done $0x0  }
0x146: {  	s29 =	simm.s32 $0x0;
	s30 =	simm.s32 $0x0;
	[sflag:s31] =	ssyncadd.s32 $0xFFFFD800  }
.LBB2_4:
0x147: {  	s14 =	sshll.u32 s30, $0xC  }
0x148: {  	s14 =	sor.u32 s16, s14  }
0x149: {  	s14 =	sshrl.u32 s14, $0x3  }
0x14a: {  	s23 =	sadd.s32 s9, s14  }
0x14b: {  	[tilespmem:s4], [sflag:$0x2] =	stream.linear.gather [hbm4b:s23+s29], $0x80, $0x38;
	[tilespmem:$0x1FB80] =	vst v63  }
0x14c: {  	_ =	swait.ge [sflag:s31], $0x80  }
0x14d: {  	[sflag:s31] =	ssyncset.done $0x0  }
0x14e: {  	s14 =	sadd.s32 s10, s14;
	[sflag:s31] =	ssyncadd.s32 $0xFFFFFF80  }
0x14f: {  	[tilespmem:s6], [sflag:$0x2] =	stream.linear.gather [hbm4b:s14+s29], $0x80, $0x38;
	[tilespmem:$0x1FB80] =	vst v63  }
0x150: {  	_ =	swait.ge [sflag:s31], $0x80  }
0x151: {  	[sflag:s31] =	ssyncset.done $0x0  }
0x152: {  	[sflag:s31] =	ssyncadd.s32 $0xFFFFFF80  }
0x153: {  	[tilespmem:s17], [sflag:$0x1] =	stream.indirect.gather [hbm4b:s1+s7], $0x80, s6, s7, $0xb8;
	[tilespmem:$0x1FB80] =	vst v63  }
0x154: {  	_ =	swait.ge [sflag:s18], $0x4000  }
0x155: {  	[sflag:s18] =	ssyncset.done $0x0  }
0x156: {  	s14 =	simm.s32 $0x0;
	[sflag:s18] =	ssyncadd.s32 $0xFFFFC000  }
.LBB2_5:
0x157: {  	s23 =	sshll.u32 s14, $0x4  }
0x158: {  	v17 =	vld [tilespmem:s23+$0x7780]  }
0x159: {  	v18 =	vld [tilespmem:s23+$0x7800];
	_ =	sdelay $0x6  }
0x15a: {  	v19 =	vld.idx.msk [tilespmem:v17+s5+$0x0], $0xffff  }
0x15b: {  	v18 =	vld.idx.msk [tilespmem:v18+s0+$0x0], $0xffff;
	_ =	sdelay $0x4  }
0x15c: {  	v18 =	vadd.f32 v18, v19;
	v19 =	vadd.f32 v19, v16;
	_ =	sdelay $0x1  }
0x15d: {  	v20 =	vmul.f32 $2.000000030e-01, v18;
	v21 =	vmul.f32 $2.000000030e-01, v19  }
0x15e: {  	v17 =	vld.idx.msk [tilespmem:v17+s11+$0x0], $0xffff;
	vm0 =	vge.f32 v18, $0.0e+00;
	vm1 =	vge.f32 v19, $0.0e+00  }
0x15f: {  	v18 =	vsel vm0, v18, v20;
	v19 =	vsel vm1, v19, v21  }
0x160: {  	v18 =	vsub.f32 v18, v19;
	_ =	sdelay $0x1  }
0x161: {  	v18 =	vmul.f32 $1.442695020e+00, v18  }
0x162: {  	v17 =	vadd.f32 $1.000000020e-16, v17  }
0x163: {  	(erf) = vpow2.f32 v18  }
0x164: {  	(erf) = vrcp.f32 v17;
	_ =	sdelay $0x6  }
0x165: {  	s23 =	sshll.u32 s14, $0xB  }
0x166: {  	s23 =	sand.u32 $0x3FFFF800, s23;
	v17 =	vpop (erf)  }
0x167: {  	v19 =	vld [tilespmem:s23+$0x7900];
	v18 =	vpop (erf)  }
0x168: {  	v17 =	vmul.f32 v17, v18;
	v18 =	vld [tilespmem:s23+$0x7910]  }
0x169: {  	v36 =	vld [tilespmem:s23+$0x7920]  }
0x16a: {  	v22 =	vld [tilespmem:s23+$0x7930];
	v37 =	vperm.xlane v17, v0  }
0x16b: {  	v23 =	vld [tilespmem:s23+$0x7940]  }
0x16c: {  	v24 =	vld [tilespmem:s23+$0x7950];
	v19 =	vmul.f32 v19, v37  }
0x16d: {  	v25 =	vld [tilespmem:s23+$0x7960];
	v18 =	vmul.f32 v18, v37  }
0x16e: {  	v38 =	vld [tilespmem:s23+$0x7970];
	[tilespmem:s23+$0x7900] =	vst v19;
	v19 =	vmul.f32 v36, v37  }
0x16f: {  	v39 =	vld [tilespmem:s23+$0x7980];
	[tilespmem:s23+$0x7910] =	vst v18;
	v18 =	vmul.f32 v22, v37  }
0x170: {  	v40 =	vld [tilespmem:s23+$0x7990];
	[tilespmem:s23+$0x7920] =	vst v19;
	v19 =	vmul.f32 v23, v37  }
0x171: {  	v41 =	vld [tilespmem:s23+$0x79A0];
	[tilespmem:s23+$0x7930] =	vst v18;
	v18 =	vmul.f32 v24, v37  }
0x172: {  	v26 =	vld [tilespmem:s23+$0x79B0];
	v42 =	vperm.xlane v17, v1;
	[tilespmem:s23+$0x7940] =	vst v19;
	v19 =	vmul.f32 v25, v37  }
0x173: {  	v43 =	vld [tilespmem:s23+$0x79C0];
	[tilespmem:s23+$0x7950] =	vst v18;
	v18 =	vmul.f32 v38, v37  }
0x174: {  	v44 =	vld [tilespmem:s23+$0x79D0];
	[tilespmem:s23+$0x7960] =	vst v19;
	v19 =	vmul.f32 v39, v42  }
0x175: {  	v45 =	vld [tilespmem:s23+$0x79E0];
	[tilespmem:s23+$0x7970] =	vst v18;
	v18 =	vmul.f32 v40, v42  }
0x176: {  	v46 =	vld [tilespmem:s23+$0x79F0];
	[tilespmem:s23+$0x7980] =	vst v19;
	v19 =	vmul.f32 v41, v42  }
0x177: {  	v47 =	vld [tilespmem:s23+$0x7A00];
	[tilespmem:s23+$0x7990] =	vst v18;
	v18 =	vmul.f32 v26, v42  }
0x178: {  	v48 =	vld [tilespmem:s23+$0x7A10];
	[tilespmem:s23+$0x79A0] =	vst v19;
	v19 =	vmul.f32 v43, v42  }
0x179: {  	v49 =	vld [tilespmem:s23+$0x7A20];
	[tilespmem:s23+$0x79B0] =	vst v18;
	v18 =	vmul.f32 v44, v42  }
0x17a: {  	v51 =	vld [tilespmem:s23+$0x7A30];
	v50 =	vperm.xlane v17, v2;
	[tilespmem:s23+$0x79C0] =	vst v19;
	v19 =	vmul.f32 v45, v42  }
0x17b: {  	v52 =	vld [tilespmem:s23+$0x7A40];
	[tilespmem:s23+$0x79D0] =	vst v18;
	v18 =	vmul.f32 v46, v42  }
0x17c: {  	v53 =	vld [tilespmem:s23+$0x7A50];
	[tilespmem:s23+$0x79E0] =	vst v19;
	v19 =	vmul.f32 v47, v50  }
0x17d: {  	v54 =	vld [tilespmem:s23+$0x7A60];
	[tilespmem:s23+$0x79F0] =	vst v18;
	v18 =	vmul.f32 v48, v50  }
0x17e: {  	v55 =	vld [tilespmem:s23+$0x7A70];
	[tilespmem:s23+$0x7A00] =	vst v19;
	v19 =	vmul.f32 v49, v50  }
0x17f: {  	v56 =	vld [tilespmem:s23+$0x7A80];
	[tilespmem:s23+$0x7A10] =	vst v18;
	v18 =	vmul.f32 v51, v50  }
0x180: {  	v57 =	vld [tilespmem:s23+$0x7A90];
	[tilespmem:s23+$0x7A20] =	vst v19;
	v19 =	vmul.f32 v52, v50  }
0x181: {  	v58 =	vld [tilespmem:s23+$0x7AA0];
	[tilespmem:s23+$0x7A30] =	vst v18;
	v18 =	vmul.f32 v53, v50  }
0x182: {  	v60 =	vld [tilespmem:s23+$0x7AB0];
	v59 =	vperm.xlane v17, v3;
	[tilespmem:s23+$0x7A40] =	vst v19;
	v19 =	vmul.f32 v54, v50  }
0x183: {  	v61 =	vld [tilespmem:s23+$0x7AC0];
	[tilespmem:s23+$0x7A50] =	vst v18;
	v18 =	vmul.f32 v55, v50  }
0x184: {  	v62 =	vld [tilespmem:s23+$0x7AD0];
	[tilespmem:s23+$0x7A60] =	vst v19;
	v19 =	vmul.f32 v56, v59  }
0x185: {  	v63 =	vld [tilespmem:s23+$0x7AE0];
	[tilespmem:s23+$0x7A70] =	vst v18;
	v18 =	vmul.f32 v57, v59  }
0x186: {  	v28 =	vld [tilespmem:s23+$0x7AF0];
	[tilespmem:s23+$0x7A80] =	vst v19;
	v19 =	vmul.f32 v58, v59  }
0x187: {  	v29 =	vld [tilespmem:s23+$0x7B00];
	[tilespmem:s23+$0x7A90] =	vst v18;
	v18 =	vmul.f32 v60, v59  }
0x188: {  	v30 =	vld [tilespmem:s23+$0x7B10];
	[tilespmem:s23+$0x7AA0] =	vst v19;
	v19 =	vmul.f32 v61, v59  }
0x189: {  	v31 =	vld [tilespmem:s23+$0x7B20];
	[tilespmem:s23+$0x7AB0] =	vst v18;
	v18 =	vmul.f32 v62, v59  }
0x18a: {  	v33 =	vld [tilespmem:s23+$0x7B30];
	v32 =	vperm.xlane v17, v4;
	[tilespmem:s23+$0x7AC0] =	vst v19;
	v19 =	vmul.f32 v63, v59  }
0x18b: {  	v34 =	vld [tilespmem:s23+$0x7B40];
	[tilespmem:s23+$0x7AD0] =	vst v18;
	v18 =	vmul.f32 v28, v59  }
0x18c: {  	v35 =	vld [tilespmem:s23+$0x7B50];
	[tilespmem:s23+$0x7AE0] =	vst v19;
	v19 =	vmul.f32 v29, v32  }
0x18d: {  	v36 =	vld [tilespmem:s23+$0x7B60];
	[tilespmem:s23+$0x7AF0] =	vst v18;
	v18 =	vmul.f32 v30, v32  }
0x18e: {  	v37 =	vld [tilespmem:s23+$0x7B70];
	[tilespmem:s23+$0x7B00] =	vst v19;
	v19 =	vmul.f32 v31, v32  }
0x18f: {  	v38 =	vld [tilespmem:s23+$0x7B80];
	[tilespmem:s23+$0x7B10] =	vst v18;
	v18 =	vmul.f32 v33, v32  }
0x190: {  	v39 =	vld [tilespmem:s23+$0x7B90];
	[tilespmem:s23+$0x7B20] =	vst v19;
	v19 =	vmul.f32 v34, v32  }
0x191: {  	v40 =	vld [tilespmem:s23+$0x7BA0];
	[tilespmem:s23+$0x7B30] =	vst v18;
	v18 =	vmul.f32 v35, v32  }
0x192: {  	v41 =	vperm.xlane v17, v5;
	v42 =	vld [tilespmem:s23+$0x7BB0];
	[tilespmem:s23+$0x7B40] =	vst v19;
	v19 =	vmul.f32 v36, v32  }
0x193: {  	v43 =	vld [tilespmem:s23+$0x7BC0];
	[tilespmem:s23+$0x7B50] =	vst v18;
	v18 =	vmul.f32 v37, v32  }
0x194: {  	v44 =	vld [tilespmem:s23+$0x7BD0];
	[tilespmem:s23+$0x7B60] =	vst v19;
	v19 =	vmul.f32 v38, v41  }
0x195: {  	v45 =	vld [tilespmem:s23+$0x7BE0];
	[tilespmem:s23+$0x7B70] =	vst v18;
	v18 =	vmul.f32 v39, v41  }
0x196: {  	v46 =	vld [tilespmem:s23+$0x7BF0];
	[tilespmem:s23+$0x7B80] =	vst v19;
	v19 =	vmul.f32 v40, v41  }
0x197: {  	v47 =	vld [tilespmem:s23+$0x7C00];
	[tilespmem:s23+$0x7B90] =	vst v18;
	v18 =	vmul.f32 v42, v41  }
0x198: {  	v48 =	vld [tilespmem:s23+$0x7C10];
	[tilespmem:s23+$0x7BA0] =	vst v19;
	v19 =	vmul.f32 v43, v41  }
0x199: {  	v49 =	vld [tilespmem:s23+$0x7C20];
	[tilespmem:s23+$0x7BB0] =	vst v18;
	v18 =	vmul.f32 v44, v41  }
0x19a: {  	v51 =	vld [tilespmem:s23+$0x7C30];
	v50 =	vperm.xlane v17, v6;
	[tilespmem:s23+$0x7BC0] =	vst v19;
	v19 =	vmul.f32 v45, v41  }
0x19b: {  	v52 =	vld [tilespmem:s23+$0x7C40];
	[tilespmem:s23+$0x7BD0] =	vst v18;
	v18 =	vmul.f32 v46, v41  }
0x19c: {  	v53 =	vld [tilespmem:s23+$0x7C50];
	[tilespmem:s23+$0x7BE0] =	vst v19;
	v19 =	vmul.f32 v47, v50  }
0x19d: {  	v54 =	vld [tilespmem:s23+$0x7C60];
	[tilespmem:s23+$0x7BF0] =	vst v18;
	v18 =	vmul.f32 v48, v50  }
0x19e: {  	v55 =	vld [tilespmem:s23+$0x7C70];
	[tilespmem:s23+$0x7C00] =	vst v19;
	v19 =	vmul.f32 v49, v50  }
0x19f: {  	v56 =	vld [tilespmem:s23+$0x7C80];
	[tilespmem:s23+$0x7C10] =	vst v18;
	v18 =	vmul.f32 v51, v50  }
0x1a0: {  	v57 =	vld [tilespmem:s23+$0x7C90];
	[tilespmem:s23+$0x7C20] =	vst v19;
	v19 =	vmul.f32 v52, v50  }
0x1a1: {  	v58 =	vld [tilespmem:s23+$0x7CA0];
	[tilespmem:s23+$0x7C30] =	vst v18;
	v18 =	vmul.f32 v53, v50  }
0x1a2: {  	v60 =	vld [tilespmem:s23+$0x7CB0];
	v59 =	vperm.xlane v17, v7;
	[tilespmem:s23+$0x7C40] =	vst v19;
	v19 =	vmul.f32 v54, v50  }
0x1a3: {  	v61 =	vld [tilespmem:s23+$0x7CC0];
	[tilespmem:s23+$0x7C50] =	vst v18;
	v18 =	vmul.f32 v55, v50  }
0x1a4: {  	v62 =	vld [tilespmem:s23+$0x7CD0];
	[tilespmem:s23+$0x7C60] =	vst v19;
	v19 =	vmul.f32 v56, v59  }
0x1a5: {  	v63 =	vld [tilespmem:s23+$0x7CE0];
	[tilespmem:s23+$0x7C70] =	vst v18;
	v18 =	vmul.f32 v57, v59  }
0x1a6: {  	v28 =	vld [tilespmem:s23+$0x7CF0];
	[tilespmem:s23+$0x7C80] =	vst v19;
	v19 =	vmul.f32 v58, v59  }
0x1a7: {  	v29 =	vld [tilespmem:s23+$0x7D00];
	[tilespmem:s23+$0x7C90] =	vst v18;
	v18 =	vmul.f32 v60, v59  }
0x1a8: {  	v30 =	vld [tilespmem:s23+$0x7D10];
	[tilespmem:s23+$0x7CA0] =	vst v19;
	v19 =	vmul.f32 v61, v59  }
0x1a9: {  	v31 =	vld [tilespmem:s23+$0x7D20];
	[tilespmem:s23+$0x7CB0] =	vst v18;
	v18 =	vmul.f32 v62, v59  }
0x1aa: {  	v33 =	vld [tilespmem:s23+$0x7D30];
	v32 =	vperm.xlane v17, v8;
	[tilespmem:s23+$0x7CC0] =	vst v19;
	v19 =	vmul.f32 v63, v59  }
0x1ab: {  	v34 =	vld [tilespmem:s23+$0x7D40];
	[tilespmem:s23+$0x7CD0] =	vst v18;
	v18 =	vmul.f32 v28, v59  }
0x1ac: {  	v35 =	vld [tilespmem:s23+$0x7D50];
	[tilespmem:s23+$0x7CE0] =	vst v19;
	v19 =	vmul.f32 v29, v32  }
0x1ad: {  	v36 =	vld [tilespmem:s23+$0x7D60];
	[tilespmem:s23+$0x7CF0] =	vst v18;
	v18 =	vmul.f32 v30, v32  }
0x1ae: {  	v37 =	vld [tilespmem:s23+$0x7D70];
	[tilespmem:s23+$0x7D00] =	vst v19;
	v19 =	vmul.f32 v31, v32  }
0x1af: {  	v38 =	vld [tilespmem:s23+$0x7D80];
	[tilespmem:s23+$0x7D10] =	vst v18;
	v18 =	vmul.f32 v33, v32  }
0x1b0: {  	v39 =	vld [tilespmem:s23+$0x7D90];
	[tilespmem:s23+$0x7D20] =	vst v19;
	v19 =	vmul.f32 v34, v32  }
0x1b1: {  	v40 =	vld [tilespmem:s23+$0x7DA0];
	[tilespmem:s23+$0x7D30] =	vst v18;
	v18 =	vmul.f32 v35, v32  }
0x1b2: {  	v42 =	vld [tilespmem:s23+$0x7DB0];
	v41 =	vperm.xlane v17, v9;
	[tilespmem:s23+$0x7D40] =	vst v19;
	v19 =	vmul.f32 v36, v32  }
0x1b3: {  	v43 =	vld [tilespmem:s23+$0x7DC0];
	[tilespmem:s23+$0x7D50] =	vst v18;
	v18 =	vmul.f32 v37, v32  }
0x1b4: {  	v44 =	vld [tilespmem:s23+$0x7DD0];
	[tilespmem:s23+$0x7D60] =	vst v19;
	v19 =	vmul.f32 v38, v41  }
0x1b5: {  	v45 =	vld [tilespmem:s23+$0x7DE0];
	[tilespmem:s23+$0x7D70] =	vst v18;
	v18 =	vmul.f32 v39, v41  }
0x1b6: {  	v46 =	vld [tilespmem:s23+$0x7DF0];
	[tilespmem:s23+$0x7D80] =	vst v19;
	v19 =	vmul.f32 v40, v41  }
0x1b7: {  	v47 =	vld [tilespmem:s23+$0x7E00];
	[tilespmem:s23+$0x7D90] =	vst v18;
	v18 =	vmul.f32 v42, v41  }
0x1b8: {  	v48 =	vld [tilespmem:s23+$0x7E10];
	[tilespmem:s23+$0x7DA0] =	vst v19;
	v19 =	vmul.f32 v43, v41  }
0x1b9: {  	v49 =	vld [tilespmem:s23+$0x7E20];
	[tilespmem:s23+$0x7DB0] =	vst v18;
	v18 =	vmul.f32 v44, v41  }
0x1ba: {  	v51 =	vld [tilespmem:s23+$0x7E30];
	v50 =	vperm.xlane v17, v10;
	[tilespmem:s23+$0x7DC0] =	vst v19;
	v19 =	vmul.f32 v45, v41  }
0x1bb: {  	v52 =	vld [tilespmem:s23+$0x7E40];
	[tilespmem:s23+$0x7DD0] =	vst v18;
	v18 =	vmul.f32 v46, v41  }
0x1bc: {  	v53 =	vld [tilespmem:s23+$0x7E50];
	[tilespmem:s23+$0x7DE0] =	vst v19;
	v19 =	vmul.f32 v47, v50  }
0x1bd: {  	v54 =	vld [tilespmem:s23+$0x7E60];
	[tilespmem:s23+$0x7DF0] =	vst v18;
	v18 =	vmul.f32 v48, v50  }
0x1be: {  	v55 =	vld [tilespmem:s23+$0x7E70];
	[tilespmem:s23+$0x7E00] =	vst v19;
	v19 =	vmul.f32 v49, v50  }
0x1bf: {  	v56 =	vld [tilespmem:s23+$0x7E80];
	[tilespmem:s23+$0x7E10] =	vst v18;
	v18 =	vmul.f32 v51, v50  }
0x1c0: {  	v57 =	vld [tilespmem:s23+$0x7E90];
	[tilespmem:s23+$0x7E20] =	vst v19;
	v19 =	vmul.f32 v52, v50  }
0x1c1: {  	v58 =	vld [tilespmem:s23+$0x7EA0];
	[tilespmem:s23+$0x7E30] =	vst v18;
	v18 =	vmul.f32 v53, v50  }
0x1c2: {  	v60 =	vld [tilespmem:s23+$0x7EB0];
	v59 =	vperm.xlane v17, v11;
	[tilespmem:s23+$0x7E40] =	vst v19;
	v19 =	vmul.f32 v54, v50  }
0x1c3: {  	v61 =	vld [tilespmem:s23+$0x7EC0];
	[tilespmem:s23+$0x7E50] =	vst v18;
	v18 =	vmul.f32 v55, v50  }
0x1c4: {  	v62 =	vld [tilespmem:s23+$0x7ED0];
	[tilespmem:s23+$0x7E60] =	vst v19;
	v19 =	vmul.f32 v56, v59  }
0x1c5: {  	v63 =	vld [tilespmem:s23+$0x7EE0];
	[tilespmem:s23+$0x7E70] =	vst v18;
	v18 =	vmul.f32 v57, v59  }
0x1c6: {  	v28 =	vld [tilespmem:s23+$0x7EF0];
	[tilespmem:s23+$0x7E80] =	vst v19;
	v19 =	vmul.f32 v58, v59  }
0x1c7: {  	v29 =	vld [tilespmem:s23+$0x7F00];
	[tilespmem:s23+$0x7E90] =	vst v18;
	v18 =	vmul.f32 v60, v59  }
0x1c8: {  	v30 =	vld [tilespmem:s23+$0x7F10];
	[tilespmem:s23+$0x7EA0] =	vst v19;
	v19 =	vmul.f32 v61, v59  }
0x1c9: {  	v31 =	vld [tilespmem:s23+$0x7F20];
	[tilespmem:s23+$0x7EB0] =	vst v18;
	v18 =	vmul.f32 v62, v59  }
0x1ca: {  	v33 =	vld [tilespmem:s23+$0x7F30];
	v32 =	vperm.xlane v17, v12;
	[tilespmem:s23+$0x7EC0] =	vst v19;
	v19 =	vmul.f32 v63, v59  }
0x1cb: {  	v34 =	vld [tilespmem:s23+$0x7F40];
	[tilespmem:s23+$0x7ED0] =	vst v18;
	v18 =	vmul.f32 v28, v59  }
0x1cc: {  	v35 =	vld [tilespmem:s23+$0x7F50];
	[tilespmem:s23+$0x7EE0] =	vst v19;
	v19 =	vmul.f32 v29, v32  }
0x1cd: {  	v36 =	vld [tilespmem:s23+$0x7F60];
	[tilespmem:s23+$0x7EF0] =	vst v18;
	v18 =	vmul.f32 v30, v32  }
0x1ce: {  	v37 =	vld [tilespmem:s23+$0x7F70];
	[tilespmem:s23+$0x7F00] =	vst v19;
	v19 =	vmul.f32 v31, v32  }
0x1cf: {  	v38 =	vld [tilespmem:s23+$0x7F80];
	[tilespmem:s23+$0x7F10] =	vst v18;
	v18 =	vmul.f32 v33, v32  }
0x1d0: {  	v39 =	vld [tilespmem:s23+$0x7F90];
	[tilespmem:s23+$0x7F20] =	vst v19;
	v19 =	vmul.f32 v34, v32  }
0x1d1: {  	v40 =	vld [tilespmem:s23+$0x7FA0];
	[tilespmem:s23+$0x7F30] =	vst v18;
	v18 =	vmul.f32 v35, v32  }
0x1d2: {  	v42 =	vld [tilespmem:s23+$0x7FB0];
	v41 =	vperm.xlane v17, v13;
	[tilespmem:s23+$0x7F40] =	vst v19;
	v19 =	vmul.f32 v36, v32  }
0x1d3: {  	v43 =	vld [tilespmem:s23+$0x7FC0];
	[tilespmem:s23+$0x7F50] =	vst v18;
	v18 =	vmul.f32 v37, v32  }
0x1d4: {  	v44 =	vld [tilespmem:s23+$0x7FD0];
	[tilespmem:s23+$0x7F60] =	vst v19;
	v19 =	vmul.f32 v38, v41  }
0x1d5: {  	v45 =	vld [tilespmem:s23+$0x7FE0];
	[tilespmem:s23+$0x7F70] =	vst v18;
	v18 =	vmul.f32 v39, v41  }
0x1d6: {  	v46 =	vld [tilespmem:s23+$0x7FF0];
	[tilespmem:s23+$0x7F80] =	vst v19;
	v19 =	vmul.f32 v40, v41  }
0x1d7: {  	v47 =	vld [tilespmem:s23+$0x8000];
	[tilespmem:s23+$0x7F90] =	vst v18;
	v18 =	vmul.f32 v42, v41  }
0x1d8: {  	v48 =	vld [tilespmem:s23+$0x8010];
	[tilespmem:s23+$0x7FA0] =	vst v19;
	v19 =	vmul.f32 v43, v41  }
0x1d9: {  	v49 =	vld [tilespmem:s23+$0x8020];
	[tilespmem:s23+$0x7FB0] =	vst v18;
	v18 =	vmul.f32 v44, v41  }
0x1da: {  	v51 =	vld [tilespmem:s23+$0x8030];
	v50 =	vperm.xlane v17, v14;
	[tilespmem:s23+$0x7FC0] =	vst v19;
	v19 =	vmul.f32 v45, v41  }
0x1db: {  	v52 =	vld [tilespmem:s23+$0x8040];
	[tilespmem:s23+$0x7FD0] =	vst v18;
	v18 =	vmul.f32 v46, v41  }
0x1dc: {  	v53 =	vld [tilespmem:s23+$0x8050];
	[tilespmem:s23+$0x7FE0] =	vst v19;
	v19 =	vmul.f32 v47, v50  }
0x1dd: {  	v54 =	vld [tilespmem:s23+$0x8060];
	[tilespmem:s23+$0x7FF0] =	vst v18;
	v18 =	vmul.f32 v48, v50  }
0x1de: {  	v55 =	vld [tilespmem:s23+$0x8070];
	[tilespmem:s23+$0x8000] =	vst v19;
	v19 =	vmul.f32 v49, v50  }
0x1df: {  	v56 =	vld [tilespmem:s23+$0x8080];
	[tilespmem:s23+$0x8010] =	vst v18;
	v18 =	vmul.f32 v51, v50  }
0x1e0: {  	v57 =	vld [tilespmem:s23+$0x8090];
	[tilespmem:s23+$0x8020] =	vst v19;
	v19 =	vmul.f32 v52, v50  }
0x1e1: {  	v58 =	vld [tilespmem:s23+$0x80A0];
	[tilespmem:s23+$0x8030] =	vst v18;
	v18 =	vmul.f32 v53, v50  }
0x1e2: {  	v17 =	vperm.xlane v17, v15;
	v59 =	vld [tilespmem:s23+$0x80B0];
	[tilespmem:s23+$0x8040] =	vst v19;
	v19 =	vmul.f32 v54, v50  }
0x1e3: {  	v60 =	vld [tilespmem:s23+$0x80C0];
	[tilespmem:s23+$0x8050] =	vst v18;
	v18 =	vmul.f32 v55, v50  }
0x1e4: {  	v61 =	vld [tilespmem:s23+$0x80D0];
	[tilespmem:s23+$0x8060] =	vst v19;
	v19 =	vmul.f32 v56, v17  }
0x1e5: {  	v62 =	vld [tilespmem:s23+$0x80E0];
	[tilespmem:s23+$0x8070] =	vst v18;
	v18 =	vmul.f32 v57, v17  }
0x1e6: {  	v63 =	vld [tilespmem:s23+$0x80F0];
	[tilespmem:s23+$0x8080] =	vst v19;
	v19 =	vmul.f32 v58, v17  }
0x1e7: {  	[tilespmem:s23+$0x8090] =	vst v18;
	v18 =	vmul.f32 v59, v17  }
0x1e8: {  	p0 =	sne.s32 s14, $0x7;
	[tilespmem:s23+$0x80A0] =	vst v19;
	v19 =	vmul.f32 v60, v17  }
.Ltmp2:
0x1e9: {  	[tilespmem:s23+$0x80B0] =	vst v18;
	v18 =	vmul.f32 v61, v17;
	(pc) =	sbr.rel @p0 .LBB2_5-.Ltmp2, $4  }
0x1ea: {  	[tilespmem:s23+$0x80C0] =	vst v19;
	v19 =	vmul.f32 v62, v17  }
0x1eb: {  	v17 =	vmul.f32 v63, v17;
	[tilespmem:s23+$0x80D0] =	vst v18  }
0x1ec: {  	[tilespmem:s23+$0x80E0] =	vst v19  }
0x1ed: {  	s14 =	sadd.s32 $0x1, s14;
	[tilespmem:s23+$0x80F0] =	vst v17  }
0x1ee: {  	s30 =	sadd.s32 $0x1, s30  }
0x1ef: {  	p0 =	sne.s32 s30, s15  }
.Ltmp3:
0x1f0: {  	_ = 	snop;
	(pc) =	sbr.rel @p0 .LBB2_4-.Ltmp3, $4  }
0x1f1: {  	[spmem:s2] =	stream.indirect.scatter.add.f32 [tilespmem:s17], [sflag:$0x2], $0x80, s4, s7, $0xb8;
	[tilespmem:$0x1FB80] =	vst v63  }
0x1f2: {  	_ =	swait.ge [sflag:s31], $0x4000  }
0x1f3: {  	[sflag:s31] =	ssyncset.done $0x0  }
0x1f4: {  	[sflag:s31] =	ssyncadd.s32 $0xFFFFC000  }
0x1f5: {  	[bflag:$0x0] =	sbarrier.arrive $0xFFFF  }
0x1f6: {  	s14 =	rddreg [dreg:$0xa]  }
0x1f7: {  	[hbm:s14], [sflag:s20] =	dma.local [spmem:s21], $0x800  }
0x1f8: {  	_ =	swait.ge [sflag:s31], $0x800  }
0x1f9: {  	[sflag:s31] =	ssyncset.done $0x0  }
0x1fa: {  	s21 =	rddreg [dreg:$0xc];
	[sflag:s31] =	ssyncadd.s32 $0xFFFFF800  }
0x1fb: {  	[hbm:s21], [sflag:s20] =	dma.local [spmem:s22], $0x800  }
0x1fc: {  	_ =	swait.ge [sflag:s31], $0x800  }
0x1fd: {  	[sflag:s31] =	ssyncset.done $0x0  }
0x1fe: {  	s23 =	rddreg [dreg:$0xd];
	[sflag:s31] =	ssyncadd.s32 $0xFFFFF800  }
0x1ff: {  	[hbm:s23], [sflag:s20] =	dma.local [spmem:s25], $0x800  }
0x200: {  	_ =	swait.ge [sflag:s31], $0x800  }
0x201: {  	[sflag:s31] =	ssyncset.done $0x0  }
0x202: {  	s25 =	rddreg [dreg:$0xe];
	[sflag:s31] =	ssyncadd.s32 $0xFFFFF800  }
0x203: {  	[hbm:s25], [sflag:s20] =	dma.local [spmem:s26], $0x800  }
0x204: {  	_ =	swait.ge [sflag:s31], $0x800  }
0x205: {  	[sflag:s31] =	ssyncset.done $0x0  }
0x206: {  	s29 =	rddreg [dreg:$0xf];
	[sflag:s31] =	ssyncadd.s32 $0xFFFFF800  }
0x207: {  	[hbm:s29], [sflag:s20] =	dma.local [spmem:s28], $0x800  }
0x208: {  	_ =	swait.ge [sflag:s31], $0x800  }
0x209: {  	s19 =	sadd.s32 $0x1, s19;
	s30 =	rddreg [dreg:$0xb]  }
0x20a: {  	p0 =	sne.s32 s19, s30  }
.Ltmp4:
0x20b: {  	_ = 	snop;
	(pc) =	sbr.rel @p0 .LBB2_1-.Ltmp4, $3  }
0x20c: {  	_ =	sdelay $0x1  }
0x20d: {  	[sflag:s31] =	ssyncset.done $0x0  }
0x20e: {  	[sflag:s31] =	ssyncadd.s32 $0xFFFFF800  }
0x20f: {  	_ =	sfence.sel $0x180000  }
0x210: {  	[bflag:$0x0] =	sbarrier.arrive $0xFFFF  }
0x211: {  	_ =	strace $0x90000047  }
0x212: {  	s0 =	stileid.u32;
	[bflag:$0x2] =	sbarrier.arrive $0xFFFF  }
0x213: {  	p0 =	sne.s32 s0, $0x0;
	s0 =	rddreg [dreg:$0x4]  }
0x214: {  	s0 =	sadd.s32 @!p0 $0x100000, s0  }
0x215: {  	[sflag:s0] =	ssyncadd.tile.s32 @!p0 $0x1;
	_ =	shalt  }
.Lfunc_end2:
_tile_overlayer_lowered:
.L_overlay_start_2:
0x216: {  	(tag) =	ssettag $0x2  }
0x217: {  	s0 =	rddreg [dreg:$0x0];
	s2 =	stileid.u32  }
0x218: {  	s1 =	rddreg [dreg:$0x1];
	p0 =	sne.s32 s2, $0x0  }
0x219: {  	s3 =	rddreg [dreg:$0x2];
	[bflag:$0x3] =	sbarrier.arrive $0xFFFF;
	s2 =	simm.s32 @!p0 $0x1C02  }
0x21a: {  	[timem:s3], [sflag:s2] =	dma.local @!p0 [hbm:s0], s1  }
0x21b: {  	s0 =	simm.s32 @!p0 $0x2  }
0x21c: {  	_ =	swait.ge @!p0 [sflag:s0], s1  }
0x21d: {  	s1 =	ssub.s32 @!p0 $0x0, s1;
	[sflag:s0] =	ssyncset.done @!p0 $0x0  }
0x21e: {  	[sflag:s0] =	ssyncadd.s32 @!p0 s1  }
0x21f: {  	[bflag:$0x3] =	sbarrier.arrive $0xFFFF  }
0x220: {  	_ =	shalt  }

</sc_bundles>
